<compile_context>
chip_gen: v7x
topology: tpu7x:2x2x1
jax: 0.10.2.dev20260603
libtpu: 0.0.44.dev20260713+nightly
codegen_flags: <defaults>
</compile_context>

<pallas_src>
import functools

import jax
import jax.numpy as jnp
from jax import lax
from jax.experimental import pallas as pl
from jax.experimental.pallas import tpu as pltpu
from jax.experimental.pallas import tpu_sc as plsc

_L = 16


def _build(vocab, batch, hist, dim):
  n_workers = 32
  chunk = 512
  groups = chunk // _L
  nbt = batch // 128
  nb4 = nbt // 4
  n_su = hist * nb4
  su_per_w = n_su // n_workers
  per_w_idx = su_per_w * chunk
  ftiles = dim // 8

  mesh = plsc.VectorSubcoreMesh(core_axis_name="c", subcore_axis_name="s")

  @functools.partial(
      pl.kernel,
      mesh=mesh,
      out_type=jax.ShapeDtypeStruct((hist, ftiles * nbt * 1024), jnp.float32),
      compiler_params=pltpu.CompilerParams(
          needs_layout_passes=False, use_tc_tiling_on_sc=False),
      scratch_types=[
          pltpu.VMEM((per_w_idx,), jnp.int32),
          pltpu.VMEM((4, 128), jnp.int32),
          pltpu.VMEM((4, 128), jnp.int32),
          pltpu.VMEM((chunk, dim), jnp.float32),
          pltpu.VMEM((chunk, dim), jnp.float32),
          pltpu.VMEM((ftiles * 4096,), jnp.float32),
          pltpu.VMEM((ftiles * 4096,), jnp.float32),
          pltpu.VMEM((chunk,), jnp.int32),
          pltpu.VMEM((chunk,), jnp.int32),
          pltpu.SemaphoreType.DMA,
          pltpu.SemaphoreType.DMA,
          pltpu.SemaphoreType.DMA,
          pltpu.SemaphoreType.DMA,
          pltpu.SemaphoreType.DMA,
      ],
  )
  def gather_kernel(idx_hbm, table_hbm, out_hbm, idx_all, safe_a, safe_b,
                    rows_a, rows_b, tbuf_a, tbuf_b, ccbuf, svbuf, isem,
                    gsem_a, gsem_b, osem_a, osem_b):
    nc = 2
    wid = lax.axis_index("s") * nc + lax.axis_index("c")
    iota = lax.iota(jnp.int32, _L)
    zeros_i = jnp.zeros((_L,), jnp.int32)
    ones_i = jnp.ones((_L,), jnp.int32)
    zeros_f = jnp.zeros((_L,), jnp.float32)
    safe = (safe_a, safe_b)
    rows = (rows_a, rows_b)
    tbuf = (tbuf_a, tbuf_b)
    gsem = (gsem_a, gsem_b)
    osem = (osem_a, osem_b)

    pltpu.async_copy(
        idx_hbm.at[pl.ds(wid * per_w_idx, per_w_idx)], idx_all, isem).wait()

    for f0 in range(32):
      f = (f0 + iota) & 31
      ccbuf[pl.ds(f0 * _L, _L)] = f
      svbuf[pl.ds(f0 * _L, _L)] = (
          (f >> 3) * 4096 + (f & 7) * 128 + iota)

    def sanitize(g, slot):
      base = g * chunk
      for gr in range(groups):
        v = idx_all[pl.ds(base + gr * _L, _L)]
        safe[slot][gr // 8, pl.ds((gr % 8) * _L, _L)] = jnp.where(
            v >= vocab, zeros_i, v)

    def fire_gather(slot):
      for j in range(4):
        pltpu.async_copy(
            table_hbm.at[safe[slot].at[j]],
            rows[slot].at[pl.ds(j * 128, 128)], gsem[slot])

    def wait_gather(slot):
      for j in range(4):
        pltpu.make_async_copy(
            table_hbm.at[safe[slot].at[j]],
            rows[slot].at[pl.ds(j * 128, 128)], gsem[slot]).wait()

    def zero_oov(g, slot, tot):
      @pl.when(tot > 0)
      def _():
        base = g * chunk
        def zgrp(gr, zc):
          v = idx_all[pl.ds(base + gr * _L, _L)]
          inval = v >= vocab
          rr = gr * _L + iota
          for col in range(dim):
            plsc.store_scatter(
                rows[slot], [rr, jnp.full((_L,), col, jnp.int32)],
                zeros_f, mask=inval)
          return zc
        lax.fori_loop(0, groups, zgrp, 0)

    def transpose(slot):
      def tr_body(rg, carry):
        rr = (rg * _L) + iota
        dyn_s = (rg >> 3) * 1024 + (rg & 7) * _L
        for f0 in range(32):
          ccv = ccbuf[pl.ds(f0 * _L, _L)]
          svv = svbuf[pl.ds(f0 * _L, _L)]
          vec = plsc.load_gather(rows[slot], [rr, ccv])
          plsc.store_scatter(tbuf[slot], [svv + dyn_s], vec)
        return carry
      lax.fori_loop(0, 32, tr_body, 0)

    def fire_out(g, slot):
      su = wid * su_per_w + g
      h = su // nb4
      o0 = (su % nb4) * 4096
      for ft in range(ftiles):
        pltpu.async_copy(
            tbuf[slot].at[pl.ds(ft * 4096, 4096)],
            out_hbm.at[h, pl.ds(ft * nbt * 1024 + o0, 4096)], osem[slot])

    def wait_out(slot):
      for ft in range(ftiles):
        pltpu.make_async_copy(
            tbuf[slot].at[pl.ds(ft * 4096, 4096)],
            out_hbm.at[0, pl.ds(ft * nbt * 1024, 4096)], osem[slot]).wait()

    def prefetch(g, slot):
      sanitize(g, slot)
      fire_gather(slot)

    prefetch(0, 0)

    def consume(g, i, slot):
      wait_gather(slot)
      base = g * chunk
      cnt = zeros_i
      for gr in range(groups):
        v = idx_all[pl.ds(base + gr * _L, _L)]
        cnt = cnt + jnp.where(v >= vocab, ones_i, zeros_i)
      zero_oov(g, slot, jnp.sum(cnt))

      @pl.when(i >= 1)
      def _():
        wait_out(slot)
      transpose(slot)
      fire_out(g, slot)

    def pair_body(i, carry):
      g0 = 2 * i
      g1 = g0 + 1
      prefetch(g1, 1)
      consume(g0, i, 0)

      @pl.when(i < su_per_w // 2 - 1)
      def _():
        prefetch(g0 + 2, 0)
      consume(g1, i, 1)
      return carry

    lax.fori_loop(0, su_per_w // 2, pair_body, 0)
    wait_out(0)
    wait_out(1)

  return gather_kernel


def kernel(inputs, embeddings):
  b, h = inputs.shape
  vocab, dim = embeddings.shape
  fn = _build(vocab, b, h, dim)
  idx_flat = inputs.T.reshape(b * h)
  out = fn(idx_flat, embeddings)
  out5 = out.reshape(h, dim // 8, b // 128, 8, 128)
  return out5.transpose(2, 4, 0, 1, 3).reshape(b, h, dim)

# --- scband reference (transcript-rebuilt; emitter-appended) ---
"""Pipeline reference for scband-my-embeddings-from-words-51608327029387 (READ-ONLY COPY).

The authoritative reference and input builder live on the scoring server;
editing this copy changes nothing except your own understanding.
"""

import jax, jax.numpy as jnp
import numpy as np

VOCAB = 1000000
EMBED_DIM = 32
BATCH = 16384
HIST = 50


def setup_inputs(seed: int = 0) -> dict:
    key = jax.random.key(seed)
    k1, k2 = jax.random.split(key)
    # Learned/constant embedding table (rows 0..VOCAB-1 are real words).
    embeddings = jax.random.normal(k1, (VOCAB, EMBED_DIM), dtype=jnp.float32)
    # The original layer consumes word strings and maps them to indices via a
    # StaticHashTable with default -1 (OOV). We model the post-lookup indices
    # directly: values in [0, VOCAB] where index == VOCAB denotes OOV/unk.
    inputs = jax.random.randint(k2, (BATCH, HIST), 0, VOCAB + 1, dtype=jnp.int32)
    return {"inputs": inputs, "embeddings": embeddings}


def reference(inputs, embeddings):
    # Faithful to MyEmbeddingsFromWords.call:
    #   all_embs = concat(embeddings, zeros(1, dim))  # unk row appended
    #   out = tf.nn.embedding_lookup(all_embs, word_indexes)
    # OOV index -1 in TF gathers the zero unk row (GPU semantics); here indices
    # equal to VOCAB gather the appended zero unk row, which is the same math.
    unk = jnp.zeros((1, embeddings.shape[1]), dtype=embeddings.dtype)
    all_embs = jnp.concatenate([embeddings, unk], axis=0)
    batch_embs = jnp.take(all_embs, inputs, axis=0)
    return batch_embs

if __name__ == "__main__":
    import jax
    _d = setup_inputs()
    print(jax.jit(kernel)(*tuple(_d.values())))

</pallas_src>

<mosaic_0001>
#map = affine_map<(d0, d1) -> (0)>
#map1 = affine_map<(d0, d1) -> (0, 0)>
module attributes {stable_mosaic.version = 14 : i64} {
  func.func @gather_kernel(%arg0: i32, %arg1: i32, %arg2: memref<819200xi32, #tpu.memory_space<hbm>>, %arg3: memref<1000000x32xf32, #tpu.memory_space<hbm>>, %arg4: memref<50x524288xf32, #tpu.memory_space<hbm>>, %arg5: memref<25600xi32, #tpu.memory_space<vmem>>, %arg6: memref<4x128xi32, #tpu.memory_space<vmem>>, %arg7: memref<4x128xi32, #tpu.memory_space<vmem>>, %arg8: memref<512x32xf32, #tpu.memory_space<vmem>>, %arg9: memref<512x32xf32, #tpu.memory_space<vmem>>, %arg10: memref<16384xf32, #tpu.memory_space<vmem>>, %arg11: memref<16384xf32, #tpu.memory_space<vmem>>, %arg12: memref<512xi32, #tpu.memory_space<vmem>>, %arg13: memref<512xi32, #tpu.memory_space<vmem>>, %arg14: memref<!tpu.dma_semaphore, #tpu.memory_space<semaphore_mem>>, %arg15: memref<!tpu.dma_semaphore, #tpu.memory_space<semaphore_mem>>, %arg16: memref<!tpu.dma_semaphore, #tpu.memory_space<semaphore_mem>>, %arg17: memref<!tpu.dma_semaphore, #tpu.memory_space<semaphore_mem>>, %arg18: memref<!tpu.dma_semaphore, #tpu.memory_space<semaphore_mem>>) attributes {dimension_semantics = [#tpu.dimension_semantics<core_parallel>, #tpu.dimension_semantics<subcore_parallel>], iteration_bounds = array<i64: 2, 16>, scalar_prefetch = 0 : i64, scratch_operands = 14 : i64, tpu.core_type = #tpu.core_type<sc_vector_subcore>, window_params = [{transform_indices = #map}, {transform_indices = #map1}, {transform_indices = #map1}]} {
    %mul3A = arith.constant 2 : i32
    %mul3A_0 = arith.muli %arg1, %mul3A : i32
    %add3A = arith.addi %mul3A_0, %arg0 : i32
    %iota3A = tpu.iota {dimensions = array<i32: 0>} : vector<16xi32>
    %broadcast_in_dim3A = arith.constant 0 : i32
    %broadcast_in_dim3A_1 = vector.broadcast %broadcast_in_dim3A : i32 to vector<16xi32>
    %broadcast_in_dim3A_2 = arith.constant 1 : i32
    %broadcast_in_dim3A_3 = vector.broadcast %broadcast_in_dim3A_2 : i32 to vector<16xi32>
    %broadcast_in_dim3A_4 = arith.constant 0.000000e+00 : f32
    %broadcast_in_dim3A_5 = vector.broadcast %broadcast_in_dim3A_4 : f32 to vector<16xf32>
    %mul3A_6 = arith.constant 25600 : i32
    %mul3A_7 = arith.muli %add3A, %mul3A_6 : i32
    %dma_start3A = tpu.memref_slice %arg2[%mul3A_7] : memref<819200xi32, #tpu.memory_space<hbm>> -> memref<25600xi32, #tpu.memory_space<hbm>>
    %dma_start3A_8 = tpu.memref_slice %arg2[%mul3A_7] : memref<819200xi32, #tpu.memory_space<hbm>> -> memref<25600xi32, #tpu.memory_space<hbm>>
    tpu.enqueue_dma source(%dma_start3A_8 : memref<25600xi32, #tpu.memory_space<hbm>>) target(%arg5 : memref<25600xi32, #tpu.memory_space<vmem>>) target_semaphore(%arg14 : memref<!tpu.dma_semaphore, #tpu.memory_space<semaphore_mem>>)
    %dma_wait3A = tpu.memref_slice %arg2[%mul3A_7] : memref<819200xi32, #tpu.memory_space<hbm>> -> memref<25600xi32, #tpu.memory_space<hbm>>
    %dma_wait3A_9 = tpu.memref_slice %arg2[%mul3A_7] : memref<819200xi32, #tpu.memory_space<hbm>> -> memref<25600xi32, #tpu.memory_space<hbm>>
    tpu.wait_dma2 semaphore(%arg14 : memref<!tpu.dma_semaphore, #tpu.memory_space<semaphore_mem>>) src(%dma_wait3A_9 : memref<25600xi32, #tpu.memory_space<hbm>>) dst(%arg5 : memref<25600xi32, #tpu.memory_space<vmem>>)
    %add3A_10 = arith.constant 0 : i32
    %add3A_11 = vector.broadcast %add3A_10 : i32 to vector<16xi32>
    %add3A_12 = arith.addi %add3A_11, %iota3A : vector<16xi32>
    %and3A = arith.constant 31 : i32
    %and3A_13 = vector.broadcast %and3A : i32 to vector<16xi32>
    %and3A_14 = arith.andi %add3A_12, %and3A_13 : vector<16xi32>
    %swap3A = arith.constant 0 : index
    %swap3A_15 = tpu.vector_load %arg12[%swap3A] {strides = array<i32>} : memref<512xi32, #tpu.memory_space<vmem>>, vector<16xi32>,
    tpu.vector_store %arg12[%swap3A], %and3A_14 {strides = array<i32>} : memref<512xi32, #tpu.memory_space<vmem>>, vector<16xi32>,
    %shift_right_arithmetic3A = arith.constant 3 : i32
    %shift_right_arithmetic3A_16 = vector.broadcast %shift_right_arithmetic3A : i32 to vector<16xi32>
    %shift_right_arithmetic3A_17 = arith.shrsi %and3A_14, %shift_right_arithmetic3A_16 : vector<16xi32>
    %mul3A_18 = arith.constant 4096 : i32
    %mul3A_19 = vector.broadcast %mul3A_18 : i32 to vector<16xi32>
    %mul3A_20 = arith.muli %shift_right_arithmetic3A_17, %mul3A_19 : vector<16xi32>
    %and3A_21 = arith.constant 7 : i32
    %and3A_22 = vector.broadcast %and3A_21 : i32 to vector<16xi32>
    %and3A_23 = arith.andi %and3A_14, %and3A_22 : vector<16xi32>
    %mul3A_24 = arith.constant 128 : i32
    %mul3A_25 = vector.broadcast %mul3A_24 : i32 to vector<16xi32>
    %mul3A_26 = arith.muli %and3A_23, %mul3A_25 : vector<16xi32>
    %add3A_27 = arith.addi %mul3A_20, %mul3A_26 : vector<16xi32>
    %add3A_28 = arith.addi %add3A_27, %iota3A : vector<16xi32>
    %swap3A_29 = arith.constant 0 : index
    %swap3A_30 = tpu.vector_load %arg13[%swap3A_29] {strides = array<i32>} : memref<512xi32, #tpu.memory_space<vmem>>, vector<16xi32>,
    tpu.vector_store %arg13[%swap3A_29], %add3A_28 {strides = array<i32>} : memref<512xi32, #tpu.memory_space<vmem>>, vector<16xi32>,
    %add3A_31 = arith.constant 1 : i32
    %add3A_32 = vector.broadcast %add3A_31 : i32 to vector<16xi32>
    %add3A_33 = arith.addi %add3A_32, %iota3A : vector<16xi32>
    %and3A_34 = arith.constant 31 : i32
    %and3A_35 = vector.broadcast %and3A_34 : i32 to vector<16xi32>
    %and3A_36 = arith.andi %add3A_33, %and3A_35 : vector<16xi32>
    %swap3A_37 = arith.constant 16 : index
    %swap3A_38 = tpu.vector_load %arg12[%swap3A_37] {strides = array<i32>} : memref<512xi32, #tpu.memory_space<vmem>>, vector<16xi32>,
    tpu.vector_store %arg12[%swap3A_37], %and3A_36 {strides = array<i32>} : memref<512xi32, #tpu.memory_space<vmem>>, vector<16xi32>,
    %shift_right_arithmetic3A_39 = arith.constant 3 : i32
    %shift_right_arithmetic3A_40 = vector.broadcast %shift_right_arithmetic3A_39 : i32 to vector<16xi32>
    %shift_right_arithmetic3A_41 = arith.shrsi %and3A_36, %shift_right_arithmetic3A_40 : vector<16xi32>
    %mul3A_42 = arith.constant 4096 : i32
    %mul3A_43 = vector.broadcast %mul3A_42 : i32 to vector<16xi32>
    %mul3A_44 = arith.muli %shift_right_arithmetic3A_41, %mul3A_43 : vector<16xi32>
    %and3A_45 = arith.constant 7 : i32
    %and3A_46 = vector.broadcast %and3A_45 : i32 to vector<16xi32>
    %and3A_47 = arith.andi %and3A_36, %and3A_46 : vector<16xi32>
    %mul3A_48 = arith.constant 128 : i32
    %mul3A_49 = vector.broadcast %mul3A_48 : i32 to vector<16xi32>
    %mul3A_50 = arith.muli %and3A_47, %mul3A_49 : vector<16xi32>
    %add3A_51 = arith.addi %mul3A_44, %mul3A_50 : vector<16xi32>
    %add3A_52 = arith.addi %add3A_51, %iota3A : vector<16xi32>
    %swap3A_53 = arith.constant 16 : index
    %swap3A_54 = tpu.vector_load %arg13[%swap3A_53] {strides = array<i32>} : memref<512xi32, #tpu.memory_space<vmem>>, vector<16xi32>,
    tpu.vector_store %arg13[%swap3A_53], %add3A_52 {strides = array<i32>} : memref<512xi32, #tpu.memory_space<vmem>>, vector<16xi32>,
    %add3A_55 = arith.constant 2 : i32
    %add3A_56 = vector.broadcast %add3A_55 : i32 to vector<16xi32>
    %add3A_57 = arith.addi %add3A_56, %iota3A : vector<16xi32>
    %and3A_58 = arith.constant 31 : i32
    %and3A_59 = vector.broadcast %and3A_58 : i32 to vector<16xi32>
    %and3A_60 = arith.andi %add3A_57, %and3A_59 : vector<16xi32>
    %swap3A_61 = arith.constant 32 : index
    %swap3A_62 = tpu.vector_load %arg12[%swap3A_61] {strides = array<i32>} : memref<512xi32, #tpu.memory_space<vmem>>, vector<16xi32>,
    tpu.vector_store %arg12[%swap3A_61], %and3A_60 {strides = array<i32>} : memref<512xi32, #tpu.memory_space<vmem>>, vector<16xi32>,
    %shift_right_arithmetic3A_63 = arith.constant 3 : i32
    %shift_right_arithmetic3A_64 = vector.broadcast %shift_right_arithmetic3A_63 : i32 to vector<16xi32>
    %shift_right_arithmetic3A_65 = arith.shrsi %and3A_60, %shift_right_arithmetic3A_64 : vector<16xi32>
    %mul3A_66 = arith.constant 4096 : i32
    %mul3A_67 = vector.broadcast %mul3A_66 : i32 to vector<16xi32>
    %mul3A_68 = arith.muli %shift_right_arithmetic3A_65, %mul3A_67 : vector<16xi32>
    %and3A_69 = arith.constant 7 : i32
    %and3A_70 = vector.broadcast %and3A_69 : i32 to vector<16xi32>
    %and3A_71 = arith.andi %and3A_60, %and3A_70 : vector<16xi32>
    %mul3A_72 = arith.constant 128 : i32
    %mul3A_73 = vector.broadcast %mul3A_72 : i32 to vector<16xi32>
    %mul3A_74 = arith.muli %and3A_71, %mul3A_73 : vector<16xi32>
    %add3A_75 = arith.addi %mul3A_68, %mul3A_74 : vector<16xi32>
    %add3A_76 = arith.addi %add3A_75, %iota3A : vector<16xi32>
    %swap3A_77 = arith.constant 32 : index
    %swap3A_78 = tpu.vector_load %arg13[%swap3A_77] {strides = array<i32>} : memref<512xi32, #tpu.memory_space<vmem>>, vector<16xi32>,
    tpu.vector_store %arg13[%swap3A_77], %add3A_76 {strides = array<i32>} : memref<512xi32, #tpu.memory_space<vmem>>, vector<16xi32>,
    %add3A_79 = arith.constant 3 : i32
    %add3A_80 = vector.broadcast %add3A_79 : i32 to vector<16xi32>
    %add3A_81 = arith.addi %add3A_80, %iota3A : vector<16xi32>
    %and3A_82 = arith.constant 31 : i32
    %and3A_83 = vector.broadcast %and3A_82 : i32 to vector<16xi32>
    %and3A_84 = arith.andi %add3A_81, %and3A_83 : vector<16xi32>
    %swap3A_85 = arith.constant 48 : index
    %swap3A_86 = tpu.vector_load %arg12[%swap3A_85] {strides = array<i32>} : memref<512xi32, #tpu.memory_space<vmem>>, vector<16xi32>,
    tpu.vector_store %arg12[%swap3A_85], %and3A_84 {strides = array<i32>} : memref<512xi32, #tpu.memory_space<vmem>>, vector<16xi32>,
    %shift_right_arithmetic3A_87 = arith.constant 3 : i32
    %shift_right_arithmetic3A_88 = vector.broadcast %shift_right_arithmetic3A_87 : i32 to vector<16xi32>
    %shift_right_arithmetic3A_89 = arith.shrsi %and3A_84, %shift_right_arithmetic3A_88 : vector<16xi32>
    %mul3A_90 = arith.constant 4096 : i32
    %mul3A_91 = vector.broadcast %mul3A_90 : i32 to vector<16xi32>
    %mul3A_92 = arith.muli %shift_right_arithmetic3A_89, %mul3A_91 : vector<16xi32>
    %and3A_93 = arith.constant 7 : i32
    %and3A_94 = vector.broadcast %and3A_93 : i32 to vector<16xi32>
    %and3A_95 = arith.andi %and3A_84, %and3A_94 : vector<16xi32>
    %mul3A_96 = arith.constant 128 : i32
    %mul3A_97 = vector.broadcast %mul3A_96 : i32 to vector<16xi32>
    %mul3A_98 = arith.muli %and3A_95, %mul3A_97 : vector<16xi32>
    %add3A_99 = arith.addi %mul3A_92, %mul3A_98 : vector<16xi32>
    %add3A_100 = arith.addi %add3A_99, %iota3A : vector<16xi32>
    %swap3A_101 = arith.constant 48 : index
    %swap3A_102 = tpu.vector_load %arg13[%swap3A_101] {strides = array<i32>} : memref<512xi32, #tpu.memory_space<vmem>>, vector<16xi32>,
    tpu.vector_store %arg13[%swap3A_101], %add3A_100 {strides = array<i32>} : memref<512xi32, #tpu.memory_space<vmem>>, vector<16xi32>,
    %add3A_103 = arith.constant 4 : i32
    %add3A_104 = vector.broadcast %add3A_103 : i32 to vector<16xi32>
    %add3A_105 = arith.addi %add3A_104, %iota3A : vector<16xi32>
    %and3A_106 = arith.constant 31 : i32
    %and3A_107 = vector.broadcast %and3A_106 : i32 to vector<16xi32>
    %and3A_108 = arith.andi %add3A_105, %and3A_107 : vector<16xi32>
    %swap3A_109 = arith.constant 64 : index
    %swap3A_110 = tpu.vector_load %arg12[%swap3A_109] {strides = array<i32>} : memref<512xi32, #tpu.memory_space<vmem>>, vector<16xi32>,
    tpu.vector_store %arg12[%swap3A_109], %and3A_108 {strides = array<i32>} : memref<512xi32, #tpu.memory_space<vmem>>, vector<16xi32>,
    %shift_right_arithmetic3A_111 = arith.constant 3 : i32
    %shift_right_arithmetic3A_112 = vector.broadcast %shift_right_arithmetic3A_111 : i32 to vector<16xi32>
    %shift_right_arithmetic3A_113 = arith.shrsi %and3A_108, %shift_right_arithmetic3A_112 : vector<16xi32>
    %mul3A_114 = arith.constant 4096 : i32
    %mul3A_115 = vector.broadcast %mul3A_114 : i32 to vector<16xi32>
    %mul3A_116 = arith.muli %shift_right_arithmetic3A_113, %mul3A_115 : vector<16xi32>
    %and3A_117 = arith.constant 7 : i32
    %and3A_118 = vector.broadcast %and3A_117 : i32 to vector<16xi32>
    %and3A_119 = arith.andi %and3A_108, %and3A_118 : vector<16xi32>
    %mul3A_120 = arith.constant 128 : i32
    %mul3A_121 = vector.broadcast %mul3A_120 : i32 to vector<16xi32>
    %mul3A_122 = arith.muli %and3A_119, %mul3A_121 : vector<16xi32>
    %add3A_123 = arith.addi %mul3A_116, %mul3A_122 : vector<16xi32>
    %add3A_124 = arith.addi %add3A_123, %iota3A : vector<16xi32>
    %swap3A_125 = arith.constant 64 : index
    %swap3A_126 = tpu.vector_load %arg13[%swap3A_125] {strides = array<i32>} : memref<512xi32, #tpu.memory_space<vmem>>, vector<16xi32>,
    tpu.vector_store %arg13[%swap3A_125], %add3A_124 {strides = array<i32>} : memref<512xi32, #tpu.memory_space<vmem>>, vector<16xi32>,
    %add3A_127 = arith.constant 5 : i32
    %add3A_128 = vector.broadcast %add3A_127 : i32 to vector<16xi32>
    %add3A_129 = arith.addi %add3A_128, %iota3A : vector<16xi32>
    %and3A_130 = arith.constant 31 : i32
    %and3A_131 = vector.broadcast %and3A_130 : i32 to vector<16xi32>
    %and3A_132 = arith.andi %add3A_129, %and3A_131 : vector<16xi32>
    %swap3A_133 = arith.constant 80 : index
    %swap3A_134 = tpu.vector_load %arg12[%swap3A_133] {strides = array<i32>} : memref<512xi32, #tpu.memory_space<vmem>>, vector<16xi32>,
    tpu.vector_store %arg12[%swap3A_133], %and3A_132 {strides = array<i32>} : memref<512xi32, #tpu.memory_space<vmem>>, vector<16xi32>,
    %shift_right_arithmetic3A_135 = arith.constant 3 : i32
    %shift_right_arithmetic3A_136 = vector.broadcast %shift_right_arithmetic3A_135 : i32 to vector<16xi32>
    %shift_right_arithmetic3A_137 = arith.shrsi %and3A_132, %shift_right_arithmetic3A_136 : vector<16xi32>
    %mul3A_138 = arith.constant 4096 : i32
    %mul3A_139 = vector.broadcast %mul3A_138 : i32 to vector<16xi32>
    %mul3A_140 = arith.muli %shift_right_arithmetic3A_137, %mul3A_139 : vector<16xi32>
    %and3A_141 = arith.constant 7 : i32
    %and3A_142 = vector.broadcast %and3A_141 : i32 to vector<16xi32>
    %and3A_143 = arith.andi %and3A_132, %and3A_142 : vector<16xi32>
    %mul3A_144 = arith.constant 128 : i32
    %mul3A_145 = vector.broadcast %mul3A_144 : i32 to vector<16xi32>
    %mul3A_146 = arith.muli %and3A_143, %mul3A_145 : vector<16xi32>
    %add3A_147 = arith.addi %mul3A_140, %mul3A_146 : vector<16xi32>
    %add3A_148 = arith.addi %add3A_147, %iota3A : vector<16xi32>
    %swap3A_149 = arith.constant 80 : index
    %swap3A_150 = tpu.vector_load %arg13[%swap3A_149] {strides = array<i32>} : memref<512xi32, #tpu.memory_space<vmem>>, vector<16xi32>,
    tpu.vector_store %arg13[%swap3A_149], %add3A_148 {strides = array<i32>} : memref<512xi32, #tpu.memory_space<vmem>>, vector<16xi32>,
    %add3A_151 = arith.constant 6 : i32
    %add3A_152 = vector.broadcast %add3A_151 : i32 to vector<16xi32>
    %add3A_153 = arith.addi %add3A_152, %iota3A : vector<16xi32>
    %and3A_154 = arith.constant 31 : i32
    %and3A_155 = vector.broadcast %and3A_154 : i32 to vector<16xi32>
    %and3A_156 = arith.andi %add3A_153, %and3A_155 : vector<16xi32>
    %swap3A_157 = arith.constant 96 : index
    %swap3A_158 = tpu.vector_load %arg12[%swap3A_157] {strides = array<i32>} : memref<512xi32, #tpu.memory_space<vmem>>, vector<16xi32>,
    tpu.vector_store %arg12[%swap3A_157], %and3A_156 {strides = array<i32>} : memref<512xi32, #tpu.memory_space<vmem>>, vector<16xi32>,
    %shift_right_arithmetic3A_159 = arith.constant 3 : i32
    %shift_right_arithmetic3A_160 = vector.broadcast %shift_right_arithmetic3A_159 : i32 to vector<16xi32>
    %shift_right_arithmetic3A_161 = arith.shrsi %and3A_156, %shift_right_arithmetic3A_160 : vector<16xi32>
    %mul3A_162 = arith.constant 4096 : i32
    %mul3A_163 = vector.broadcast %mul3A_162 : i32 to vector<16xi32>
    %mul3A_164 = arith.muli %shift_right_arithmetic3A_161, %mul3A_163 : vector<16xi32>
    %and3A_165 = arith.constant 7 : i32
    %and3A_166 = vector.broadcast %and3A_165 : i32 to vector<16xi32>
    %and3A_167 = arith.andi %and3A_156, %and3A_166 : vector<16xi32>
    %mul3A_168 = arith.constant 128 : i32
    %mul3A_169 = vector.broadcast %mul3A_168 : i32 to vector<16xi32>
    %mul3A_170 = arith.muli %and3A_167, %mul3A_169 : vector<16xi32>
    %add3A_171 = arith.addi %mul3A_164, %mul3A_170 : vector<16xi32>
    %add3A_172 = arith.addi %add3A_171, %iota3A : vector<16xi32>
    %swap3A_173 = arith.constant 96 : index
    %swap3A_174 = tpu.vector_load %arg13[%swap3A_173] {strides = array<i32>} : memref<512xi32, #tpu.memory_space<vmem>>, vector<16xi32>,
    tpu.vector_store %arg13[%swap3A_173], %add3A_172 {strides = array<i32>} : memref<512xi32, #tpu.memory_space<vmem>>, vector<16xi32>,
    %add3A_175 = arith.constant 7 : i32
    %add3A_176 = vector.broadcast %add3A_175 : i32 to vector<16xi32>
    %add3A_177 = arith.addi %add3A_176, %iota3A : vector<16xi32>
    %and3A_178 = arith.constant 31 : i32
    %and3A_179 = vector.broadcast %and3A_178 : i32 to vector<16xi32>
    %and3A_180 = arith.andi %add3A_177, %and3A_179 : vector<16xi32>
    %swap3A_181 = arith.constant 112 : index
    %swap3A_182 = tpu.vector_load %arg12[%swap3A_181] {strides = array<i32>} : memref<512xi32, #tpu.memory_space<vmem>>, vector<16xi32>,
    tpu.vector_store %arg12[%swap3A_181], %and3A_180 {strides = array<i32>} : memref<512xi32, #tpu.memory_space<vmem>>, vector<16xi32>,
    %shift_right_arithmetic3A_183 = arith.constant 3 : i32
    %shift_right_arithmetic3A_184 = vector.broadcast %shift_right_arithmetic3A_183 : i32 to vector<16xi32>
    %shift_right_arithmetic3A_185 = arith.shrsi %and3A_180, %shift_right_arithmetic3A_184 : vector<16xi32>
    %mul3A_186 = arith.constant 4096 : i32
    %mul3A_187 = vector.broadcast %mul3A_186 : i32 to vector<16xi32>
    %mul3A_188 = arith.muli %shift_right_arithmetic3A_185, %mul3A_187 : vector<16xi32>
    %and3A_189 = arith.constant 7 : i32
    %and3A_190 = vector.broadcast %and3A_189 : i32 to vector<16xi32>
    %and3A_191 = arith.andi %and3A_180, %and3A_190 : vector<16xi32>
    %mul3A_192 = arith.constant 128 : i32
    %mul3A_193 = vector.broadcast %mul3A_192 : i32 to vector<16xi32>
    %mul3A_194 = arith.muli %and3A_191, %mul3A_193 : vector<16xi32>
    %add3A_195 = arith.addi %mul3A_188, %mul3A_194 : vector<16xi32>
    %add3A_196 = arith.addi %add3A_195, %iota3A : vector<16xi32>
    %swap3A_197 = arith.constant 112 : index
    %swap3A_198 = tpu.vector_load %arg13[%swap3A_197] {strides = array<i32>} : memref<512xi32, #tpu.memory_space<vmem>>, vector<16xi32>,
    tpu.vector_store %arg13[%swap3A_197], %add3A_196 {strides = array<i32>} : memref<512xi32, #tpu.memory_space<vmem>>, vector<16xi32>,
    %add3A_199 = arith.constant 8 : i32
    %add3A_200 = vector.broadcast %add3A_199 : i32 to vector<16xi32>
    %add3A_201 = arith.addi %add3A_200, %iota3A : vector<16xi32>
    %and3A_202 = arith.constant 31 : i32
    %and3A_203 = vector.broadcast %and3A_202 : i32 to vector<16xi32>
    %and3A_204 = arith.andi %add3A_201, %and3A_203 : vector<16xi32>
    %swap3A_205 = arith.constant 128 : index
    %swap3A_206 = tpu.vector_load %arg12[%swap3A_205] {strides = array<i32>} : memref<512xi32, #tpu.memory_space<vmem>>, vector<16xi32>,
    tpu.vector_store %arg12[%swap3A_205], %and3A_204 {strides = array<i32>} : memref<512xi32, #tpu.memory_space<vmem>>, vector<16xi32>,
    %shift_right_arithmetic3A_207 = arith.constant 3 : i32
    %shift_right_arithmetic3A_208 = vector.broadcast %shift_right_arithmetic3A_207 : i32 to vector<16xi32>
    %shift_right_arithmetic3A_209 = arith.shrsi %and3A_204, %shift_right_arithmetic3A_208 : vector<16xi32>
    %mul3A_210 = arith.constant 4096 : i32
    %mul3A_211 = vector.broadcast %mul3A_210 : i32 to vector<16xi32>
    %mul3A_212 = arith.muli %shift_right_arithmetic3A_209, %mul3A_211 : vector<16xi32>
    %and3A_213 = arith.constant 7 : i32
    %and3A_214 = vector.broadcast %and3A_213 : i32 to vector<16xi32>
    %and3A_215 = arith.andi %and3A_204, %and3A_214 : vector<16xi32>
    %mul3A_216 = arith.constant 128 : i32
    %mul3A_217 = vector.broadcast %mul3A_216 : i32 to vector<16xi32>
    %mul3A_218 = arith.muli %and3A_215, %mul3A_217 : vector<16xi32>
    %add3A_219 = arith.addi %mul3A_212, %mul3A_218 : vector<16xi32>
    %add3A_220 = arith.addi %add3A_219, %iota3A : vector<16xi32>
    %swap3A_221 = arith.constant 128 : index
    %swap3A_222 = tpu.vector_load %arg13[%swap3A_221] {strides = array<i32>} : memref<512xi32, #tpu.memory_space<vmem>>, vector<16xi32>,
    tpu.vector_store %arg13[%swap3A_221], %add3A_220 {strides = array<i32>} : memref<512xi32, #tpu.memory_space<vmem>>, vector<16xi32>,
    %add3A_223 = arith.constant 9 : i32
    %add3A_224 = vector.broadcast %add3A_223 : i32 to vector<16xi32>
    %add3A_225 = arith.addi %add3A_224, %iota3A : vector<16xi32>
    %and3A_226 = arith.constant 31 : i32
    %and3A_227 = vector.broadcast %and3A_226 : i32 to vector<16xi32>
    %and3A_228 = arith.andi %add3A_225, %and3A_227 : vector<16xi32>
    %swap3A_229 = arith.constant 144 : index
    %swap3A_230 = tpu.vector_load %arg12[%swap3A_229] {strides = array<i32>} : memref<512xi32, #tpu.memory_space<vmem>>, vector<16xi32>,
    tpu.vector_store %arg12[%swap3A_229], %and3A_228 {strides = array<i32>} : memref<512xi32, #tpu.memory_space<vmem>>, vector<16xi32>,
    %shift_right_arithmetic3A_231 = arith.constant 3 : i32
    %shift_right_arithmetic3A_232 = vector.broadcast %shift_right_arithmetic3A_231 : i32 to vector<16xi32>
    %shift_right_arithmetic3A_233 = arith.shrsi %and3A_228, %shift_right_arithmetic3A_232 : vector<16xi32>
    %mul3A_234 = arith.constant 4096 : i32
    %mul3A_235 = vector.broadcast %mul3A_234 : i32 to vector<16xi32>
    %mul3A_236 = arith.muli %shift_right_arithmetic3A_233, %mul3A_235 : vector<16xi32>
    %and3A_237 = arith.constant 7 : i32
    %and3A_238 = vector.broadcast %and3A_237 : i32 to vector<16xi32>
    %and3A_239 = arith.andi %and3A_228, %and3A_238 : vector<16xi32>
    %mul3A_240 = arith.constant 128 : i32
    %mul3A_241 = vector.broadcast %mul3A_240 : i32 to vector<16xi32>
    %mul3A_242 = arith.muli %and3A_239, %mul3A_241 : vector<16xi32>
    %add3A_243 = arith.addi %mul3A_236, %mul3A_242 : vector<16xi32>
    %add3A_244 = arith.addi %add3A_243, %iota3A : vector<16xi32>
    %swap3A_245 = arith.constant 144 : index
    %swap3A_246 = tpu.vector_load %arg13[%swap3A_245] {strides = array<i32>} : memref<512xi32, #tpu.memory_space<vmem>>, vector<16xi32>,
    tpu.vector_store %arg13[%swap3A_245], %add3A_244 {strides = array<i32>} : memref<512xi32, #tpu.memory_space<vmem>>, vector<16xi32>,
    %add3A_247 = arith.constant 10 : i32
    %add3A_248 = vector.broadcast %add3A_247 : i32 to vector<16xi32>
    %add3A_249 = arith.addi %add3A_248, %iota3A : vector<16xi32>
    %and3A_250 = arith.constant 31 : i32
    %and3A_251 = vector.broadcast %and3A_250 : i32 to vector<16xi32>
    %and3A_252 = arith.andi %add3A_249, %and3A_251 : vector<16xi32>
    %swap3A_253 = arith.constant 160 : index
    %swap3A_254 = tpu.vector_load %arg12[%swap3A_253] {strides = array<i32>} : memref<512xi32, #tpu.memory_space<vmem>>, vector<16xi32>,
    tpu.vector_store %arg12[%swap3A_253], %and3A_252 {strides = array<i32>} : memref<512xi32, #tpu.memory_space<vmem>>, vector<16xi32>,
    %shift_right_arithmetic3A_255 = arith.constant 3 : i32
    %shift_right_arithmetic3A_256 = vector.broadcast %shift_right_arithmetic3A_255 : i32 to vector<16xi32>
    %shift_right_arithmetic3A_257 = arith.shrsi %and3A_252, %shift_right_arithmetic3A_256 : vector<16xi32>
    %mul3A_258 = arith.constant 4096 : i32
    %mul3A_259 = vector.broadcast %mul3A_258 : i32 to vector<16xi32>
    %mul3A_260 = arith.muli %shift_right_arithmetic3A_257, %mul3A_259 : vector<16xi32>
    %and3A_261 = arith.constant 7 : i32
    %and3A_262 = vector.broadcast %and3A_261 : i32 to vector<16xi32>
    %and3A_263 = arith.andi %and3A_252, %and3A_262 : vector<16xi32>
    %mul3A_264 = arith.constant 128 : i32
    %mul3A_265 = vector.broadcast %mul3A_264 : i32 to vector<16xi32>
    %mul3A_266 = arith.muli %and3A_263, %mul3A_265 : vector<16xi32>
    %add3A_267 = arith.addi %mul3A_260, %mul3A_266 : vector<16xi32>
    %add3A_268 = arith.addi %add3A_267, %iota3A : vector<16xi32>
    %swap3A_269 = arith.constant 160 : index
    %swap3A_270 = tpu.vector_load %arg13[%swap3A_269] {strides = array<i32>} : memref<512xi32, #tpu.memory_space<vmem>>, vector<16xi32>,
    tpu.vector_store %arg13[%swap3A_269], %add3A_268 {strides = array<i32>} : memref<512xi32, #tpu.memory_space<vmem>>, vector<16xi32>,
    %add3A_271 = arith.constant 11 : i32
    %add3A_272 = vector.broadcast %add3A_271 : i32 to vector<16xi32>
    %add3A_273 = arith.addi %add3A_272, %iota3A : vector<16xi32>
    %and3A_274 = arith.constant 31 : i32
    %and3A_275 = vector.broadcast %and3A_274 : i32 to vector<16xi32>
    %and3A_276 = arith.andi %add3A_273, %and3A_275 : vector<16xi32>
    %swap3A_277 = arith.constant 176 : index
    %swap3A_278 = tpu.vector_load %arg12[%swap3A_277] {strides = array<i32>} : memref<512xi32, #tpu.memory_space<vmem>>, vector<16xi32>,
    tpu.vector_store %arg12[%swap3A_277], %and3A_276 {strides = array<i32>} : memref<512xi32, #tpu.memory_space<vmem>>, vector<16xi32>,
    %shift_right_arithmetic3A_279 = arith.constant 3 : i32
    %shift_right_arithmetic3A_280 = vector.broadcast %shift_right_arithmetic3A_279 : i32 to vector<16xi32>
    %shift_right_arithmetic3A_281 = arith.shrsi %and3A_276, %shift_right_arithmetic3A_280 : vector<16xi32>
    %mul3A_282 = arith.constant 4096 : i32
    %mul3A_283 = vector.broadcast %mul3A_282 : i32 to vector<16xi32>
    %mul3A_284 = arith.muli %shift_right_arithmetic3A_281, %mul3A_283 : vector<16xi32>
    %and3A_285 = arith.constant 7 : i32
    %and3A_286 = vector.broadcast %and3A_285 : i32 to vector<16xi32>
    %and3A_287 = arith.andi %and3A_276, %and3A_286 : vector<16xi32>
    %mul3A_288 = arith.constant 128 : i32
    %mul3A_289 = vector.broadcast %mul3A_288 : i32 to vector<16xi32>
    %mul3A_290 = arith.muli %and3A_287, %mul3A_289 : vector<16xi32>
    %add3A_291 = arith.addi %mul3A_284, %mul3A_290 : vector<16xi32>
    %add3A_292 = arith.addi %add3A_291, %iota3A : vector<16xi32>
    %swap3A_293 = arith.constant 176 : index
    %swap3A_294 = tpu.vector_load %arg13[%swap3A_293] {strides = array<i32>} : memref<512xi32, #tpu.memory_space<vmem>>, vector<16xi32>,
    tpu.vector_store %arg13[%swap3A_293], %add3A_292 {strides = array<i32>} : memref<512xi32, #tpu.memory_space<vmem>>, vector<16xi32>,
    %add3A_295 = arith.constant 12 : i32
    %add3A_296 = vector.broadcast %add3A_295 : i32 to vector<16xi32>
    %add3A_297 = arith.addi %add3A_296, %iota3A : vector<16xi32>
    %and3A_298 = arith.constant 31 : i32
    %and3A_299 = vector.broadcast %and3A_298 : i32 to vector<16xi32>
    %and3A_300 = arith.andi %add3A_297, %and3A_299 : vector<16xi32>
    %swap3A_301 = arith.constant 192 : index
    %swap3A_302 = tpu.vector_load %arg12[%swap3A_301] {strides = array<i32>} : memref<512xi32, #tpu.memory_space<vmem>>, vector<16xi32>,
    tpu.vector_store %arg12[%swap3A_301], %and3A_300 {strides = array<i32>} : memref<512xi32, #tpu.memory_space<vmem>>, vector<16xi32>,
    %shift_right_arithmetic3A_303 = arith.constant 3 : i32
    %shift_right_arithmetic3A_304 = vector.broadcast %shift_right_arithmetic3A_303 : i32 to vector<16xi32>
    %shift_right_arithmetic3A_305 = arith.shrsi %and3A_300, %shift_right_arithmetic3A_304 : vector<16xi32>
    %mul3A_306 = arith.constant 4096 : i32
    %mul3A_307 = vector.broadcast %mul3A_306 : i32 to vector<16xi32>
    %mul3A_308 = arith.muli %shift_right_arithmetic3A_305, %mul3A_307 : vector<16xi32>
    %and3A_309 = arith.constant 7 : i32
    %and3A_310 = vector.broadcast %and3A_309 : i32 to vector<16xi32>
    %and3A_311 = arith.andi %and3A_300, %and3A_310 : vector<16xi32>
    %mul3A_312 = arith.constant 128 : i32
    %mul3A_313 = vector.broadcast %mul3A_312 : i32 to vector<16xi32>
    %mul3A_314 = arith.muli %and3A_311, %mul3A_313 : vector<16xi32>
    %add3A_315 = arith.addi %mul3A_308, %mul3A_314 : vector<16xi32>
    %add3A_316 = arith.addi %add3A_315, %iota3A : vector<16xi32>
    %swap3A_317 = arith.constant 192 : index
    %swap3A_318 = tpu.vector_load %arg13[%swap3A_317] {strides = array<i32>} : memref<512xi32, #tpu.memory_space<vmem>>, vector<16xi32>,
    tpu.vector_store %arg13[%swap3A_317], %add3A_316 {strides = array<i32>} : memref<512xi32, #tpu.memory_space<vmem>>, vector<16xi32>,
    %add3A_319 = arith.constant 13 : i32
    %add3A_320 = vector.broadcast %add3A_319 : i32 to vector<16xi32>
    %add3A_321 = arith.addi %add3A_320, %iota3A : vector<16xi32>
    %and3A_322 = arith.constant 31 : i32
    %and3A_323 = vector.broadcast %and3A_322 : i32 to vector<16xi32>
    %and3A_324 = arith.andi %add3A_321, %and3A_323 : vector<16xi32>
    %swap3A_325 = arith.constant 208 : index
    %swap3A_326 = tpu.vector_load %arg12[%swap3A_325] {strides = array<i32>} : memref<512xi32, #tpu.memory_space<vmem>>, vector<16xi32>,
    tpu.vector_store %arg12[%swap3A_325], %and3A_324 {strides = array<i32>} : memref<512xi32, #tpu.memory_space<vmem>>, vector<16xi32>,
    %shift_right_arithmetic3A_327 = arith.constant 3 : i32
    %shift_right_arithmetic3A_328 = vector.broadcast %shift_right_arithmetic3A_327 : i32 to vector<16xi32>
    %shift_right_arithmetic3A_329 = arith.shrsi %and3A_324, %shift_right_arithmetic3A_328 : vector<16xi32>
    %mul3A_330 = arith.constant 4096 : i32
    %mul3A_331 = vector.broadcast %mul3A_330 : i32 to vector<16xi32>
    %mul3A_332 = arith.muli %shift_right_arithmetic3A_329, %mul3A_331 : vector<16xi32>
    %and3A_333 = arith.constant 7 : i32
    %and3A_334 = vector.broadcast %and3A_333 : i32 to vector<16xi32>
    %and3A_335 = arith.andi %and3A_324, %and3A_334 : vector<16xi32>
    %mul3A_336 = arith.constant 128 : i32
    %mul3A_337 = vector.broadcast %mul3A_336 : i32 to vector<16xi32>
    %mul3A_338 = arith.muli %and3A_335, %mul3A_337 : vector<16xi32>
    %add3A_339 = arith.addi %mul3A_332, %mul3A_338 : vector<16xi32>
    %add3A_340 = arith.addi %add3A_339, %iota3A : vector<16xi32>
    %swap3A_341 = arith.constant 208 : index
    %swap3A_342 = tpu.vector_load %arg13[%swap3A_341] {strides = array<i32>} : memref<512xi32, #tpu.memory_space<vmem>>, vector<16xi32>,
    tpu.vector_store %arg13[%swap3A_341], %add3A_340 {strides = array<i32>} : memref<512xi32, #tpu.memory_space<vmem>>, vector<16xi32>,
    %add3A_343 = arith.constant 14 : i32
    %add3A_344 = vector.broadcast %add3A_343 : i32 to vector<16xi32>
    %add3A_345 = arith.addi %add3A_344, %iota3A : vector<16xi32>
    %and3A_346 = arith.constant 31 : i32
    %and3A_347 = vector.broadcast %and3A_346 : i32 to vector<16xi32>
    %and3A_348 = arith.andi %add3A_345, %and3A_347 : vector<16xi32>
    %swap3A_349 = arith.constant 224 : index
    %swap3A_350 = tpu.vector_load %arg12[%swap3A_349] {strides = array<i32>} : memref<512xi32, #tpu.memory_space<vmem>>, vector<16xi32>,
    tpu.vector_store %arg12[%swap3A_349], %and3A_348 {strides = array<i32>} : memref<512xi32, #tpu.memory_space<vmem>>, vector<16xi32>,
    %shift_right_arithmetic3A_351 = arith.constant 3 : i32
    %shift_right_arithmetic3A_352 = vector.broadcast %shift_right_arithmetic3A_351 : i32 to vector<16xi32>
    %shift_right_arithmetic3A_353 = arith.shrsi %and3A_348, %shift_right_arithmetic3A_352 : vector<16xi32>
    %mul3A_354 = arith.constant 4096 : i32
    %mul3A_355 = vector.broadcast %mul3A_354 : i32 to vector<16xi32>
    %mul3A_356 = arith.muli %shift_right_arithmetic3A_353, %mul3A_355 : vector<16xi32>
    %and3A_357 = arith.constant 7 : i32
    %and3A_358 = vector.broadcast %and3A_357 : i32 to vector<16xi32>
    %and3A_359 = arith.andi %and3A_348, %and3A_358 : vector<16xi32>
    %mul3A_360 = arith.constant 128 : i32
    %mul3A_361 = vector.broadcast %mul3A_360 : i32 to vector<16xi32>
    %mul3A_362 = arith.muli %and3A_359, %mul3A_361 : vector<16xi32>
    %add3A_363 = arith.addi %mul3A_356, %mul3A_362 : vector<16xi32>
    %add3A_364 = arith.addi %add3A_363, %iota3A : vector<16xi32>
    %swap3A_365 = arith.constant 224 : index
    %swap3A_366 = tpu.vector_load %arg13[%swap3A_365] {strides = array<i32>} : memref<512xi32, #tpu.memory_space<vmem>>, vector<16xi32>,
    tpu.vector_store %arg13[%swap3A_365], %add3A_364 {strides = array<i32>} : memref<512xi32, #tpu.memory_space<vmem>>, vector<16xi32>,
    %add3A_367 = arith.constant 15 : i32
    %add3A_368 = vector.broadcast %add3A_367 : i32 to vector<16xi32>
    %add3A_369 = arith.addi %add3A_368, %iota3A : vector<16xi32>
    %and3A_370 = arith.constant 31 : i32
    %and3A_371 = vector.broadcast %and3A_370 : i32 to vector<16xi32>
    %and3A_372 = arith.andi %add3A_369, %and3A_371 : vector<16xi32>
    %swap3A_373 = arith.constant 240 : index
    %swap3A_374 = tpu.vector_load %arg12[%swap3A_373] {strides = array<i32>} : memref<512xi32, #tpu.memory_space<vmem>>, vector<16xi32>,
    tpu.vector_store %arg12[%swap3A_373], %and3A_372 {strides = array<i32>} : memref<512xi32, #tpu.memory_space<vmem>>, vector<16xi32>,
    %shift_right_arithmetic3A_375 = arith.constant 3 : i32
    %shift_right_arithmetic3A_376 = vector.broadcast %shift_right_arithmetic3A_375 : i32 to vector<16xi32>
    %shift_right_arithmetic3A_377 = arith.shrsi %and3A_372, %shift_right_arithmetic3A_376 : vector<16xi32>
    %mul3A_378 = arith.constant 4096 : i32
    %mul3A_379 = vector.broadcast %mul3A_378 : i32 to vector<16xi32>
    %mul3A_380 = arith.muli %shift_right_arithmetic3A_377, %mul3A_379 : vector<16xi32>
    %and3A_381 = arith.constant 7 : i32
    %and3A_382 = vector.broadcast %and3A_381 : i32 to vector<16xi32>
    %and3A_383 = arith.andi %and3A_372, %and3A_382 : vector<16xi32>
    %mul3A_384 = arith.constant 128 : i32
    %mul3A_385 = vector.broadcast %mul3A_384 : i32 to vector<16xi32>
    %mul3A_386 = arith.muli %and3A_383, %mul3A_385 : vector<16xi32>
    %add3A_387 = arith.addi %mul3A_380, %mul3A_386 : vector<16xi32>
    %add3A_388 = arith.addi %add3A_387, %iota3A : vector<16xi32>
    %swap3A_389 = arith.constant 240 : index
    %swap3A_390 = tpu.vector_load %arg13[%swap3A_389] {strides = array<i32>} : memref<512xi32, #tpu.memory_space<vmem>>, vector<16xi32>,
    tpu.vector_store %arg13[%swap3A_389], %add3A_388 {strides = array<i32>} : memref<512xi32, #tpu.memory_space<vmem>>, vector<16xi32>,
    %add3A_391 = arith.constant 16 : i32
    %add3A_392 = vector.broadcast %add3A_391 : i32 to vector<16xi32>
    %add3A_393 = arith.addi %add3A_392, %iota3A : vector<16xi32>
    %and3A_394 = arith.constant 31 : i32
    %and3A_395 = vector.broadcast %and3A_394 : i32 to vector<16xi32>
    %and3A_396 = arith.andi %add3A_393, %and3A_395 : vector<16xi32>
    %swap3A_397 = arith.constant 256 : index
    %swap3A_398 = tpu.vector_load %arg12[%swap3A_397] {strides = array<i32>} : memref<512xi32, #tpu.memory_space<vmem>>, vector<16xi32>,
    tpu.vector_store %arg12[%swap3A_397], %and3A_396 {strides = array<i32>} : memref<512xi32, #tpu.memory_space<vmem>>, vector<16xi32>,
    %shift_right_arithmetic3A_399 = arith.constant 3 : i32
    %shift_right_arithmetic3A_400 = vector.broadcast %shift_right_arithmetic3A_399 : i32 to vector<16xi32>
    %shift_right_arithmetic3A_401 = arith.shrsi %and3A_396, %shift_right_arithmetic3A_400 : vector<16xi32>
    %mul3A_402 = arith.constant 4096 : i32
    %mul3A_403 = vector.broadcast %mul3A_402 : i32 to vector<16xi32>
    %mul3A_404 = arith.muli %shift_right_arithmetic3A_401, %mul3A_403 : vector<16xi32>
    %and3A_405 = arith.constant 7 : i32
    %and3A_406 = vector.broadcast %and3A_405 : i32 to vector<16xi32>
    %and3A_407 = arith.andi %and3A_396, %and3A_406 : vector<16xi32>
    %mul3A_408 = arith.constant 128 : i32
    %mul3A_409 = vector.broadcast %mul3A_408 : i32 to vector<16xi32>
    %mul3A_410 = arith.muli %and3A_407, %mul3A_409 : vector<16xi32>
    %add3A_411 = arith.addi %mul3A_404, %mul3A_410 : vector<16xi32>
    %add3A_412 = arith.addi %add3A_411, %iota3A : vector<16xi32>
    %swap3A_413 = arith.constant 256 : index
    %swap3A_414 = tpu.vector_load %arg13[%swap3A_413] {strides = array<i32>} : memref<512xi32, #tpu.memory_space<vmem>>, vector<16xi32>,
    tpu.vector_store %arg13[%swap3A_413], %add3A_412 {strides = array<i32>} : memref<512xi32, #tpu.memory_space<vmem>>, vector<16xi32>,
    %add3A_415 = arith.constant 17 : i32
    %add3A_416 = vector.broadcast %add3A_415 : i32 to vector<16xi32>
    %add3A_417 = arith.addi %add3A_416, %iota3A : vector<16xi32>
    %and3A_418 = arith.constant 31 : i32
    %and3A_419 = vector.broadcast %and3A_418 : i32 to vector<16xi32>
    %and3A_420 = arith.andi %add3A_417, %and3A_419 : vector<16xi32>
    %swap3A_421 = arith.constant 272 : index
    %swap3A_422 = tpu.vector_load %arg12[%swap3A_421] {strides = array<i32>} : memref<512xi32, #tpu.memory_space<vmem>>, vector<16xi32>,
    tpu.vector_store %arg12[%swap3A_421], %and3A_420 {strides = array<i32>} : memref<512xi32, #tpu.memory_space<vmem>>, vector<16xi32>,
    %shift_right_arithmetic3A_423 = arith.constant 3 : i32
    %shift_right_arithmetic3A_424 = vector.broadcast %shift_right_arithmetic3A_423 : i32 to vector<16xi32>
    %shift_right_arithmetic3A_425 = arith.shrsi %and3A_420, %shift_right_arithmetic3A_424 : vector<16xi32>
    %mul3A_426 = arith.constant 4096 : i32
    %mul3A_427 = vector.broadcast %mul3A_426 : i32 to vector<16xi32>
    %mul3A_428 = arith.muli %shift_right_arithmetic3A_425, %mul3A_427 : vector<16xi32>
    %and3A_429 = arith.constant 7 : i32
    %and3A_430 = vector.broadcast %and3A_429 : i32 to vector<16xi32>
    %and3A_431 = arith.andi %and3A_420, %and3A_430 : vector<16xi32>
    %mul3A_432 = arith.constant 128 : i32
    %mul3A_433 = vector.broadcast %mul3A_432 : i32 to vector<16xi32>
    %mul3A_434 = arith.muli %and3A_431, %mul3A_433 : vector<16xi32>
    %add3A_435 = arith.addi %mul3A_428, %mul3A_434 : vector<16xi32>
    %add3A_436 = arith.addi %add3A_435, %iota3A : vector<16xi32>
    %swap3A_437 = arith.constant 272 : index
    %swap3A_438 = tpu.vector_load %arg13[%swap3A_437] {strides = array<i32>} : memref<512xi32, #tpu.memory_space<vmem>>, vector<16xi32>,
    tpu.vector_store %arg13[%swap3A_437], %add3A_436 {strides = array<i32>} : memref<512xi32, #tpu.memory_space<vmem>>, vector<16xi32>,
    %add3A_439 = arith.constant 18 : i32
    %add3A_440 = vector.broadcast %add3A_439 : i32 to vector<16xi32>
    %add3A_441 = arith.addi %add3A_440, %iota3A : vector<16xi32>
    %and3A_442 = arith.constant 31 : i32
    %and3A_443 = vector.broadcast %and3A_442 : i32 to vector<16xi32>
    %and3A_444 = arith.andi %add3A_441, %and3A_443 : vector<16xi32>
    %swap3A_445 = arith.constant 288 : index
    %swap3A_446 = tpu.vector_load %arg12[%swap3A_445] {strides = array<i32>} : memref<512xi32, #tpu.memory_space<vmem>>, vector<16xi32>,
    tpu.vector_store %arg12[%swap3A_445], %and3A_444 {strides = array<i32>} : memref<512xi32, #tpu.memory_space<vmem>>, vector<16xi32>,
    %shift_right_arithmetic3A_447 = arith.constant 3 : i32
    %shift_right_arithmetic3A_448 = vector.broadcast %shift_right_arithmetic3A_447 : i32 to vector<16xi32>
    %shift_right_arithmetic3A_449 = arith.shrsi %and3A_444, %shift_right_arithmetic3A_448 : vector<16xi32>
    %mul3A_450 = arith.constant 4096 : i32
    %mul3A_451 = vector.broadcast %mul3A_450 : i32 to vector<16xi32>
    %mul3A_452 = arith.muli %shift_right_arithmetic3A_449, %mul3A_451 : vector<16xi32>
    %and3A_453 = arith.constant 7 : i32
    %and3A_454 = vector.broadcast %and3A_453 : i32 to vector<16xi32>
    %and3A_455 = arith.andi %and3A_444, %and3A_454 : vector<16xi32>
    %mul3A_456 = arith.constant 128 : i32
    %mul3A_457 = vector.broadcast %mul3A_456 : i32 to vector<16xi32>
    %mul3A_458 = arith.muli %and3A_455, %mul3A_457 : vector<16xi32>
    %add3A_459 = arith.addi %mul3A_452, %mul3A_458 : vector<16xi32>
    %add3A_460 = arith.addi %add3A_459, %iota3A : vector<16xi32>
    %swap3A_461 = arith.constant 288 : index
    %swap3A_462 = tpu.vector_load %arg13[%swap3A_461] {strides = array<i32>} : memref<512xi32, #tpu.memory_space<vmem>>, vector<16xi32>,
    tpu.vector_store %arg13[%swap3A_461], %add3A_460 {strides = array<i32>} : memref<512xi32, #tpu.memory_space<vmem>>, vector<16xi32>,
    %add3A_463 = arith.constant 19 : i32
    %add3A_464 = vector.broadcast %add3A_463 : i32 to vector<16xi32>
    %add3A_465 = arith.addi %add3A_464, %iota3A : vector<16xi32>
    %and3A_466 = arith.constant 31 : i32
    %and3A_467 = vector.broadcast %and3A_466 : i32 to vector<16xi32>
    %and3A_468 = arith.andi %add3A_465, %and3A_467 : vector<16xi32>
    %swap3A_469 = arith.constant 304 : index
    %swap3A_470 = tpu.vector_load %arg12[%swap3A_469] {strides = array<i32>} : memref<512xi32, #tpu.memory_space<vmem>>, vector<16xi32>,
    tpu.vector_store %arg12[%swap3A_469], %and3A_468 {strides = array<i32>} : memref<512xi32, #tpu.memory_space<vmem>>, vector<16xi32>,
    %shift_right_arithmetic3A_471 = arith.constant 3 : i32
    %shift_right_arithmetic3A_472 = vector.broadcast %shift_right_arithmetic3A_471 : i32 to vector<16xi32>
    %shift_right_arithmetic3A_473 = arith.shrsi %and3A_468, %shift_right_arithmetic3A_472 : vector<16xi32>
    %mul3A_474 = arith.constant 4096 : i32
    %mul3A_475 = vector.broadcast %mul3A_474 : i32 to vector<16xi32>
    %mul3A_476 = arith.muli %shift_right_arithmetic3A_473, %mul3A_475 : vector<16xi32>
    %and3A_477 = arith.constant 7 : i32
    %and3A_478 = vector.broadcast %and3A_477 : i32 to vector<16xi32>
    %and3A_479 = arith.andi %and3A_468, %and3A_478 : vector<16xi32>
    %mul3A_480 = arith.constant 128 : i32
    %mul3A_481 = vector.broadcast %mul3A_480 : i32 to vector<16xi32>
    %mul3A_482 = arith.muli %and3A_479, %mul3A_481 : vector<16xi32>
    %add3A_483 = arith.addi %mul3A_476, %mul3A_482 : vector<16xi32>
    %add3A_484 = arith.addi %add3A_483, %iota3A : vector<16xi32>
    %swap3A_485 = arith.constant 304 : index
    %swap3A_486 = tpu.vector_load %arg13[%swap3A_485] {strides = array<i32>} : memref<512xi32, #tpu.memory_space<vmem>>, vector<16xi32>,
    tpu.vector_store %arg13[%swap3A_485], %add3A_484 {strides = array<i32>} : memref<512xi32, #tpu.memory_space<vmem>>, vector<16xi32>,
    %add3A_487 = arith.constant 20 : i32
    %add3A_488 = vector.broadcast %add3A_487 : i32 to vector<16xi32>
    %add3A_489 = arith.addi %add3A_488, %iota3A : vector<16xi32>
    %and3A_490 = arith.constant 31 : i32
    %and3A_491 = vector.broadcast %and3A_490 : i32 to vector<16xi32>
    %and3A_492 = arith.andi %add3A_489, %and3A_491 : vector<16xi32>
    %swap3A_493 = arith.constant 320 : index
    %swap3A_494 = tpu.vector_load %arg12[%swap3A_493] {strides = array<i32>} : memref<512xi32, #tpu.memory_space<vmem>>, vector<16xi32>,
    tpu.vector_store %arg12[%swap3A_493], %and3A_492 {strides = array<i32>} : memref<512xi32, #tpu.memory_space<vmem>>, vector<16xi32>,
    %shift_right_arithmetic3A_495 = arith.constant 3 : i32
    %shift_right_arithmetic3A_496 = vector.broadcast %shift_right_arithmetic3A_495 : i32 to vector<16xi32>
    %shift_right_arithmetic3A_497 = arith.shrsi %and3A_492, %shift_right_arithmetic3A_496 : vector<16xi32>
    %mul3A_498 = arith.constant 4096 : i32
    %mul3A_499 = vector.broadcast %mul3A_498 : i32 to vector<16xi32>
    %mul3A_500 = arith.muli %shift_right_arithmetic3A_497, %mul3A_499 : vector<16xi32>
    %and3A_501 = arith.constant 7 : i32
    %and3A_502 = vector.broadcast %and3A_501 : i32 to vector<16xi32>
    %and3A_503 = arith.andi %and3A_492, %and3A_502 : vector<16xi32>
    %mul3A_504 = arith.constant 128 : i32
    %mul3A_505 = vector.broadcast %mul3A_504 : i32 to vector<16xi32>
    %mul3A_506 = arith.muli %and3A_503, %mul3A_505 : vector<16xi32>
    %add3A_507 = arith.addi %mul3A_500, %mul3A_506 : vector<16xi32>
    %add3A_508 = arith.addi %add3A_507, %iota3A : vector<16xi32>
    %swap3A_509 = arith.constant 320 : index
    %swap3A_510 = tpu.vector_load %arg13[%swap3A_509] {strides = array<i32>} : memref<512xi32, #tpu.memory_space<vmem>>, vector<16xi32>,
    tpu.vector_store %arg13[%swap3A_509], %add3A_508 {strides = array<i32>} : memref<512xi32, #tpu.memory_space<vmem>>, vector<16xi32>,
    %add3A_511 = arith.constant 21 : i32
    %add3A_512 = vector.broadcast %add3A_511 : i32 to vector<16xi32>
    %add3A_513 = arith.addi %add3A_512, %iota3A : vector<16xi32>
    %and3A_514 = arith.constant 31 : i32
    %and3A_515 = vector.broadcast %and3A_514 : i32 to vector<16xi32>
    %and3A_516 = arith.andi %add3A_513, %and3A_515 : vector<16xi32>
    %swap3A_517 = arith.constant 336 : index
    %swap3A_518 = tpu.vector_load %arg12[%swap3A_517] {strides = array<i32>} : memref<512xi32, #tpu.memory_space<vmem>>, vector<16xi32>,
    tpu.vector_store %arg12[%swap3A_517], %and3A_516 {strides = array<i32>} : memref<512xi32, #tpu.memory_space<vmem>>, vector<16xi32>,
    %shift_right_arithmetic3A_519 = arith.constant 3 : i32
    %shift_right_arithmetic3A_520 = vector.broadcast %shift_right_arithmetic3A_519 : i32 to vector<16xi32>
    %shift_right_arithmetic3A_521 = arith.shrsi %and3A_516, %shift_right_arithmetic3A_520 : vector<16xi32>
    %mul3A_522 = arith.constant 4096 : i32
    %mul3A_523 = vector.broadcast %mul3A_522 : i32 to vector<16xi32>
    %mul3A_524 = arith.muli %shift_right_arithmetic3A_521, %mul3A_523 : vector<16xi32>
    %and3A_525 = arith.constant 7 : i32
    %and3A_526 = vector.broadcast %and3A_525 : i32 to vector<16xi32>
    %and3A_527 = arith.andi %and3A_516, %and3A_526 : vector<16xi32>
    %mul3A_528 = arith.constant 128 : i32
    %mul3A_529 = vector.broadcast %mul3A_528 : i32 to vector<16xi32>
    %mul3A_530 = arith.muli %and3A_527, %mul3A_529 : vector<16xi32>
    %add3A_531 = arith.addi %mul3A_524, %mul3A_530 : vector<16xi32>
    %add3A_532 = arith.addi %add3A_531, %iota3A : vector<16xi32>
    %swap3A_533 = arith.constant 336 : index
    %swap3A_534 = tpu.vector_load %arg13[%swap3A_533] {strides = array<i32>} : memref<512xi32, #tpu.memory_space<vmem>>, vector<16xi32>,
    tpu.vector_store %arg13[%swap3A_533], %add3A_532 {strides = array<i32>} : memref<512xi32, #tpu.memory_space<vmem>>, vector<16xi32>,
    %add3A_535 = arith.constant 22 : i32
    %add3A_536 = vector.broadcast %add3A_535 : i32 to vector<16xi32>
    %add3A_537 = arith.addi %add3A_536, %iota3A : vector<16xi32>
    %and3A_538 = arith.constant 31 : i32
    %and3A_539 = vector.broadcast %and3A_538 : i32 to vector<16xi32>
    %and3A_540 = arith.andi %add3A_537, %and3A_539 : vector<16xi32>
    %swap3A_541 = arith.constant 352 : index
    %swap3A_542 = tpu.vector_load %arg12[%swap3A_541] {strides = array<i32>} : memref<512xi32, #tpu.memory_space<vmem>>, vector<16xi32>,
    tpu.vector_store %arg12[%swap3A_541], %and3A_540 {strides = array<i32>} : memref<512xi32, #tpu.memory_space<vmem>>, vector<16xi32>,
    %shift_right_arithmetic3A_543 = arith.constant 3 : i32
    %shift_right_arithmetic3A_544 = vector.broadcast %shift_right_arithmetic3A_543 : i32 to vector<16xi32>
    %shift_right_arithmetic3A_545 = arith.shrsi %and3A_540, %shift_right_arithmetic3A_544 : vector<16xi32>
    %mul3A_546 = arith.constant 4096 : i32
    %mul3A_547 = vector.broadcast %mul3A_546 : i32 to vector<16xi32>
    %mul3A_548 = arith.muli %shift_right_arithmetic3A_545, %mul3A_547 : vector<16xi32>
    %and3A_549 = arith.constant 7 : i32
    %and3A_550 = vector.broadcast %and3A_549 : i32 to vector<16xi32>
    %and3A_551 = arith.andi %and3A_540, %and3A_550 : vector<16xi32>
    %mul3A_552 = arith.constant 128 : i32
    %mul3A_553 = vector.broadcast %mul3A_552 : i32 to vector<16xi32>
    %mul3A_554 = arith.muli %and3A_551, %mul3A_553 : vector<16xi32>
    %add3A_555 = arith.addi %mul3A_548, %mul3A_554 : vector<16xi32>
    %add3A_556 = arith.addi %add3A_555, %iota3A : vector<16xi32>
    %swap3A_557 = arith.constant 352 : index
    %swap3A_558 = tpu.vector_load %arg13[%swap3A_557] {strides = array<i32>} : memref<512xi32, #tpu.memory_space<vmem>>, vector<16xi32>,
    tpu.vector_store %arg13[%swap3A_557], %add3A_556 {strides = array<i32>} : memref<512xi32, #tpu.memory_space<vmem>>, vector<16xi32>,
    %add3A_559 = arith.constant 23 : i32
    %add3A_560 = vector.broadcast %add3A_559 : i32 to vector<16xi32>
    %add3A_561 = arith.addi %add3A_560, %iota3A : vector<16xi32>
    %and3A_562 = arith.constant 31 : i32
    %and3A_563 = vector.broadcast %and3A_562 : i32 to vector<16xi32>
    %and3A_564 = arith.andi %add3A_561, %and3A_563 : vector<16xi32>
    %swap3A_565 = arith.constant 368 : index
    %swap3A_566 = tpu.vector_load %arg12[%swap3A_565] {strides = array<i32>} : memref<512xi32, #tpu.memory_space<vmem>>, vector<16xi32>,
    tpu.vector_store %arg12[%swap3A_565], %and3A_564 {strides = array<i32>} : memref<512xi32, #tpu.memory_space<vmem>>, vector<16xi32>,
    %shift_right_arithmetic3A_567 = arith.constant 3 : i32
    %shift_right_arithmetic3A_568 = vector.broadcast %shift_right_arithmetic3A_567 : i32 to vector<16xi32>
    %shift_right_arithmetic3A_569 = arith.shrsi %and3A_564, %shift_right_arithmetic3A_568 : vector<16xi32>
    %mul3A_570 = arith.constant 4096 : i32
    %mul3A_571 = vector.broadcast %mul3A_570 : i32 to vector<16xi32>
    %mul3A_572 = arith.muli %shift_right_arithmetic3A_569, %mul3A_571 : vector<16xi32>
    %and3A_573 = arith.constant 7 : i32
    %and3A_574 = vector.broadcast %and3A_573 : i32 to vector<16xi32>
    %and3A_575 = arith.andi %and3A_564, %and3A_574 : vector<16xi32>
    %mul3A_576 = arith.constant 128 : i32
    %mul3A_577 = vector.broadcast %mul3A_576 : i32 to vector<16xi32>
    %mul3A_578 = arith.muli %and3A_575, %mul3A_577 : vector<16xi32>
    %add3A_579 = arith.addi %mul3A_572, %mul3A_578 : vector<16xi32>
    %add3A_580 = arith.addi %add3A_579, %iota3A : vector<16xi32>
    %swap3A_581 = arith.constant 368 : index
    %swap3A_582 = tpu.vector_load %arg13[%swap3A_581] {strides = array<i32>} : memref<512xi32, #tpu.memory_space<vmem>>, vector<16xi32>,
    tpu.vector_store %arg13[%swap3A_581], %add3A_580 {strides = array<i32>} : memref<512xi32, #tpu.memory_space<vmem>>, vector<16xi32>,
    %add3A_583 = arith.constant 24 : i32
    %add3A_584 = vector.broadcast %add3A_583 : i32 to vector<16xi32>
    %add3A_585 = arith.addi %add3A_584, %iota3A : vector<16xi32>
    %and3A_586 = arith.constant 31 : i32
    %and3A_587 = vector.broadcast %and3A_586 : i32 to vector<16xi32>
    %and3A_588 = arith.andi %add3A_585, %and3A_587 : vector<16xi32>
    %swap3A_589 = arith.constant 384 : index
    %swap3A_590 = tpu.vector_load %arg12[%swap3A_589] {strides = array<i32>} : memref<512xi32, #tpu.memory_space<vmem>>, vector<16xi32>,
    tpu.vector_store %arg12[%swap3A_589], %and3A_588 {strides = array<i32>} : memref<512xi32, #tpu.memory_space<vmem>>, vector<16xi32>,
    %shift_right_arithmetic3A_591 = arith.constant 3 : i32
    %shift_right_arithmetic3A_592 = vector.broadcast %shift_right_arithmetic3A_591 : i32 to vector<16xi32>
    %shift_right_arithmetic3A_593 = arith.shrsi %and3A_588, %shift_right_arithmetic3A_592 : vector<16xi32>
    %mul3A_594 = arith.constant 4096 : i32
    %mul3A_595 = vector.broadcast %mul3A_594 : i32 to vector<16xi32>
    %mul3A_596 = arith.muli %shift_right_arithmetic3A_593, %mul3A_595 : vector<16xi32>
    %and3A_597 = arith.constant 7 : i32
    %and3A_598 = vector.broadcast %and3A_597 : i32 to vector<16xi32>
    %and3A_599 = arith.andi %and3A_588, %and3A_598 : vector<16xi32>
    %mul3A_600 = arith.constant 128 : i32
    %mul3A_601 = vector.broadcast %mul3A_600 : i32 to vector<16xi32>
    %mul3A_602 = arith.muli %and3A_599, %mul3A_601 : vector<16xi32>
    %add3A_603 = arith.addi %mul3A_596, %mul3A_602 : vector<16xi32>
    %add3A_604 = arith.addi %add3A_603, %iota3A : vector<16xi32>
    %swap3A_605 = arith.constant 384 : index
    %swap3A_606 = tpu.vector_load %arg13[%swap3A_605] {strides = array<i32>} : memref<512xi32, #tpu.memory_space<vmem>>, vector<16xi32>,
    tpu.vector_store %arg13[%swap3A_605], %add3A_604 {strides = array<i32>} : memref<512xi32, #tpu.memory_space<vmem>>, vector<16xi32>,
    %add3A_607 = arith.constant 25 : i32
    %add3A_608 = vector.broadcast %add3A_607 : i32 to vector<16xi32>
    %add3A_609 = arith.addi %add3A_608, %iota3A : vector<16xi32>
    %and3A_610 = arith.constant 31 : i32
    %and3A_611 = vector.broadcast %and3A_610 : i32 to vector<16xi32>
    %and3A_612 = arith.andi %add3A_609, %and3A_611 : vector<16xi32>
    %swap3A_613 = arith.constant 400 : index
    %swap3A_614 = tpu.vector_load %arg12[%swap3A_613] {strides = array<i32>} : memref<512xi32, #tpu.memory_space<vmem>>, vector<16xi32>,
    tpu.vector_store %arg12[%swap3A_613], %and3A_612 {strides = array<i32>} : memref<512xi32, #tpu.memory_space<vmem>>, vector<16xi32>,
    %shift_right_arithmetic3A_615 = arith.constant 3 : i32
    %shift_right_arithmetic3A_616 = vector.broadcast %shift_right_arithmetic3A_615 : i32 to vector<16xi32>
    %shift_right_arithmetic3A_617 = arith.shrsi %and3A_612, %shift_right_arithmetic3A_616 : vector<16xi32>
    %mul3A_618 = arith.constant 4096 : i32
    %mul3A_619 = vector.broadcast %mul3A_618 : i32 to vector<16xi32>
    %mul3A_620 = arith.muli %shift_right_arithmetic3A_617, %mul3A_619 : vector<16xi32>
    %and3A_621 = arith.constant 7 : i32
    %and3A_622 = vector.broadcast %and3A_621 : i32 to vector<16xi32>
    %and3A_623 = arith.andi %and3A_612, %and3A_622 : vector<16xi32>
    %mul3A_624 = arith.constant 128 : i32
    %mul3A_625 = vector.broadcast %mul3A_624 : i32 to vector<16xi32>
    %mul3A_626 = arith.muli %and3A_623, %mul3A_625 : vector<16xi32>
    %add3A_627 = arith.addi %mul3A_620, %mul3A_626 : vector<16xi32>
    %add3A_628 = arith.addi %add3A_627, %iota3A : vector<16xi32>
    %swap3A_629 = arith.constant 400 : index
    %swap3A_630 = tpu.vector_load %arg13[%swap3A_629] {strides = array<i32>} : memref<512xi32, #tpu.memory_space<vmem>>, vector<16xi32>,
    tpu.vector_store %arg13[%swap3A_629], %add3A_628 {strides = array<i32>} : memref<512xi32, #tpu.memory_space<vmem>>, vector<16xi32>,
    %add3A_631 = arith.constant 26 : i32
    %add3A_632 = vector.broadcast %add3A_631 : i32 to vector<16xi32>
    %add3A_633 = arith.addi %add3A_632, %iota3A : vector<16xi32>
    %and3A_634 = arith.constant 31 : i32
    %and3A_635 = vector.broadcast %and3A_634 : i32 to vector<16xi32>
    %and3A_636 = arith.andi %add3A_633, %and3A_635 : vector<16xi32>
    %swap3A_637 = arith.constant 416 : index
    %swap3A_638 = tpu.vector_load %arg12[%swap3A_637] {strides = array<i32>} : memref<512xi32, #tpu.memory_space<vmem>>, vector<16xi32>,
    tpu.vector_store %arg12[%swap3A_637], %and3A_636 {strides = array<i32>} : memref<512xi32, #tpu.memory_space<vmem>>, vector<16xi32>,
    %shift_right_arithmetic3A_639 = arith.constant 3 : i32
    %shift_right_arithmetic3A_640 = vector.broadcast %shift_right_arithmetic3A_639 : i32 to vector<16xi32>
    %shift_right_arithmetic3A_641 = arith.shrsi %and3A_636, %shift_right_arithmetic3A_640 : vector<16xi32>
    %mul3A_642 = arith.constant 4096 : i32
    %mul3A_643 = vector.broadcast %mul3A_642 : i32 to vector<16xi32>
    %mul3A_644 = arith.muli %shift_right_arithmetic3A_641, %mul3A_643 : vector<16xi32>
    %and3A_645 = arith.constant 7 : i32
    %and3A_646 = vector.broadcast %and3A_645 : i32 to vector<16xi32>
    %and3A_647 = arith.andi %and3A_636, %and3A_646 : vector<16xi32>
    %mul3A_648 = arith.constant 128 : i32
    %mul3A_649 = vector.broadcast %mul3A_648 : i32 to vector<16xi32>
    %mul3A_650 = arith.muli %and3A_647, %mul3A_649 : vector<16xi32>
    %add3A_651 = arith.addi %mul3A_644, %mul3A_650 : vector<16xi32>
    %add3A_652 = arith.addi %add3A_651, %iota3A : vector<16xi32>
    %swap3A_653 = arith.constant 416 : index
    %swap3A_654 = tpu.vector_load %arg13[%swap3A_653] {strides = array<i32>} : memref<512xi32, #tpu.memory_space<vmem>>, vector<16xi32>,
    tpu.vector_store %arg13[%swap3A_653], %add3A_652 {strides = array<i32>} : memref<512xi32, #tpu.memory_space<vmem>>, vector<16xi32>,
    %add3A_655 = arith.constant 27 : i32
    %add3A_656 = vector.broadcast %add3A_655 : i32 to vector<16xi32>
    %add3A_657 = arith.addi %add3A_656, %iota3A : vector<16xi32>
    %and3A_658 = arith.constant 31 : i32
    %and3A_659 = vector.broadcast %and3A_658 : i32 to vector<16xi32>
    %and3A_660 = arith.andi %add3A_657, %and3A_659 : vector<16xi32>
    %swap3A_661 = arith.constant 432 : index
    %swap3A_662 = tpu.vector_load %arg12[%swap3A_661] {strides = array<i32>} : memref<512xi32, #tpu.memory_space<vmem>>, vector<16xi32>,
    tpu.vector_store %arg12[%swap3A_661], %and3A_660 {strides = array<i32>} : memref<512xi32, #tpu.memory_space<vmem>>, vector<16xi32>,
    %shift_right_arithmetic3A_663 = arith.constant 3 : i32
    %shift_right_arithmetic3A_664 = vector.broadcast %shift_right_arithmetic3A_663 : i32 to vector<16xi32>
    %shift_right_arithmetic3A_665 = arith.shrsi %and3A_660, %shift_right_arithmetic3A_664 : vector<16xi32>
    %mul3A_666 = arith.constant 4096 : i32
    %mul3A_667 = vector.broadcast %mul3A_666 : i32 to vector<16xi32>
    %mul3A_668 = arith.muli %shift_right_arithmetic3A_665, %mul3A_667 : vector<16xi32>
    %and3A_669 = arith.constant 7 : i32
    %and3A_670 = vector.broadcast %and3A_669 : i32 to vector<16xi32>
    %and3A_671 = arith.andi %and3A_660, %and3A_670 : vector<16xi32>
    %mul3A_672 = arith.constant 128 : i32
    %mul3A_673 = vector.broadcast %mul3A_672 : i32 to vector<16xi32>
    %mul3A_674 = arith.muli %and3A_671, %mul3A_673 : vector<16xi32>
    %add3A_675 = arith.addi %mul3A_668, %mul3A_674 : vector<16xi32>
    %add3A_676 = arith.addi %add3A_675, %iota3A : vector<16xi32>
    %swap3A_677 = arith.constant 432 : index
    %swap3A_678 = tpu.vector_load %arg13[%swap3A_677] {strides = array<i32>} : memref<512xi32, #tpu.memory_space<vmem>>, vector<16xi32>,
    tpu.vector_store %arg13[%swap3A_677], %add3A_676 {strides = array<i32>} : memref<512xi32, #tpu.memory_space<vmem>>, vector<16xi32>,
    %add3A_679 = arith.constant 28 : i32
    %add3A_680 = vector.broadcast %add3A_679 : i32 to vector<16xi32>
    %add3A_681 = arith.addi %add3A_680, %iota3A : vector<16xi32>
    %and3A_682 = arith.constant 31 : i32
    %and3A_683 = vector.broadcast %and3A_682 : i32 to vector<16xi32>
    %and3A_684 = arith.andi %add3A_681, %and3A_683 : vector<16xi32>
    %swap3A_685 = arith.constant 448 : index
    %swap3A_686 = tpu.vector_load %arg12[%swap3A_685] {strides = array<i32>} : memref<512xi32, #tpu.memory_space<vmem>>, vector<16xi32>,
    tpu.vector_store %arg12[%swap3A_685], %and3A_684 {strides = array<i32>} : memref<512xi32, #tpu.memory_space<vmem>>, vector<16xi32>,
    %shift_right_arithmetic3A_687 = arith.constant 3 : i32
    %shift_right_arithmetic3A_688 = vector.broadcast %shift_right_arithmetic3A_687 : i32 to vector<16xi32>
    %shift_right_arithmetic3A_689 = arith.shrsi %and3A_684, %shift_right_arithmetic3A_688 : vector<16xi32>
    %mul3A_690 = arith.constant 4096 : i32
    %mul3A_691 = vector.broadcast %mul3A_690 : i32 to vector<16xi32>
    %mul3A_692 = arith.muli %shift_right_arithmetic3A_689, %mul3A_691 : vector<16xi32>
    %and3A_693 = arith.constant 7 : i32
    %and3A_694 = vector.broadcast %and3A_693 : i32 to vector<16xi32>
    %and3A_695 = arith.andi %and3A_684, %and3A_694 : vector<16xi32>
    %mul3A_696 = arith.constant 128 : i32
    %mul3A_697 = vector.broadcast %mul3A_696 : i32 to vector<16xi32>
    %mul3A_698 = arith.muli %and3A_695, %mul3A_697 : vector<16xi32>
    %add3A_699 = arith.addi %mul3A_692, %mul3A_698 : vector<16xi32>
    %add3A_700 = arith.addi %add3A_699, %iota3A : vector<16xi32>
    %swap3A_701 = arith.constant 448 : index
    %swap3A_702 = tpu.vector_load %arg13[%swap3A_701] {strides = array<i32>} : memref<512xi32, #tpu.memory_space<vmem>>, vector<16xi32>,
    tpu.vector_store %arg13[%swap3A_701], %add3A_700 {strides = array<i32>} : memref<512xi32, #tpu.memory_space<vmem>>, vector<16xi32>,
    %add3A_703 = arith.constant 29 : i32
    %add3A_704 = vector.broadcast %add3A_703 : i32 to vector<16xi32>
    %add3A_705 = arith.addi %add3A_704, %iota3A : vector<16xi32>
    %and3A_706 = arith.constant 31 : i32
    %and3A_707 = vector.broadcast %and3A_706 : i32 to vector<16xi32>
    %and3A_708 = arith.andi %add3A_705, %and3A_707 : vector<16xi32>
    %swap3A_709 = arith.constant 464 : index
    %swap3A_710 = tpu.vector_load %arg12[%swap3A_709] {strides = array<i32>} : memref<512xi32, #tpu.memory_space<vmem>>, vector<16xi32>,
    tpu.vector_store %arg12[%swap3A_709], %and3A_708 {strides = array<i32>} : memref<512xi32, #tpu.memory_space<vmem>>, vector<16xi32>,
    %shift_right_arithmetic3A_711 = arith.constant 3 : i32
    %shift_right_arithmetic3A_712 = vector.broadcast %shift_right_arithmetic3A_711 : i32 to vector<16xi32>
    %shift_right_arithmetic3A_713 = arith.shrsi %and3A_708, %shift_right_arithmetic3A_712 : vector<16xi32>
    %mul3A_714 = arith.constant 4096 : i32
    %mul3A_715 = vector.broadcast %mul3A_714 : i32 to vector<16xi32>
    %mul3A_716 = arith.muli %shift_right_arithmetic3A_713, %mul3A_715 : vector<16xi32>
    %and3A_717 = arith.constant 7 : i32
    %and3A_718 = vector.broadcast %and3A_717 : i32 to vector<16xi32>
    %and3A_719 = arith.andi %and3A_708, %and3A_718 : vector<16xi32>
    %mul3A_720 = arith.constant 128 : i32
    %mul3A_721 = vector.broadcast %mul3A_720 : i32 to vector<16xi32>
    %mul3A_722 = arith.muli %and3A_719, %mul3A_721 : vector<16xi32>
    %add3A_723 = arith.addi %mul3A_716, %mul3A_722 : vector<16xi32>
    %add3A_724 = arith.addi %add3A_723, %iota3A : vector<16xi32>
    %swap3A_725 = arith.constant 464 : index
    %swap3A_726 = tpu.vector_load %arg13[%swap3A_725] {strides = array<i32>} : memref<512xi32, #tpu.memory_space<vmem>>, vector<16xi32>,
    tpu.vector_store %arg13[%swap3A_725], %add3A_724 {strides = array<i32>} : memref<512xi32, #tpu.memory_space<vmem>>, vector<16xi32>,
    %add3A_727 = arith.constant 30 : i32
    %add3A_728 = vector.broadcast %add3A_727 : i32 to vector<16xi32>
    %add3A_729 = arith.addi %add3A_728, %iota3A : vector<16xi32>
    %and3A_730 = arith.constant 31 : i32
    %and3A_731 = vector.broadcast %and3A_730 : i32 to vector<16xi32>
    %and3A_732 = arith.andi %add3A_729, %and3A_731 : vector<16xi32>
    %swap3A_733 = arith.constant 480 : index
    %swap3A_734 = tpu.vector_load %arg12[%swap3A_733] {strides = array<i32>} : memref<512xi32, #tpu.memory_space<vmem>>, vector<16xi32>,
    tpu.vector_store %arg12[%swap3A_733], %and3A_732 {strides = array<i32>} : memref<512xi32, #tpu.memory_space<vmem>>, vector<16xi32>,
    %shift_right_arithmetic3A_735 = arith.constant 3 : i32
    %shift_right_arithmetic3A_736 = vector.broadcast %shift_right_arithmetic3A_735 : i32 to vector<16xi32>
    %shift_right_arithmetic3A_737 = arith.shrsi %and3A_732, %shift_right_arithmetic3A_736 : vector<16xi32>
    %mul3A_738 = arith.constant 4096 : i32
    %mul3A_739 = vector.broadcast %mul3A_738 : i32 to vector<16xi32>
    %mul3A_740 = arith.muli %shift_right_arithmetic3A_737, %mul3A_739 : vector<16xi32>
    %and3A_741 = arith.constant 7 : i32
    %and3A_742 = vector.broadcast %and3A_741 : i32 to vector<16xi32>
    %and3A_743 = arith.andi %and3A_732, %and3A_742 : vector<16xi32>
    %mul3A_744 = arith.constant 128 : i32
    %mul3A_745 = vector.broadcast %mul3A_744 : i32 to vector<16xi32>
    %mul3A_746 = arith.muli %and3A_743, %mul3A_745 : vector<16xi32>
    %add3A_747 = arith.addi %mul3A_740, %mul3A_746 : vector<16xi32>
    %add3A_748 = arith.addi %add3A_747, %iota3A : vector<16xi32>
    %swap3A_749 = arith.constant 480 : index
    %swap3A_750 = tpu.vector_load %arg13[%swap3A_749] {strides = array<i32>} : memref<512xi32, #tpu.memory_space<vmem>>, vector<16xi32>,
    tpu.vector_store %arg13[%swap3A_749], %add3A_748 {strides = array<i32>} : memref<512xi32, #tpu.memory_space<vmem>>, vector<16xi32>,
    %add3A_751 = arith.constant 31 : i32
    %add3A_752 = vector.broadcast %add3A_751 : i32 to vector<16xi32>
    %add3A_753 = arith.addi %add3A_752, %iota3A : vector<16xi32>
    %and3A_754 = arith.constant 31 : i32
    %and3A_755 = vector.broadcast %and3A_754 : i32 to vector<16xi32>
    %and3A_756 = arith.andi %add3A_753, %and3A_755 : vector<16xi32>
    %swap3A_757 = arith.constant 496 : index
    %swap3A_758 = tpu.vector_load %arg12[%swap3A_757] {strides = array<i32>} : memref<512xi32, #tpu.memory_space<vmem>>, vector<16xi32>,
    tpu.vector_store %arg12[%swap3A_757], %and3A_756 {strides = array<i32>} : memref<512xi32, #tpu.memory_space<vmem>>, vector<16xi32>,
    %shift_right_arithmetic3A_759 = arith.constant 3 : i32
    %shift_right_arithmetic3A_760 = vector.broadcast %shift_right_arithmetic3A_759 : i32 to vector<16xi32>
    %shift_right_arithmetic3A_761 = arith.shrsi %and3A_756, %shift_right_arithmetic3A_760 : vector<16xi32>
    %mul3A_762 = arith.constant 4096 : i32
    %mul3A_763 = vector.broadcast %mul3A_762 : i32 to vector<16xi32>
    %mul3A_764 = arith.muli %shift_right_arithmetic3A_761, %mul3A_763 : vector<16xi32>
    %and3A_765 = arith.constant 7 : i32
    %and3A_766 = vector.broadcast %and3A_765 : i32 to vector<16xi32>
    %and3A_767 = arith.andi %and3A_756, %and3A_766 : vector<16xi32>
    %mul3A_768 = arith.constant 128 : i32
    %mul3A_769 = vector.broadcast %mul3A_768 : i32 to vector<16xi32>
    %mul3A_770 = arith.muli %and3A_767, %mul3A_769 : vector<16xi32>
    %add3A_771 = arith.addi %mul3A_764, %mul3A_770 : vector<16xi32>
    %add3A_772 = arith.addi %add3A_771, %iota3A : vector<16xi32>
    %swap3A_773 = arith.constant 496 : index
    %swap3A_774 = tpu.vector_load %arg13[%swap3A_773] {strides = array<i32>} : memref<512xi32, #tpu.memory_space<vmem>>, vector<16xi32>,
    tpu.vector_store %arg13[%swap3A_773], %add3A_772 {strides = array<i32>} : memref<512xi32, #tpu.memory_space<vmem>>, vector<16xi32>,
    %get3A = arith.constant 0 : index
    %get3A_775 = tpu.vector_load %arg5[%get3A] {strides = array<i32>} : memref<25600xi32, #tpu.memory_space<vmem>>, vector<16xi32>,
    %ge3A = arith.constant 1000000 : i32
    %ge3A_776 = vector.broadcast %ge3A : i32 to vector<16xi32>
    %ge3A_777 = arith.cmpi sge, %get3A_775, %ge3A_776 : vector<16xi32>
    %select_n3A = arith.select %ge3A_777, %broadcast_in_dim3A_1, %get3A_775 : vector<16xi1>, vector<16xi32>
    %swap3A_778 = arith.constant 0 : i32
    %swap3A_779 = arith.index_cast %swap3A_778 : i32 to index
    %swap3A_780 = arith.constant 0 : index
    %swap3A_781 = tpu.vector_load %arg6[%swap3A_779, %swap3A_780] {strides = array<i32>} : memref<4x128xi32, #tpu.memory_space<vmem>>, vector<16xi32>,
    tpu.vector_store %arg6[%swap3A_779, %swap3A_780], %select_n3A {strides = array<i32>} : memref<4x128xi32, #tpu.memory_space<vmem>>, vector<16xi32>,
    %get3A_782 = arith.constant 16 : index
    %get3A_783 = tpu.vector_load %arg5[%get3A_782] {strides = array<i32>} : memref<25600xi32, #tpu.memory_space<vmem>>, vector<16xi32>,
    %ge3A_784 = arith.constant 1000000 : i32
    %ge3A_785 = vector.broadcast %ge3A_784 : i32 to vector<16xi32>
    %ge3A_786 = arith.cmpi sge, %get3A_783, %ge3A_785 : vector<16xi32>
    %select_n3A_787 = arith.select %ge3A_786, %broadcast_in_dim3A_1, %get3A_783 : vector<16xi1>, vector<16xi32>
    %swap3A_788 = arith.constant 0 : i32
    %swap3A_789 = arith.index_cast %swap3A_788 : i32 to index
    %swap3A_790 = arith.constant 16 : index
    %swap3A_791 = tpu.vector_load %arg6[%swap3A_789, %swap3A_790] {strides = array<i32>} : memref<4x128xi32, #tpu.memory_space<vmem>>, vector<16xi32>,
    tpu.vector_store %arg6[%swap3A_789, %swap3A_790], %select_n3A_787 {strides = array<i32>} : memref<4x128xi32, #tpu.memory_space<vmem>>, vector<16xi32>,
    %get3A_792 = arith.constant 32 : index
    %get3A_793 = tpu.vector_load %arg5[%get3A_792] {strides = array<i32>} : memref<25600xi32, #tpu.memory_space<vmem>>, vector<16xi32>,
    %ge3A_794 = arith.constant 1000000 : i32
    %ge3A_795 = vector.broadcast %ge3A_794 : i32 to vector<16xi32>
    %ge3A_796 = arith.cmpi sge, %get3A_793, %ge3A_795 : vector<16xi32>
    %select_n3A_797 = arith.select %ge3A_796, %broadcast_in_dim3A_1, %get3A_793 : vector<16xi1>, vector<16xi32>
    %swap3A_798 = arith.constant 0 : i32
    %swap3A_799 = arith.index_cast %swap3A_798 : i32 to index
    %swap3A_800 = arith.constant 32 : index
    %swap3A_801 = tpu.vector_load %arg6[%swap3A_799, %swap3A_800] {strides = array<i32>} : memref<4x128xi32, #tpu.memory_space<vmem>>, vector<16xi32>,
    tpu.vector_store %arg6[%swap3A_799, %swap3A_800], %select_n3A_797 {strides = array<i32>} : memref<4x128xi32, #tpu.memory_space<vmem>>, vector<16xi32>,
    %get3A_802 = arith.constant 48 : index
    %get3A_803 = tpu.vector_load %arg5[%get3A_802] {strides = array<i32>} : memref<25600xi32, #tpu.memory_space<vmem>>, vector<16xi32>,
    %ge3A_804 = arith.constant 1000000 : i32
    %ge3A_805 = vector.broadcast %ge3A_804 : i32 to vector<16xi32>
    %ge3A_806 = arith.cmpi sge, %get3A_803, %ge3A_805 : vector<16xi32>
    %select_n3A_807 = arith.select %ge3A_806, %broadcast_in_dim3A_1, %get3A_803 : vector<16xi1>, vector<16xi32>
    %swap3A_808 = arith.constant 0 : i32
    %swap3A_809 = arith.index_cast %swap3A_808 : i32 to index
    %swap3A_810 = arith.constant 48 : index
    %swap3A_811 = tpu.vector_load %arg6[%swap3A_809, %swap3A_810] {strides = array<i32>} : memref<4x128xi32, #tpu.memory_space<vmem>>, vector<16xi32>,
    tpu.vector_store %arg6[%swap3A_809, %swap3A_810], %select_n3A_807 {strides = array<i32>} : memref<4x128xi32, #tpu.memory_space<vmem>>, vector<16xi32>,
    %get3A_812 = arith.constant 64 : index
    %get3A_813 = tpu.vector_load %arg5[%get3A_812] {strides = array<i32>} : memref<25600xi32, #tpu.memory_space<vmem>>, vector<16xi32>,
    %ge3A_814 = arith.constant 1000000 : i32
    %ge3A_815 = vector.broadcast %ge3A_814 : i32 to vector<16xi32>
    %ge3A_816 = arith.cmpi sge, %get3A_813, %ge3A_815 : vector<16xi32>
    %select_n3A_817 = arith.select %ge3A_816, %broadcast_in_dim3A_1, %get3A_813 : vector<16xi1>, vector<16xi32>
    %swap3A_818 = arith.constant 0 : i32
    %swap3A_819 = arith.index_cast %swap3A_818 : i32 to index
    %swap3A_820 = arith.constant 64 : index
    %swap3A_821 = tpu.vector_load %arg6[%swap3A_819, %swap3A_820] {strides = array<i32>} : memref<4x128xi32, #tpu.memory_space<vmem>>, vector<16xi32>,
    tpu.vector_store %arg6[%swap3A_819, %swap3A_820], %select_n3A_817 {strides = array<i32>} : memref<4x128xi32, #tpu.memory_space<vmem>>, vector<16xi32>,
    %get3A_822 = arith.constant 80 : index
    %get3A_823 = tpu.vector_load %arg5[%get3A_822] {strides = array<i32>} : memref<25600xi32, #tpu.memory_space<vmem>>, vector<16xi32>,
    %ge3A_824 = arith.constant 1000000 : i32
    %ge3A_825 = vector.broadcast %ge3A_824 : i32 to vector<16xi32>
    %ge3A_826 = arith.cmpi sge, %get3A_823, %ge3A_825 : vector<16xi32>
    %select_n3A_827 = arith.select %ge3A_826, %broadcast_in_dim3A_1, %get3A_823 : vector<16xi1>, vector<16xi32>
    %swap3A_828 = arith.constant 0 : i32
    %swap3A_829 = arith.index_cast %swap3A_828 : i32 to index
    %swap3A_830 = arith.constant 80 : index
    %swap3A_831 = tpu.vector_load %arg6[%swap3A_829, %swap3A_830] {strides = array<i32>} : memref<4x128xi32, #tpu.memory_space<vmem>>, vector<16xi32>,
    tpu.vector_store %arg6[%swap3A_829, %swap3A_830], %select_n3A_827 {strides = array<i32>} : memref<4x128xi32, #tpu.memory_space<vmem>>, vector<16xi32>,
    %get3A_832 = arith.constant 96 : index
    %get3A_833 = tpu.vector_load %arg5[%get3A_832] {strides = array<i32>} : memref<25600xi32, #tpu.memory_space<vmem>>, vector<16xi32>,
    %ge3A_834 = arith.constant 1000000 : i32
    %ge3A_835 = vector.broadcast %ge3A_834 : i32 to vector<16xi32>
    %ge3A_836 = arith.cmpi sge, %get3A_833, %ge3A_835 : vector<16xi32>
    %select_n3A_837 = arith.select %ge3A_836, %broadcast_in_dim3A_1, %get3A_833 : vector<16xi1>, vector<16xi32>
    %swap3A_838 = arith.constant 0 : i32
    %swap3A_839 = arith.index_cast %swap3A_838 : i32 to index
    %swap3A_840 = arith.constant 96 : index
    %swap3A_841 = tpu.vector_load %arg6[%swap3A_839, %swap3A_840] {strides = array<i32>} : memref<4x128xi32, #tpu.memory_space<vmem>>, vector<16xi32>,
    tpu.vector_store %arg6[%swap3A_839, %swap3A_840], %select_n3A_837 {strides = array<i32>} : memref<4x128xi32, #tpu.memory_space<vmem>>, vector<16xi32>,
    %get3A_842 = arith.constant 112 : index
    %get3A_843 = tpu.vector_load %arg5[%get3A_842] {strides = array<i32>} : memref<25600xi32, #tpu.memory_space<vmem>>, vector<16xi32>,
    %ge3A_844 = arith.constant 1000000 : i32
    %ge3A_845 = vector.broadcast %ge3A_844 : i32 to vector<16xi32>
    %ge3A_846 = arith.cmpi sge, %get3A_843, %ge3A_845 : vector<16xi32>
    %select_n3A_847 = arith.select %ge3A_846, %broadcast_in_dim3A_1, %get3A_843 : vector<16xi1>, vector<16xi32>
    %swap3A_848 = arith.constant 0 : i32
    %swap3A_849 = arith.index_cast %swap3A_848 : i32 to index
    %swap3A_850 = arith.constant 112 : index
    %swap3A_851 = tpu.vector_load %arg6[%swap3A_849, %swap3A_850] {strides = array<i32>} : memref<4x128xi32, #tpu.memory_space<vmem>>, vector<16xi32>,
    tpu.vector_store %arg6[%swap3A_849, %swap3A_850], %select_n3A_847 {strides = array<i32>} : memref<4x128xi32, #tpu.memory_space<vmem>>, vector<16xi32>,
    %get3A_852 = arith.constant 128 : index
    %get3A_853 = tpu.vector_load %arg5[%get3A_852] {strides = array<i32>} : memref<25600xi32, #tpu.memory_space<vmem>>, vector<16xi32>,
    %ge3A_854 = arith.constant 1000000 : i32
    %ge3A_855 = vector.broadcast %ge3A_854 : i32 to vector<16xi32>
    %ge3A_856 = arith.cmpi sge, %get3A_853, %ge3A_855 : vector<16xi32>
    %select_n3A_857 = arith.select %ge3A_856, %broadcast_in_dim3A_1, %get3A_853 : vector<16xi1>, vector<16xi32>
    %swap3A_858 = arith.constant 1 : i32
    %swap3A_859 = arith.index_cast %swap3A_858 : i32 to index
    %swap3A_860 = arith.constant 0 : index
    %swap3A_861 = tpu.vector_load %arg6[%swap3A_859, %swap3A_860] {strides = array<i32>} : memref<4x128xi32, #tpu.memory_space<vmem>>, vector<16xi32>,
    tpu.vector_store %arg6[%swap3A_859, %swap3A_860], %select_n3A_857 {strides = array<i32>} : memref<4x128xi32, #tpu.memory_space<vmem>>, vector<16xi32>,
    %get3A_862 = arith.constant 144 : index
    %get3A_863 = tpu.vector_load %arg5[%get3A_862] {strides = array<i32>} : memref<25600xi32, #tpu.memory_space<vmem>>, vector<16xi32>,
    %ge3A_864 = arith.constant 1000000 : i32
    %ge3A_865 = vector.broadcast %ge3A_864 : i32 to vector<16xi32>
    %ge3A_866 = arith.cmpi sge, %get3A_863, %ge3A_865 : vector<16xi32>
    %select_n3A_867 = arith.select %ge3A_866, %broadcast_in_dim3A_1, %get3A_863 : vector<16xi1>, vector<16xi32>
    %swap3A_868 = arith.constant 1 : i32
    %swap3A_869 = arith.index_cast %swap3A_868 : i32 to index
    %swap3A_870 = arith.constant 16 : index
    %swap3A_871 = tpu.vector_load %arg6[%swap3A_869, %swap3A_870] {strides = array<i32>} : memref<4x128xi32, #tpu.memory_space<vmem>>, vector<16xi32>,
    tpu.vector_store %arg6[%swap3A_869, %swap3A_870], %select_n3A_867 {strides = array<i32>} : memref<4x128xi32, #tpu.memory_space<vmem>>, vector<16xi32>,
    %get3A_872 = arith.constant 160 : index
    %get3A_873 = tpu.vector_load %arg5[%get3A_872] {strides = array<i32>} : memref<25600xi32, #tpu.memory_space<vmem>>, vector<16xi32>,
    %ge3A_874 = arith.constant 1000000 : i32
    %ge3A_875 = vector.broadcast %ge3A_874 : i32 to vector<16xi32>
    %ge3A_876 = arith.cmpi sge, %get3A_873, %ge3A_875 : vector<16xi32>
    %select_n3A_877 = arith.select %ge3A_876, %broadcast_in_dim3A_1, %get3A_873 : vector<16xi1>, vector<16xi32>
    %swap3A_878 = arith.constant 1 : i32
    %swap3A_879 = arith.index_cast %swap3A_878 : i32 to index
    %swap3A_880 = arith.constant 32 : index
    %swap3A_881 = tpu.vector_load %arg6[%swap3A_879, %swap3A_880] {strides = array<i32>} : memref<4x128xi32, #tpu.memory_space<vmem>>, vector<16xi32>,
    tpu.vector_store %arg6[%swap3A_879, %swap3A_880], %select_n3A_877 {strides = array<i32>} : memref<4x128xi32, #tpu.memory_space<vmem>>, vector<16xi32>,
    %get3A_882 = arith.constant 176 : index
    %get3A_883 = tpu.vector_load %arg5[%get3A_882] {strides = array<i32>} : memref<25600xi32, #tpu.memory_space<vmem>>, vector<16xi32>,
    %ge3A_884 = arith.constant 1000000 : i32
    %ge3A_885 = vector.broadcast %ge3A_884 : i32 to vector<16xi32>
    %ge3A_886 = arith.cmpi sge, %get3A_883, %ge3A_885 : vector<16xi32>
    %select_n3A_887 = arith.select %ge3A_886, %broadcast_in_dim3A_1, %get3A_883 : vector<16xi1>, vector<16xi32>
    %swap3A_888 = arith.constant 1 : i32
    %swap3A_889 = arith.index_cast %swap3A_888 : i32 to index
    %swap3A_890 = arith.constant 48 : index
    %swap3A_891 = tpu.vector_load %arg6[%swap3A_889, %swap3A_890] {strides = array<i32>} : memref<4x128xi32, #tpu.memory_space<vmem>>, vector<16xi32>,
    tpu.vector_store %arg6[%swap3A_889, %swap3A_890], %select_n3A_887 {strides = array<i32>} : memref<4x128xi32, #tpu.memory_space<vmem>>, vector<16xi32>,
    %get3A_892 = arith.constant 192 : index
    %get3A_893 = tpu.vector_load %arg5[%get3A_892] {strides = array<i32>} : memref<25600xi32, #tpu.memory_space<vmem>>, vector<16xi32>,
    %ge3A_894 = arith.constant 1000000 : i32
    %ge3A_895 = vector.broadcast %ge3A_894 : i32 to vector<16xi32>
    %ge3A_896 = arith.cmpi sge, %get3A_893, %ge3A_895 : vector<16xi32>
    %select_n3A_897 = arith.select %ge3A_896, %broadcast_in_dim3A_1, %get3A_893 : vector<16xi1>, vector<16xi32>
    %swap3A_898 = arith.constant 1 : i32
    %swap3A_899 = arith.index_cast %swap3A_898 : i32 to index
    %swap3A_900 = arith.constant 64 : index
    %swap3A_901 = tpu.vector_load %arg6[%swap3A_899, %swap3A_900] {strides = array<i32>} : memref<4x128xi32, #tpu.memory_space<vmem>>, vector<16xi32>,
    tpu.vector_store %arg6[%swap3A_899, %swap3A_900], %select_n3A_897 {strides = array<i32>} : memref<4x128xi32, #tpu.memory_space<vmem>>, vector<16xi32>,
    %get3A_902 = arith.constant 208 : index
    %get3A_903 = tpu.vector_load %arg5[%get3A_902] {strides = array<i32>} : memref<25600xi32, #tpu.memory_space<vmem>>, vector<16xi32>,
    %ge3A_904 = arith.constant 1000000 : i32
    %ge3A_905 = vector.broadcast %ge3A_904 : i32 to vector<16xi32>
    %ge3A_906 = arith.cmpi sge, %get3A_903, %ge3A_905 : vector<16xi32>
    %select_n3A_907 = arith.select %ge3A_906, %broadcast_in_dim3A_1, %get3A_903 : vector<16xi1>, vector<16xi32>
    %swap3A_908 = arith.constant 1 : i32
    %swap3A_909 = arith.index_cast %swap3A_908 : i32 to index
    %swap3A_910 = arith.constant 80 : index
    %swap3A_911 = tpu.vector_load %arg6[%swap3A_909, %swap3A_910] {strides = array<i32>} : memref<4x128xi32, #tpu.memory_space<vmem>>, vector<16xi32>,
    tpu.vector_store %arg6[%swap3A_909, %swap3A_910], %select_n3A_907 {strides = array<i32>} : memref<4x128xi32, #tpu.memory_space<vmem>>, vector<16xi32>,
    %get3A_912 = arith.constant 224 : index
    %get3A_913 = tpu.vector_load %arg5[%get3A_912] {strides = array<i32>} : memref<25600xi32, #tpu.memory_space<vmem>>, vector<16xi32>,
    %ge3A_914 = arith.constant 1000000 : i32
    %ge3A_915 = vector.broadcast %ge3A_914 : i32 to vector<16xi32>
    %ge3A_916 = arith.cmpi sge, %get3A_913, %ge3A_915 : vector<16xi32>
    %select_n3A_917 = arith.select %ge3A_916, %broadcast_in_dim3A_1, %get3A_913 : vector<16xi1>, vector<16xi32>
    %swap3A_918 = arith.constant 1 : i32
    %swap3A_919 = arith.index_cast %swap3A_918 : i32 to index
    %swap3A_920 = arith.constant 96 : index
    %swap3A_921 = tpu.vector_load %arg6[%swap3A_919, %swap3A_920] {strides = array<i32>} : memref<4x128xi32, #tpu.memory_space<vmem>>, vector<16xi32>,
    tpu.vector_store %arg6[%swap3A_919, %swap3A_920], %select_n3A_917 {strides = array<i32>} : memref<4x128xi32, #tpu.memory_space<vmem>>, vector<16xi32>,
    %get3A_922 = arith.constant 240 : index
    %get3A_923 = tpu.vector_load %arg5[%get3A_922] {strides = array<i32>} : memref<25600xi32, #tpu.memory_space<vmem>>, vector<16xi32>,
    %ge3A_924 = arith.constant 1000000 : i32
    %ge3A_925 = vector.broadcast %ge3A_924 : i32 to vector<16xi32>
    %ge3A_926 = arith.cmpi sge, %get3A_923, %ge3A_925 : vector<16xi32>
    %select_n3A_927 = arith.select %ge3A_926, %broadcast_in_dim3A_1, %get3A_923 : vector<16xi1>, vector<16xi32>
    %swap3A_928 = arith.constant 1 : i32
    %swap3A_929 = arith.index_cast %swap3A_928 : i32 to index
    %swap3A_930 = arith.constant 112 : index
    %swap3A_931 = tpu.vector_load %arg6[%swap3A_929, %swap3A_930] {strides = array<i32>} : memref<4x128xi32, #tpu.memory_space<vmem>>, vector<16xi32>,
    tpu.vector_store %arg6[%swap3A_929, %swap3A_930], %select_n3A_927 {strides = array<i32>} : memref<4x128xi32, #tpu.memory_space<vmem>>, vector<16xi32>,
    %get3A_932 = arith.constant 256 : index
    %get3A_933 = tpu.vector_load %arg5[%get3A_932] {strides = array<i32>} : memref<25600xi32, #tpu.memory_space<vmem>>, vector<16xi32>,
    %ge3A_934 = arith.constant 1000000 : i32
    %ge3A_935 = vector.broadcast %ge3A_934 : i32 to vector<16xi32>
    %ge3A_936 = arith.cmpi sge, %get3A_933, %ge3A_935 : vector<16xi32>
    %select_n3A_937 = arith.select %ge3A_936, %broadcast_in_dim3A_1, %get3A_933 : vector<16xi1>, vector<16xi32>
    %swap3A_938 = arith.constant 2 : i32
    %swap3A_939 = arith.index_cast %swap3A_938 : i32 to index
    %swap3A_940 = arith.constant 0 : index
    %swap3A_941 = tpu.vector_load %arg6[%swap3A_939, %swap3A_940] {strides = array<i32>} : memref<4x128xi32, #tpu.memory_space<vmem>>, vector<16xi32>,
    tpu.vector_store %arg6[%swap3A_939, %swap3A_940], %select_n3A_937 {strides = array<i32>} : memref<4x128xi32, #tpu.memory_space<vmem>>, vector<16xi32>,
    %get3A_942 = arith.constant 272 : index
    %get3A_943 = tpu.vector_load %arg5[%get3A_942] {strides = array<i32>} : memref<25600xi32, #tpu.memory_space<vmem>>, vector<16xi32>,
    %ge3A_944 = arith.constant 1000000 : i32
    %ge3A_945 = vector.broadcast %ge3A_944 : i32 to vector<16xi32>
    %ge3A_946 = arith.cmpi sge, %get3A_943, %ge3A_945 : vector<16xi32>
    %select_n3A_947 = arith.select %ge3A_946, %broadcast_in_dim3A_1, %get3A_943 : vector<16xi1>, vector<16xi32>
    %swap3A_948 = arith.constant 2 : i32
    %swap3A_949 = arith.index_cast %swap3A_948 : i32 to index
    %swap3A_950 = arith.constant 16 : index
    %swap3A_951 = tpu.vector_load %arg6[%swap3A_949, %swap3A_950] {strides = array<i32>} : memref<4x128xi32, #tpu.memory_space<vmem>>, vector<16xi32>,
    tpu.vector_store %arg6[%swap3A_949, %swap3A_950], %select_n3A_947 {strides = array<i32>} : memref<4x128xi32, #tpu.memory_space<vmem>>, vector<16xi32>,
    %get3A_952 = arith.constant 288 : index
    %get3A_953 = tpu.vector_load %arg5[%get3A_952] {strides = array<i32>} : memref<25600xi32, #tpu.memory_space<vmem>>, vector<16xi32>,
    %ge3A_954 = arith.constant 1000000 : i32
    %ge3A_955 = vector.broadcast %ge3A_954 : i32 to vector<16xi32>
    %ge3A_956 = arith.cmpi sge, %get3A_953, %ge3A_955 : vector<16xi32>
    %select_n3A_957 = arith.select %ge3A_956, %broadcast_in_dim3A_1, %get3A_953 : vector<16xi1>, vector<16xi32>
    %swap3A_958 = arith.constant 2 : i32
    %swap3A_959 = arith.index_cast %swap3A_958 : i32 to index
    %swap3A_960 = arith.constant 32 : index
    %swap3A_961 = tpu.vector_load %arg6[%swap3A_959, %swap3A_960] {strides = array<i32>} : memref<4x128xi32, #tpu.memory_space<vmem>>, vector<16xi32>,
    tpu.vector_store %arg6[%swap3A_959, %swap3A_960], %select_n3A_957 {strides = array<i32>} : memref<4x128xi32, #tpu.memory_space<vmem>>, vector<16xi32>,
    %get3A_962 = arith.constant 304 : index
    %get3A_963 = tpu.vector_load %arg5[%get3A_962] {strides = array<i32>} : memref<25600xi32, #tpu.memory_space<vmem>>, vector<16xi32>,
    %ge3A_964 = arith.constant 1000000 : i32
    %ge3A_965 = vector.broadcast %ge3A_964 : i32 to vector<16xi32>
    %ge3A_966 = arith.cmpi sge, %get3A_963, %ge3A_965 : vector<16xi32>
    %select_n3A_967 = arith.select %ge3A_966, %broadcast_in_dim3A_1, %get3A_963 : vector<16xi1>, vector<16xi32>
    %swap3A_968 = arith.constant 2 : i32
    %swap3A_969 = arith.index_cast %swap3A_968 : i32 to index
    %swap3A_970 = arith.constant 48 : index
    %swap3A_971 = tpu.vector_load %arg6[%swap3A_969, %swap3A_970] {strides = array<i32>} : memref<4x128xi32, #tpu.memory_space<vmem>>, vector<16xi32>,
    tpu.vector_store %arg6[%swap3A_969, %swap3A_970], %select_n3A_967 {strides = array<i32>} : memref<4x128xi32, #tpu.memory_space<vmem>>, vector<16xi32>,
    %get3A_972 = arith.constant 320 : index
    %get3A_973 = tpu.vector_load %arg5[%get3A_972] {strides = array<i32>} : memref<25600xi32, #tpu.memory_space<vmem>>, vector<16xi32>,
    %ge3A_974 = arith.constant 1000000 : i32
    %ge3A_975 = vector.broadcast %ge3A_974 : i32 to vector<16xi32>
    %ge3A_976 = arith.cmpi sge, %get3A_973, %ge3A_975 : vector<16xi32>
    %select_n3A_977 = arith.select %ge3A_976, %broadcast_in_dim3A_1, %get3A_973 : vector<16xi1>, vector<16xi32>
    %swap3A_978 = arith.constant 2 : i32
    %swap3A_979 = arith.index_cast %swap3A_978 : i32 to index
    %swap3A_980 = arith.constant 64 : index
    %swap3A_981 = tpu.vector_load %arg6[%swap3A_979, %swap3A_980] {strides = array<i32>} : memref<4x128xi32, #tpu.memory_space<vmem>>, vector<16xi32>,
    tpu.vector_store %arg6[%swap3A_979, %swap3A_980], %select_n3A_977 {strides = array<i32>} : memref<4x128xi32, #tpu.memory_space<vmem>>, vector<16xi32>,
    %get3A_982 = arith.constant 336 : index
    %get3A_983 = tpu.vector_load %arg5[%get3A_982] {strides = array<i32>} : memref<25600xi32, #tpu.memory_space<vmem>>, vector<16xi32>,
    %ge3A_984 = arith.constant 1000000 : i32
    %ge3A_985 = vector.broadcast %ge3A_984 : i32 to vector<16xi32>
    %ge3A_986 = arith.cmpi sge, %get3A_983, %ge3A_985 : vector<16xi32>
    %select_n3A_987 = arith.select %ge3A_986, %broadcast_in_dim3A_1, %get3A_983 : vector<16xi1>, vector<16xi32>
    %swap3A_988 = arith.constant 2 : i32
    %swap3A_989 = arith.index_cast %swap3A_988 : i32 to index
    %swap3A_990 = arith.constant 80 : index
    %swap3A_991 = tpu.vector_load %arg6[%swap3A_989, %swap3A_990] {strides = array<i32>} : memref<4x128xi32, #tpu.memory_space<vmem>>, vector<16xi32>,
    tpu.vector_store %arg6[%swap3A_989, %swap3A_990], %select_n3A_987 {strides = array<i32>} : memref<4x128xi32, #tpu.memory_space<vmem>>, vector<16xi32>,
    %get3A_992 = arith.constant 352 : index
    %get3A_993 = tpu.vector_load %arg5[%get3A_992] {strides = array<i32>} : memref<25600xi32, #tpu.memory_space<vmem>>, vector<16xi32>,
    %ge3A_994 = arith.constant 1000000 : i32
    %ge3A_995 = vector.broadcast %ge3A_994 : i32 to vector<16xi32>
    %ge3A_996 = arith.cmpi sge, %get3A_993, %ge3A_995 : vector<16xi32>
    %select_n3A_997 = arith.select %ge3A_996, %broadcast_in_dim3A_1, %get3A_993 : vector<16xi1>, vector<16xi32>
    %swap3A_998 = arith.constant 2 : i32
    %swap3A_999 = arith.index_cast %swap3A_998 : i32 to index
    %swap3A_1000 = arith.constant 96 : index
    %swap3A_1001 = tpu.vector_load %arg6[%swap3A_999, %swap3A_1000] {strides = array<i32>} : memref<4x128xi32, #tpu.memory_space<vmem>>, vector<16xi32>,
    tpu.vector_store %arg6[%swap3A_999, %swap3A_1000], %select_n3A_997 {strides = array<i32>} : memref<4x128xi32, #tpu.memory_space<vmem>>, vector<16xi32>,
    %get3A_1002 = arith.constant 368 : index
    %get3A_1003 = tpu.vector_load %arg5[%get3A_1002] {strides = array<i32>} : memref<25600xi32, #tpu.memory_space<vmem>>, vector<16xi32>,
    %ge3A_1004 = arith.constant 1000000 : i32
    %ge3A_1005 = vector.broadcast %ge3A_1004 : i32 to vector<16xi32>
    %ge3A_1006 = arith.cmpi sge, %get3A_1003, %ge3A_1005 : vector<16xi32>
    %select_n3A_1007 = arith.select %ge3A_1006, %broadcast_in_dim3A_1, %get3A_1003 : vector<16xi1>, vector<16xi32>
    %swap3A_1008 = arith.constant 2 : i32
    %swap3A_1009 = arith.index_cast %swap3A_1008 : i32 to index
    %swap3A_1010 = arith.constant 112 : index
    %swap3A_1011 = tpu.vector_load %arg6[%swap3A_1009, %swap3A_1010] {strides = array<i32>} : memref<4x128xi32, #tpu.memory_space<vmem>>, vector<16xi32>,
    tpu.vector_store %arg6[%swap3A_1009, %swap3A_1010], %select_n3A_1007 {strides = array<i32>} : memref<4x128xi32, #tpu.memory_space<vmem>>, vector<16xi32>,
    %get3A_1012 = arith.constant 384 : index
    %get3A_1013 = tpu.vector_load %arg5[%get3A_1012] {strides = array<i32>} : memref<25600xi32, #tpu.memory_space<vmem>>, vector<16xi32>,
    %ge3A_1014 = arith.constant 1000000 : i32
    %ge3A_1015 = vector.broadcast %ge3A_1014 : i32 to vector<16xi32>
    %ge3A_1016 = arith.cmpi sge, %get3A_1013, %ge3A_1015 : vector<16xi32>
    %select_n3A_1017 = arith.select %ge3A_1016, %broadcast_in_dim3A_1, %get3A_1013 : vector<16xi1>, vector<16xi32>
    %swap3A_1018 = arith.constant 3 : i32
    %swap3A_1019 = arith.index_cast %swap3A_1018 : i32 to index
    %swap3A_1020 = arith.constant 0 : index
    %swap3A_1021 = tpu.vector_load %arg6[%swap3A_1019, %swap3A_1020] {strides = array<i32>} : memref<4x128xi32, #tpu.memory_space<vmem>>, vector<16xi32>,
    tpu.vector_store %arg6[%swap3A_1019, %swap3A_1020], %select_n3A_1017 {strides = array<i32>} : memref<4x128xi32, #tpu.memory_space<vmem>>, vector<16xi32>,
    %get3A_1022 = arith.constant 400 : index
    %get3A_1023 = tpu.vector_load %arg5[%get3A_1022] {strides = array<i32>} : memref<25600xi32, #tpu.memory_space<vmem>>, vector<16xi32>,
    %ge3A_1024 = arith.constant 1000000 : i32
    %ge3A_1025 = vector.broadcast %ge3A_1024 : i32 to vector<16xi32>
    %ge3A_1026 = arith.cmpi sge, %get3A_1023, %ge3A_1025 : vector<16xi32>
    %select_n3A_1027 = arith.select %ge3A_1026, %broadcast_in_dim3A_1, %get3A_1023 : vector<16xi1>, vector<16xi32>
    %swap3A_1028 = arith.constant 3 : i32
    %swap3A_1029 = arith.index_cast %swap3A_1028 : i32 to index
    %swap3A_1030 = arith.constant 16 : index
    %swap3A_1031 = tpu.vector_load %arg6[%swap3A_1029, %swap3A_1030] {strides = array<i32>} : memref<4x128xi32, #tpu.memory_space<vmem>>, vector<16xi32>,
    tpu.vector_store %arg6[%swap3A_1029, %swap3A_1030], %select_n3A_1027 {strides = array<i32>} : memref<4x128xi32, #tpu.memory_space<vmem>>, vector<16xi32>,
    %get3A_1032 = arith.constant 416 : index
    %get3A_1033 = tpu.vector_load %arg5[%get3A_1032] {strides = array<i32>} : memref<25600xi32, #tpu.memory_space<vmem>>, vector<16xi32>,
    %ge3A_1034 = arith.constant 1000000 : i32
    %ge3A_1035 = vector.broadcast %ge3A_1034 : i32 to vector<16xi32>
    %ge3A_1036 = arith.cmpi sge, %get3A_1033, %ge3A_1035 : vector<16xi32>
    %select_n3A_1037 = arith.select %ge3A_1036, %broadcast_in_dim3A_1, %get3A_1033 : vector<16xi1>, vector<16xi32>
    %swap3A_1038 = arith.constant 3 : i32
    %swap3A_1039 = arith.index_cast %swap3A_1038 : i32 to index
    %swap3A_1040 = arith.constant 32 : index
    %swap3A_1041 = tpu.vector_load %arg6[%swap3A_1039, %swap3A_1040] {strides = array<i32>} : memref<4x128xi32, #tpu.memory_space<vmem>>, vector<16xi32>,
    tpu.vector_store %arg6[%swap3A_1039, %swap3A_1040], %select_n3A_1037 {strides = array<i32>} : memref<4x128xi32, #tpu.memory_space<vmem>>, vector<16xi32>,
    %get3A_1042 = arith.constant 432 : index
    %get3A_1043 = tpu.vector_load %arg5[%get3A_1042] {strides = array<i32>} : memref<25600xi32, #tpu.memory_space<vmem>>, vector<16xi32>,
    %ge3A_1044 = arith.constant 1000000 : i32
    %ge3A_1045 = vector.broadcast %ge3A_1044 : i32 to vector<16xi32>
    %ge3A_1046 = arith.cmpi sge, %get3A_1043, %ge3A_1045 : vector<16xi32>
    %select_n3A_1047 = arith.select %ge3A_1046, %broadcast_in_dim3A_1, %get3A_1043 : vector<16xi1>, vector<16xi32>
    %swap3A_1048 = arith.constant 3 : i32
    %swap3A_1049 = arith.index_cast %swap3A_1048 : i32 to index
    %swap3A_1050 = arith.constant 48 : index
    %swap3A_1051 = tpu.vector_load %arg6[%swap3A_1049, %swap3A_1050] {strides = array<i32>} : memref<4x128xi32, #tpu.memory_space<vmem>>, vector<16xi32>,
    tpu.vector_store %arg6[%swap3A_1049, %swap3A_1050], %select_n3A_1047 {strides = array<i32>} : memref<4x128xi32, #tpu.memory_space<vmem>>, vector<16xi32>,
    %get3A_1052 = arith.constant 448 : index
    %get3A_1053 = tpu.vector_load %arg5[%get3A_1052] {strides = array<i32>} : memref<25600xi32, #tpu.memory_space<vmem>>, vector<16xi32>,
    %ge3A_1054 = arith.constant 1000000 : i32
    %ge3A_1055 = vector.broadcast %ge3A_1054 : i32 to vector<16xi32>
    %ge3A_1056 = arith.cmpi sge, %get3A_1053, %ge3A_1055 : vector<16xi32>
    %select_n3A_1057 = arith.select %ge3A_1056, %broadcast_in_dim3A_1, %get3A_1053 : vector<16xi1>, vector<16xi32>
    %swap3A_1058 = arith.constant 3 : i32
    %swap3A_1059 = arith.index_cast %swap3A_1058 : i32 to index
    %swap3A_1060 = arith.constant 64 : index
    %swap3A_1061 = tpu.vector_load %arg6[%swap3A_1059, %swap3A_1060] {strides = array<i32>} : memref<4x128xi32, #tpu.memory_space<vmem>>, vector<16xi32>,
    tpu.vector_store %arg6[%swap3A_1059, %swap3A_1060], %select_n3A_1057 {strides = array<i32>} : memref<4x128xi32, #tpu.memory_space<vmem>>, vector<16xi32>,
    %get3A_1062 = arith.constant 464 : index
    %get3A_1063 = tpu.vector_load %arg5[%get3A_1062] {strides = array<i32>} : memref<25600xi32, #tpu.memory_space<vmem>>, vector<16xi32>,
    %ge3A_1064 = arith.constant 1000000 : i32
    %ge3A_1065 = vector.broadcast %ge3A_1064 : i32 to vector<16xi32>
    %ge3A_1066 = arith.cmpi sge, %get3A_1063, %ge3A_1065 : vector<16xi32>
    %select_n3A_1067 = arith.select %ge3A_1066, %broadcast_in_dim3A_1, %get3A_1063 : vector<16xi1>, vector<16xi32>
    %swap3A_1068 = arith.constant 3 : i32
    %swap3A_1069 = arith.index_cast %swap3A_1068 : i32 to index
    %swap3A_1070 = arith.constant 80 : index
    %swap3A_1071 = tpu.vector_load %arg6[%swap3A_1069, %swap3A_1070] {strides = array<i32>} : memref<4x128xi32, #tpu.memory_space<vmem>>, vector<16xi32>,
    tpu.vector_store %arg6[%swap3A_1069, %swap3A_1070], %select_n3A_1067 {strides = array<i32>} : memref<4x128xi32, #tpu.memory_space<vmem>>, vector<16xi32>,
    %get3A_1072 = arith.constant 480 : index
    %get3A_1073 = tpu.vector_load %arg5[%get3A_1072] {strides = array<i32>} : memref<25600xi32, #tpu.memory_space<vmem>>, vector<16xi32>,
    %ge3A_1074 = arith.constant 1000000 : i32
    %ge3A_1075 = vector.broadcast %ge3A_1074 : i32 to vector<16xi32>
    %ge3A_1076 = arith.cmpi sge, %get3A_1073, %ge3A_1075 : vector<16xi32>
    %select_n3A_1077 = arith.select %ge3A_1076, %broadcast_in_dim3A_1, %get3A_1073 : vector<16xi1>, vector<16xi32>
    %swap3A_1078 = arith.constant 3 : i32
    %swap3A_1079 = arith.index_cast %swap3A_1078 : i32 to index
    %swap3A_1080 = arith.constant 96 : index
    %swap3A_1081 = tpu.vector_load %arg6[%swap3A_1079, %swap3A_1080] {strides = array<i32>} : memref<4x128xi32, #tpu.memory_space<vmem>>, vector<16xi32>,
    tpu.vector_store %arg6[%swap3A_1079, %swap3A_1080], %select_n3A_1077 {strides = array<i32>} : memref<4x128xi32, #tpu.memory_space<vmem>>, vector<16xi32>,
    %get3A_1082 = arith.constant 496 : index
    %get3A_1083 = tpu.vector_load %arg5[%get3A_1082] {strides = array<i32>} : memref<25600xi32, #tpu.memory_space<vmem>>, vector<16xi32>,
    %ge3A_1084 = arith.constant 1000000 : i32
    %ge3A_1085 = vector.broadcast %ge3A_1084 : i32 to vector<16xi32>
    %ge3A_1086 = arith.cmpi sge, %get3A_1083, %ge3A_1085 : vector<16xi32>
    %select_n3A_1087 = arith.select %ge3A_1086, %broadcast_in_dim3A_1, %get3A_1083 : vector<16xi1>, vector<16xi32>
    %swap3A_1088 = arith.constant 3 : i32
    %swap3A_1089 = arith.index_cast %swap3A_1088 : i32 to index
    %swap3A_1090 = arith.constant 112 : index
    %swap3A_1091 = tpu.vector_load %arg6[%swap3A_1089, %swap3A_1090] {strides = array<i32>} : memref<4x128xi32, #tpu.memory_space<vmem>>, vector<16xi32>,
    tpu.vector_store %arg6[%swap3A_1089, %swap3A_1090], %select_n3A_1087 {strides = array<i32>} : memref<4x128xi32, #tpu.memory_space<vmem>>, vector<16xi32>,
    %dma_start3A_1092 = arith.constant 0 : i32
    %dma_start3A_1093 = arith.constant 0 : i32
    %dma_start3A_1094 = arith.constant 0 : i32
    %dma_start3A_1095 = tpu.memref_slice %arg8[%dma_start3A_1093, %dma_start3A_1094] : memref<512x32xf32, #tpu.memory_space<vmem>> -> memref<128x32xf32, #tpu.memory_space<vmem>>
    %dma_start3A_1096 = arith.constant 0 : i32
    %dma_start3A_1097 = tpu.memref_slice %arg6[%dma_start3A_1092, %dma_start3A_1096] : memref<4x128xi32, #tpu.memory_space<vmem>> -> memref<1x128xi32, #tpu.memory_space<vmem>>
    %dma_start3A_1098 = tpu.memref_squeeze %dma_start3A_1097 : memref<1x128xi32, #tpu.memory_space<vmem>> -> memref<128xi32, #tpu.memory_space<vmem>>
    %dma_start3A_1099 = arith.constant 0 : i32
    %dma_start3A_1100 = arith.constant 0 : i32
    %dma_start3A_1101 = tpu.memref_slice %arg3[%dma_start3A_1099, %dma_start3A_1100] : memref<1000000x32xf32, #tpu.memory_space<hbm>> -> memref<1000000x32xf32, #tpu.memory_space<hbm>>
    tpu.enqueue_indirect_dma source(%dma_start3A_1101 : memref<1000000x32xf32, #tpu.memory_space<hbm>>) target(%dma_start3A_1095 : memref<128x32xf32, #tpu.memory_space<vmem>>) offsets(%dma_start3A_1098 : memref<128xi32, #tpu.memory_space<vmem>>) semaphore(%arg15 : memref<!tpu.dma_semaphore, #tpu.memory_space<semaphore_mem>>)
    %dma_start3A_1102 = arith.constant 1 : i32
    %dma_start3A_1103 = arith.constant 128 : i32
    %dma_start3A_1104 = arith.constant 0 : i32
    %dma_start3A_1105 = tpu.memref_slice %arg8[%dma_start3A_1103, %dma_start3A_1104] : memref<512x32xf32, #tpu.memory_space<vmem>> -> memref<128x32xf32, #tpu.memory_space<vmem>>
    %dma_start3A_1106 = arith.constant 0 : i32
    %dma_start3A_1107 = tpu.memref_slice %arg6[%dma_start3A_1102, %dma_start3A_1106] : memref<4x128xi32, #tpu.memory_space<vmem>> -> memref<1x128xi32, #tpu.memory_space<vmem>>
    %dma_start3A_1108 = tpu.memref_squeeze %dma_start3A_1107 : memref<1x128xi32, #tpu.memory_space<vmem>> -> memref<128xi32, #tpu.memory_space<vmem>>
    %dma_start3A_1109 = arith.constant 0 : i32
    %dma_start3A_1110 = arith.constant 0 : i32
    %dma_start3A_1111 = tpu.memref_slice %arg3[%dma_start3A_1109, %dma_start3A_1110] : memref<1000000x32xf32, #tpu.memory_space<hbm>> -> memref<1000000x32xf32, #tpu.memory_space<hbm>>
    tpu.enqueue_indirect_dma source(%dma_start3A_1111 : memref<1000000x32xf32, #tpu.memory_space<hbm>>) target(%dma_start3A_1105 : memref<128x32xf32, #tpu.memory_space<vmem>>) offsets(%dma_start3A_1108 : memref<128xi32, #tpu.memory_space<vmem>>) semaphore(%arg15 : memref<!tpu.dma_semaphore, #tpu.memory_space<semaphore_mem>>)
    %dma_start3A_1112 = arith.constant 2 : i32
    %dma_start3A_1113 = arith.constant 256 : i32
    %dma_start3A_1114 = arith.constant 0 : i32
    %dma_start3A_1115 = tpu.memref_slice %arg8[%dma_start3A_1113, %dma_start3A_1114] : memref<512x32xf32, #tpu.memory_space<vmem>> -> memref<128x32xf32, #tpu.memory_space<vmem>>
    %dma_start3A_1116 = arith.constant 0 : i32
    %dma_start3A_1117 = tpu.memref_slice %arg6[%dma_start3A_1112, %dma_start3A_1116] : memref<4x128xi32, #tpu.memory_space<vmem>> -> memref<1x128xi32, #tpu.memory_space<vmem>>
    %dma_start3A_1118 = tpu.memref_squeeze %dma_start3A_1117 : memref<1x128xi32, #tpu.memory_space<vmem>> -> memref<128xi32, #tpu.memory_space<vmem>>
    %dma_start3A_1119 = arith.constant 0 : i32
    %dma_start3A_1120 = arith.constant 0 : i32
    %dma_start3A_1121 = tpu.memref_slice %arg3[%dma_start3A_1119, %dma_start3A_1120] : memref<1000000x32xf32, #tpu.memory_space<hbm>> -> memref<1000000x32xf32, #tpu.memory_space<hbm>>
    tpu.enqueue_indirect_dma source(%dma_start3A_1121 : memref<1000000x32xf32, #tpu.memory_space<hbm>>) target(%dma_start3A_1115 : memref<128x32xf32, #tpu.memory_space<vmem>>) offsets(%dma_start3A_1118 : memref<128xi32, #tpu.memory_space<vmem>>) semaphore(%arg15 : memref<!tpu.dma_semaphore, #tpu.memory_space<semaphore_mem>>)
    %dma_start3A_1122 = arith.constant 3 : i32
    %dma_start3A_1123 = arith.constant 384 : i32
    %dma_start3A_1124 = arith.constant 0 : i32
    %dma_start3A_1125 = tpu.memref_slice %arg8[%dma_start3A_1123, %dma_start3A_1124] : memref<512x32xf32, #tpu.memory_space<vmem>> -> memref<128x32xf32, #tpu.memory_space<vmem>>
    %dma_start3A_1126 = arith.constant 0 : i32
    %dma_start3A_1127 = tpu.memref_slice %arg6[%dma_start3A_1122, %dma_start3A_1126] : memref<4x128xi32, #tpu.memory_space<vmem>> -> memref<1x128xi32, #tpu.memory_space<vmem>>
    %dma_start3A_1128 = tpu.memref_squeeze %dma_start3A_1127 : memref<1x128xi32, #tpu.memory_space<vmem>> -> memref<128xi32, #tpu.memory_space<vmem>>
    %dma_start3A_1129 = arith.constant 0 : i32
    %dma_start3A_1130 = arith.constant 0 : i32
    %dma_start3A_1131 = tpu.memref_slice %arg3[%dma_start3A_1129, %dma_start3A_1130] : memref<1000000x32xf32, #tpu.memory_space<hbm>> -> memref<1000000x32xf32, #tpu.memory_space<hbm>>
    tpu.enqueue_indirect_dma source(%dma_start3A_1131 : memref<1000000x32xf32, #tpu.memory_space<hbm>>) target(%dma_start3A_1125 : memref<128x32xf32, #tpu.memory_space<vmem>>) offsets(%dma_start3A_1128 : memref<128xi32, #tpu.memory_space<vmem>>) semaphore(%arg15 : memref<!tpu.dma_semaphore, #tpu.memory_space<semaphore_mem>>)
    %scan3A = arith.constant 0 : i32
    %scan3A_1132 = arith.constant 0 : i32
    %scan3A_1133 = arith.constant 25 : i32
    %scan3A_1134 = arith.addi %scan3A_1132, %scan3A_1133 : i32
    %scan3A_1135 = arith.constant 1 : i32
    scf.for %scan3A_1225 = %scan3A_1132 to %scan3A_1134 step %scan3A_1135  : i32 {
      %mul3A_1226 = arith.constant 2 : i32
      %mul3A_1227 = arith.muli %mul3A_1226, %scan3A_1225 : i32
      %add3A_1228 = arith.constant 1 : i32
      %add3A_1229 = arith.addi %mul3A_1227, %add3A_1228 : i32
      %mul3A_1230 = arith.constant 512 : i32
      %mul3A_1231 = arith.muli %add3A_1229, %mul3A_1230 : i32
      %add3A_1232 = arith.constant 0 : i32
      %add3A_1233 = arith.addi %mul3A_1231, %add3A_1232 : i32
      %get3A_1234 = arith.index_cast %add3A_1233 : i32 to index
      %get3A_1235 = tpu.vector_load %arg5[%get3A_1234] {strides = array<i32>} : memref<25600xi32, #tpu.memory_space<vmem>>, vector<16xi32>,
      %ge3A_1236 = arith.constant 1000000 : i32
      %ge3A_1237 = vector.broadcast %ge3A_1236 : i32 to vector<16xi32>
      %ge3A_1238 = arith.cmpi sge, %get3A_1235, %ge3A_1237 : vector<16xi32>
      %select_n3A_1239 = arith.select %ge3A_1238, %broadcast_in_dim3A_1, %get3A_1235 : vector<16xi1>, vector<16xi32>
      %swap3A_1240 = arith.constant 0 : i32
      %swap3A_1241 = arith.index_cast %swap3A_1240 : i32 to index
      %swap3A_1242 = arith.constant 0 : index
      %swap3A_1243 = tpu.vector_load %arg7[%swap3A_1241, %swap3A_1242] {strides = array<i32>} : memref<4x128xi32, #tpu.memory_space<vmem>>, vector<16xi32>,
      tpu.vector_store %arg7[%swap3A_1241, %swap3A_1242], %select_n3A_1239 {strides = array<i32>} : memref<4x128xi32, #tpu.memory_space<vmem>>, vector<16xi32>,
      %add3A_1244 = arith.constant 16 : i32
      %add3A_1245 = arith.addi %mul3A_1231, %add3A_1244 : i32
      %get3A_1246 = arith.index_cast %add3A_1245 : i32 to index
      %get3A_1247 = tpu.vector_load %arg5[%get3A_1246] {strides = array<i32>} : memref<25600xi32, #tpu.memory_space<vmem>>, vector<16xi32>,
      %ge3A_1248 = arith.constant 1000000 : i32
      %ge3A_1249 = vector.broadcast %ge3A_1248 : i32 to vector<16xi32>
      %ge3A_1250 = arith.cmpi sge, %get3A_1247, %ge3A_1249 : vector<16xi32>
      %select_n3A_1251 = arith.select %ge3A_1250, %broadcast_in_dim3A_1, %get3A_1247 : vector<16xi1>, vector<16xi32>
      %swap3A_1252 = arith.constant 0 : i32
      %swap3A_1253 = arith.index_cast %swap3A_1252 : i32 to index
      %swap3A_1254 = arith.constant 16 : index
      %swap3A_1255 = tpu.vector_load %arg7[%swap3A_1253, %swap3A_1254] {strides = array<i32>} : memref<4x128xi32, #tpu.memory_space<vmem>>, vector<16xi32>,
      tpu.vector_store %arg7[%swap3A_1253, %swap3A_1254], %select_n3A_1251 {strides = array<i32>} : memref<4x128xi32, #tpu.memory_space<vmem>>, vector<16xi32>,
      %add3A_1256 = arith.constant 32 : i32
      %add3A_1257 = arith.addi %mul3A_1231, %add3A_1256 : i32
      %get3A_1258 = arith.index_cast %add3A_1257 : i32 to index
      %get3A_1259 = tpu.vector_load %arg5[%get3A_1258] {strides = array<i32>} : memref<25600xi32, #tpu.memory_space<vmem>>, vector<16xi32>,
      %ge3A_1260 = arith.constant 1000000 : i32
      %ge3A_1261 = vector.broadcast %ge3A_1260 : i32 to vector<16xi32>
      %ge3A_1262 = arith.cmpi sge, %get3A_1259, %ge3A_1261 : vector<16xi32>
      %select_n3A_1263 = arith.select %ge3A_1262, %broadcast_in_dim3A_1, %get3A_1259 : vector<16xi1>, vector<16xi32>
      %swap3A_1264 = arith.constant 0 : i32
      %swap3A_1265 = arith.index_cast %swap3A_1264 : i32 to index
      %swap3A_1266 = arith.constant 32 : index
      %swap3A_1267 = tpu.vector_load %arg7[%swap3A_1265, %swap3A_1266] {strides = array<i32>} : memref<4x128xi32, #tpu.memory_space<vmem>>, vector<16xi32>,
      tpu.vector_store %arg7[%swap3A_1265, %swap3A_1266], %select_n3A_1263 {strides = array<i32>} : memref<4x128xi32, #tpu.memory_space<vmem>>, vector<16xi32>,
      %add3A_1268 = arith.constant 48 : i32
      %add3A_1269 = arith.addi %mul3A_1231, %add3A_1268 : i32
      %get3A_1270 = arith.index_cast %add3A_1269 : i32 to index
      %get3A_1271 = tpu.vector_load %arg5[%get3A_1270] {strides = array<i32>} : memref<25600xi32, #tpu.memory_space<vmem>>, vector<16xi32>,
      %ge3A_1272 = arith.constant 1000000 : i32
      %ge3A_1273 = vector.broadcast %ge3A_1272 : i32 to vector<16xi32>
      %ge3A_1274 = arith.cmpi sge, %get3A_1271, %ge3A_1273 : vector<16xi32>
      %select_n3A_1275 = arith.select %ge3A_1274, %broadcast_in_dim3A_1, %get3A_1271 : vector<16xi1>, vector<16xi32>
      %swap3A_1276 = arith.constant 0 : i32
      %swap3A_1277 = arith.index_cast %swap3A_1276 : i32 to index
      %swap3A_1278 = arith.constant 48 : index
      %swap3A_1279 = tpu.vector_load %arg7[%swap3A_1277, %swap3A_1278] {strides = array<i32>} : memref<4x128xi32, #tpu.memory_space<vmem>>, vector<16xi32>,
      tpu.vector_store %arg7[%swap3A_1277, %swap3A_1278], %select_n3A_1275 {strides = array<i32>} : memref<4x128xi32, #tpu.memory_space<vmem>>, vector<16xi32>,
      %add3A_1280 = arith.constant 64 : i32
      %add3A_1281 = arith.addi %mul3A_1231, %add3A_1280 : i32
      %get3A_1282 = arith.index_cast %add3A_1281 : i32 to index
      %get3A_1283 = tpu.vector_load %arg5[%get3A_1282] {strides = array<i32>} : memref<25600xi32, #tpu.memory_space<vmem>>, vector<16xi32>,
      %ge3A_1284 = arith.constant 1000000 : i32
      %ge3A_1285 = vector.broadcast %ge3A_1284 : i32 to vector<16xi32>
      %ge3A_1286 = arith.cmpi sge, %get3A_1283, %ge3A_1285 : vector<16xi32>
      %select_n3A_1287 = arith.select %ge3A_1286, %broadcast_in_dim3A_1, %get3A_1283 : vector<16xi1>, vector<16xi32>
      %swap3A_1288 = arith.constant 0 : i32
      %swap3A_1289 = arith.index_cast %swap3A_1288 : i32 to index
      %swap3A_1290 = arith.constant 64 : index
      %swap3A_1291 = tpu.vector_load %arg7[%swap3A_1289, %swap3A_1290] {strides = array<i32>} : memref<4x128xi32, #tpu.memory_space<vmem>>, vector<16xi32>,
      tpu.vector_store %arg7[%swap3A_1289, %swap3A_1290], %select_n3A_1287 {strides = array<i32>} : memref<4x128xi32, #tpu.memory_space<vmem>>, vector<16xi32>,
      %add3A_1292 = arith.constant 80 : i32
      %add3A_1293 = arith.addi %mul3A_1231, %add3A_1292 : i32
      %get3A_1294 = arith.index_cast %add3A_1293 : i32 to index
      %get3A_1295 = tpu.vector_load %arg5[%get3A_1294] {strides = array<i32>} : memref<25600xi32, #tpu.memory_space<vmem>>, vector<16xi32>,
      %ge3A_1296 = arith.constant 1000000 : i32
      %ge3A_1297 = vector.broadcast %ge3A_1296 : i32 to vector<16xi32>
      %ge3A_1298 = arith.cmpi sge, %get3A_1295, %ge3A_1297 : vector<16xi32>
      %select_n3A_1299 = arith.select %ge3A_1298, %broadcast_in_dim3A_1, %get3A_1295 : vector<16xi1>, vector<16xi32>
      %swap3A_1300 = arith.constant 0 : i32
      %swap3A_1301 = arith.index_cast %swap3A_1300 : i32 to index
      %swap3A_1302 = arith.constant 80 : index
      %swap3A_1303 = tpu.vector_load %arg7[%swap3A_1301, %swap3A_1302] {strides = array<i32>} : memref<4x128xi32, #tpu.memory_space<vmem>>, vector<16xi32>,
      tpu.vector_store %arg7[%swap3A_1301, %swap3A_1302], %select_n3A_1299 {strides = array<i32>} : memref<4x128xi32, #tpu.memory_space<vmem>>, vector<16xi32>,
      %add3A_1304 = arith.constant 96 : i32
      %add3A_1305 = arith.addi %mul3A_1231, %add3A_1304 : i32
      %get3A_1306 = arith.index_cast %add3A_1305 : i32 to index
      %get3A_1307 = tpu.vector_load %arg5[%get3A_1306] {strides = array<i32>} : memref<25600xi32, #tpu.memory_space<vmem>>, vector<16xi32>,
      %ge3A_1308 = arith.constant 1000000 : i32
      %ge3A_1309 = vector.broadcast %ge3A_1308 : i32 to vector<16xi32>
      %ge3A_1310 = arith.cmpi sge, %get3A_1307, %ge3A_1309 : vector<16xi32>
      %select_n3A_1311 = arith.select %ge3A_1310, %broadcast_in_dim3A_1, %get3A_1307 : vector<16xi1>, vector<16xi32>
      %swap3A_1312 = arith.constant 0 : i32
      %swap3A_1313 = arith.index_cast %swap3A_1312 : i32 to index
      %swap3A_1314 = arith.constant 96 : index
      %swap3A_1315 = tpu.vector_load %arg7[%swap3A_1313, %swap3A_1314] {strides = array<i32>} : memref<4x128xi32, #tpu.memory_space<vmem>>, vector<16xi32>,
      tpu.vector_store %arg7[%swap3A_1313, %swap3A_1314], %select_n3A_1311 {strides = array<i32>} : memref<4x128xi32, #tpu.memory_space<vmem>>, vector<16xi32>,
      %add3A_1316 = arith.constant 112 : i32
      %add3A_1317 = arith.addi %mul3A_1231, %add3A_1316 : i32
      %get3A_1318 = arith.index_cast %add3A_1317 : i32 to index
      %get3A_1319 = tpu.vector_load %arg5[%get3A_1318] {strides = array<i32>} : memref<25600xi32, #tpu.memory_space<vmem>>, vector<16xi32>,
      %ge3A_1320 = arith.constant 1000000 : i32
      %ge3A_1321 = vector.broadcast %ge3A_1320 : i32 to vector<16xi32>
      %ge3A_1322 = arith.cmpi sge, %get3A_1319, %ge3A_1321 : vector<16xi32>
      %select_n3A_1323 = arith.select %ge3A_1322, %broadcast_in_dim3A_1, %get3A_1319 : vector<16xi1>, vector<16xi32>
      %swap3A_1324 = arith.constant 0 : i32
      %swap3A_1325 = arith.index_cast %swap3A_1324 : i32 to index
      %swap3A_1326 = arith.constant 112 : index
      %swap3A_1327 = tpu.vector_load %arg7[%swap3A_1325, %swap3A_1326] {strides = array<i32>} : memref<4x128xi32, #tpu.memory_space<vmem>>, vector<16xi32>,
      tpu.vector_store %arg7[%swap3A_1325, %swap3A_1326], %select_n3A_1323 {strides = array<i32>} : memref<4x128xi32, #tpu.memory_space<vmem>>, vector<16xi32>,
      %add3A_1328 = arith.constant 128 : i32
      %add3A_1329 = arith.addi %mul3A_1231, %add3A_1328 : i32
      %get3A_1330 = arith.index_cast %add3A_1329 : i32 to index
      %get3A_1331 = tpu.vector_load %arg5[%get3A_1330] {strides = array<i32>} : memref<25600xi32, #tpu.memory_space<vmem>>, vector<16xi32>,
      %ge3A_1332 = arith.constant 1000000 : i32
      %ge3A_1333 = vector.broadcast %ge3A_1332 : i32 to vector<16xi32>
      %ge3A_1334 = arith.cmpi sge, %get3A_1331, %ge3A_1333 : vector<16xi32>
      %select_n3A_1335 = arith.select %ge3A_1334, %broadcast_in_dim3A_1, %get3A_1331 : vector<16xi1>, vector<16xi32>
      %swap3A_1336 = arith.constant 1 : i32
      %swap3A_1337 = arith.index_cast %swap3A_1336 : i32 to index
      %swap3A_1338 = arith.constant 0 : index
      %swap3A_1339 = tpu.vector_load %arg7[%swap3A_1337, %swap3A_1338] {strides = array<i32>} : memref<4x128xi32, #tpu.memory_space<vmem>>, vector<16xi32>,
      tpu.vector_store %arg7[%swap3A_1337, %swap3A_1338], %select_n3A_1335 {strides = array<i32>} : memref<4x128xi32, #tpu.memory_space<vmem>>, vector<16xi32>,
      %add3A_1340 = arith.constant 144 : i32
      %add3A_1341 = arith.addi %mul3A_1231, %add3A_1340 : i32
      %get3A_1342 = arith.index_cast %add3A_1341 : i32 to index
      %get3A_1343 = tpu.vector_load %arg5[%get3A_1342] {strides = array<i32>} : memref<25600xi32, #tpu.memory_space<vmem>>, vector<16xi32>,
      %ge3A_1344 = arith.constant 1000000 : i32
      %ge3A_1345 = vector.broadcast %ge3A_1344 : i32 to vector<16xi32>
      %ge3A_1346 = arith.cmpi sge, %get3A_1343, %ge3A_1345 : vector<16xi32>
      %select_n3A_1347 = arith.select %ge3A_1346, %broadcast_in_dim3A_1, %get3A_1343 : vector<16xi1>, vector<16xi32>
      %swap3A_1348 = arith.constant 1 : i32
      %swap3A_1349 = arith.index_cast %swap3A_1348 : i32 to index
      %swap3A_1350 = arith.constant 16 : index
      %swap3A_1351 = tpu.vector_load %arg7[%swap3A_1349, %swap3A_1350] {strides = array<i32>} : memref<4x128xi32, #tpu.memory_space<vmem>>, vector<16xi32>,
      tpu.vector_store %arg7[%swap3A_1349, %swap3A_1350], %select_n3A_1347 {strides = array<i32>} : memref<4x128xi32, #tpu.memory_space<vmem>>, vector<16xi32>,
      %add3A_1352 = arith.constant 160 : i32
      %add3A_1353 = arith.addi %mul3A_1231, %add3A_1352 : i32
      %get3A_1354 = arith.index_cast %add3A_1353 : i32 to index
      %get3A_1355 = tpu.vector_load %arg5[%get3A_1354] {strides = array<i32>} : memref<25600xi32, #tpu.memory_space<vmem>>, vector<16xi32>,
      %ge3A_1356 = arith.constant 1000000 : i32
      %ge3A_1357 = vector.broadcast %ge3A_1356 : i32 to vector<16xi32>
      %ge3A_1358 = arith.cmpi sge, %get3A_1355, %ge3A_1357 : vector<16xi32>
      %select_n3A_1359 = arith.select %ge3A_1358, %broadcast_in_dim3A_1, %get3A_1355 : vector<16xi1>, vector<16xi32>
      %swap3A_1360 = arith.constant 1 : i32
      %swap3A_1361 = arith.index_cast %swap3A_1360 : i32 to index
      %swap3A_1362 = arith.constant 32 : index
      %swap3A_1363 = tpu.vector_load %arg7[%swap3A_1361, %swap3A_1362] {strides = array<i32>} : memref<4x128xi32, #tpu.memory_space<vmem>>, vector<16xi32>,
      tpu.vector_store %arg7[%swap3A_1361, %swap3A_1362], %select_n3A_1359 {strides = array<i32>} : memref<4x128xi32, #tpu.memory_space<vmem>>, vector<16xi32>,
      %add3A_1364 = arith.constant 176 : i32
      %add3A_1365 = arith.addi %mul3A_1231, %add3A_1364 : i32
      %get3A_1366 = arith.index_cast %add3A_1365 : i32 to index
      %get3A_1367 = tpu.vector_load %arg5[%get3A_1366] {strides = array<i32>} : memref<25600xi32, #tpu.memory_space<vmem>>, vector<16xi32>,
      %ge3A_1368 = arith.constant 1000000 : i32
      %ge3A_1369 = vector.broadcast %ge3A_1368 : i32 to vector<16xi32>
      %ge3A_1370 = arith.cmpi sge, %get3A_1367, %ge3A_1369 : vector<16xi32>
      %select_n3A_1371 = arith.select %ge3A_1370, %broadcast_in_dim3A_1, %get3A_1367 : vector<16xi1>, vector<16xi32>
      %swap3A_1372 = arith.constant 1 : i32
      %swap3A_1373 = arith.index_cast %swap3A_1372 : i32 to index
      %swap3A_1374 = arith.constant 48 : index
      %swap3A_1375 = tpu.vector_load %arg7[%swap3A_1373, %swap3A_1374] {strides = array<i32>} : memref<4x128xi32, #tpu.memory_space<vmem>>, vector<16xi32>,
      tpu.vector_store %arg7[%swap3A_1373, %swap3A_1374], %select_n3A_1371 {strides = array<i32>} : memref<4x128xi32, #tpu.memory_space<vmem>>, vector<16xi32>,
      %add3A_1376 = arith.constant 192 : i32
      %add3A_1377 = arith.addi %mul3A_1231, %add3A_1376 : i32
      %get3A_1378 = arith.index_cast %add3A_1377 : i32 to index
      %get3A_1379 = tpu.vector_load %arg5[%get3A_1378] {strides = array<i32>} : memref<25600xi32, #tpu.memory_space<vmem>>, vector<16xi32>,
      %ge3A_1380 = arith.constant 1000000 : i32
      %ge3A_1381 = vector.broadcast %ge3A_1380 : i32 to vector<16xi32>
      %ge3A_1382 = arith.cmpi sge, %get3A_1379, %ge3A_1381 : vector<16xi32>
      %select_n3A_1383 = arith.select %ge3A_1382, %broadcast_in_dim3A_1, %get3A_1379 : vector<16xi1>, vector<16xi32>
      %swap3A_1384 = arith.constant 1 : i32
      %swap3A_1385 = arith.index_cast %swap3A_1384 : i32 to index
      %swap3A_1386 = arith.constant 64 : index
      %swap3A_1387 = tpu.vector_load %arg7[%swap3A_1385, %swap3A_1386] {strides = array<i32>} : memref<4x128xi32, #tpu.memory_space<vmem>>, vector<16xi32>,
      tpu.vector_store %arg7[%swap3A_1385, %swap3A_1386], %select_n3A_1383 {strides = array<i32>} : memref<4x128xi32, #tpu.memory_space<vmem>>, vector<16xi32>,
      %add3A_1388 = arith.constant 208 : i32
      %add3A_1389 = arith.addi %mul3A_1231, %add3A_1388 : i32
      %get3A_1390 = arith.index_cast %add3A_1389 : i32 to index
      %get3A_1391 = tpu.vector_load %arg5[%get3A_1390] {strides = array<i32>} : memref<25600xi32, #tpu.memory_space<vmem>>, vector<16xi32>,
      %ge3A_1392 = arith.constant 1000000 : i32
      %ge3A_1393 = vector.broadcast %ge3A_1392 : i32 to vector<16xi32>
      %ge3A_1394 = arith.cmpi sge, %get3A_1391, %ge3A_1393 : vector<16xi32>
      %select_n3A_1395 = arith.select %ge3A_1394, %broadcast_in_dim3A_1, %get3A_1391 : vector<16xi1>, vector<16xi32>
      %swap3A_1396 = arith.constant 1 : i32
      %swap3A_1397 = arith.index_cast %swap3A_1396 : i32 to index
      %swap3A_1398 = arith.constant 80 : index
      %swap3A_1399 = tpu.vector_load %arg7[%swap3A_1397, %swap3A_1398] {strides = array<i32>} : memref<4x128xi32, #tpu.memory_space<vmem>>, vector<16xi32>,
      tpu.vector_store %arg7[%swap3A_1397, %swap3A_1398], %select_n3A_1395 {strides = array<i32>} : memref<4x128xi32, #tpu.memory_space<vmem>>, vector<16xi32>,
      %add3A_1400 = arith.constant 224 : i32
      %add3A_1401 = arith.addi %mul3A_1231, %add3A_1400 : i32
      %get3A_1402 = arith.index_cast %add3A_1401 : i32 to index
      %get3A_1403 = tpu.vector_load %arg5[%get3A_1402] {strides = array<i32>} : memref<25600xi32, #tpu.memory_space<vmem>>, vector<16xi32>,
      %ge3A_1404 = arith.constant 1000000 : i32
      %ge3A_1405 = vector.broadcast %ge3A_1404 : i32 to vector<16xi32>
      %ge3A_1406 = arith.cmpi sge, %get3A_1403, %ge3A_1405 : vector<16xi32>
      %select_n3A_1407 = arith.select %ge3A_1406, %broadcast_in_dim3A_1, %get3A_1403 : vector<16xi1>, vector<16xi32>
      %swap3A_1408 = arith.constant 1 : i32
      %swap3A_1409 = arith.index_cast %swap3A_1408 : i32 to index
      %swap3A_1410 = arith.constant 96 : index
      %swap3A_1411 = tpu.vector_load %arg7[%swap3A_1409, %swap3A_1410] {strides = array<i32>} : memref<4x128xi32, #tpu.memory_space<vmem>>, vector<16xi32>,
      tpu.vector_store %arg7[%swap3A_1409, %swap3A_1410], %select_n3A_1407 {strides = array<i32>} : memref<4x128xi32, #tpu.memory_space<vmem>>, vector<16xi32>,
      %add3A_1412 = arith.constant 240 : i32
      %add3A_1413 = arith.addi %mul3A_1231, %add3A_1412 : i32
      %get3A_1414 = arith.index_cast %add3A_1413 : i32 to index
      %get3A_1415 = tpu.vector_load %arg5[%get3A_1414] {strides = array<i32>} : memref<25600xi32, #tpu.memory_space<vmem>>, vector<16xi32>,
      %ge3A_1416 = arith.constant 1000000 : i32
      %ge3A_1417 = vector.broadcast %ge3A_1416 : i32 to vector<16xi32>
      %ge3A_1418 = arith.cmpi sge, %get3A_1415, %ge3A_1417 : vector<16xi32>
      %select_n3A_1419 = arith.select %ge3A_1418, %broadcast_in_dim3A_1, %get3A_1415 : vector<16xi1>, vector<16xi32>
      %swap3A_1420 = arith.constant 1 : i32
      %swap3A_1421 = arith.index_cast %swap3A_1420 : i32 to index
      %swap3A_1422 = arith.constant 112 : index
      %swap3A_1423 = tpu.vector_load %arg7[%swap3A_1421, %swap3A_1422] {strides = array<i32>} : memref<4x128xi32, #tpu.memory_space<vmem>>, vector<16xi32>,
      tpu.vector_store %arg7[%swap3A_1421, %swap3A_1422], %select_n3A_1419 {strides = array<i32>} : memref<4x128xi32, #tpu.memory_space<vmem>>, vector<16xi32>,
      %add3A_1424 = arith.constant 256 : i32
      %add3A_1425 = arith.addi %mul3A_1231, %add3A_1424 : i32
      %get3A_1426 = arith.index_cast %add3A_1425 : i32 to index
      %get3A_1427 = tpu.vector_load %arg5[%get3A_1426] {strides = array<i32>} : memref<25600xi32, #tpu.memory_space<vmem>>, vector<16xi32>,
      %ge3A_1428 = arith.constant 1000000 : i32
      %ge3A_1429 = vector.broadcast %ge3A_1428 : i32 to vector<16xi32>
      %ge3A_1430 = arith.cmpi sge, %get3A_1427, %ge3A_1429 : vector<16xi32>
      %select_n3A_1431 = arith.select %ge3A_1430, %broadcast_in_dim3A_1, %get3A_1427 : vector<16xi1>, vector<16xi32>
      %swap3A_1432 = arith.constant 2 : i32
      %swap3A_1433 = arith.index_cast %swap3A_1432 : i32 to index
      %swap3A_1434 = arith.constant 0 : index
      %swap3A_1435 = tpu.vector_load %arg7[%swap3A_1433, %swap3A_1434] {strides = array<i32>} : memref<4x128xi32, #tpu.memory_space<vmem>>, vector<16xi32>,
      tpu.vector_store %arg7[%swap3A_1433, %swap3A_1434], %select_n3A_1431 {strides = array<i32>} : memref<4x128xi32, #tpu.memory_space<vmem>>, vector<16xi32>,
      %add3A_1436 = arith.constant 272 : i32
      %add3A_1437 = arith.addi %mul3A_1231, %add3A_1436 : i32
      %get3A_1438 = arith.index_cast %add3A_1437 : i32 to index
      %get3A_1439 = tpu.vector_load %arg5[%get3A_1438] {strides = array<i32>} : memref<25600xi32, #tpu.memory_space<vmem>>, vector<16xi32>,
      %ge3A_1440 = arith.constant 1000000 : i32
      %ge3A_1441 = vector.broadcast %ge3A_1440 : i32 to vector<16xi32>
      %ge3A_1442 = arith.cmpi sge, %get3A_1439, %ge3A_1441 : vector<16xi32>
      %select_n3A_1443 = arith.select %ge3A_1442, %broadcast_in_dim3A_1, %get3A_1439 : vector<16xi1>, vector<16xi32>
      %swap3A_1444 = arith.constant 2 : i32
      %swap3A_1445 = arith.index_cast %swap3A_1444 : i32 to index
      %swap3A_1446 = arith.constant 16 : index
      %swap3A_1447 = tpu.vector_load %arg7[%swap3A_1445, %swap3A_1446] {strides = array<i32>} : memref<4x128xi32, #tpu.memory_space<vmem>>, vector<16xi32>,
      tpu.vector_store %arg7[%swap3A_1445, %swap3A_1446], %select_n3A_1443 {strides = array<i32>} : memref<4x128xi32, #tpu.memory_space<vmem>>, vector<16xi32>,
      %add3A_1448 = arith.constant 288 : i32
      %add3A_1449 = arith.addi %mul3A_1231, %add3A_1448 : i32
      %get3A_1450 = arith.index_cast %add3A_1449 : i32 to index
      %get3A_1451 = tpu.vector_load %arg5[%get3A_1450] {strides = array<i32>} : memref<25600xi32, #tpu.memory_space<vmem>>, vector<16xi32>,
      %ge3A_1452 = arith.constant 1000000 : i32
      %ge3A_1453 = vector.broadcast %ge3A_1452 : i32 to vector<16xi32>
      %ge3A_1454 = arith.cmpi sge, %get3A_1451, %ge3A_1453 : vector<16xi32>
      %select_n3A_1455 = arith.select %ge3A_1454, %broadcast_in_dim3A_1, %get3A_1451 : vector<16xi1>, vector<16xi32>
      %swap3A_1456 = arith.constant 2 : i32
      %swap3A_1457 = arith.index_cast %swap3A_1456 : i32 to index
      %swap3A_1458 = arith.constant 32 : index
      %swap3A_1459 = tpu.vector_load %arg7[%swap3A_1457, %swap3A_1458] {strides = array<i32>} : memref<4x128xi32, #tpu.memory_space<vmem>>, vector<16xi32>,
      tpu.vector_store %arg7[%swap3A_1457, %swap3A_1458], %select_n3A_1455 {strides = array<i32>} : memref<4x128xi32, #tpu.memory_space<vmem>>, vector<16xi32>,
      %add3A_1460 = arith.constant 304 : i32
      %add3A_1461 = arith.addi %mul3A_1231, %add3A_1460 : i32
      %get3A_1462 = arith.index_cast %add3A_1461 : i32 to index
      %get3A_1463 = tpu.vector_load %arg5[%get3A_1462] {strides = array<i32>} : memref<25600xi32, #tpu.memory_space<vmem>>, vector<16xi32>,
      %ge3A_1464 = arith.constant 1000000 : i32
      %ge3A_1465 = vector.broadcast %ge3A_1464 : i32 to vector<16xi32>
      %ge3A_1466 = arith.cmpi sge, %get3A_1463, %ge3A_1465 : vector<16xi32>
      %select_n3A_1467 = arith.select %ge3A_1466, %broadcast_in_dim3A_1, %get3A_1463 : vector<16xi1>, vector<16xi32>
      %swap3A_1468 = arith.constant 2 : i32
      %swap3A_1469 = arith.index_cast %swap3A_1468 : i32 to index
      %swap3A_1470 = arith.constant 48 : index
      %swap3A_1471 = tpu.vector_load %arg7[%swap3A_1469, %swap3A_1470] {strides = array<i32>} : memref<4x128xi32, #tpu.memory_space<vmem>>, vector<16xi32>,
      tpu.vector_store %arg7[%swap3A_1469, %swap3A_1470], %select_n3A_1467 {strides = array<i32>} : memref<4x128xi32, #tpu.memory_space<vmem>>, vector<16xi32>,
      %add3A_1472 = arith.constant 320 : i32
      %add3A_1473 = arith.addi %mul3A_1231, %add3A_1472 : i32
      %get3A_1474 = arith.index_cast %add3A_1473 : i32 to index
      %get3A_1475 = tpu.vector_load %arg5[%get3A_1474] {strides = array<i32>} : memref<25600xi32, #tpu.memory_space<vmem>>, vector<16xi32>,
      %ge3A_1476 = arith.constant 1000000 : i32
      %ge3A_1477 = vector.broadcast %ge3A_1476 : i32 to vector<16xi32>
      %ge3A_1478 = arith.cmpi sge, %get3A_1475, %ge3A_1477 : vector<16xi32>
      %select_n3A_1479 = arith.select %ge3A_1478, %broadcast_in_dim3A_1, %get3A_1475 : vector<16xi1>, vector<16xi32>
      %swap3A_1480 = arith.constant 2 : i32
      %swap3A_1481 = arith.index_cast %swap3A_1480 : i32 to index
      %swap3A_1482 = arith.constant 64 : index
      %swap3A_1483 = tpu.vector_load %arg7[%swap3A_1481, %swap3A_1482] {strides = array<i32>} : memref<4x128xi32, #tpu.memory_space<vmem>>, vector<16xi32>,
      tpu.vector_store %arg7[%swap3A_1481, %swap3A_1482], %select_n3A_1479 {strides = array<i32>} : memref<4x128xi32, #tpu.memory_space<vmem>>, vector<16xi32>,
      %add3A_1484 = arith.constant 336 : i32
      %add3A_1485 = arith.addi %mul3A_1231, %add3A_1484 : i32
      %get3A_1486 = arith.index_cast %add3A_1485 : i32 to index
      %get3A_1487 = tpu.vector_load %arg5[%get3A_1486] {strides = array<i32>} : memref<25600xi32, #tpu.memory_space<vmem>>, vector<16xi32>,
      %ge3A_1488 = arith.constant 1000000 : i32
      %ge3A_1489 = vector.broadcast %ge3A_1488 : i32 to vector<16xi32>
      %ge3A_1490 = arith.cmpi sge, %get3A_1487, %ge3A_1489 : vector<16xi32>
      %select_n3A_1491 = arith.select %ge3A_1490, %broadcast_in_dim3A_1, %get3A_1487 : vector<16xi1>, vector<16xi32>
      %swap3A_1492 = arith.constant 2 : i32
      %swap3A_1493 = arith.index_cast %swap3A_1492 : i32 to index
      %swap3A_1494 = arith.constant 80 : index
      %swap3A_1495 = tpu.vector_load %arg7[%swap3A_1493, %swap3A_1494] {strides = array<i32>} : memref<4x128xi32, #tpu.memory_space<vmem>>, vector<16xi32>,
      tpu.vector_store %arg7[%swap3A_1493, %swap3A_1494], %select_n3A_1491 {strides = array<i32>} : memref<4x128xi32, #tpu.memory_space<vmem>>, vector<16xi32>,
      %add3A_1496 = arith.constant 352 : i32
      %add3A_1497 = arith.addi %mul3A_1231, %add3A_1496 : i32
      %get3A_1498 = arith.index_cast %add3A_1497 : i32 to index
      %get3A_1499 = tpu.vector_load %arg5[%get3A_1498] {strides = array<i32>} : memref<25600xi32, #tpu.memory_space<vmem>>, vector<16xi32>,
      %ge3A_1500 = arith.constant 1000000 : i32
      %ge3A_1501 = vector.broadcast %ge3A_1500 : i32 to vector<16xi32>
      %ge3A_1502 = arith.cmpi sge, %get3A_1499, %ge3A_1501 : vector<16xi32>
      %select_n3A_1503 = arith.select %ge3A_1502, %broadcast_in_dim3A_1, %get3A_1499 : vector<16xi1>, vector<16xi32>
      %swap3A_1504 = arith.constant 2 : i32
      %swap3A_1505 = arith.index_cast %swap3A_1504 : i32 to index
      %swap3A_1506 = arith.constant 96 : index
      %swap3A_1507 = tpu.vector_load %arg7[%swap3A_1505, %swap3A_1506] {strides = array<i32>} : memref<4x128xi32, #tpu.memory_space<vmem>>, vector<16xi32>,
      tpu.vector_store %arg7[%swap3A_1505, %swap3A_1506], %select_n3A_1503 {strides = array<i32>} : memref<4x128xi32, #tpu.memory_space<vmem>>, vector<16xi32>,
      %add3A_1508 = arith.constant 368 : i32
      %add3A_1509 = arith.addi %mul3A_1231, %add3A_1508 : i32
      %get3A_1510 = arith.index_cast %add3A_1509 : i32 to index
      %get3A_1511 = tpu.vector_load %arg5[%get3A_1510] {strides = array<i32>} : memref<25600xi32, #tpu.memory_space<vmem>>, vector<16xi32>,
      %ge3A_1512 = arith.constant 1000000 : i32
      %ge3A_1513 = vector.broadcast %ge3A_1512 : i32 to vector<16xi32>
      %ge3A_1514 = arith.cmpi sge, %get3A_1511, %ge3A_1513 : vector<16xi32>
      %select_n3A_1515 = arith.select %ge3A_1514, %broadcast_in_dim3A_1, %get3A_1511 : vector<16xi1>, vector<16xi32>
      %swap3A_1516 = arith.constant 2 : i32
      %swap3A_1517 = arith.index_cast %swap3A_1516 : i32 to index
      %swap3A_1518 = arith.constant 112 : index
      %swap3A_1519 = tpu.vector_load %arg7[%swap3A_1517, %swap3A_1518] {strides = array<i32>} : memref<4x128xi32, #tpu.memory_space<vmem>>, vector<16xi32>,
      tpu.vector_store %arg7[%swap3A_1517, %swap3A_1518], %select_n3A_1515 {strides = array<i32>} : memref<4x128xi32, #tpu.memory_space<vmem>>, vector<16xi32>,
      %add3A_1520 = arith.constant 384 : i32
      %add3A_1521 = arith.addi %mul3A_1231, %add3A_1520 : i32
      %get3A_1522 = arith.index_cast %add3A_1521 : i32 to index
      %get3A_1523 = tpu.vector_load %arg5[%get3A_1522] {strides = array<i32>} : memref<25600xi32, #tpu.memory_space<vmem>>, vector<16xi32>,
      %ge3A_1524 = arith.constant 1000000 : i32
      %ge3A_1525 = vector.broadcast %ge3A_1524 : i32 to vector<16xi32>
      %ge3A_1526 = arith.cmpi sge, %get3A_1523, %ge3A_1525 : vector<16xi32>
      %select_n3A_1527 = arith.select %ge3A_1526, %broadcast_in_dim3A_1, %get3A_1523 : vector<16xi1>, vector<16xi32>
      %swap3A_1528 = arith.constant 3 : i32
      %swap3A_1529 = arith.index_cast %swap3A_1528 : i32 to index
      %swap3A_1530 = arith.constant 0 : index
      %swap3A_1531 = tpu.vector_load %arg7[%swap3A_1529, %swap3A_1530] {strides = array<i32>} : memref<4x128xi32, #tpu.memory_space<vmem>>, vector<16xi32>,
      tpu.vector_store %arg7[%swap3A_1529, %swap3A_1530], %select_n3A_1527 {strides = array<i32>} : memref<4x128xi32, #tpu.memory_space<vmem>>, vector<16xi32>,
      %add3A_1532 = arith.constant 400 : i32
      %add3A_1533 = arith.addi %mul3A_1231, %add3A_1532 : i32
      %get3A_1534 = arith.index_cast %add3A_1533 : i32 to index
      %get3A_1535 = tpu.vector_load %arg5[%get3A_1534] {strides = array<i32>} : memref<25600xi32, #tpu.memory_space<vmem>>, vector<16xi32>,
      %ge3A_1536 = arith.constant 1000000 : i32
      %ge3A_1537 = vector.broadcast %ge3A_1536 : i32 to vector<16xi32>
      %ge3A_1538 = arith.cmpi sge, %get3A_1535, %ge3A_1537 : vector<16xi32>
      %select_n3A_1539 = arith.select %ge3A_1538, %broadcast_in_dim3A_1, %get3A_1535 : vector<16xi1>, vector<16xi32>
      %swap3A_1540 = arith.constant 3 : i32
      %swap3A_1541 = arith.index_cast %swap3A_1540 : i32 to index
      %swap3A_1542 = arith.constant 16 : index
      %swap3A_1543 = tpu.vector_load %arg7[%swap3A_1541, %swap3A_1542] {strides = array<i32>} : memref<4x128xi32, #tpu.memory_space<vmem>>, vector<16xi32>,
      tpu.vector_store %arg7[%swap3A_1541, %swap3A_1542], %select_n3A_1539 {strides = array<i32>} : memref<4x128xi32, #tpu.memory_space<vmem>>, vector<16xi32>,
      %add3A_1544 = arith.constant 416 : i32
      %add3A_1545 = arith.addi %mul3A_1231, %add3A_1544 : i32
      %get3A_1546 = arith.index_cast %add3A_1545 : i32 to index
      %get3A_1547 = tpu.vector_load %arg5[%get3A_1546] {strides = array<i32>} : memref<25600xi32, #tpu.memory_space<vmem>>, vector<16xi32>,
      %ge3A_1548 = arith.constant 1000000 : i32
      %ge3A_1549 = vector.broadcast %ge3A_1548 : i32 to vector<16xi32>
      %ge3A_1550 = arith.cmpi sge, %get3A_1547, %ge3A_1549 : vector<16xi32>
      %select_n3A_1551 = arith.select %ge3A_1550, %broadcast_in_dim3A_1, %get3A_1547 : vector<16xi1>, vector<16xi32>
      %swap3A_1552 = arith.constant 3 : i32
      %swap3A_1553 = arith.index_cast %swap3A_1552 : i32 to index
      %swap3A_1554 = arith.constant 32 : index
      %swap3A_1555 = tpu.vector_load %arg7[%swap3A_1553, %swap3A_1554] {strides = array<i32>} : memref<4x128xi32, #tpu.memory_space<vmem>>, vector<16xi32>,
      tpu.vector_store %arg7[%swap3A_1553, %swap3A_1554], %select_n3A_1551 {strides = array<i32>} : memref<4x128xi32, #tpu.memory_space<vmem>>, vector<16xi32>,
      %add3A_1556 = arith.constant 432 : i32
      %add3A_1557 = arith.addi %mul3A_1231, %add3A_1556 : i32
      %get3A_1558 = arith.index_cast %add3A_1557 : i32 to index
      %get3A_1559 = tpu.vector_load %arg5[%get3A_1558] {strides = array<i32>} : memref<25600xi32, #tpu.memory_space<vmem>>, vector<16xi32>,
      %ge3A_1560 = arith.constant 1000000 : i32
      %ge3A_1561 = vector.broadcast %ge3A_1560 : i32 to vector<16xi32>
      %ge3A_1562 = arith.cmpi sge, %get3A_1559, %ge3A_1561 : vector<16xi32>
      %select_n3A_1563 = arith.select %ge3A_1562, %broadcast_in_dim3A_1, %get3A_1559 : vector<16xi1>, vector<16xi32>
      %swap3A_1564 = arith.constant 3 : i32
      %swap3A_1565 = arith.index_cast %swap3A_1564 : i32 to index
      %swap3A_1566 = arith.constant 48 : index
      %swap3A_1567 = tpu.vector_load %arg7[%swap3A_1565, %swap3A_1566] {strides = array<i32>} : memref<4x128xi32, #tpu.memory_space<vmem>>, vector<16xi32>,
      tpu.vector_store %arg7[%swap3A_1565, %swap3A_1566], %select_n3A_1563 {strides = array<i32>} : memref<4x128xi32, #tpu.memory_space<vmem>>, vector<16xi32>,
      %add3A_1568 = arith.constant 448 : i32
      %add3A_1569 = arith.addi %mul3A_1231, %add3A_1568 : i32
      %get3A_1570 = arith.index_cast %add3A_1569 : i32 to index
      %get3A_1571 = tpu.vector_load %arg5[%get3A_1570] {strides = array<i32>} : memref<25600xi32, #tpu.memory_space<vmem>>, vector<16xi32>,
      %ge3A_1572 = arith.constant 1000000 : i32
      %ge3A_1573 = vector.broadcast %ge3A_1572 : i32 to vector<16xi32>
      %ge3A_1574 = arith.cmpi sge, %get3A_1571, %ge3A_1573 : vector<16xi32>
      %select_n3A_1575 = arith.select %ge3A_1574, %broadcast_in_dim3A_1, %get3A_1571 : vector<16xi1>, vector<16xi32>
      %swap3A_1576 = arith.constant 3 : i32
      %swap3A_1577 = arith.index_cast %swap3A_1576 : i32 to index
      %swap3A_1578 = arith.constant 64 : index
      %swap3A_1579 = tpu.vector_load %arg7[%swap3A_1577, %swap3A_1578] {strides = array<i32>} : memref<4x128xi32, #tpu.memory_space<vmem>>, vector<16xi32>,
      tpu.vector_store %arg7[%swap3A_1577, %swap3A_1578], %select_n3A_1575 {strides = array<i32>} : memref<4x128xi32, #tpu.memory_space<vmem>>, vector<16xi32>,
      %add3A_1580 = arith.constant 464 : i32
      %add3A_1581 = arith.addi %mul3A_1231, %add3A_1580 : i32
      %get3A_1582 = arith.index_cast %add3A_1581 : i32 to index
      %get3A_1583 = tpu.vector_load %arg5[%get3A_1582] {strides = array<i32>} : memref<25600xi32, #tpu.memory_space<vmem>>, vector<16xi32>,
      %ge3A_1584 = arith.constant 1000000 : i32
      %ge3A_1585 = vector.broadcast %ge3A_1584 : i32 to vector<16xi32>
      %ge3A_1586 = arith.cmpi sge, %get3A_1583, %ge3A_1585 : vector<16xi32>
      %select_n3A_1587 = arith.select %ge3A_1586, %broadcast_in_dim3A_1, %get3A_1583 : vector<16xi1>, vector<16xi32>
      %swap3A_1588 = arith.constant 3 : i32
      %swap3A_1589 = arith.index_cast %swap3A_1588 : i32 to index
      %swap3A_1590 = arith.constant 80 : index
      %swap3A_1591 = tpu.vector_load %arg7[%swap3A_1589, %swap3A_1590] {strides = array<i32>} : memref<4x128xi32, #tpu.memory_space<vmem>>, vector<16xi32>,
      tpu.vector_store %arg7[%swap3A_1589, %swap3A_1590], %select_n3A_1587 {strides = array<i32>} : memref<4x128xi32, #tpu.memory_space<vmem>>, vector<16xi32>,
      %add3A_1592 = arith.constant 480 : i32
      %add3A_1593 = arith.addi %mul3A_1231, %add3A_1592 : i32
      %get3A_1594 = arith.index_cast %add3A_1593 : i32 to index
      %get3A_1595 = tpu.vector_load %arg5[%get3A_1594] {strides = array<i32>} : memref<25600xi32, #tpu.memory_space<vmem>>, vector<16xi32>,
      %ge3A_1596 = arith.constant 1000000 : i32
      %ge3A_1597 = vector.broadcast %ge3A_1596 : i32 to vector<16xi32>
      %ge3A_1598 = arith.cmpi sge, %get3A_1595, %ge3A_1597 : vector<16xi32>
      %select_n3A_1599 = arith.select %ge3A_1598, %broadcast_in_dim3A_1, %get3A_1595 : vector<16xi1>, vector<16xi32>
      %swap3A_1600 = arith.constant 3 : i32
      %swap3A_1601 = arith.index_cast %swap3A_1600 : i32 to index
      %swap3A_1602 = arith.constant 96 : index
      %swap3A_1603 = tpu.vector_load %arg7[%swap3A_1601, %swap3A_1602] {strides = array<i32>} : memref<4x128xi32, #tpu.memory_space<vmem>>, vector<16xi32>,
      tpu.vector_store %arg7[%swap3A_1601, %swap3A_1602], %select_n3A_1599 {strides = array<i32>} : memref<4x128xi32, #tpu.memory_space<vmem>>, vector<16xi32>,
      %add3A_1604 = arith.constant 496 : i32
      %add3A_1605 = arith.addi %mul3A_1231, %add3A_1604 : i32
      %get3A_1606 = arith.index_cast %add3A_1605 : i32 to index
      %get3A_1607 = tpu.vector_load %arg5[%get3A_1606] {strides = array<i32>} : memref<25600xi32, #tpu.memory_space<vmem>>, vector<16xi32>,
      %ge3A_1608 = arith.constant 1000000 : i32
      %ge3A_1609 = vector.broadcast %ge3A_1608 : i32 to vector<16xi32>
      %ge3A_1610 = arith.cmpi sge, %get3A_1607, %ge3A_1609 : vector<16xi32>
      %select_n3A_1611 = arith.select %ge3A_1610, %broadcast_in_dim3A_1, %get3A_1607 : vector<16xi1>, vector<16xi32>
      %swap3A_1612 = arith.constant 3 : i32
      %swap3A_1613 = arith.index_cast %swap3A_1612 : i32 to index
      %swap3A_1614 = arith.constant 112 : index
      %swap3A_1615 = tpu.vector_load %arg7[%swap3A_1613, %swap3A_1614] {strides = array<i32>} : memref<4x128xi32, #tpu.memory_space<vmem>>, vector<16xi32>,
      tpu.vector_store %arg7[%swap3A_1613, %swap3A_1614], %select_n3A_1611 {strides = array<i32>} : memref<4x128xi32, #tpu.memory_space<vmem>>, vector<16xi32>,
      %dma_start3A_1616 = arith.constant 0 : i32
      %dma_start3A_1617 = arith.constant 0 : i32
      %dma_start3A_1618 = arith.constant 0 : i32
      %dma_start3A_1619 = tpu.memref_slice %arg9[%dma_start3A_1617, %dma_start3A_1618] : memref<512x32xf32, #tpu.memory_space<vmem>> -> memref<128x32xf32, #tpu.memory_space<vmem>>
      %dma_start3A_1620 = arith.constant 0 : i32
      %dma_start3A_1621 = tpu.memref_slice %arg7[%dma_start3A_1616, %dma_start3A_1620] : memref<4x128xi32, #tpu.memory_space<vmem>> -> memref<1x128xi32, #tpu.memory_space<vmem>>
      %dma_start3A_1622 = tpu.memref_squeeze %dma_start3A_1621 : memref<1x128xi32, #tpu.memory_space<vmem>> -> memref<128xi32, #tpu.memory_space<vmem>>
      %dma_start3A_1623 = arith.constant 0 : i32
      %dma_start3A_1624 = arith.constant 0 : i32
      %dma_start3A_1625 = tpu.memref_slice %arg3[%dma_start3A_1623, %dma_start3A_1624] : memref<1000000x32xf32, #tpu.memory_space<hbm>> -> memref<1000000x32xf32, #tpu.memory_space<hbm>>
      tpu.enqueue_indirect_dma source(%dma_start3A_1625 : memref<1000000x32xf32, #tpu.memory_space<hbm>>) target(%dma_start3A_1619 : memref<128x32xf32, #tpu.memory_space<vmem>>) offsets(%dma_start3A_1622 : memref<128xi32, #tpu.memory_space<vmem>>) semaphore(%arg16 : memref<!tpu.dma_semaphore, #tpu.memory_space<semaphore_mem>>)
      %dma_start3A_1626 = arith.constant 1 : i32
      %dma_start3A_1627 = arith.constant 128 : i32
      %dma_start3A_1628 = arith.constant 0 : i32
      %dma_start3A_1629 = tpu.memref_slice %arg9[%dma_start3A_1627, %dma_start3A_1628] : memref<512x32xf32, #tpu.memory_space<vmem>> -> memref<128x32xf32, #tpu.memory_space<vmem>>
      %dma_start3A_1630 = arith.constant 0 : i32
      %dma_start3A_1631 = tpu.memref_slice %arg7[%dma_start3A_1626, %dma_start3A_1630] : memref<4x128xi32, #tpu.memory_space<vmem>> -> memref<1x128xi32, #tpu.memory_space<vmem>>
      %dma_start3A_1632 = tpu.memref_squeeze %dma_start3A_1631 : memref<1x128xi32, #tpu.memory_space<vmem>> -> memref<128xi32, #tpu.memory_space<vmem>>
      %dma_start3A_1633 = arith.constant 0 : i32
      %dma_start3A_1634 = arith.constant 0 : i32
      %dma_start3A_1635 = tpu.memref_slice %arg3[%dma_start3A_1633, %dma_start3A_1634] : memref<1000000x32xf32, #tpu.memory_space<hbm>> -> memref<1000000x32xf32, #tpu.memory_space<hbm>>
      tpu.enqueue_indirect_dma source(%dma_start3A_1635 : memref<1000000x32xf32, #tpu.memory_space<hbm>>) target(%dma_start3A_1629 : memref<128x32xf32, #tpu.memory_space<vmem>>) offsets(%dma_start3A_1632 : memref<128xi32, #tpu.memory_space<vmem>>) semaphore(%arg16 : memref<!tpu.dma_semaphore, #tpu.memory_space<semaphore_mem>>)
      %dma_start3A_1636 = arith.constant 2 : i32
      %dma_start3A_1637 = arith.constant 256 : i32
      %dma_start3A_1638 = arith.constant 0 : i32
      %dma_start3A_1639 = tpu.memref_slice %arg9[%dma_start3A_1637, %dma_start3A_1638] : memref<512x32xf32, #tpu.memory_space<vmem>> -> memref<128x32xf32, #tpu.memory_space<vmem>>
      %dma_start3A_1640 = arith.constant 0 : i32
      %dma_start3A_1641 = tpu.memref_slice %arg7[%dma_start3A_1636, %dma_start3A_1640] : memref<4x128xi32, #tpu.memory_space<vmem>> -> memref<1x128xi32, #tpu.memory_space<vmem>>
      %dma_start3A_1642 = tpu.memref_squeeze %dma_start3A_1641 : memref<1x128xi32, #tpu.memory_space<vmem>> -> memref<128xi32, #tpu.memory_space<vmem>>
      %dma_start3A_1643 = arith.constant 0 : i32
      %dma_start3A_1644 = arith.constant 0 : i32
      %dma_start3A_1645 = tpu.memref_slice %arg3[%dma_start3A_1643, %dma_start3A_1644] : memref<1000000x32xf32, #tpu.memory_space<hbm>> -> memref<1000000x32xf32, #tpu.memory_space<hbm>>
      tpu.enqueue_indirect_dma source(%dma_start3A_1645 : memref<1000000x32xf32, #tpu.memory_space<hbm>>) target(%dma_start3A_1639 : memref<128x32xf32, #tpu.memory_space<vmem>>) offsets(%dma_start3A_1642 : memref<128xi32, #tpu.memory_space<vmem>>) semaphore(%arg16 : memref<!tpu.dma_semaphore, #tpu.memory_space<semaphore_mem>>)
      %dma_start3A_1646 = arith.constant 3 : i32
      %dma_start3A_1647 = arith.constant 384 : i32
      %dma_start3A_1648 = arith.constant 0 : i32
      %dma_start3A_1649 = tpu.memref_slice %arg9[%dma_start3A_1647, %dma_start3A_1648] : memref<512x32xf32, #tpu.memory_space<vmem>> -> memref<128x32xf32, #tpu.memory_space<vmem>>
      %dma_start3A_1650 = arith.constant 0 : i32
      %dma_start3A_1651 = tpu.memref_slice %arg7[%dma_start3A_1646, %dma_start3A_1650] : memref<4x128xi32, #tpu.memory_space<vmem>> -> memref<1x128xi32, #tpu.memory_space<vmem>>
      %dma_start3A_1652 = tpu.memref_squeeze %dma_start3A_1651 : memref<1x128xi32, #tpu.memory_space<vmem>> -> memref<128xi32, #tpu.memory_space<vmem>>
      %dma_start3A_1653 = arith.constant 0 : i32
      %dma_start3A_1654 = arith.constant 0 : i32
      %dma_start3A_1655 = tpu.memref_slice %arg3[%dma_start3A_1653, %dma_start3A_1654] : memref<1000000x32xf32, #tpu.memory_space<hbm>> -> memref<1000000x32xf32, #tpu.memory_space<hbm>>
      tpu.enqueue_indirect_dma source(%dma_start3A_1655 : memref<1000000x32xf32, #tpu.memory_space<hbm>>) target(%dma_start3A_1649 : memref<128x32xf32, #tpu.memory_space<vmem>>) offsets(%dma_start3A_1652 : memref<128xi32, #tpu.memory_space<vmem>>) semaphore(%arg16 : memref<!tpu.dma_semaphore, #tpu.memory_space<semaphore_mem>>)
      %dma_wait3A_1656 = arith.constant 0 : i32
      %dma_wait3A_1657 = arith.constant 0 : i32
      %dma_wait3A_1658 = arith.constant 0 : i32
      %dma_wait3A_1659 = tpu.memref_slice %arg8[%dma_wait3A_1657, %dma_wait3A_1658] : memref<512x32xf32, #tpu.memory_space<vmem>> -> memref<128x32xf32, #tpu.memory_space<vmem>>
      %dma_wait3A_1660 = arith.constant 0 : i32
      %dma_wait3A_1661 = tpu.memref_slice %arg6[%dma_wait3A_1656, %dma_wait3A_1660] : memref<4x128xi32, #tpu.memory_space<vmem>> -> memref<1x128xi32, #tpu.memory_space<vmem>>
      %dma_wait3A_1662 = tpu.memref_squeeze %dma_wait3A_1661 : memref<1x128xi32, #tpu.memory_space<vmem>> -> memref<128xi32, #tpu.memory_space<vmem>>
      %dma_wait3A_1663 = arith.constant 0 : i32
      %dma_wait3A_1664 = arith.constant 0 : i32
      %dma_wait3A_1665 = tpu.memref_slice %arg3[%dma_wait3A_1663, %dma_wait3A_1664] : memref<1000000x32xf32, #tpu.memory_space<hbm>> -> memref<1000000x32xf32, #tpu.memory_space<hbm>>
      tpu.wait_indirect_dma semaphore(%arg15 : memref<!tpu.dma_semaphore, #tpu.memory_space<semaphore_mem>>) src(%dma_wait3A_1665 : memref<1000000x32xf32, #tpu.memory_space<hbm>>) dst(%dma_wait3A_1659 : memref<128x32xf32, #tpu.memory_space<vmem>>)
      %dma_wait3A_1666 = arith.constant 1 : i32
      %dma_wait3A_1667 = arith.constant 128 : i32
      %dma_wait3A_1668 = arith.constant 0 : i32
      %dma_wait3A_1669 = tpu.memref_slice %arg8[%dma_wait3A_1667, %dma_wait3A_1668] : memref<512x32xf32, #tpu.memory_space<vmem>> -> memref<128x32xf32, #tpu.memory_space<vmem>>
      %dma_wait3A_1670 = arith.constant 0 : i32
      %dma_wait3A_1671 = tpu.memref_slice %arg6[%dma_wait3A_1666, %dma_wait3A_1670] : memref<4x128xi32, #tpu.memory_space<vmem>> -> memref<1x128xi32, #tpu.memory_space<vmem>>
      %dma_wait3A_1672 = tpu.memref_squeeze %dma_wait3A_1671 : memref<1x128xi32, #tpu.memory_space<vmem>> -> memref<128xi32, #tpu.memory_space<vmem>>
      %dma_wait3A_1673 = arith.constant 0 : i32
      %dma_wait3A_1674 = arith.constant 0 : i32
      %dma_wait3A_1675 = tpu.memref_slice %arg3[%dma_wait3A_1673, %dma_wait3A_1674] : memref<1000000x32xf32, #tpu.memory_space<hbm>> -> memref<1000000x32xf32, #tpu.memory_space<hbm>>
      tpu.wait_indirect_dma semaphore(%arg15 : memref<!tpu.dma_semaphore, #tpu.memory_space<semaphore_mem>>) src(%dma_wait3A_1675 : memref<1000000x32xf32, #tpu.memory_space<hbm>>) dst(%dma_wait3A_1669 : memref<128x32xf32, #tpu.memory_space<vmem>>)
      %dma_wait3A_1676 = arith.constant 2 : i32
      %dma_wait3A_1677 = arith.constant 256 : i32
      %dma_wait3A_1678 = arith.constant 0 : i32
      %dma_wait3A_1679 = tpu.memref_slice %arg8[%dma_wait3A_1677, %dma_wait3A_1678] : memref<512x32xf32, #tpu.memory_space<vmem>> -> memref<128x32xf32, #tpu.memory_space<vmem>>
      %dma_wait3A_1680 = arith.constant 0 : i32
      %dma_wait3A_1681 = tpu.memref_slice %arg6[%dma_wait3A_1676, %dma_wait3A_1680] : memref<4x128xi32, #tpu.memory_space<vmem>> -> memref<1x128xi32, #tpu.memory_space<vmem>>
      %dma_wait3A_1682 = tpu.memref_squeeze %dma_wait3A_1681 : memref<1x128xi32, #tpu.memory_space<vmem>> -> memref<128xi32, #tpu.memory_space<vmem>>
      %dma_wait3A_1683 = arith.constant 0 : i32
      %dma_wait3A_1684 = arith.constant 0 : i32
      %dma_wait3A_1685 = tpu.memref_slice %arg3[%dma_wait3A_1683, %dma_wait3A_1684] : memref<1000000x32xf32, #tpu.memory_space<hbm>> -> memref<1000000x32xf32, #tpu.memory_space<hbm>>
      tpu.wait_indirect_dma semaphore(%arg15 : memref<!tpu.dma_semaphore, #tpu.memory_space<semaphore_mem>>) src(%dma_wait3A_1685 : memref<1000000x32xf32, #tpu.memory_space<hbm>>) dst(%dma_wait3A_1679 : memref<128x32xf32, #tpu.memory_space<vmem>>)
      %dma_wait3A_1686 = arith.constant 3 : i32
      %dma_wait3A_1687 = arith.constant 384 : i32
      %dma_wait3A_1688 = arith.constant 0 : i32
      %dma_wait3A_1689 = tpu.memref_slice %arg8[%dma_wait3A_1687, %dma_wait3A_1688] : memref<512x32xf32, #tpu.memory_space<vmem>> -> memref<128x32xf32, #tpu.memory_space<vmem>>
      %dma_wait3A_1690 = arith.constant 0 : i32
      %dma_wait3A_1691 = tpu.memref_slice %arg6[%dma_wait3A_1686, %dma_wait3A_1690] : memref<4x128xi32, #tpu.memory_space<vmem>> -> memref<1x128xi32, #tpu.memory_space<vmem>>
      %dma_wait3A_1692 = tpu.memref_squeeze %dma_wait3A_1691 : memref<1x128xi32, #tpu.memory_space<vmem>> -> memref<128xi32, #tpu.memory_space<vmem>>
      %dma_wait3A_1693 = arith.constant 0 : i32
      %dma_wait3A_1694 = arith.constant 0 : i32
      %dma_wait3A_1695 = tpu.memref_slice %arg3[%dma_wait3A_1693, %dma_wait3A_1694] : memref<1000000x32xf32, #tpu.memory_space<hbm>> -> memref<1000000x32xf32, #tpu.memory_space<hbm>>
      tpu.wait_indirect_dma semaphore(%arg15 : memref<!tpu.dma_semaphore, #tpu.memory_space<semaphore_mem>>) src(%dma_wait3A_1695 : memref<1000000x32xf32, #tpu.memory_space<hbm>>) dst(%dma_wait3A_1689 : memref<128x32xf32, #tpu.memory_space<vmem>>)
      %mul3A_1696 = arith.constant 512 : i32
      %mul3A_1697 = arith.muli %mul3A_1227, %mul3A_1696 : i32
      %add3A_1698 = arith.constant 0 : i32
      %add3A_1699 = arith.addi %mul3A_1697, %add3A_1698 : i32
      %get3A_1700 = arith.index_cast %add3A_1699 : i32 to index
      %get3A_1701 = tpu.vector_load %arg5[%get3A_1700] {strides = array<i32>} : memref<25600xi32, #tpu.memory_space<vmem>>, vector<16xi32>,
      %ge3A_1702 = arith.constant 1000000 : i32
      %ge3A_1703 = vector.broadcast %ge3A_1702 : i32 to vector<16xi32>
      %ge3A_1704 = arith.cmpi sge, %get3A_1701, %ge3A_1703 : vector<16xi32>
      %select_n3A_1705 = arith.select %ge3A_1704, %broadcast_in_dim3A_3, %broadcast_in_dim3A_1 : vector<16xi1>, vector<16xi32>
      %add3A_1706 = arith.addi %broadcast_in_dim3A_1, %select_n3A_1705 : vector<16xi32>
      %add3A_1707 = arith.constant 16 : i32
      %add3A_1708 = arith.addi %mul3A_1697, %add3A_1707 : i32
      %get3A_1709 = arith.index_cast %add3A_1708 : i32 to index
      %get3A_1710 = tpu.vector_load %arg5[%get3A_1709] {strides = array<i32>} : memref<25600xi32, #tpu.memory_space<vmem>>, vector<16xi32>,
      %ge3A_1711 = arith.constant 1000000 : i32
      %ge3A_1712 = vector.broadcast %ge3A_1711 : i32 to vector<16xi32>
      %ge3A_1713 = arith.cmpi sge, %get3A_1710, %ge3A_1712 : vector<16xi32>
      %select_n3A_1714 = arith.select %ge3A_1713, %broadcast_in_dim3A_3, %broadcast_in_dim3A_1 : vector<16xi1>, vector<16xi32>
      %add3A_1715 = arith.addi %add3A_1706, %select_n3A_1714 : vector<16xi32>
      %add3A_1716 = arith.constant 32 : i32
      %add3A_1717 = arith.addi %mul3A_1697, %add3A_1716 : i32
      %get3A_1718 = arith.index_cast %add3A_1717 : i32 to index
      %get3A_1719 = tpu.vector_load %arg5[%get3A_1718] {strides = array<i32>} : memref<25600xi32, #tpu.memory_space<vmem>>, vector<16xi32>,
      %ge3A_1720 = arith.constant 1000000 : i32
      %ge3A_1721 = vector.broadcast %ge3A_1720 : i32 to vector<16xi32>
      %ge3A_1722 = arith.cmpi sge, %get3A_1719, %ge3A_1721 : vector<16xi32>
      %select_n3A_1723 = arith.select %ge3A_1722, %broadcast_in_dim3A_3, %broadcast_in_dim3A_1 : vector<16xi1>, vector<16xi32>
      %add3A_1724 = arith.addi %add3A_1715, %select_n3A_1723 : vector<16xi32>
      %add3A_1725 = arith.constant 48 : i32
      %add3A_1726 = arith.addi %mul3A_1697, %add3A_1725 : i32
      %get3A_1727 = arith.index_cast %add3A_1726 : i32 to index
      %get3A_1728 = tpu.vector_load %arg5[%get3A_1727] {strides = array<i32>} : memref<25600xi32, #tpu.memory_space<vmem>>, vector<16xi32>,
      %ge3A_1729 = arith.constant 1000000 : i32
      %ge3A_1730 = vector.broadcast %ge3A_1729 : i32 to vector<16xi32>
      %ge3A_1731 = arith.cmpi sge, %get3A_1728, %ge3A_1730 : vector<16xi32>
      %select_n3A_1732 = arith.select %ge3A_1731, %broadcast_in_dim3A_3, %broadcast_in_dim3A_1 : vector<16xi1>, vector<16xi32>
      %add3A_1733 = arith.addi %add3A_1724, %select_n3A_1732 : vector<16xi32>
      %add3A_1734 = arith.constant 64 : i32
      %add3A_1735 = arith.addi %mul3A_1697, %add3A_1734 : i32
      %get3A_1736 = arith.index_cast %add3A_1735 : i32 to index
      %get3A_1737 = tpu.vector_load %arg5[%get3A_1736] {strides = array<i32>} : memref<25600xi32, #tpu.memory_space<vmem>>, vector<16xi32>,
      %ge3A_1738 = arith.constant 1000000 : i32
      %ge3A_1739 = vector.broadcast %ge3A_1738 : i32 to vector<16xi32>
      %ge3A_1740 = arith.cmpi sge, %get3A_1737, %ge3A_1739 : vector<16xi32>
      %select_n3A_1741 = arith.select %ge3A_1740, %broadcast_in_dim3A_3, %broadcast_in_dim3A_1 : vector<16xi1>, vector<16xi32>
      %add3A_1742 = arith.addi %add3A_1733, %select_n3A_1741 : vector<16xi32>
      %add3A_1743 = arith.constant 80 : i32
      %add3A_1744 = arith.addi %mul3A_1697, %add3A_1743 : i32
      %get3A_1745 = arith.index_cast %add3A_1744 : i32 to index
      %get3A_1746 = tpu.vector_load %arg5[%get3A_1745] {strides = array<i32>} : memref<25600xi32, #tpu.memory_space<vmem>>, vector<16xi32>,
      %ge3A_1747 = arith.constant 1000000 : i32
      %ge3A_1748 = vector.broadcast %ge3A_1747 : i32 to vector<16xi32>
      %ge3A_1749 = arith.cmpi sge, %get3A_1746, %ge3A_1748 : vector<16xi32>
      %select_n3A_1750 = arith.select %ge3A_1749, %broadcast_in_dim3A_3, %broadcast_in_dim3A_1 : vector<16xi1>, vector<16xi32>
      %add3A_1751 = arith.addi %add3A_1742, %select_n3A_1750 : vector<16xi32>
      %add3A_1752 = arith.constant 96 : i32
      %add3A_1753 = arith.addi %mul3A_1697, %add3A_1752 : i32
      %get3A_1754 = arith.index_cast %add3A_1753 : i32 to index
      %get3A_1755 = tpu.vector_load %arg5[%get3A_1754] {strides = array<i32>} : memref<25600xi32, #tpu.memory_space<vmem>>, vector<16xi32>,
      %ge3A_1756 = arith.constant 1000000 : i32
      %ge3A_1757 = vector.broadcast %ge3A_1756 : i32 to vector<16xi32>
      %ge3A_1758 = arith.cmpi sge, %get3A_1755, %ge3A_1757 : vector<16xi32>
      %select_n3A_1759 = arith.select %ge3A_1758, %broadcast_in_dim3A_3, %broadcast_in_dim3A_1 : vector<16xi1>, vector<16xi32>
      %add3A_1760 = arith.addi %add3A_1751, %select_n3A_1759 : vector<16xi32>
      %add3A_1761 = arith.constant 112 : i32
      %add3A_1762 = arith.addi %mul3A_1697, %add3A_1761 : i32
      %get3A_1763 = arith.index_cast %add3A_1762 : i32 to index
      %get3A_1764 = tpu.vector_load %arg5[%get3A_1763] {strides = array<i32>} : memref<25600xi32, #tpu.memory_space<vmem>>, vector<16xi32>,
      %ge3A_1765 = arith.constant 1000000 : i32
      %ge3A_1766 = vector.broadcast %ge3A_1765 : i32 to vector<16xi32>
      %ge3A_1767 = arith.cmpi sge, %get3A_1764, %ge3A_1766 : vector<16xi32>
      %select_n3A_1768 = arith.select %ge3A_1767, %broadcast_in_dim3A_3, %broadcast_in_dim3A_1 : vector<16xi1>, vector<16xi32>
      %add3A_1769 = arith.addi %add3A_1760, %select_n3A_1768 : vector<16xi32>
      %add3A_1770 = arith.constant 128 : i32
      %add3A_1771 = arith.addi %mul3A_1697, %add3A_1770 : i32
      %get3A_1772 = arith.index_cast %add3A_1771 : i32 to index
      %get3A_1773 = tpu.vector_load %arg5[%get3A_1772] {strides = array<i32>} : memref<25600xi32, #tpu.memory_space<vmem>>, vector<16xi32>,
      %ge3A_1774 = arith.constant 1000000 : i32
      %ge3A_1775 = vector.broadcast %ge3A_1774 : i32 to vector<16xi32>
      %ge3A_1776 = arith.cmpi sge, %get3A_1773, %ge3A_1775 : vector<16xi32>
      %select_n3A_1777 = arith.select %ge3A_1776, %broadcast_in_dim3A_3, %broadcast_in_dim3A_1 : vector<16xi1>, vector<16xi32>
      %add3A_1778 = arith.addi %add3A_1769, %select_n3A_1777 : vector<16xi32>
      %add3A_1779 = arith.constant 144 : i32
      %add3A_1780 = arith.addi %mul3A_1697, %add3A_1779 : i32
      %get3A_1781 = arith.index_cast %add3A_1780 : i32 to index
      %get3A_1782 = tpu.vector_load %arg5[%get3A_1781] {strides = array<i32>} : memref<25600xi32, #tpu.memory_space<vmem>>, vector<16xi32>,
      %ge3A_1783 = arith.constant 1000000 : i32
      %ge3A_1784 = vector.broadcast %ge3A_1783 : i32 to vector<16xi32>
      %ge3A_1785 = arith.cmpi sge, %get3A_1782, %ge3A_1784 : vector<16xi32>
      %select_n3A_1786 = arith.select %ge3A_1785, %broadcast_in_dim3A_3, %broadcast_in_dim3A_1 : vector<16xi1>, vector<16xi32>
      %add3A_1787 = arith.addi %add3A_1778, %select_n3A_1786 : vector<16xi32>
      %add3A_1788 = arith.constant 160 : i32
      %add3A_1789 = arith.addi %mul3A_1697, %add3A_1788 : i32
      %get3A_1790 = arith.index_cast %add3A_1789 : i32 to index
      %get3A_1791 = tpu.vector_load %arg5[%get3A_1790] {strides = array<i32>} : memref<25600xi32, #tpu.memory_space<vmem>>, vector<16xi32>,
      %ge3A_1792 = arith.constant 1000000 : i32
      %ge3A_1793 = vector.broadcast %ge3A_1792 : i32 to vector<16xi32>
      %ge3A_1794 = arith.cmpi sge, %get3A_1791, %ge3A_1793 : vector<16xi32>
      %select_n3A_1795 = arith.select %ge3A_1794, %broadcast_in_dim3A_3, %broadcast_in_dim3A_1 : vector<16xi1>, vector<16xi32>
      %add3A_1796 = arith.addi %add3A_1787, %select_n3A_1795 : vector<16xi32>
      %add3A_1797 = arith.constant 176 : i32
      %add3A_1798 = arith.addi %mul3A_1697, %add3A_1797 : i32
      %get3A_1799 = arith.index_cast %add3A_1798 : i32 to index
      %get3A_1800 = tpu.vector_load %arg5[%get3A_1799] {strides = array<i32>} : memref<25600xi32, #tpu.memory_space<vmem>>, vector<16xi32>,
      %ge3A_1801 = arith.constant 1000000 : i32
      %ge3A_1802 = vector.broadcast %ge3A_1801 : i32 to vector<16xi32>
      %ge3A_1803 = arith.cmpi sge, %get3A_1800, %ge3A_1802 : vector<16xi32>
      %select_n3A_1804 = arith.select %ge3A_1803, %broadcast_in_dim3A_3, %broadcast_in_dim3A_1 : vector<16xi1>, vector<16xi32>
      %add3A_1805 = arith.addi %add3A_1796, %select_n3A_1804 : vector<16xi32>
      %add3A_1806 = arith.constant 192 : i32
      %add3A_1807 = arith.addi %mul3A_1697, %add3A_1806 : i32
      %get3A_1808 = arith.index_cast %add3A_1807 : i32 to index
      %get3A_1809 = tpu.vector_load %arg5[%get3A_1808] {strides = array<i32>} : memref<25600xi32, #tpu.memory_space<vmem>>, vector<16xi32>,
      %ge3A_1810 = arith.constant 1000000 : i32
      %ge3A_1811 = vector.broadcast %ge3A_1810 : i32 to vector<16xi32>
      %ge3A_1812 = arith.cmpi sge, %get3A_1809, %ge3A_1811 : vector<16xi32>
      %select_n3A_1813 = arith.select %ge3A_1812, %broadcast_in_dim3A_3, %broadcast_in_dim3A_1 : vector<16xi1>, vector<16xi32>
      %add3A_1814 = arith.addi %add3A_1805, %select_n3A_1813 : vector<16xi32>
      %add3A_1815 = arith.constant 208 : i32
      %add3A_1816 = arith.addi %mul3A_1697, %add3A_1815 : i32
      %get3A_1817 = arith.index_cast %add3A_1816 : i32 to index
      %get3A_1818 = tpu.vector_load %arg5[%get3A_1817] {strides = array<i32>} : memref<25600xi32, #tpu.memory_space<vmem>>, vector<16xi32>,
      %ge3A_1819 = arith.constant 1000000 : i32
      %ge3A_1820 = vector.broadcast %ge3A_1819 : i32 to vector<16xi32>
      %ge3A_1821 = arith.cmpi sge, %get3A_1818, %ge3A_1820 : vector<16xi32>
      %select_n3A_1822 = arith.select %ge3A_1821, %broadcast_in_dim3A_3, %broadcast_in_dim3A_1 : vector<16xi1>, vector<16xi32>
      %add3A_1823 = arith.addi %add3A_1814, %select_n3A_1822 : vector<16xi32>
      %add3A_1824 = arith.constant 224 : i32
      %add3A_1825 = arith.addi %mul3A_1697, %add3A_1824 : i32
      %get3A_1826 = arith.index_cast %add3A_1825 : i32 to index
      %get3A_1827 = tpu.vector_load %arg5[%get3A_1826] {strides = array<i32>} : memref<25600xi32, #tpu.memory_space<vmem>>, vector<16xi32>,
      %ge3A_1828 = arith.constant 1000000 : i32
      %ge3A_1829 = vector.broadcast %ge3A_1828 : i32 to vector<16xi32>
      %ge3A_1830 = arith.cmpi sge, %get3A_1827, %ge3A_1829 : vector<16xi32>
      %select_n3A_1831 = arith.select %ge3A_1830, %broadcast_in_dim3A_3, %broadcast_in_dim3A_1 : vector<16xi1>, vector<16xi32>
      %add3A_1832 = arith.addi %add3A_1823, %select_n3A_1831 : vector<16xi32>
      %add3A_1833 = arith.constant 240 : i32
      %add3A_1834 = arith.addi %mul3A_1697, %add3A_1833 : i32
      %get3A_1835 = arith.index_cast %add3A_1834 : i32 to index
      %get3A_1836 = tpu.vector_load %arg5[%get3A_1835] {strides = array<i32>} : memref<25600xi32, #tpu.memory_space<vmem>>, vector<16xi32>,
      %ge3A_1837 = arith.constant 1000000 : i32
      %ge3A_1838 = vector.broadcast %ge3A_1837 : i32 to vector<16xi32>
      %ge3A_1839 = arith.cmpi sge, %get3A_1836, %ge3A_1838 : vector<16xi32>
      %select_n3A_1840 = arith.select %ge3A_1839, %broadcast_in_dim3A_3, %broadcast_in_dim3A_1 : vector<16xi1>, vector<16xi32>
      %add3A_1841 = arith.addi %add3A_1832, %select_n3A_1840 : vector<16xi32>
      %add3A_1842 = arith.constant 256 : i32
      %add3A_1843 = arith.addi %mul3A_1697, %add3A_1842 : i32
      %get3A_1844 = arith.index_cast %add3A_1843 : i32 to index
      %get3A_1845 = tpu.vector_load %arg5[%get3A_1844] {strides = array<i32>} : memref<25600xi32, #tpu.memory_space<vmem>>, vector<16xi32>,
      %ge3A_1846 = arith.constant 1000000 : i32
      %ge3A_1847 = vector.broadcast %ge3A_1846 : i32 to vector<16xi32>
      %ge3A_1848 = arith.cmpi sge, %get3A_1845, %ge3A_1847 : vector<16xi32>
      %select_n3A_1849 = arith.select %ge3A_1848, %broadcast_in_dim3A_3, %broadcast_in_dim3A_1 : vector<16xi1>, vector<16xi32>
      %add3A_1850 = arith.addi %add3A_1841, %select_n3A_1849 : vector<16xi32>
      %add3A_1851 = arith.constant 272 : i32
      %add3A_1852 = arith.addi %mul3A_1697, %add3A_1851 : i32
      %get3A_1853 = arith.index_cast %add3A_1852 : i32 to index
      %get3A_1854 = tpu.vector_load %arg5[%get3A_1853] {strides = array<i32>} : memref<25600xi32, #tpu.memory_space<vmem>>, vector<16xi32>,
      %ge3A_1855 = arith.constant 1000000 : i32
      %ge3A_1856 = vector.broadcast %ge3A_1855 : i32 to vector<16xi32>
      %ge3A_1857 = arith.cmpi sge, %get3A_1854, %ge3A_1856 : vector<16xi32>
      %select_n3A_1858 = arith.select %ge3A_1857, %broadcast_in_dim3A_3, %broadcast_in_dim3A_1 : vector<16xi1>, vector<16xi32>
      %add3A_1859 = arith.addi %add3A_1850, %select_n3A_1858 : vector<16xi32>
      %add3A_1860 = arith.constant 288 : i32
      %add3A_1861 = arith.addi %mul3A_1697, %add3A_1860 : i32
      %get3A_1862 = arith.index_cast %add3A_1861 : i32 to index
      %get3A_1863 = tpu.vector_load %arg5[%get3A_1862] {strides = array<i32>} : memref<25600xi32, #tpu.memory_space<vmem>>, vector<16xi32>,
      %ge3A_1864 = arith.constant 1000000 : i32
      %ge3A_1865 = vector.broadcast %ge3A_1864 : i32 to vector<16xi32>
      %ge3A_1866 = arith.cmpi sge, %get3A_1863, %ge3A_1865 : vector<16xi32>
      %select_n3A_1867 = arith.select %ge3A_1866, %broadcast_in_dim3A_3, %broadcast_in_dim3A_1 : vector<16xi1>, vector<16xi32>
      %add3A_1868 = arith.addi %add3A_1859, %select_n3A_1867 : vector<16xi32>
      %add3A_1869 = arith.constant 304 : i32
      %add3A_1870 = arith.addi %mul3A_1697, %add3A_1869 : i32
      %get3A_1871 = arith.index_cast %add3A_1870 : i32 to index
      %get3A_1872 = tpu.vector_load %arg5[%get3A_1871] {strides = array<i32>} : memref<25600xi32, #tpu.memory_space<vmem>>, vector<16xi32>,
      %ge3A_1873 = arith.constant 1000000 : i32
      %ge3A_1874 = vector.broadcast %ge3A_1873 : i32 to vector<16xi32>
      %ge3A_1875 = arith.cmpi sge, %get3A_1872, %ge3A_1874 : vector<16xi32>
      %select_n3A_1876 = arith.select %ge3A_1875, %broadcast_in_dim3A_3, %broadcast_in_dim3A_1 : vector<16xi1>, vector<16xi32>
      %add3A_1877 = arith.addi %add3A_1868, %select_n3A_1876 : vector<16xi32>
      %add3A_1878 = arith.constant 320 : i32
      %add3A_1879 = arith.addi %mul3A_1697, %add3A_1878 : i32
      %get3A_1880 = arith.index_cast %add3A_1879 : i32 to index
      %get3A_1881 = tpu.vector_load %arg5[%get3A_1880] {strides = array<i32>} : memref<25600xi32, #tpu.memory_space<vmem>>, vector<16xi32>,
      %ge3A_1882 = arith.constant 1000000 : i32
      %ge3A_1883 = vector.broadcast %ge3A_1882 : i32 to vector<16xi32>
      %ge3A_1884 = arith.cmpi sge, %get3A_1881, %ge3A_1883 : vector<16xi32>
      %select_n3A_1885 = arith.select %ge3A_1884, %broadcast_in_dim3A_3, %broadcast_in_dim3A_1 : vector<16xi1>, vector<16xi32>
      %add3A_1886 = arith.addi %add3A_1877, %select_n3A_1885 : vector<16xi32>
      %add3A_1887 = arith.constant 336 : i32
      %add3A_1888 = arith.addi %mul3A_1697, %add3A_1887 : i32
      %get3A_1889 = arith.index_cast %add3A_1888 : i32 to index
      %get3A_1890 = tpu.vector_load %arg5[%get3A_1889] {strides = array<i32>} : memref<25600xi32, #tpu.memory_space<vmem>>, vector<16xi32>,
      %ge3A_1891 = arith.constant 1000000 : i32
      %ge3A_1892 = vector.broadcast %ge3A_1891 : i32 to vector<16xi32>
      %ge3A_1893 = arith.cmpi sge, %get3A_1890, %ge3A_1892 : vector<16xi32>
      %select_n3A_1894 = arith.select %ge3A_1893, %broadcast_in_dim3A_3, %broadcast_in_dim3A_1 : vector<16xi1>, vector<16xi32>
      %add3A_1895 = arith.addi %add3A_1886, %select_n3A_1894 : vector<16xi32>
      %add3A_1896 = arith.constant 352 : i32
      %add3A_1897 = arith.addi %mul3A_1697, %add3A_1896 : i32
      %get3A_1898 = arith.index_cast %add3A_1897 : i32 to index
      %get3A_1899 = tpu.vector_load %arg5[%get3A_1898] {strides = array<i32>} : memref<25600xi32, #tpu.memory_space<vmem>>, vector<16xi32>,
      %ge3A_1900 = arith.constant 1000000 : i32
      %ge3A_1901 = vector.broadcast %ge3A_1900 : i32 to vector<16xi32>
      %ge3A_1902 = arith.cmpi sge, %get3A_1899, %ge3A_1901 : vector<16xi32>
      %select_n3A_1903 = arith.select %ge3A_1902, %broadcast_in_dim3A_3, %broadcast_in_dim3A_1 : vector<16xi1>, vector<16xi32>
      %add3A_1904 = arith.addi %add3A_1895, %select_n3A_1903 : vector<16xi32>
      %add3A_1905 = arith.constant 368 : i32
      %add3A_1906 = arith.addi %mul3A_1697, %add3A_1905 : i32
      %get3A_1907 = arith.index_cast %add3A_1906 : i32 to index
      %get3A_1908 = tpu.vector_load %arg5[%get3A_1907] {strides = array<i32>} : memref<25600xi32, #tpu.memory_space<vmem>>, vector<16xi32>,
      %ge3A_1909 = arith.constant 1000000 : i32
      %ge3A_1910 = vector.broadcast %ge3A_1909 : i32 to vector<16xi32>
      %ge3A_1911 = arith.cmpi sge, %get3A_1908, %ge3A_1910 : vector<16xi32>
      %select_n3A_1912 = arith.select %ge3A_1911, %broadcast_in_dim3A_3, %broadcast_in_dim3A_1 : vector<16xi1>, vector<16xi32>
      %add3A_1913 = arith.addi %add3A_1904, %select_n3A_1912 : vector<16xi32>
      %add3A_1914 = arith.constant 384 : i32
      %add3A_1915 = arith.addi %mul3A_1697, %add3A_1914 : i32
      %get3A_1916 = arith.index_cast %add3A_1915 : i32 to index
      %get3A_1917 = tpu.vector_load %arg5[%get3A_1916] {strides = array<i32>} : memref<25600xi32, #tpu.memory_space<vmem>>, vector<16xi32>,
      %ge3A_1918 = arith.constant 1000000 : i32
      %ge3A_1919 = vector.broadcast %ge3A_1918 : i32 to vector<16xi32>
      %ge3A_1920 = arith.cmpi sge, %get3A_1917, %ge3A_1919 : vector<16xi32>
      %select_n3A_1921 = arith.select %ge3A_1920, %broadcast_in_dim3A_3, %broadcast_in_dim3A_1 : vector<16xi1>, vector<16xi32>
      %add3A_1922 = arith.addi %add3A_1913, %select_n3A_1921 : vector<16xi32>
      %add3A_1923 = arith.constant 400 : i32
      %add3A_1924 = arith.addi %mul3A_1697, %add3A_1923 : i32
      %get3A_1925 = arith.index_cast %add3A_1924 : i32 to index
      %get3A_1926 = tpu.vector_load %arg5[%get3A_1925] {strides = array<i32>} : memref<25600xi32, #tpu.memory_space<vmem>>, vector<16xi32>,
      %ge3A_1927 = arith.constant 1000000 : i32
      %ge3A_1928 = vector.broadcast %ge3A_1927 : i32 to vector<16xi32>
      %ge3A_1929 = arith.cmpi sge, %get3A_1926, %ge3A_1928 : vector<16xi32>
      %select_n3A_1930 = arith.select %ge3A_1929, %broadcast_in_dim3A_3, %broadcast_in_dim3A_1 : vector<16xi1>, vector<16xi32>
      %add3A_1931 = arith.addi %add3A_1922, %select_n3A_1930 : vector<16xi32>
      %add3A_1932 = arith.constant 416 : i32
      %add3A_1933 = arith.addi %mul3A_1697, %add3A_1932 : i32
      %get3A_1934 = arith.index_cast %add3A_1933 : i32 to index
      %get3A_1935 = tpu.vector_load %arg5[%get3A_1934] {strides = array<i32>} : memref<25600xi32, #tpu.memory_space<vmem>>, vector<16xi32>,
      %ge3A_1936 = arith.constant 1000000 : i32
      %ge3A_1937 = vector.broadcast %ge3A_1936 : i32 to vector<16xi32>
      %ge3A_1938 = arith.cmpi sge, %get3A_1935, %ge3A_1937 : vector<16xi32>
      %select_n3A_1939 = arith.select %ge3A_1938, %broadcast_in_dim3A_3, %broadcast_in_dim3A_1 : vector<16xi1>, vector<16xi32>
      %add3A_1940 = arith.addi %add3A_1931, %select_n3A_1939 : vector<16xi32>
      %add3A_1941 = arith.constant 432 : i32
      %add3A_1942 = arith.addi %mul3A_1697, %add3A_1941 : i32
      %get3A_1943 = arith.index_cast %add3A_1942 : i32 to index
      %get3A_1944 = tpu.vector_load %arg5[%get3A_1943] {strides = array<i32>} : memref<25600xi32, #tpu.memory_space<vmem>>, vector<16xi32>,
      %ge3A_1945 = arith.constant 1000000 : i32
      %ge3A_1946 = vector.broadcast %ge3A_1945 : i32 to vector<16xi32>
      %ge3A_1947 = arith.cmpi sge, %get3A_1944, %ge3A_1946 : vector<16xi32>
      %select_n3A_1948 = arith.select %ge3A_1947, %broadcast_in_dim3A_3, %broadcast_in_dim3A_1 : vector<16xi1>, vector<16xi32>
      %add3A_1949 = arith.addi %add3A_1940, %select_n3A_1948 : vector<16xi32>
      %add3A_1950 = arith.constant 448 : i32
      %add3A_1951 = arith.addi %mul3A_1697, %add3A_1950 : i32
      %get3A_1952 = arith.index_cast %add3A_1951 : i32 to index
      %get3A_1953 = tpu.vector_load %arg5[%get3A_1952] {strides = array<i32>} : memref<25600xi32, #tpu.memory_space<vmem>>, vector<16xi32>,
      %ge3A_1954 = arith.constant 1000000 : i32
      %ge3A_1955 = vector.broadcast %ge3A_1954 : i32 to vector<16xi32>
      %ge3A_1956 = arith.cmpi sge, %get3A_1953, %ge3A_1955 : vector<16xi32>
      %select_n3A_1957 = arith.select %ge3A_1956, %broadcast_in_dim3A_3, %broadcast_in_dim3A_1 : vector<16xi1>, vector<16xi32>
      %add3A_1958 = arith.addi %add3A_1949, %select_n3A_1957 : vector<16xi32>
      %add3A_1959 = arith.constant 464 : i32
      %add3A_1960 = arith.addi %mul3A_1697, %add3A_1959 : i32
      %get3A_1961 = arith.index_cast %add3A_1960 : i32 to index
      %get3A_1962 = tpu.vector_load %arg5[%get3A_1961] {strides = array<i32>} : memref<25600xi32, #tpu.memory_space<vmem>>, vector<16xi32>,
      %ge3A_1963 = arith.constant 1000000 : i32
      %ge3A_1964 = vector.broadcast %ge3A_1963 : i32 to vector<16xi32>
      %ge3A_1965 = arith.cmpi sge, %get3A_1962, %ge3A_1964 : vector<16xi32>
      %select_n3A_1966 = arith.select %ge3A_1965, %broadcast_in_dim3A_3, %broadcast_in_dim3A_1 : vector<16xi1>, vector<16xi32>
      %add3A_1967 = arith.addi %add3A_1958, %select_n3A_1966 : vector<16xi32>
      %add3A_1968 = arith.constant 480 : i32
      %add3A_1969 = arith.addi %mul3A_1697, %add3A_1968 : i32
      %get3A_1970 = arith.index_cast %add3A_1969 : i32 to index
      %get3A_1971 = tpu.vector_load %arg5[%get3A_1970] {strides = array<i32>} : memref<25600xi32, #tpu.memory_space<vmem>>, vector<16xi32>,
      %ge3A_1972 = arith.constant 1000000 : i32
      %ge3A_1973 = vector.broadcast %ge3A_1972 : i32 to vector<16xi32>
      %ge3A_1974 = arith.cmpi sge, %get3A_1971, %ge3A_1973 : vector<16xi32>
      %select_n3A_1975 = arith.select %ge3A_1974, %broadcast_in_dim3A_3, %broadcast_in_dim3A_1 : vector<16xi1>, vector<16xi32>
      %add3A_1976 = arith.addi %add3A_1967, %select_n3A_1975 : vector<16xi32>
      %add3A_1977 = arith.constant 496 : i32
      %add3A_1978 = arith.addi %mul3A_1697, %add3A_1977 : i32
      %get3A_1979 = arith.index_cast %add3A_1978 : i32 to index
      %get3A_1980 = tpu.vector_load %arg5[%get3A_1979] {strides = array<i32>} : memref<25600xi32, #tpu.memory_space<vmem>>, vector<16xi32>,
      %ge3A_1981 = arith.constant 1000000 : i32
      %ge3A_1982 = vector.broadcast %ge3A_1981 : i32 to vector<16xi32>
      %ge3A_1983 = arith.cmpi sge, %get3A_1980, %ge3A_1982 : vector<16xi32>
      %select_n3A_1984 = arith.select %ge3A_1983, %broadcast_in_dim3A_3, %broadcast_in_dim3A_1 : vector<16xi1>, vector<16xi32>
      %add3A_1985 = arith.addi %add3A_1976, %select_n3A_1984 : vector<16xi32>
      %reduce_sum3A = arith.constant true
      %reduce_sum3A_1986 = vector.broadcast %reduce_sum3A : i1 to vector<16xi1>
      %reduce_sum3A_1987 = tpu.scan <sum>, %add3A_1985 masked %reduce_sum3A_1986 : vector<16xi32>, vector<16xi1> -> vector<16xi32>
      %reduce_sum3A_1988 = vector.extract %reduce_sum3A_1987[15] : i32 from vector<16xi32>
      %gt3A = arith.constant 0 : i32
      %gt3A_1989 = arith.cmpi sgt, %reduce_sum3A_1988, %gt3A : i32
      %convert_element_type3A = arith.extui %gt3A_1989 : i1 to i32
      %cond3A = arith.constant 0 : i32
      %cond3A_1990 = arith.cmpi ne, %convert_element_type3A, %cond3A : i32
      scf.if %cond3A_1990 {
        %mul3A_2519 = arith.constant 512 : i32
        %mul3A_2520 = arith.muli %mul3A_1227, %mul3A_2519 : i32
        %scan3A_2521 = arith.constant 0 : i32
        %scan3A_2522 = arith.constant 0 : i32
        %scan3A_2523 = arith.constant 32 : i32
        %scan3A_2524 = arith.addi %scan3A_2522, %scan3A_2523 : i32
        %scan3A_2525 = arith.constant 1 : i32
        scf.for %scan3A_2527 = %scan3A_2522 to %scan3A_2524 step %scan3A_2525  : i32 {
          %mul3A_2528 = arith.constant 16 : i32
          %mul3A_2529 = arith.muli %scan3A_2527, %mul3A_2528 : i32
          %add3A_2530 = arith.addi %mul3A_2520, %mul3A_2529 : i32
          %get3A_2531 = arith.index_cast %add3A_2530 : i32 to index
          %get3A_2532 = tpu.vector_load %arg5[%get3A_2531] {strides = array<i32>} : memref<25600xi32, #tpu.memory_space<vmem>>, vector<16xi32>,
          %ge3A_2533 = arith.constant 1000000 : i32
          %ge3A_2534 = vector.broadcast %ge3A_2533 : i32 to vector<16xi32>
          %ge3A_2535 = arith.cmpi sge, %get3A_2532, %ge3A_2534 : vector<16xi32>
          %mul3A_2536 = arith.constant 16 : i32
          %mul3A_2537 = arith.muli %scan3A_2527, %mul3A_2536 : i32
          %add3A_2538 = vector.broadcast %mul3A_2537 : i32 to vector<16xi32>
          %add3A_2539 = arith.addi %add3A_2538, %iota3A : vector<16xi32>
          %broadcast_in_dim3A_2540 = arith.constant 0 : i32
          %broadcast_in_dim3A_2541 = vector.broadcast %broadcast_in_dim3A_2540 : i32 to vector<16xi32>
          tpu.vector_store_idx %arg8[%add3A_2539, %broadcast_in_dim3A_2541], %broadcast_in_dim3A_5 masked %ge3A_2535 : memref<512x32xf32, #tpu.memory_space<vmem>>[vector<16xi32>, vector<16xi32>], vector<16xf32>, vector<16xi1>
          %broadcast_in_dim3A_2542 = arith.constant 1 : i32
          %broadcast_in_dim3A_2543 = vector.broadcast %broadcast_in_dim3A_2542 : i32 to vector<16xi32>
          tpu.vector_store_idx %arg8[%add3A_2539, %broadcast_in_dim3A_2543], %broadcast_in_dim3A_5 masked %ge3A_2535 : memref<512x32xf32, #tpu.memory_space<vmem>>[vector<16xi32>, vector<16xi32>], vector<16xf32>, vector<16xi1>
          %broadcast_in_dim3A_2544 = arith.constant 2 : i32
          %broadcast_in_dim3A_2545 = vector.broadcast %broadcast_in_dim3A_2544 : i32 to vector<16xi32>
          tpu.vector_store_idx %arg8[%add3A_2539, %broadcast_in_dim3A_2545], %broadcast_in_dim3A_5 masked %ge3A_2535 : memref<512x32xf32, #tpu.memory_space<vmem>>[vector<16xi32>, vector<16xi32>], vector<16xf32>, vector<16xi1>
          %broadcast_in_dim3A_2546 = arith.constant 3 : i32
          %broadcast_in_dim3A_2547 = vector.broadcast %broadcast_in_dim3A_2546 : i32 to vector<16xi32>
          tpu.vector_store_idx %arg8[%add3A_2539, %broadcast_in_dim3A_2547], %broadcast_in_dim3A_5 masked %ge3A_2535 : memref<512x32xf32, #tpu.memory_space<vmem>>[vector<16xi32>, vector<16xi32>], vector<16xf32>, vector<16xi1>
          %broadcast_in_dim3A_2548 = arith.constant 4 : i32
          %broadcast_in_dim3A_2549 = vector.broadcast %broadcast_in_dim3A_2548 : i32 to vector<16xi32>
          tpu.vector_store_idx %arg8[%add3A_2539, %broadcast_in_dim3A_2549], %broadcast_in_dim3A_5 masked %ge3A_2535 : memref<512x32xf32, #tpu.memory_space<vmem>>[vector<16xi32>, vector<16xi32>], vector<16xf32>, vector<16xi1>
          %broadcast_in_dim3A_2550 = arith.constant 5 : i32
          %broadcast_in_dim3A_2551 = vector.broadcast %broadcast_in_dim3A_2550 : i32 to vector<16xi32>
          tpu.vector_store_idx %arg8[%add3A_2539, %broadcast_in_dim3A_2551], %broadcast_in_dim3A_5 masked %ge3A_2535 : memref<512x32xf32, #tpu.memory_space<vmem>>[vector<16xi32>, vector<16xi32>], vector<16xf32>, vector<16xi1>
          %broadcast_in_dim3A_2552 = arith.constant 6 : i32
          %broadcast_in_dim3A_2553 = vector.broadcast %broadcast_in_dim3A_2552 : i32 to vector<16xi32>
          tpu.vector_store_idx %arg8[%add3A_2539, %broadcast_in_dim3A_2553], %broadcast_in_dim3A_5 masked %ge3A_2535 : memref<512x32xf32, #tpu.memory_space<vmem>>[vector<16xi32>, vector<16xi32>], vector<16xf32>, vector<16xi1>
          %broadcast_in_dim3A_2554 = arith.constant 7 : i32
          %broadcast_in_dim3A_2555 = vector.broadcast %broadcast_in_dim3A_2554 : i32 to vector<16xi32>
          tpu.vector_store_idx %arg8[%add3A_2539, %broadcast_in_dim3A_2555], %broadcast_in_dim3A_5 masked %ge3A_2535 : memref<512x32xf32, #tpu.memory_space<vmem>>[vector<16xi32>, vector<16xi32>], vector<16xf32>, vector<16xi1>
          %broadcast_in_dim3A_2556 = arith.constant 8 : i32
          %broadcast_in_dim3A_2557 = vector.broadcast %broadcast_in_dim3A_2556 : i32 to vector<16xi32>
          tpu.vector_store_idx %arg8[%add3A_2539, %broadcast_in_dim3A_2557], %broadcast_in_dim3A_5 masked %ge3A_2535 : memref<512x32xf32, #tpu.memory_space<vmem>>[vector<16xi32>, vector<16xi32>], vector<16xf32>, vector<16xi1>
          %broadcast_in_dim3A_2558 = arith.constant 9 : i32
          %broadcast_in_dim3A_2559 = vector.broadcast %broadcast_in_dim3A_2558 : i32 to vector<16xi32>
          tpu.vector_store_idx %arg8[%add3A_2539, %broadcast_in_dim3A_2559], %broadcast_in_dim3A_5 masked %ge3A_2535 : memref<512x32xf32, #tpu.memory_space<vmem>>[vector<16xi32>, vector<16xi32>], vector<16xf32>, vector<16xi1>
          %broadcast_in_dim3A_2560 = arith.constant 10 : i32
          %broadcast_in_dim3A_2561 = vector.broadcast %broadcast_in_dim3A_2560 : i32 to vector<16xi32>
          tpu.vector_store_idx %arg8[%add3A_2539, %broadcast_in_dim3A_2561], %broadcast_in_dim3A_5 masked %ge3A_2535 : memref<512x32xf32, #tpu.memory_space<vmem>>[vector<16xi32>, vector<16xi32>], vector<16xf32>, vector<16xi1>
          %broadcast_in_dim3A_2562 = arith.constant 11 : i32
          %broadcast_in_dim3A_2563 = vector.broadcast %broadcast_in_dim3A_2562 : i32 to vector<16xi32>
          tpu.vector_store_idx %arg8[%add3A_2539, %broadcast_in_dim3A_2563], %broadcast_in_dim3A_5 masked %ge3A_2535 : memref<512x32xf32, #tpu.memory_space<vmem>>[vector<16xi32>, vector<16xi32>], vector<16xf32>, vector<16xi1>
          %broadcast_in_dim3A_2564 = arith.constant 12 : i32
          %broadcast_in_dim3A_2565 = vector.broadcast %broadcast_in_dim3A_2564 : i32 to vector<16xi32>
          tpu.vector_store_idx %arg8[%add3A_2539, %broadcast_in_dim3A_2565], %broadcast_in_dim3A_5 masked %ge3A_2535 : memref<512x32xf32, #tpu.memory_space<vmem>>[vector<16xi32>, vector<16xi32>], vector<16xf32>, vector<16xi1>
          %broadcast_in_dim3A_2566 = arith.constant 13 : i32
          %broadcast_in_dim3A_2567 = vector.broadcast %broadcast_in_dim3A_2566 : i32 to vector<16xi32>
          tpu.vector_store_idx %arg8[%add3A_2539, %broadcast_in_dim3A_2567], %broadcast_in_dim3A_5 masked %ge3A_2535 : memref<512x32xf32, #tpu.memory_space<vmem>>[vector<16xi32>, vector<16xi32>], vector<16xf32>, vector<16xi1>
          %broadcast_in_dim3A_2568 = arith.constant 14 : i32
          %broadcast_in_dim3A_2569 = vector.broadcast %broadcast_in_dim3A_2568 : i32 to vector<16xi32>
          tpu.vector_store_idx %arg8[%add3A_2539, %broadcast_in_dim3A_2569], %broadcast_in_dim3A_5 masked %ge3A_2535 : memref<512x32xf32, #tpu.memory_space<vmem>>[vector<16xi32>, vector<16xi32>], vector<16xf32>, vector<16xi1>
          %broadcast_in_dim3A_2570 = arith.constant 15 : i32
          %broadcast_in_dim3A_2571 = vector.broadcast %broadcast_in_dim3A_2570 : i32 to vector<16xi32>
          tpu.vector_store_idx %arg8[%add3A_2539, %broadcast_in_dim3A_2571], %broadcast_in_dim3A_5 masked %ge3A_2535 : memref<512x32xf32, #tpu.memory_space<vmem>>[vector<16xi32>, vector<16xi32>], vector<16xf32>, vector<16xi1>
          %broadcast_in_dim3A_2572 = arith.constant 16 : i32
          %broadcast_in_dim3A_2573 = vector.broadcast %broadcast_in_dim3A_2572 : i32 to vector<16xi32>
          tpu.vector_store_idx %arg8[%add3A_2539, %broadcast_in_dim3A_2573], %broadcast_in_dim3A_5 masked %ge3A_2535 : memref<512x32xf32, #tpu.memory_space<vmem>>[vector<16xi32>, vector<16xi32>], vector<16xf32>, vector<16xi1>
          %broadcast_in_dim3A_2574 = arith.constant 17 : i32
          %broadcast_in_dim3A_2575 = vector.broadcast %broadcast_in_dim3A_2574 : i32 to vector<16xi32>
          tpu.vector_store_idx %arg8[%add3A_2539, %broadcast_in_dim3A_2575], %broadcast_in_dim3A_5 masked %ge3A_2535 : memref<512x32xf32, #tpu.memory_space<vmem>>[vector<16xi32>, vector<16xi32>], vector<16xf32>, vector<16xi1>
          %broadcast_in_dim3A_2576 = arith.constant 18 : i32
          %broadcast_in_dim3A_2577 = vector.broadcast %broadcast_in_dim3A_2576 : i32 to vector<16xi32>
          tpu.vector_store_idx %arg8[%add3A_2539, %broadcast_in_dim3A_2577], %broadcast_in_dim3A_5 masked %ge3A_2535 : memref<512x32xf32, #tpu.memory_space<vmem>>[vector<16xi32>, vector<16xi32>], vector<16xf32>, vector<16xi1>
          %broadcast_in_dim3A_2578 = arith.constant 19 : i32
          %broadcast_in_dim3A_2579 = vector.broadcast %broadcast_in_dim3A_2578 : i32 to vector<16xi32>
          tpu.vector_store_idx %arg8[%add3A_2539, %broadcast_in_dim3A_2579], %broadcast_in_dim3A_5 masked %ge3A_2535 : memref<512x32xf32, #tpu.memory_space<vmem>>[vector<16xi32>, vector<16xi32>], vector<16xf32>, vector<16xi1>
          %broadcast_in_dim3A_2580 = arith.constant 20 : i32
          %broadcast_in_dim3A_2581 = vector.broadcast %broadcast_in_dim3A_2580 : i32 to vector<16xi32>
          tpu.vector_store_idx %arg8[%add3A_2539, %broadcast_in_dim3A_2581], %broadcast_in_dim3A_5 masked %ge3A_2535 : memref<512x32xf32, #tpu.memory_space<vmem>>[vector<16xi32>, vector<16xi32>], vector<16xf32>, vector<16xi1>
          %broadcast_in_dim3A_2582 = arith.constant 21 : i32
          %broadcast_in_dim3A_2583 = vector.broadcast %broadcast_in_dim3A_2582 : i32 to vector<16xi32>
          tpu.vector_store_idx %arg8[%add3A_2539, %broadcast_in_dim3A_2583], %broadcast_in_dim3A_5 masked %ge3A_2535 : memref<512x32xf32, #tpu.memory_space<vmem>>[vector<16xi32>, vector<16xi32>], vector<16xf32>, vector<16xi1>
          %broadcast_in_dim3A_2584 = arith.constant 22 : i32
          %broadcast_in_dim3A_2585 = vector.broadcast %broadcast_in_dim3A_2584 : i32 to vector<16xi32>
          tpu.vector_store_idx %arg8[%add3A_2539, %broadcast_in_dim3A_2585], %broadcast_in_dim3A_5 masked %ge3A_2535 : memref<512x32xf32, #tpu.memory_space<vmem>>[vector<16xi32>, vector<16xi32>], vector<16xf32>, vector<16xi1>
          %broadcast_in_dim3A_2586 = arith.constant 23 : i32
          %broadcast_in_dim3A_2587 = vector.broadcast %broadcast_in_dim3A_2586 : i32 to vector<16xi32>
          tpu.vector_store_idx %arg8[%add3A_2539, %broadcast_in_dim3A_2587], %broadcast_in_dim3A_5 masked %ge3A_2535 : memref<512x32xf32, #tpu.memory_space<vmem>>[vector<16xi32>, vector<16xi32>], vector<16xf32>, vector<16xi1>
          %broadcast_in_dim3A_2588 = arith.constant 24 : i32
          %broadcast_in_dim3A_2589 = vector.broadcast %broadcast_in_dim3A_2588 : i32 to vector<16xi32>
          tpu.vector_store_idx %arg8[%add3A_2539, %broadcast_in_dim3A_2589], %broadcast_in_dim3A_5 masked %ge3A_2535 : memref<512x32xf32, #tpu.memory_space<vmem>>[vector<16xi32>, vector<16xi32>], vector<16xf32>, vector<16xi1>
          %broadcast_in_dim3A_2590 = arith.constant 25 : i32
          %broadcast_in_dim3A_2591 = vector.broadcast %broadcast_in_dim3A_2590 : i32 to vector<16xi32>
          tpu.vector_store_idx %arg8[%add3A_2539, %broadcast_in_dim3A_2591], %broadcast_in_dim3A_5 masked %ge3A_2535 : memref<512x32xf32, #tpu.memory_space<vmem>>[vector<16xi32>, vector<16xi32>], vector<16xf32>, vector<16xi1>
          %broadcast_in_dim3A_2592 = arith.constant 26 : i32
          %broadcast_in_dim3A_2593 = vector.broadcast %broadcast_in_dim3A_2592 : i32 to vector<16xi32>
          tpu.vector_store_idx %arg8[%add3A_2539, %broadcast_in_dim3A_2593], %broadcast_in_dim3A_5 masked %ge3A_2535 : memref<512x32xf32, #tpu.memory_space<vmem>>[vector<16xi32>, vector<16xi32>], vector<16xf32>, vector<16xi1>
          %broadcast_in_dim3A_2594 = arith.constant 27 : i32
          %broadcast_in_dim3A_2595 = vector.broadcast %broadcast_in_dim3A_2594 : i32 to vector<16xi32>
          tpu.vector_store_idx %arg8[%add3A_2539, %broadcast_in_dim3A_2595], %broadcast_in_dim3A_5 masked %ge3A_2535 : memref<512x32xf32, #tpu.memory_space<vmem>>[vector<16xi32>, vector<16xi32>], vector<16xf32>, vector<16xi1>
          %broadcast_in_dim3A_2596 = arith.constant 28 : i32
          %broadcast_in_dim3A_2597 = vector.broadcast %broadcast_in_dim3A_2596 : i32 to vector<16xi32>
          tpu.vector_store_idx %arg8[%add3A_2539, %broadcast_in_dim3A_2597], %broadcast_in_dim3A_5 masked %ge3A_2535 : memref<512x32xf32, #tpu.memory_space<vmem>>[vector<16xi32>, vector<16xi32>], vector<16xf32>, vector<16xi1>
          %broadcast_in_dim3A_2598 = arith.constant 29 : i32
          %broadcast_in_dim3A_2599 = vector.broadcast %broadcast_in_dim3A_2598 : i32 to vector<16xi32>
          tpu.vector_store_idx %arg8[%add3A_2539, %broadcast_in_dim3A_2599], %broadcast_in_dim3A_5 masked %ge3A_2535 : memref<512x32xf32, #tpu.memory_space<vmem>>[vector<16xi32>, vector<16xi32>], vector<16xf32>, vector<16xi1>
          %broadcast_in_dim3A_2600 = arith.constant 30 : i32
          %broadcast_in_dim3A_2601 = vector.broadcast %broadcast_in_dim3A_2600 : i32 to vector<16xi32>
          tpu.vector_store_idx %arg8[%add3A_2539, %broadcast_in_dim3A_2601], %broadcast_in_dim3A_5 masked %ge3A_2535 : memref<512x32xf32, #tpu.memory_space<vmem>>[vector<16xi32>, vector<16xi32>], vector<16xf32>, vector<16xi1>
          %broadcast_in_dim3A_2602 = arith.constant 31 : i32
          %broadcast_in_dim3A_2603 = vector.broadcast %broadcast_in_dim3A_2602 : i32 to vector<16xi32>
          tpu.vector_store_idx %arg8[%add3A_2539, %broadcast_in_dim3A_2603], %broadcast_in_dim3A_5 masked %ge3A_2535 : memref<512x32xf32, #tpu.memory_space<vmem>>[vector<16xi32>, vector<16xi32>], vector<16xf32>, vector<16xi1>
        }
        %scan3A_2526 = arith.constant 32 : i32
      } else {
      }
      %ge3A_1991 = arith.constant 1 : i32
      %ge3A_1992 = arith.cmpi sge, %scan3A_1225, %ge3A_1991 : i32
      %convert_element_type3A_1993 = arith.extui %ge3A_1992 : i1 to i32
      %cond3A_1994 = arith.constant 0 : i32
      %cond3A_1995 = arith.cmpi ne, %convert_element_type3A_1993, %cond3A_1994 : i32
      scf.if %cond3A_1995 {
        %dma_wait3A_2519 = arith.constant 0 : i32
        %dma_wait3A_2520 = arith.constant 0 : i32
        %dma_wait3A_2521 = tpu.memref_slice %arg10[%dma_wait3A_2520] : memref<16384xf32, #tpu.memory_space<vmem>> -> memref<4096xf32, #tpu.memory_space<vmem>>
        %dma_wait3A_2522 = arith.constant 0 : i32
        %dma_wait3A_2523 = tpu.memref_slice %arg4[%dma_wait3A_2519, %dma_wait3A_2522] : memref<50x524288xf32, #tpu.memory_space<hbm>> -> memref<1x4096xf32, #tpu.memory_space<hbm>>
        %dma_wait3A_2524 = tpu.memref_squeeze %dma_wait3A_2523 : memref<1x4096xf32, #tpu.memory_space<hbm>> -> memref<4096xf32, #tpu.memory_space<hbm>>
        %dma_wait3A_2525 = arith.constant 0 : i32
        %dma_wait3A_2526 = tpu.memref_slice %arg4[%dma_wait3A_2519, %dma_wait3A_2525] : memref<50x524288xf32, #tpu.memory_space<hbm>> -> memref<1x4096xf32, #tpu.memory_space<hbm>>
        %dma_wait3A_2527 = tpu.memref_squeeze %dma_wait3A_2526 : memref<1x4096xf32, #tpu.memory_space<hbm>> -> memref<4096xf32, #tpu.memory_space<hbm>>
        %dma_wait3A_2528 = arith.constant 0 : i32
        %dma_wait3A_2529 = tpu.memref_slice %arg10[%dma_wait3A_2528] : memref<16384xf32, #tpu.memory_space<vmem>> -> memref<4096xf32, #tpu.memory_space<vmem>>
        tpu.wait_dma2 semaphore(%arg17 : memref<!tpu.dma_semaphore, #tpu.memory_space<semaphore_mem>>) src(%dma_wait3A_2529 : memref<4096xf32, #tpu.memory_space<vmem>>) dst(%dma_wait3A_2527 : memref<4096xf32, #tpu.memory_space<hbm>>)
        %dma_wait3A_2530 = arith.constant 0 : i32
        %dma_wait3A_2531 = arith.constant 4096 : i32
        %dma_wait3A_2532 = tpu.memref_slice %arg10[%dma_wait3A_2531] : memref<16384xf32, #tpu.memory_space<vmem>> -> memref<4096xf32, #tpu.memory_space<vmem>>
        %dma_wait3A_2533 = arith.constant 131072 : i32
        %dma_wait3A_2534 = tpu.memref_slice %arg4[%dma_wait3A_2530, %dma_wait3A_2533] : memref<50x524288xf32, #tpu.memory_space<hbm>> -> memref<1x4096xf32, #tpu.memory_space<hbm>>
        %dma_wait3A_2535 = tpu.memref_squeeze %dma_wait3A_2534 : memref<1x4096xf32, #tpu.memory_space<hbm>> -> memref<4096xf32, #tpu.memory_space<hbm>>
        %dma_wait3A_2536 = arith.constant 131072 : i32
        %dma_wait3A_2537 = tpu.memref_slice %arg4[%dma_wait3A_2530, %dma_wait3A_2536] : memref<50x524288xf32, #tpu.memory_space<hbm>> -> memref<1x4096xf32, #tpu.memory_space<hbm>>
        %dma_wait3A_2538 = tpu.memref_squeeze %dma_wait3A_2537 : memref<1x4096xf32, #tpu.memory_space<hbm>> -> memref<4096xf32, #tpu.memory_space<hbm>>
        %dma_wait3A_2539 = arith.constant 4096 : i32
        %dma_wait3A_2540 = tpu.memref_slice %arg10[%dma_wait3A_2539] : memref<16384xf32, #tpu.memory_space<vmem>> -> memref<4096xf32, #tpu.memory_space<vmem>>
        tpu.wait_dma2 semaphore(%arg17 : memref<!tpu.dma_semaphore, #tpu.memory_space<semaphore_mem>>) src(%dma_wait3A_2540 : memref<4096xf32, #tpu.memory_space<vmem>>) dst(%dma_wait3A_2538 : memref<4096xf32, #tpu.memory_space<hbm>>)
        %dma_wait3A_2541 = arith.constant 0 : i32
        %dma_wait3A_2542 = arith.constant 8192 : i32
        %dma_wait3A_2543 = tpu.memref_slice %arg10[%dma_wait3A_2542] : memref<16384xf32, #tpu.memory_space<vmem>> -> memref<4096xf32, #tpu.memory_space<vmem>>
        %dma_wait3A_2544 = arith.constant 262144 : i32
        %dma_wait3A_2545 = tpu.memref_slice %arg4[%dma_wait3A_2541, %dma_wait3A_2544] : memref<50x524288xf32, #tpu.memory_space<hbm>> -> memref<1x4096xf32, #tpu.memory_space<hbm>>
        %dma_wait3A_2546 = tpu.memref_squeeze %dma_wait3A_2545 : memref<1x4096xf32, #tpu.memory_space<hbm>> -> memref<4096xf32, #tpu.memory_space<hbm>>
        %dma_wait3A_2547 = arith.constant 262144 : i32
        %dma_wait3A_2548 = tpu.memref_slice %arg4[%dma_wait3A_2541, %dma_wait3A_2547] : memref<50x524288xf32, #tpu.memory_space<hbm>> -> memref<1x4096xf32, #tpu.memory_space<hbm>>
        %dma_wait3A_2549 = tpu.memref_squeeze %dma_wait3A_2548 : memref<1x4096xf32, #tpu.memory_space<hbm>> -> memref<4096xf32, #tpu.memory_space<hbm>>
        %dma_wait3A_2550 = arith.constant 8192 : i32
        %dma_wait3A_2551 = tpu.memref_slice %arg10[%dma_wait3A_2550] : memref<16384xf32, #tpu.memory_space<vmem>> -> memref<4096xf32, #tpu.memory_space<vmem>>
        tpu.wait_dma2 semaphore(%arg17 : memref<!tpu.dma_semaphore, #tpu.memory_space<semaphore_mem>>) src(%dma_wait3A_2551 : memref<4096xf32, #tpu.memory_space<vmem>>) dst(%dma_wait3A_2549 : memref<4096xf32, #tpu.memory_space<hbm>>)
        %dma_wait3A_2552 = arith.constant 0 : i32
        %dma_wait3A_2553 = arith.constant 12288 : i32
        %dma_wait3A_2554 = tpu.memref_slice %arg10[%dma_wait3A_2553] : memref<16384xf32, #tpu.memory_space<vmem>> -> memref<4096xf32, #tpu.memory_space<vmem>>
        %dma_wait3A_2555 = arith.constant 393216 : i32
        %dma_wait3A_2556 = tpu.memref_slice %arg4[%dma_wait3A_2552, %dma_wait3A_2555] : memref<50x524288xf32, #tpu.memory_space<hbm>> -> memref<1x4096xf32, #tpu.memory_space<hbm>>
        %dma_wait3A_2557 = tpu.memref_squeeze %dma_wait3A_2556 : memref<1x4096xf32, #tpu.memory_space<hbm>> -> memref<4096xf32, #tpu.memory_space<hbm>>
        %dma_wait3A_2558 = arith.constant 393216 : i32
        %dma_wait3A_2559 = tpu.memref_slice %arg4[%dma_wait3A_2552, %dma_wait3A_2558] : memref<50x524288xf32, #tpu.memory_space<hbm>> -> memref<1x4096xf32, #tpu.memory_space<hbm>>
        %dma_wait3A_2560 = tpu.memref_squeeze %dma_wait3A_2559 : memref<1x4096xf32, #tpu.memory_space<hbm>> -> memref<4096xf32, #tpu.memory_space<hbm>>
        %dma_wait3A_2561 = arith.constant 12288 : i32
        %dma_wait3A_2562 = tpu.memref_slice %arg10[%dma_wait3A_2561] : memref<16384xf32, #tpu.memory_space<vmem>> -> memref<4096xf32, #tpu.memory_space<vmem>>
        tpu.wait_dma2 semaphore(%arg17 : memref<!tpu.dma_semaphore, #tpu.memory_space<semaphore_mem>>) src(%dma_wait3A_2562 : memref<4096xf32, #tpu.memory_space<vmem>>) dst(%dma_wait3A_2560 : memref<4096xf32, #tpu.memory_space<hbm>>)
      } else {
      }
      %scan3A_1996 = arith.constant 0 : i32
      %scan3A_1997 = arith.constant 0 : i32
      %scan3A_1998 = arith.constant 32 : i32
      %scan3A_1999 = arith.addi %scan3A_1997, %scan3A_1998 : i32
      %scan3A_2000 = arith.constant 1 : i32
      scf.for %scan3A_2519 = %scan3A_1997 to %scan3A_1999 step %scan3A_2000  : i32 {
        %mul3A_2520 = arith.constant 16 : i32
        %mul3A_2521 = arith.muli %scan3A_2519, %mul3A_2520 : i32
        %add3A_2522 = vector.broadcast %mul3A_2521 : i32 to vector<16xi32>
        %add3A_2523 = arith.addi %add3A_2522, %iota3A : vector<16xi32>
        %shift_right_arithmetic3A_2524 = arith.constant 3 : i32
        %shift_right_arithmetic3A_2525 = arith.shrsi %scan3A_2519, %shift_right_arithmetic3A_2524 : i32
        %mul3A_2526 = arith.constant 1024 : i32
        %mul3A_2527 = arith.muli %shift_right_arithmetic3A_2525, %mul3A_2526 : i32
        %and3A_2528 = arith.constant 7 : i32
        %and3A_2529 = arith.andi %scan3A_2519, %and3A_2528 : i32
        %mul3A_2530 = arith.constant 16 : i32
        %mul3A_2531 = arith.muli %and3A_2529, %mul3A_2530 : i32
        %add3A_2532 = arith.addi %mul3A_2527, %mul3A_2531 : i32
        %get3A_2533 = arith.constant 0 : index
        %get3A_2534 = tpu.vector_load %arg12[%get3A_2533] {strides = array<i32>} : memref<512xi32, #tpu.memory_space<vmem>>, vector<16xi32>,
        %get3A_2535 = arith.constant 0 : index
        %get3A_2536 = tpu.vector_load %arg13[%get3A_2535] {strides = array<i32>} : memref<512xi32, #tpu.memory_space<vmem>>, vector<16xi32>,
        %gather3A = tpu.vector_load_idx %arg8[%add3A_2523, %get3A_2534] : memref<512x32xf32, #tpu.memory_space<vmem>>[vector<16xi32>, vector<16xi32>], vector<16xf32>,
        %add3A_2537 = vector.broadcast %add3A_2532 : i32 to vector<16xi32>
        %add3A_2538 = arith.addi %get3A_2536, %add3A_2537 : vector<16xi32>
        tpu.vector_store_idx %arg10[%add3A_2538], %gather3A : memref<16384xf32, #tpu.memory_space<vmem>>[vector<16xi32>], vector<16xf32>,
        %get3A_2539 = arith.constant 16 : index
        %get3A_2540 = tpu.vector_load %arg12[%get3A_2539] {strides = array<i32>} : memref<512xi32, #tpu.memory_space<vmem>>, vector<16xi32>,
        %get3A_2541 = arith.constant 16 : index
        %get3A_2542 = tpu.vector_load %arg13[%get3A_2541] {strides = array<i32>} : memref<512xi32, #tpu.memory_space<vmem>>, vector<16xi32>,
        %gather3A_2543 = tpu.vector_load_idx %arg8[%add3A_2523, %get3A_2540] : memref<512x32xf32, #tpu.memory_space<vmem>>[vector<16xi32>, vector<16xi32>], vector<16xf32>,
        %add3A_2544 = vector.broadcast %add3A_2532 : i32 to vector<16xi32>
        %add3A_2545 = arith.addi %get3A_2542, %add3A_2544 : vector<16xi32>
        tpu.vector_store_idx %arg10[%add3A_2545], %gather3A_2543 : memref<16384xf32, #tpu.memory_space<vmem>>[vector<16xi32>], vector<16xf32>,
        %get3A_2546 = arith.constant 32 : index
        %get3A_2547 = tpu.vector_load %arg12[%get3A_2546] {strides = array<i32>} : memref<512xi32, #tpu.memory_space<vmem>>, vector<16xi32>,
        %get3A_2548 = arith.constant 32 : index
        %get3A_2549 = tpu.vector_load %arg13[%get3A_2548] {strides = array<i32>} : memref<512xi32, #tpu.memory_space<vmem>>, vector<16xi32>,
        %gather3A_2550 = tpu.vector_load_idx %arg8[%add3A_2523, %get3A_2547] : memref<512x32xf32, #tpu.memory_space<vmem>>[vector<16xi32>, vector<16xi32>], vector<16xf32>,
        %add3A_2551 = vector.broadcast %add3A_2532 : i32 to vector<16xi32>
        %add3A_2552 = arith.addi %get3A_2549, %add3A_2551 : vector<16xi32>
        tpu.vector_store_idx %arg10[%add3A_2552], %gather3A_2550 : memref<16384xf32, #tpu.memory_space<vmem>>[vector<16xi32>], vector<16xf32>,
        %get3A_2553 = arith.constant 48 : index
        %get3A_2554 = tpu.vector_load %arg12[%get3A_2553] {strides = array<i32>} : memref<512xi32, #tpu.memory_space<vmem>>, vector<16xi32>,
        %get3A_2555 = arith.constant 48 : index
        %get3A_2556 = tpu.vector_load %arg13[%get3A_2555] {strides = array<i32>} : memref<512xi32, #tpu.memory_space<vmem>>, vector<16xi32>,
        %gather3A_2557 = tpu.vector_load_idx %arg8[%add3A_2523, %get3A_2554] : memref<512x32xf32, #tpu.memory_space<vmem>>[vector<16xi32>, vector<16xi32>], vector<16xf32>,
        %add3A_2558 = vector.broadcast %add3A_2532 : i32 to vector<16xi32>
        %add3A_2559 = arith.addi %get3A_2556, %add3A_2558 : vector<16xi32>
        tpu.vector_store_idx %arg10[%add3A_2559], %gather3A_2557 : memref<16384xf32, #tpu.memory_space<vmem>>[vector<16xi32>], vector<16xf32>,
        %get3A_2560 = arith.constant 64 : index
        %get3A_2561 = tpu.vector_load %arg12[%get3A_2560] {strides = array<i32>} : memref<512xi32, #tpu.memory_space<vmem>>, vector<16xi32>,
        %get3A_2562 = arith.constant 64 : index
        %get3A_2563 = tpu.vector_load %arg13[%get3A_2562] {strides = array<i32>} : memref<512xi32, #tpu.memory_space<vmem>>, vector<16xi32>,
        %gather3A_2564 = tpu.vector_load_idx %arg8[%add3A_2523, %get3A_2561] : memref<512x32xf32, #tpu.memory_space<vmem>>[vector<16xi32>, vector<16xi32>], vector<16xf32>,
        %add3A_2565 = vector.broadcast %add3A_2532 : i32 to vector<16xi32>
        %add3A_2566 = arith.addi %get3A_2563, %add3A_2565 : vector<16xi32>
        tpu.vector_store_idx %arg10[%add3A_2566], %gather3A_2564 : memref<16384xf32, #tpu.memory_space<vmem>>[vector<16xi32>], vector<16xf32>,
        %get3A_2567 = arith.constant 80 : index
        %get3A_2568 = tpu.vector_load %arg12[%get3A_2567] {strides = array<i32>} : memref<512xi32, #tpu.memory_space<vmem>>, vector<16xi32>,
        %get3A_2569 = arith.constant 80 : index
        %get3A_2570 = tpu.vector_load %arg13[%get3A_2569] {strides = array<i32>} : memref<512xi32, #tpu.memory_space<vmem>>, vector<16xi32>,
        %gather3A_2571 = tpu.vector_load_idx %arg8[%add3A_2523, %get3A_2568] : memref<512x32xf32, #tpu.memory_space<vmem>>[vector<16xi32>, vector<16xi32>], vector<16xf32>,
        %add3A_2572 = vector.broadcast %add3A_2532 : i32 to vector<16xi32>
        %add3A_2573 = arith.addi %get3A_2570, %add3A_2572 : vector<16xi32>
        tpu.vector_store_idx %arg10[%add3A_2573], %gather3A_2571 : memref<16384xf32, #tpu.memory_space<vmem>>[vector<16xi32>], vector<16xf32>,
        %get3A_2574 = arith.constant 96 : index
        %get3A_2575 = tpu.vector_load %arg12[%get3A_2574] {strides = array<i32>} : memref<512xi32, #tpu.memory_space<vmem>>, vector<16xi32>,
        %get3A_2576 = arith.constant 96 : index
        %get3A_2577 = tpu.vector_load %arg13[%get3A_2576] {strides = array<i32>} : memref<512xi32, #tpu.memory_space<vmem>>, vector<16xi32>,
        %gather3A_2578 = tpu.vector_load_idx %arg8[%add3A_2523, %get3A_2575] : memref<512x32xf32, #tpu.memory_space<vmem>>[vector<16xi32>, vector<16xi32>], vector<16xf32>,
        %add3A_2579 = vector.broadcast %add3A_2532 : i32 to vector<16xi32>
        %add3A_2580 = arith.addi %get3A_2577, %add3A_2579 : vector<16xi32>
        tpu.vector_store_idx %arg10[%add3A_2580], %gather3A_2578 : memref<16384xf32, #tpu.memory_space<vmem>>[vector<16xi32>], vector<16xf32>,
        %get3A_2581 = arith.constant 112 : index
        %get3A_2582 = tpu.vector_load %arg12[%get3A_2581] {strides = array<i32>} : memref<512xi32, #tpu.memory_space<vmem>>, vector<16xi32>,
        %get3A_2583 = arith.constant 112 : index
        %get3A_2584 = tpu.vector_load %arg13[%get3A_2583] {strides = array<i32>} : memref<512xi32, #tpu.memory_space<vmem>>, vector<16xi32>,
        %gather3A_2585 = tpu.vector_load_idx %arg8[%add3A_2523, %get3A_2582] : memref<512x32xf32, #tpu.memory_space<vmem>>[vector<16xi32>, vector<16xi32>], vector<16xf32>,
        %add3A_2586 = vector.broadcast %add3A_2532 : i32 to vector<16xi32>
        %add3A_2587 = arith.addi %get3A_2584, %add3A_2586 : vector<16xi32>
        tpu.vector_store_idx %arg10[%add3A_2587], %gather3A_2585 : memref<16384xf32, #tpu.memory_space<vmem>>[vector<16xi32>], vector<16xf32>,
        %get3A_2588 = arith.constant 128 : index
        %get3A_2589 = tpu.vector_load %arg12[%get3A_2588] {strides = array<i32>} : memref<512xi32, #tpu.memory_space<vmem>>, vector<16xi32>,
        %get3A_2590 = arith.constant 128 : index
        %get3A_2591 = tpu.vector_load %arg13[%get3A_2590] {strides = array<i32>} : memref<512xi32, #tpu.memory_space<vmem>>, vector<16xi32>,
        %gather3A_2592 = tpu.vector_load_idx %arg8[%add3A_2523, %get3A_2589] : memref<512x32xf32, #tpu.memory_space<vmem>>[vector<16xi32>, vector<16xi32>], vector<16xf32>,
        %add3A_2593 = vector.broadcast %add3A_2532 : i32 to vector<16xi32>
        %add3A_2594 = arith.addi %get3A_2591, %add3A_2593 : vector<16xi32>
        tpu.vector_store_idx %arg10[%add3A_2594], %gather3A_2592 : memref<16384xf32, #tpu.memory_space<vmem>>[vector<16xi32>], vector<16xf32>,
        %get3A_2595 = arith.constant 144 : index
        %get3A_2596 = tpu.vector_load %arg12[%get3A_2595] {strides = array<i32>} : memref<512xi32, #tpu.memory_space<vmem>>, vector<16xi32>,
        %get3A_2597 = arith.constant 144 : index
        %get3A_2598 = tpu.vector_load %arg13[%get3A_2597] {strides = array<i32>} : memref<512xi32, #tpu.memory_space<vmem>>, vector<16xi32>,
        %gather3A_2599 = tpu.vector_load_idx %arg8[%add3A_2523, %get3A_2596] : memref<512x32xf32, #tpu.memory_space<vmem>>[vector<16xi32>, vector<16xi32>], vector<16xf32>,
        %add3A_2600 = vector.broadcast %add3A_2532 : i32 to vector<16xi32>
        %add3A_2601 = arith.addi %get3A_2598, %add3A_2600 : vector<16xi32>
        tpu.vector_store_idx %arg10[%add3A_2601], %gather3A_2599 : memref<16384xf32, #tpu.memory_space<vmem>>[vector<16xi32>], vector<16xf32>,
        %get3A_2602 = arith.constant 160 : index
        %get3A_2603 = tpu.vector_load %arg12[%get3A_2602] {strides = array<i32>} : memref<512xi32, #tpu.memory_space<vmem>>, vector<16xi32>,
        %get3A_2604 = arith.constant 160 : index
        %get3A_2605 = tpu.vector_load %arg13[%get3A_2604] {strides = array<i32>} : memref<512xi32, #tpu.memory_space<vmem>>, vector<16xi32>,
        %gather3A_2606 = tpu.vector_load_idx %arg8[%add3A_2523, %get3A_2603] : memref<512x32xf32, #tpu.memory_space<vmem>>[vector<16xi32>, vector<16xi32>], vector<16xf32>,
        %add3A_2607 = vector.broadcast %add3A_2532 : i32 to vector<16xi32>
        %add3A_2608 = arith.addi %get3A_2605, %add3A_2607 : vector<16xi32>
        tpu.vector_store_idx %arg10[%add3A_2608], %gather3A_2606 : memref<16384xf32, #tpu.memory_space<vmem>>[vector<16xi32>], vector<16xf32>,
        %get3A_2609 = arith.constant 176 : index
        %get3A_2610 = tpu.vector_load %arg12[%get3A_2609] {strides = array<i32>} : memref<512xi32, #tpu.memory_space<vmem>>, vector<16xi32>,
        %get3A_2611 = arith.constant 176 : index
        %get3A_2612 = tpu.vector_load %arg13[%get3A_2611] {strides = array<i32>} : memref<512xi32, #tpu.memory_space<vmem>>, vector<16xi32>,
        %gather3A_2613 = tpu.vector_load_idx %arg8[%add3A_2523, %get3A_2610] : memref<512x32xf32, #tpu.memory_space<vmem>>[vector<16xi32>, vector<16xi32>], vector<16xf32>,
        %add3A_2614 = vector.broadcast %add3A_2532 : i32 to vector<16xi32>
        %add3A_2615 = arith.addi %get3A_2612, %add3A_2614 : vector<16xi32>
        tpu.vector_store_idx %arg10[%add3A_2615], %gather3A_2613 : memref<16384xf32, #tpu.memory_space<vmem>>[vector<16xi32>], vector<16xf32>,
        %get3A_2616 = arith.constant 192 : index
        %get3A_2617 = tpu.vector_load %arg12[%get3A_2616] {strides = array<i32>} : memref<512xi32, #tpu.memory_space<vmem>>, vector<16xi32>,
        %get3A_2618 = arith.constant 192 : index
        %get3A_2619 = tpu.vector_load %arg13[%get3A_2618] {strides = array<i32>} : memref<512xi32, #tpu.memory_space<vmem>>, vector<16xi32>,
        %gather3A_2620 = tpu.vector_load_idx %arg8[%add3A_2523, %get3A_2617] : memref<512x32xf32, #tpu.memory_space<vmem>>[vector<16xi32>, vector<16xi32>], vector<16xf32>,
        %add3A_2621 = vector.broadcast %add3A_2532 : i32 to vector<16xi32>
        %add3A_2622 = arith.addi %get3A_2619, %add3A_2621 : vector<16xi32>
        tpu.vector_store_idx %arg10[%add3A_2622], %gather3A_2620 : memref<16384xf32, #tpu.memory_space<vmem>>[vector<16xi32>], vector<16xf32>,
        %get3A_2623 = arith.constant 208 : index
        %get3A_2624 = tpu.vector_load %arg12[%get3A_2623] {strides = array<i32>} : memref<512xi32, #tpu.memory_space<vmem>>, vector<16xi32>,
        %get3A_2625 = arith.constant 208 : index
        %get3A_2626 = tpu.vector_load %arg13[%get3A_2625] {strides = array<i32>} : memref<512xi32, #tpu.memory_space<vmem>>, vector<16xi32>,
        %gather3A_2627 = tpu.vector_load_idx %arg8[%add3A_2523, %get3A_2624] : memref<512x32xf32, #tpu.memory_space<vmem>>[vector<16xi32>, vector<16xi32>], vector<16xf32>,
        %add3A_2628 = vector.broadcast %add3A_2532 : i32 to vector<16xi32>
        %add3A_2629 = arith.addi %get3A_2626, %add3A_2628 : vector<16xi32>
        tpu.vector_store_idx %arg10[%add3A_2629], %gather3A_2627 : memref<16384xf32, #tpu.memory_space<vmem>>[vector<16xi32>], vector<16xf32>,
        %get3A_2630 = arith.constant 224 : index
        %get3A_2631 = tpu.vector_load %arg12[%get3A_2630] {strides = array<i32>} : memref<512xi32, #tpu.memory_space<vmem>>, vector<16xi32>,
        %get3A_2632 = arith.constant 224 : index
        %get3A_2633 = tpu.vector_load %arg13[%get3A_2632] {strides = array<i32>} : memref<512xi32, #tpu.memory_space<vmem>>, vector<16xi32>,
        %gather3A_2634 = tpu.vector_load_idx %arg8[%add3A_2523, %get3A_2631] : memref<512x32xf32, #tpu.memory_space<vmem>>[vector<16xi32>, vector<16xi32>], vector<16xf32>,
        %add3A_2635 = vector.broadcast %add3A_2532 : i32 to vector<16xi32>
        %add3A_2636 = arith.addi %get3A_2633, %add3A_2635 : vector<16xi32>
        tpu.vector_store_idx %arg10[%add3A_2636], %gather3A_2634 : memref<16384xf32, #tpu.memory_space<vmem>>[vector<16xi32>], vector<16xf32>,
        %get3A_2637 = arith.constant 240 : index
        %get3A_2638 = tpu.vector_load %arg12[%get3A_2637] {strides = array<i32>} : memref<512xi32, #tpu.memory_space<vmem>>, vector<16xi32>,
        %get3A_2639 = arith.constant 240 : index
        %get3A_2640 = tpu.vector_load %arg13[%get3A_2639] {strides = array<i32>} : memref<512xi32, #tpu.memory_space<vmem>>, vector<16xi32>,
        %gather3A_2641 = tpu.vector_load_idx %arg8[%add3A_2523, %get3A_2638] : memref<512x32xf32, #tpu.memory_space<vmem>>[vector<16xi32>, vector<16xi32>], vector<16xf32>,
        %add3A_2642 = vector.broadcast %add3A_2532 : i32 to vector<16xi32>
        %add3A_2643 = arith.addi %get3A_2640, %add3A_2642 : vector<16xi32>
        tpu.vector_store_idx %arg10[%add3A_2643], %gather3A_2641 : memref<16384xf32, #tpu.memory_space<vmem>>[vector<16xi32>], vector<16xf32>,
        %get3A_2644 = arith.constant 256 : index
        %get3A_2645 = tpu.vector_load %arg12[%get3A_2644] {strides = array<i32>} : memref<512xi32, #tpu.memory_space<vmem>>, vector<16xi32>,
        %get3A_2646 = arith.constant 256 : index
        %get3A_2647 = tpu.vector_load %arg13[%get3A_2646] {strides = array<i32>} : memref<512xi32, #tpu.memory_space<vmem>>, vector<16xi32>,
        %gather3A_2648 = tpu.vector_load_idx %arg8[%add3A_2523, %get3A_2645] : memref<512x32xf32, #tpu.memory_space<vmem>>[vector<16xi32>, vector<16xi32>], vector<16xf32>,
        %add3A_2649 = vector.broadcast %add3A_2532 : i32 to vector<16xi32>
        %add3A_2650 = arith.addi %get3A_2647, %add3A_2649 : vector<16xi32>
        tpu.vector_store_idx %arg10[%add3A_2650], %gather3A_2648 : memref<16384xf32, #tpu.memory_space<vmem>>[vector<16xi32>], vector<16xf32>,
        %get3A_2651 = arith.constant 272 : index
        %get3A_2652 = tpu.vector_load %arg12[%get3A_2651] {strides = array<i32>} : memref<512xi32, #tpu.memory_space<vmem>>, vector<16xi32>,
        %get3A_2653 = arith.constant 272 : index
        %get3A_2654 = tpu.vector_load %arg13[%get3A_2653] {strides = array<i32>} : memref<512xi32, #tpu.memory_space<vmem>>, vector<16xi32>,
        %gather3A_2655 = tpu.vector_load_idx %arg8[%add3A_2523, %get3A_2652] : memref<512x32xf32, #tpu.memory_space<vmem>>[vector<16xi32>, vector<16xi32>], vector<16xf32>,
        %add3A_2656 = vector.broadcast %add3A_2532 : i32 to vector<16xi32>
        %add3A_2657 = arith.addi %get3A_2654, %add3A_2656 : vector<16xi32>
        tpu.vector_store_idx %arg10[%add3A_2657], %gather3A_2655 : memref<16384xf32, #tpu.memory_space<vmem>>[vector<16xi32>], vector<16xf32>,
        %get3A_2658 = arith.constant 288 : index
        %get3A_2659 = tpu.vector_load %arg12[%get3A_2658] {strides = array<i32>} : memref<512xi32, #tpu.memory_space<vmem>>, vector<16xi32>,
        %get3A_2660 = arith.constant 288 : index
        %get3A_2661 = tpu.vector_load %arg13[%get3A_2660] {strides = array<i32>} : memref<512xi32, #tpu.memory_space<vmem>>, vector<16xi32>,
        %gather3A_2662 = tpu.vector_load_idx %arg8[%add3A_2523, %get3A_2659] : memref<512x32xf32, #tpu.memory_space<vmem>>[vector<16xi32>, vector<16xi32>], vector<16xf32>,
        %add3A_2663 = vector.broadcast %add3A_2532 : i32 to vector<16xi32>
        %add3A_2664 = arith.addi %get3A_2661, %add3A_2663 : vector<16xi32>
        tpu.vector_store_idx %arg10[%add3A_2664], %gather3A_2662 : memref<16384xf32, #tpu.memory_space<vmem>>[vector<16xi32>], vector<16xf32>,
        %get3A_2665 = arith.constant 304 : index
        %get3A_2666 = tpu.vector_load %arg12[%get3A_2665] {strides = array<i32>} : memref<512xi32, #tpu.memory_space<vmem>>, vector<16xi32>,
        %get3A_2667 = arith.constant 304 : index
        %get3A_2668 = tpu.vector_load %arg13[%get3A_2667] {strides = array<i32>} : memref<512xi32, #tpu.memory_space<vmem>>, vector<16xi32>,
        %gather3A_2669 = tpu.vector_load_idx %arg8[%add3A_2523, %get3A_2666] : memref<512x32xf32, #tpu.memory_space<vmem>>[vector<16xi32>, vector<16xi32>], vector<16xf32>,
        %add3A_2670 = vector.broadcast %add3A_2532 : i32 to vector<16xi32>
        %add3A_2671 = arith.addi %get3A_2668, %add3A_2670 : vector<16xi32>
        tpu.vector_store_idx %arg10[%add3A_2671], %gather3A_2669 : memref<16384xf32, #tpu.memory_space<vmem>>[vector<16xi32>], vector<16xf32>,
        %get3A_2672 = arith.constant 320 : index
        %get3A_2673 = tpu.vector_load %arg12[%get3A_2672] {strides = array<i32>} : memref<512xi32, #tpu.memory_space<vmem>>, vector<16xi32>,
        %get3A_2674 = arith.constant 320 : index
        %get3A_2675 = tpu.vector_load %arg13[%get3A_2674] {strides = array<i32>} : memref<512xi32, #tpu.memory_space<vmem>>, vector<16xi32>,
        %gather3A_2676 = tpu.vector_load_idx %arg8[%add3A_2523, %get3A_2673] : memref<512x32xf32, #tpu.memory_space<vmem>>[vector<16xi32>, vector<16xi32>], vector<16xf32>,
        %add3A_2677 = vector.broadcast %add3A_2532 : i32 to vector<16xi32>
        %add3A_2678 = arith.addi %get3A_2675, %add3A_2677 : vector<16xi32>
        tpu.vector_store_idx %arg10[%add3A_2678], %gather3A_2676 : memref<16384xf32, #tpu.memory_space<vmem>>[vector<16xi32>], vector<16xf32>,
        %get3A_2679 = arith.constant 336 : index
        %get3A_2680 = tpu.vector_load %arg12[%get3A_2679] {strides = array<i32>} : memref<512xi32, #tpu.memory_space<vmem>>, vector<16xi32>,
        %get3A_2681 = arith.constant 336 : index
        %get3A_2682 = tpu.vector_load %arg13[%get3A_2681] {strides = array<i32>} : memref<512xi32, #tpu.memory_space<vmem>>, vector<16xi32>,
        %gather3A_2683 = tpu.vector_load_idx %arg8[%add3A_2523, %get3A_2680] : memref<512x32xf32, #tpu.memory_space<vmem>>[vector<16xi32>, vector<16xi32>], vector<16xf32>,
        %add3A_2684 = vector.broadcast %add3A_2532 : i32 to vector<16xi32>
        %add3A_2685 = arith.addi %get3A_2682, %add3A_2684 : vector<16xi32>
        tpu.vector_store_idx %arg10[%add3A_2685], %gather3A_2683 : memref<16384xf32, #tpu.memory_space<vmem>>[vector<16xi32>], vector<16xf32>,
        %get3A_2686 = arith.constant 352 : index
        %get3A_2687 = tpu.vector_load %arg12[%get3A_2686] {strides = array<i32>} : memref<512xi32, #tpu.memory_space<vmem>>, vector<16xi32>,
        %get3A_2688 = arith.constant 352 : index
        %get3A_2689 = tpu.vector_load %arg13[%get3A_2688] {strides = array<i32>} : memref<512xi32, #tpu.memory_space<vmem>>, vector<16xi32>,
        %gather3A_2690 = tpu.vector_load_idx %arg8[%add3A_2523, %get3A_2687] : memref<512x32xf32, #tpu.memory_space<vmem>>[vector<16xi32>, vector<16xi32>], vector<16xf32>,
        %add3A_2691 = vector.broadcast %add3A_2532 : i32 to vector<16xi32>
        %add3A_2692 = arith.addi %get3A_2689, %add3A_2691 : vector<16xi32>
        tpu.vector_store_idx %arg10[%add3A_2692], %gather3A_2690 : memref<16384xf32, #tpu.memory_space<vmem>>[vector<16xi32>], vector<16xf32>,
        %get3A_2693 = arith.constant 368 : index
        %get3A_2694 = tpu.vector_load %arg12[%get3A_2693] {strides = array<i32>} : memref<512xi32, #tpu.memory_space<vmem>>, vector<16xi32>,
        %get3A_2695 = arith.constant 368 : index
        %get3A_2696 = tpu.vector_load %arg13[%get3A_2695] {strides = array<i32>} : memref<512xi32, #tpu.memory_space<vmem>>, vector<16xi32>,
        %gather3A_2697 = tpu.vector_load_idx %arg8[%add3A_2523, %get3A_2694] : memref<512x32xf32, #tpu.memory_space<vmem>>[vector<16xi32>, vector<16xi32>], vector<16xf32>,
        %add3A_2698 = vector.broadcast %add3A_2532 : i32 to vector<16xi32>
        %add3A_2699 = arith.addi %get3A_2696, %add3A_2698 : vector<16xi32>
        tpu.vector_store_idx %arg10[%add3A_2699], %gather3A_2697 : memref<16384xf32, #tpu.memory_space<vmem>>[vector<16xi32>], vector<16xf32>,
        %get3A_2700 = arith.constant 384 : index
        %get3A_2701 = tpu.vector_load %arg12[%get3A_2700] {strides = array<i32>} : memref<512xi32, #tpu.memory_space<vmem>>, vector<16xi32>,
        %get3A_2702 = arith.constant 384 : index
        %get3A_2703 = tpu.vector_load %arg13[%get3A_2702] {strides = array<i32>} : memref<512xi32, #tpu.memory_space<vmem>>, vector<16xi32>,
        %gather3A_2704 = tpu.vector_load_idx %arg8[%add3A_2523, %get3A_2701] : memref<512x32xf32, #tpu.memory_space<vmem>>[vector<16xi32>, vector<16xi32>], vector<16xf32>,
        %add3A_2705 = vector.broadcast %add3A_2532 : i32 to vector<16xi32>
        %add3A_2706 = arith.addi %get3A_2703, %add3A_2705 : vector<16xi32>
        tpu.vector_store_idx %arg10[%add3A_2706], %gather3A_2704 : memref<16384xf32, #tpu.memory_space<vmem>>[vector<16xi32>], vector<16xf32>,
        %get3A_2707 = arith.constant 400 : index
        %get3A_2708 = tpu.vector_load %arg12[%get3A_2707] {strides = array<i32>} : memref<512xi32, #tpu.memory_space<vmem>>, vector<16xi32>,
        %get3A_2709 = arith.constant 400 : index
        %get3A_2710 = tpu.vector_load %arg13[%get3A_2709] {strides = array<i32>} : memref<512xi32, #tpu.memory_space<vmem>>, vector<16xi32>,
        %gather3A_2711 = tpu.vector_load_idx %arg8[%add3A_2523, %get3A_2708] : memref<512x32xf32, #tpu.memory_space<vmem>>[vector<16xi32>, vector<16xi32>], vector<16xf32>,
        %add3A_2712 = vector.broadcast %add3A_2532 : i32 to vector<16xi32>
        %add3A_2713 = arith.addi %get3A_2710, %add3A_2712 : vector<16xi32>
        tpu.vector_store_idx %arg10[%add3A_2713], %gather3A_2711 : memref<16384xf32, #tpu.memory_space<vmem>>[vector<16xi32>], vector<16xf32>,
        %get3A_2714 = arith.constant 416 : index
        %get3A_2715 = tpu.vector_load %arg12[%get3A_2714] {strides = array<i32>} : memref<512xi32, #tpu.memory_space<vmem>>, vector<16xi32>,
        %get3A_2716 = arith.constant 416 : index
        %get3A_2717 = tpu.vector_load %arg13[%get3A_2716] {strides = array<i32>} : memref<512xi32, #tpu.memory_space<vmem>>, vector<16xi32>,
        %gather3A_2718 = tpu.vector_load_idx %arg8[%add3A_2523, %get3A_2715] : memref<512x32xf32, #tpu.memory_space<vmem>>[vector<16xi32>, vector<16xi32>], vector<16xf32>,
        %add3A_2719 = vector.broadcast %add3A_2532 : i32 to vector<16xi32>
        %add3A_2720 = arith.addi %get3A_2717, %add3A_2719 : vector<16xi32>
        tpu.vector_store_idx %arg10[%add3A_2720], %gather3A_2718 : memref<16384xf32, #tpu.memory_space<vmem>>[vector<16xi32>], vector<16xf32>,
        %get3A_2721 = arith.constant 432 : index
        %get3A_2722 = tpu.vector_load %arg12[%get3A_2721] {strides = array<i32>} : memref<512xi32, #tpu.memory_space<vmem>>, vector<16xi32>,
        %get3A_2723 = arith.constant 432 : index
        %get3A_2724 = tpu.vector_load %arg13[%get3A_2723] {strides = array<i32>} : memref<512xi32, #tpu.memory_space<vmem>>, vector<16xi32>,
        %gather3A_2725 = tpu.vector_load_idx %arg8[%add3A_2523, %get3A_2722] : memref<512x32xf32, #tpu.memory_space<vmem>>[vector<16xi32>, vector<16xi32>], vector<16xf32>,
        %add3A_2726 = vector.broadcast %add3A_2532 : i32 to vector<16xi32>
        %add3A_2727 = arith.addi %get3A_2724, %add3A_2726 : vector<16xi32>
        tpu.vector_store_idx %arg10[%add3A_2727], %gather3A_2725 : memref<16384xf32, #tpu.memory_space<vmem>>[vector<16xi32>], vector<16xf32>,
        %get3A_2728 = arith.constant 448 : index
        %get3A_2729 = tpu.vector_load %arg12[%get3A_2728] {strides = array<i32>} : memref<512xi32, #tpu.memory_space<vmem>>, vector<16xi32>,
        %get3A_2730 = arith.constant 448 : index
        %get3A_2731 = tpu.vector_load %arg13[%get3A_2730] {strides = array<i32>} : memref<512xi32, #tpu.memory_space<vmem>>, vector<16xi32>,
        %gather3A_2732 = tpu.vector_load_idx %arg8[%add3A_2523, %get3A_2729] : memref<512x32xf32, #tpu.memory_space<vmem>>[vector<16xi32>, vector<16xi32>], vector<16xf32>,
        %add3A_2733 = vector.broadcast %add3A_2532 : i32 to vector<16xi32>
        %add3A_2734 = arith.addi %get3A_2731, %add3A_2733 : vector<16xi32>
        tpu.vector_store_idx %arg10[%add3A_2734], %gather3A_2732 : memref<16384xf32, #tpu.memory_space<vmem>>[vector<16xi32>], vector<16xf32>,
        %get3A_2735 = arith.constant 464 : index
        %get3A_2736 = tpu.vector_load %arg12[%get3A_2735] {strides = array<i32>} : memref<512xi32, #tpu.memory_space<vmem>>, vector<16xi32>,
        %get3A_2737 = arith.constant 464 : index
        %get3A_2738 = tpu.vector_load %arg13[%get3A_2737] {strides = array<i32>} : memref<512xi32, #tpu.memory_space<vmem>>, vector<16xi32>,
        %gather3A_2739 = tpu.vector_load_idx %arg8[%add3A_2523, %get3A_2736] : memref<512x32xf32, #tpu.memory_space<vmem>>[vector<16xi32>, vector<16xi32>], vector<16xf32>,
        %add3A_2740 = vector.broadcast %add3A_2532 : i32 to vector<16xi32>
        %add3A_2741 = arith.addi %get3A_2738, %add3A_2740 : vector<16xi32>
        tpu.vector_store_idx %arg10[%add3A_2741], %gather3A_2739 : memref<16384xf32, #tpu.memory_space<vmem>>[vector<16xi32>], vector<16xf32>,
        %get3A_2742 = arith.constant 480 : index
        %get3A_2743 = tpu.vector_load %arg12[%get3A_2742] {strides = array<i32>} : memref<512xi32, #tpu.memory_space<vmem>>, vector<16xi32>,
        %get3A_2744 = arith.constant 480 : index
        %get3A_2745 = tpu.vector_load %arg13[%get3A_2744] {strides = array<i32>} : memref<512xi32, #tpu.memory_space<vmem>>, vector<16xi32>,
        %gather3A_2746 = tpu.vector_load_idx %arg8[%add3A_2523, %get3A_2743] : memref<512x32xf32, #tpu.memory_space<vmem>>[vector<16xi32>, vector<16xi32>], vector<16xf32>,
        %add3A_2747 = vector.broadcast %add3A_2532 : i32 to vector<16xi32>
        %add3A_2748 = arith.addi %get3A_2745, %add3A_2747 : vector<16xi32>
        tpu.vector_store_idx %arg10[%add3A_2748], %gather3A_2746 : memref<16384xf32, #tpu.memory_space<vmem>>[vector<16xi32>], vector<16xf32>,
        %get3A_2749 = arith.constant 496 : index
        %get3A_2750 = tpu.vector_load %arg12[%get3A_2749] {strides = array<i32>} : memref<512xi32, #tpu.memory_space<vmem>>, vector<16xi32>,
        %get3A_2751 = arith.constant 496 : index
        %get3A_2752 = tpu.vector_load %arg13[%get3A_2751] {strides = array<i32>} : memref<512xi32, #tpu.memory_space<vmem>>, vector<16xi32>,
        %gather3A_2753 = tpu.vector_load_idx %arg8[%add3A_2523, %get3A_2750] : memref<512x32xf32, #tpu.memory_space<vmem>>[vector<16xi32>, vector<16xi32>], vector<16xf32>,
        %add3A_2754 = vector.broadcast %add3A_2532 : i32 to vector<16xi32>
        %add3A_2755 = arith.addi %get3A_2752, %add3A_2754 : vector<16xi32>
        tpu.vector_store_idx %arg10[%add3A_2755], %gather3A_2753 : memref<16384xf32, #tpu.memory_space<vmem>>[vector<16xi32>], vector<16xf32>,
      }
      %scan3A_2001 = arith.constant 32 : i32
      %mul3A_2002 = arith.constant 50 : i32
      %mul3A_2003 = arith.muli %add3A, %mul3A_2002 : i32
      %add3A_2004 = arith.addi %mul3A_2003, %mul3A_1227 : i32
      %jit3A = arith.constant 32 : i32
      %div3A = arith.divsi %add3A_2004, %jit3A : i32
      %sign3A = arith.constant 0 : i32
      %sign3A_2005 = arith.cmpi sgt, %add3A_2004, %sign3A : i32
      %sign3A_2006 = arith.extui %sign3A_2005 : i1 to i32
      %sign3A_2007 = arith.constant 0 : i32
      %sign3A_2008 = arith.cmpi slt, %add3A_2004, %sign3A_2007 : i32
      %sign3A_2009 = arith.extui %sign3A_2008 : i1 to i32
      %sign3A_2010 = arith.subi %sign3A_2006, %sign3A_2009 : i32
      %sign3A_2011 = arith.constant 0 : i32
      %sign3A_2012 = arith.cmpi sgt, %jit3A, %sign3A_2011 : i32
      %sign3A_2013 = arith.extui %sign3A_2012 : i1 to i32
      %sign3A_2014 = arith.constant 0 : i32
      %sign3A_2015 = arith.cmpi slt, %jit3A, %sign3A_2014 : i32
      %sign3A_2016 = arith.extui %sign3A_2015 : i1 to i32
      %sign3A_2017 = arith.subi %sign3A_2013, %sign3A_2016 : i32
      %ne3A = arith.cmpi ne, %sign3A_2010, %sign3A_2017 : i32
      %rem3A = arith.remsi %add3A_2004, %jit3A : i32
      %ne3A_2018 = arith.constant 0 : i32
      %ne3A_2019 = arith.cmpi ne, %rem3A, %ne3A_2018 : i32
      %and3A_2020 = arith.andi %ne3A, %ne3A_2019 : i1
      %sub3A = arith.constant 1 : i32
      %sub3A_2021 = arith.subi %div3A, %sub3A : i32
      %select_n3A_2022 = arith.select %and3A_2020, %sub3A_2021, %div3A : i32
      %jit3A_2023 = arith.constant 32 : i32
      %eq3A = arith.constant 0 : i32
      %eq3A_2024 = arith.cmpi eq, %jit3A_2023, %eq3A : i32
      %jit3A_2025 = arith.constant 1 : i32
      %select_n3A_2026 = arith.select %eq3A_2024, %jit3A_2025, %jit3A_2023 : i32
      %rem3A_2027 = arith.remsi %add3A_2004, %select_n3A_2026 : i32
      %ne3A_2028 = arith.constant 0 : i32
      %ne3A_2029 = arith.cmpi ne, %rem3A_2027, %ne3A_2028 : i32
      %lt3A = arith.constant 0 : i32
      %lt3A_2030 = arith.cmpi slt, %rem3A_2027, %lt3A : i32
      %lt3A_2031 = arith.constant 0 : i32
      %lt3A_2032 = arith.cmpi slt, %select_n3A_2026, %lt3A_2031 : i32
      %ne3A_2033 = arith.xori %lt3A_2030, %lt3A_2032 : i1
      %and3A_2034 = arith.andi %ne3A_2033, %ne3A_2029 : i1
      %add3A_2035 = arith.addi %rem3A_2027, %select_n3A_2026 : i32
      %select_n3A_2036 = arith.select %and3A_2034, %add3A_2035, %rem3A_2027 : i32
      %mul3A_2037 = arith.constant 4096 : i32
      %mul3A_2038 = arith.muli %select_n3A_2036, %mul3A_2037 : i32
      %add3A_2039 = arith.constant 0 : i32
      %add3A_2040 = arith.addi %add3A_2039, %mul3A_2038 : i32
      %dma_start3A_2041 = arith.constant 0 : i32
      %dma_start3A_2042 = tpu.memref_slice %arg10[%dma_start3A_2041] : memref<16384xf32, #tpu.memory_space<vmem>> -> memref<4096xf32, #tpu.memory_space<vmem>>
      %dma_start3A_2043 = tpu.memref_slice %arg4[%select_n3A_2022, %add3A_2040] : memref<50x524288xf32, #tpu.memory_space<hbm>> -> memref<1x4096xf32, #tpu.memory_space<hbm>>
      %dma_start3A_2044 = tpu.memref_squeeze %dma_start3A_2043 : memref<1x4096xf32, #tpu.memory_space<hbm>> -> memref<4096xf32, #tpu.memory_space<hbm>>
      %dma_start3A_2045 = tpu.memref_slice %arg4[%select_n3A_2022, %add3A_2040] : memref<50x524288xf32, #tpu.memory_space<hbm>> -> memref<1x4096xf32, #tpu.memory_space<hbm>>
      %dma_start3A_2046 = tpu.memref_squeeze %dma_start3A_2045 : memref<1x4096xf32, #tpu.memory_space<hbm>> -> memref<4096xf32, #tpu.memory_space<hbm>>
      %dma_start3A_2047 = arith.constant 0 : i32
      %dma_start3A_2048 = tpu.memref_slice %arg10[%dma_start3A_2047] : memref<16384xf32, #tpu.memory_space<vmem>> -> memref<4096xf32, #tpu.memory_space<vmem>>
      tpu.enqueue_dma source(%dma_start3A_2048 : memref<4096xf32, #tpu.memory_space<vmem>>) target(%dma_start3A_2046 : memref<4096xf32, #tpu.memory_space<hbm>>) target_semaphore(%arg17 : memref<!tpu.dma_semaphore, #tpu.memory_space<semaphore_mem>>)
      %add3A_2049 = arith.constant 131072 : i32
      %add3A_2050 = arith.addi %add3A_2049, %mul3A_2038 : i32
      %dma_start3A_2051 = arith.constant 4096 : i32
      %dma_start3A_2052 = tpu.memref_slice %arg10[%dma_start3A_2051] : memref<16384xf32, #tpu.memory_space<vmem>> -> memref<4096xf32, #tpu.memory_space<vmem>>
      %dma_start3A_2053 = tpu.memref_slice %arg4[%select_n3A_2022, %add3A_2050] : memref<50x524288xf32, #tpu.memory_space<hbm>> -> memref<1x4096xf32, #tpu.memory_space<hbm>>
      %dma_start3A_2054 = tpu.memref_squeeze %dma_start3A_2053 : memref<1x4096xf32, #tpu.memory_space<hbm>> -> memref<4096xf32, #tpu.memory_space<hbm>>
      %dma_start3A_2055 = tpu.memref_slice %arg4[%select_n3A_2022, %add3A_2050] : memref<50x524288xf32, #tpu.memory_space<hbm>> -> memref<1x4096xf32, #tpu.memory_space<hbm>>
      %dma_start3A_2056 = tpu.memref_squeeze %dma_start3A_2055 : memref<1x4096xf32, #tpu.memory_space<hbm>> -> memref<4096xf32, #tpu.memory_space<hbm>>
      %dma_start3A_2057 = arith.constant 4096 : i32
      %dma_start3A_2058 = tpu.memref_slice %arg10[%dma_start3A_2057] : memref<16384xf32, #tpu.memory_space<vmem>> -> memref<4096xf32, #tpu.memory_space<vmem>>
      tpu.enqueue_dma source(%dma_start3A_2058 : memref<4096xf32, #tpu.memory_space<vmem>>) target(%dma_start3A_2056 : memref<4096xf32, #tpu.memory_space<hbm>>) target_semaphore(%arg17 : memref<!tpu.dma_semaphore, #tpu.memory_space<semaphore_mem>>)
      %add3A_2059 = arith.constant 262144 : i32
      %add3A_2060 = arith.addi %add3A_2059, %mul3A_2038 : i32
      %dma_start3A_2061 = arith.constant 8192 : i32
      %dma_start3A_2062 = tpu.memref_slice %arg10[%dma_start3A_2061] : memref<16384xf32, #tpu.memory_space<vmem>> -> memref<4096xf32, #tpu.memory_space<vmem>>
      %dma_start3A_2063 = tpu.memref_slice %arg4[%select_n3A_2022, %add3A_2060] : memref<50x524288xf32, #tpu.memory_space<hbm>> -> memref<1x4096xf32, #tpu.memory_space<hbm>>
      %dma_start3A_2064 = tpu.memref_squeeze %dma_start3A_2063 : memref<1x4096xf32, #tpu.memory_space<hbm>> -> memref<4096xf32, #tpu.memory_space<hbm>>
      %dma_start3A_2065 = tpu.memref_slice %arg4[%select_n3A_2022, %add3A_2060] : memref<50x524288xf32, #tpu.memory_space<hbm>> -> memref<1x4096xf32, #tpu.memory_space<hbm>>
      %dma_start3A_2066 = tpu.memref_squeeze %dma_start3A_2065 : memref<1x4096xf32, #tpu.memory_space<hbm>> -> memref<4096xf32, #tpu.memory_space<hbm>>
      %dma_start3A_2067 = arith.constant 8192 : i32
      %dma_start3A_2068 = tpu.memref_slice %arg10[%dma_start3A_2067] : memref<16384xf32, #tpu.memory_space<vmem>> -> memref<4096xf32, #tpu.memory_space<vmem>>
      tpu.enqueue_dma source(%dma_start3A_2068 : memref<4096xf32, #tpu.memory_space<vmem>>) target(%dma_start3A_2066 : memref<4096xf32, #tpu.memory_space<hbm>>) target_semaphore(%arg17 : memref<!tpu.dma_semaphore, #tpu.memory_space<semaphore_mem>>)
      %add3A_2069 = arith.constant 393216 : i32
      %add3A_2070 = arith.addi %add3A_2069, %mul3A_2038 : i32
      %dma_start3A_2071 = arith.constant 12288 : i32
      %dma_start3A_2072 = tpu.memref_slice %arg10[%dma_start3A_2071] : memref<16384xf32, #tpu.memory_space<vmem>> -> memref<4096xf32, #tpu.memory_space<vmem>>
      %dma_start3A_2073 = tpu.memref_slice %arg4[%select_n3A_2022, %add3A_2070] : memref<50x524288xf32, #tpu.memory_space<hbm>> -> memref<1x4096xf32, #tpu.memory_space<hbm>>
      %dma_start3A_2074 = tpu.memref_squeeze %dma_start3A_2073 : memref<1x4096xf32, #tpu.memory_space<hbm>> -> memref<4096xf32, #tpu.memory_space<hbm>>
      %dma_start3A_2075 = tpu.memref_slice %arg4[%select_n3A_2022, %add3A_2070] : memref<50x524288xf32, #tpu.memory_space<hbm>> -> memref<1x4096xf32, #tpu.memory_space<hbm>>
      %dma_start3A_2076 = tpu.memref_squeeze %dma_start3A_2075 : memref<1x4096xf32, #tpu.memory_space<hbm>> -> memref<4096xf32, #tpu.memory_space<hbm>>
      %dma_start3A_2077 = arith.constant 12288 : i32
      %dma_start3A_2078 = tpu.memref_slice %arg10[%dma_start3A_2077] : memref<16384xf32, #tpu.memory_space<vmem>> -> memref<4096xf32, #tpu.memory_space<vmem>>
      tpu.enqueue_dma source(%dma_start3A_2078 : memref<4096xf32, #tpu.memory_space<vmem>>) target(%dma_start3A_2076 : memref<4096xf32, #tpu.memory_space<hbm>>) target_semaphore(%arg17 : memref<!tpu.dma_semaphore, #tpu.memory_space<semaphore_mem>>)
      %lt3A_2079 = arith.constant 24 : i32
      %lt3A_2080 = arith.cmpi slt, %scan3A_1225, %lt3A_2079 : i32
      %convert_element_type3A_2081 = arith.extui %lt3A_2080 : i1 to i32
      %cond3A_2082 = arith.constant 0 : i32
      %cond3A_2083 = arith.cmpi ne, %convert_element_type3A_2081, %cond3A_2082 : i32
      scf.if %cond3A_2083 {
        %add3A_2519 = arith.constant 2 : i32
        %add3A_2520 = arith.addi %mul3A_1227, %add3A_2519 : i32
        %mul3A_2521 = arith.constant 512 : i32
        %mul3A_2522 = arith.muli %add3A_2520, %mul3A_2521 : i32
        %add3A_2523 = arith.constant 0 : i32
        %add3A_2524 = arith.addi %mul3A_2522, %add3A_2523 : i32
        %get3A_2525 = arith.index_cast %add3A_2524 : i32 to index
        %get3A_2526 = tpu.vector_load %arg5[%get3A_2525] {strides = array<i32>} : memref<25600xi32, #tpu.memory_space<vmem>>, vector<16xi32>,
        %ge3A_2527 = arith.constant 1000000 : i32
        %ge3A_2528 = vector.broadcast %ge3A_2527 : i32 to vector<16xi32>
        %ge3A_2529 = arith.cmpi sge, %get3A_2526, %ge3A_2528 : vector<16xi32>
        %select_n3A_2530 = arith.select %ge3A_2529, %broadcast_in_dim3A_1, %get3A_2526 : vector<16xi1>, vector<16xi32>
        %swap3A_2531 = arith.constant 0 : i32
        %swap3A_2532 = arith.index_cast %swap3A_2531 : i32 to index
        %swap3A_2533 = arith.constant 0 : index
        %swap3A_2534 = tpu.vector_load %arg6[%swap3A_2532, %swap3A_2533] {strides = array<i32>} : memref<4x128xi32, #tpu.memory_space<vmem>>, vector<16xi32>,
        tpu.vector_store %arg6[%swap3A_2532, %swap3A_2533], %select_n3A_2530 {strides = array<i32>} : memref<4x128xi32, #tpu.memory_space<vmem>>, vector<16xi32>,
        %add3A_2535 = arith.constant 16 : i32
        %add3A_2536 = arith.addi %mul3A_2522, %add3A_2535 : i32
        %get3A_2537 = arith.index_cast %add3A_2536 : i32 to index
        %get3A_2538 = tpu.vector_load %arg5[%get3A_2537] {strides = array<i32>} : memref<25600xi32, #tpu.memory_space<vmem>>, vector<16xi32>,
        %ge3A_2539 = arith.constant 1000000 : i32
        %ge3A_2540 = vector.broadcast %ge3A_2539 : i32 to vector<16xi32>
        %ge3A_2541 = arith.cmpi sge, %get3A_2538, %ge3A_2540 : vector<16xi32>
        %select_n3A_2542 = arith.select %ge3A_2541, %broadcast_in_dim3A_1, %get3A_2538 : vector<16xi1>, vector<16xi32>
        %swap3A_2543 = arith.constant 0 : i32
        %swap3A_2544 = arith.index_cast %swap3A_2543 : i32 to index
        %swap3A_2545 = arith.constant 16 : index
        %swap3A_2546 = tpu.vector_load %arg6[%swap3A_2544, %swap3A_2545] {strides = array<i32>} : memref<4x128xi32, #tpu.memory_space<vmem>>, vector<16xi32>,
        tpu.vector_store %arg6[%swap3A_2544, %swap3A_2545], %select_n3A_2542 {strides = array<i32>} : memref<4x128xi32, #tpu.memory_space<vmem>>, vector<16xi32>,
        %add3A_2547 = arith.constant 32 : i32
        %add3A_2548 = arith.addi %mul3A_2522, %add3A_2547 : i32
        %get3A_2549 = arith.index_cast %add3A_2548 : i32 to index
        %get3A_2550 = tpu.vector_load %arg5[%get3A_2549] {strides = array<i32>} : memref<25600xi32, #tpu.memory_space<vmem>>, vector<16xi32>,
        %ge3A_2551 = arith.constant 1000000 : i32
        %ge3A_2552 = vector.broadcast %ge3A_2551 : i32 to vector<16xi32>
        %ge3A_2553 = arith.cmpi sge, %get3A_2550, %ge3A_2552 : vector<16xi32>
        %select_n3A_2554 = arith.select %ge3A_2553, %broadcast_in_dim3A_1, %get3A_2550 : vector<16xi1>, vector<16xi32>
        %swap3A_2555 = arith.constant 0 : i32
        %swap3A_2556 = arith.index_cast %swap3A_2555 : i32 to index
        %swap3A_2557 = arith.constant 32 : index
        %swap3A_2558 = tpu.vector_load %arg6[%swap3A_2556, %swap3A_2557] {strides = array<i32>} : memref<4x128xi32, #tpu.memory_space<vmem>>, vector<16xi32>,
        tpu.vector_store %arg6[%swap3A_2556, %swap3A_2557], %select_n3A_2554 {strides = array<i32>} : memref<4x128xi32, #tpu.memory_space<vmem>>, vector<16xi32>,
        %add3A_2559 = arith.constant 48 : i32
        %add3A_2560 = arith.addi %mul3A_2522, %add3A_2559 : i32
        %get3A_2561 = arith.index_cast %add3A_2560 : i32 to index
        %get3A_2562 = tpu.vector_load %arg5[%get3A_2561] {strides = array<i32>} : memref<25600xi32, #tpu.memory_space<vmem>>, vector<16xi32>,
        %ge3A_2563 = arith.constant 1000000 : i32
        %ge3A_2564 = vector.broadcast %ge3A_2563 : i32 to vector<16xi32>
        %ge3A_2565 = arith.cmpi sge, %get3A_2562, %ge3A_2564 : vector<16xi32>
        %select_n3A_2566 = arith.select %ge3A_2565, %broadcast_in_dim3A_1, %get3A_2562 : vector<16xi1>, vector<16xi32>
        %swap3A_2567 = arith.constant 0 : i32
        %swap3A_2568 = arith.index_cast %swap3A_2567 : i32 to index
        %swap3A_2569 = arith.constant 48 : index
        %swap3A_2570 = tpu.vector_load %arg6[%swap3A_2568, %swap3A_2569] {strides = array<i32>} : memref<4x128xi32, #tpu.memory_space<vmem>>, vector<16xi32>,
        tpu.vector_store %arg6[%swap3A_2568, %swap3A_2569], %select_n3A_2566 {strides = array<i32>} : memref<4x128xi32, #tpu.memory_space<vmem>>, vector<16xi32>,
        %add3A_2571 = arith.constant 64 : i32
        %add3A_2572 = arith.addi %mul3A_2522, %add3A_2571 : i32
        %get3A_2573 = arith.index_cast %add3A_2572 : i32 to index
        %get3A_2574 = tpu.vector_load %arg5[%get3A_2573] {strides = array<i32>} : memref<25600xi32, #tpu.memory_space<vmem>>, vector<16xi32>,
        %ge3A_2575 = arith.constant 1000000 : i32
        %ge3A_2576 = vector.broadcast %ge3A_2575 : i32 to vector<16xi32>
        %ge3A_2577 = arith.cmpi sge, %get3A_2574, %ge3A_2576 : vector<16xi32>
        %select_n3A_2578 = arith.select %ge3A_2577, %broadcast_in_dim3A_1, %get3A_2574 : vector<16xi1>, vector<16xi32>
        %swap3A_2579 = arith.constant 0 : i32
        %swap3A_2580 = arith.index_cast %swap3A_2579 : i32 to index
        %swap3A_2581 = arith.constant 64 : index
        %swap3A_2582 = tpu.vector_load %arg6[%swap3A_2580, %swap3A_2581] {strides = array<i32>} : memref<4x128xi32, #tpu.memory_space<vmem>>, vector<16xi32>,
        tpu.vector_store %arg6[%swap3A_2580, %swap3A_2581], %select_n3A_2578 {strides = array<i32>} : memref<4x128xi32, #tpu.memory_space<vmem>>, vector<16xi32>,
        %add3A_2583 = arith.constant 80 : i32
        %add3A_2584 = arith.addi %mul3A_2522, %add3A_2583 : i32
        %get3A_2585 = arith.index_cast %add3A_2584 : i32 to index
        %get3A_2586 = tpu.vector_load %arg5[%get3A_2585] {strides = array<i32>} : memref<25600xi32, #tpu.memory_space<vmem>>, vector<16xi32>,
        %ge3A_2587 = arith.constant 1000000 : i32
        %ge3A_2588 = vector.broadcast %ge3A_2587 : i32 to vector<16xi32>
        %ge3A_2589 = arith.cmpi sge, %get3A_2586, %ge3A_2588 : vector<16xi32>
        %select_n3A_2590 = arith.select %ge3A_2589, %broadcast_in_dim3A_1, %get3A_2586 : vector<16xi1>, vector<16xi32>
        %swap3A_2591 = arith.constant 0 : i32
        %swap3A_2592 = arith.index_cast %swap3A_2591 : i32 to index
        %swap3A_2593 = arith.constant 80 : index
        %swap3A_2594 = tpu.vector_load %arg6[%swap3A_2592, %swap3A_2593] {strides = array<i32>} : memref<4x128xi32, #tpu.memory_space<vmem>>, vector<16xi32>,
        tpu.vector_store %arg6[%swap3A_2592, %swap3A_2593], %select_n3A_2590 {strides = array<i32>} : memref<4x128xi32, #tpu.memory_space<vmem>>, vector<16xi32>,
        %add3A_2595 = arith.constant 96 : i32
        %add3A_2596 = arith.addi %mul3A_2522, %add3A_2595 : i32
        %get3A_2597 = arith.index_cast %add3A_2596 : i32 to index
        %get3A_2598 = tpu.vector_load %arg5[%get3A_2597] {strides = array<i32>} : memref<25600xi32, #tpu.memory_space<vmem>>, vector<16xi32>,
        %ge3A_2599 = arith.constant 1000000 : i32
        %ge3A_2600 = vector.broadcast %ge3A_2599 : i32 to vector<16xi32>
        %ge3A_2601 = arith.cmpi sge, %get3A_2598, %ge3A_2600 : vector<16xi32>
        %select_n3A_2602 = arith.select %ge3A_2601, %broadcast_in_dim3A_1, %get3A_2598 : vector<16xi1>, vector<16xi32>
        %swap3A_2603 = arith.constant 0 : i32
        %swap3A_2604 = arith.index_cast %swap3A_2603 : i32 to index
        %swap3A_2605 = arith.constant 96 : index
        %swap3A_2606 = tpu.vector_load %arg6[%swap3A_2604, %swap3A_2605] {strides = array<i32>} : memref<4x128xi32, #tpu.memory_space<vmem>>, vector<16xi32>,
        tpu.vector_store %arg6[%swap3A_2604, %swap3A_2605], %select_n3A_2602 {strides = array<i32>} : memref<4x128xi32, #tpu.memory_space<vmem>>, vector<16xi32>,
        %add3A_2607 = arith.constant 112 : i32
        %add3A_2608 = arith.addi %mul3A_2522, %add3A_2607 : i32
        %get3A_2609 = arith.index_cast %add3A_2608 : i32 to index
        %get3A_2610 = tpu.vector_load %arg5[%get3A_2609] {strides = array<i32>} : memref<25600xi32, #tpu.memory_space<vmem>>, vector<16xi32>,
        %ge3A_2611 = arith.constant 1000000 : i32
        %ge3A_2612 = vector.broadcast %ge3A_2611 : i32 to vector<16xi32>
        %ge3A_2613 = arith.cmpi sge, %get3A_2610, %ge3A_2612 : vector<16xi32>
        %select_n3A_2614 = arith.select %ge3A_2613, %broadcast_in_dim3A_1, %get3A_2610 : vector<16xi1>, vector<16xi32>
        %swap3A_2615 = arith.constant 0 : i32
        %swap3A_2616 = arith.index_cast %swap3A_2615 : i32 to index
        %swap3A_2617 = arith.constant 112 : index
        %swap3A_2618 = tpu.vector_load %arg6[%swap3A_2616, %swap3A_2617] {strides = array<i32>} : memref<4x128xi32, #tpu.memory_space<vmem>>, vector<16xi32>,
        tpu.vector_store %arg6[%swap3A_2616, %swap3A_2617], %select_n3A_2614 {strides = array<i32>} : memref<4x128xi32, #tpu.memory_space<vmem>>, vector<16xi32>,
        %add3A_2619 = arith.constant 128 : i32
        %add3A_2620 = arith.addi %mul3A_2522, %add3A_2619 : i32
        %get3A_2621 = arith.index_cast %add3A_2620 : i32 to index
        %get3A_2622 = tpu.vector_load %arg5[%get3A_2621] {strides = array<i32>} : memref<25600xi32, #tpu.memory_space<vmem>>, vector<16xi32>,
        %ge3A_2623 = arith.constant 1000000 : i32
        %ge3A_2624 = vector.broadcast %ge3A_2623 : i32 to vector<16xi32>
        %ge3A_2625 = arith.cmpi sge, %get3A_2622, %ge3A_2624 : vector<16xi32>
        %select_n3A_2626 = arith.select %ge3A_2625, %broadcast_in_dim3A_1, %get3A_2622 : vector<16xi1>, vector<16xi32>
        %swap3A_2627 = arith.constant 1 : i32
        %swap3A_2628 = arith.index_cast %swap3A_2627 : i32 to index
        %swap3A_2629 = arith.constant 0 : index
        %swap3A_2630 = tpu.vector_load %arg6[%swap3A_2628, %swap3A_2629] {strides = array<i32>} : memref<4x128xi32, #tpu.memory_space<vmem>>, vector<16xi32>,
        tpu.vector_store %arg6[%swap3A_2628, %swap3A_2629], %select_n3A_2626 {strides = array<i32>} : memref<4x128xi32, #tpu.memory_space<vmem>>, vector<16xi32>,
        %add3A_2631 = arith.constant 144 : i32
        %add3A_2632 = arith.addi %mul3A_2522, %add3A_2631 : i32
        %get3A_2633 = arith.index_cast %add3A_2632 : i32 to index
        %get3A_2634 = tpu.vector_load %arg5[%get3A_2633] {strides = array<i32>} : memref<25600xi32, #tpu.memory_space<vmem>>, vector<16xi32>,
        %ge3A_2635 = arith.constant 1000000 : i32
        %ge3A_2636 = vector.broadcast %ge3A_2635 : i32 to vector<16xi32>
        %ge3A_2637 = arith.cmpi sge, %get3A_2634, %ge3A_2636 : vector<16xi32>
        %select_n3A_2638 = arith.select %ge3A_2637, %broadcast_in_dim3A_1, %get3A_2634 : vector<16xi1>, vector<16xi32>
        %swap3A_2639 = arith.constant 1 : i32
        %swap3A_2640 = arith.index_cast %swap3A_2639 : i32 to index
        %swap3A_2641 = arith.constant 16 : index
        %swap3A_2642 = tpu.vector_load %arg6[%swap3A_2640, %swap3A_2641] {strides = array<i32>} : memref<4x128xi32, #tpu.memory_space<vmem>>, vector<16xi32>,
        tpu.vector_store %arg6[%swap3A_2640, %swap3A_2641], %select_n3A_2638 {strides = array<i32>} : memref<4x128xi32, #tpu.memory_space<vmem>>, vector<16xi32>,
        %add3A_2643 = arith.constant 160 : i32
        %add3A_2644 = arith.addi %mul3A_2522, %add3A_2643 : i32
        %get3A_2645 = arith.index_cast %add3A_2644 : i32 to index
        %get3A_2646 = tpu.vector_load %arg5[%get3A_2645] {strides = array<i32>} : memref<25600xi32, #tpu.memory_space<vmem>>, vector<16xi32>,
        %ge3A_2647 = arith.constant 1000000 : i32
        %ge3A_2648 = vector.broadcast %ge3A_2647 : i32 to vector<16xi32>
        %ge3A_2649 = arith.cmpi sge, %get3A_2646, %ge3A_2648 : vector<16xi32>
        %select_n3A_2650 = arith.select %ge3A_2649, %broadcast_in_dim3A_1, %get3A_2646 : vector<16xi1>, vector<16xi32>
        %swap3A_2651 = arith.constant 1 : i32
        %swap3A_2652 = arith.index_cast %swap3A_2651 : i32 to index
        %swap3A_2653 = arith.constant 32 : index
        %swap3A_2654 = tpu.vector_load %arg6[%swap3A_2652, %swap3A_2653] {strides = array<i32>} : memref<4x128xi32, #tpu.memory_space<vmem>>, vector<16xi32>,
        tpu.vector_store %arg6[%swap3A_2652, %swap3A_2653], %select_n3A_2650 {strides = array<i32>} : memref<4x128xi32, #tpu.memory_space<vmem>>, vector<16xi32>,
        %add3A_2655 = arith.constant 176 : i32
        %add3A_2656 = arith.addi %mul3A_2522, %add3A_2655 : i32
        %get3A_2657 = arith.index_cast %add3A_2656 : i32 to index
        %get3A_2658 = tpu.vector_load %arg5[%get3A_2657] {strides = array<i32>} : memref<25600xi32, #tpu.memory_space<vmem>>, vector<16xi32>,
        %ge3A_2659 = arith.constant 1000000 : i32
        %ge3A_2660 = vector.broadcast %ge3A_2659 : i32 to vector<16xi32>
        %ge3A_2661 = arith.cmpi sge, %get3A_2658, %ge3A_2660 : vector<16xi32>
        %select_n3A_2662 = arith.select %ge3A_2661, %broadcast_in_dim3A_1, %get3A_2658 : vector<16xi1>, vector<16xi32>
        %swap3A_2663 = arith.constant 1 : i32
        %swap3A_2664 = arith.index_cast %swap3A_2663 : i32 to index
        %swap3A_2665 = arith.constant 48 : index
        %swap3A_2666 = tpu.vector_load %arg6[%swap3A_2664, %swap3A_2665] {strides = array<i32>} : memref<4x128xi32, #tpu.memory_space<vmem>>, vector<16xi32>,
        tpu.vector_store %arg6[%swap3A_2664, %swap3A_2665], %select_n3A_2662 {strides = array<i32>} : memref<4x128xi32, #tpu.memory_space<vmem>>, vector<16xi32>,
        %add3A_2667 = arith.constant 192 : i32
        %add3A_2668 = arith.addi %mul3A_2522, %add3A_2667 : i32
        %get3A_2669 = arith.index_cast %add3A_2668 : i32 to index
        %get3A_2670 = tpu.vector_load %arg5[%get3A_2669] {strides = array<i32>} : memref<25600xi32, #tpu.memory_space<vmem>>, vector<16xi32>,
        %ge3A_2671 = arith.constant 1000000 : i32
        %ge3A_2672 = vector.broadcast %ge3A_2671 : i32 to vector<16xi32>
        %ge3A_2673 = arith.cmpi sge, %get3A_2670, %ge3A_2672 : vector<16xi32>
        %select_n3A_2674 = arith.select %ge3A_2673, %broadcast_in_dim3A_1, %get3A_2670 : vector<16xi1>, vector<16xi32>
        %swap3A_2675 = arith.constant 1 : i32
        %swap3A_2676 = arith.index_cast %swap3A_2675 : i32 to index
        %swap3A_2677 = arith.constant 64 : index
        %swap3A_2678 = tpu.vector_load %arg6[%swap3A_2676, %swap3A_2677] {strides = array<i32>} : memref<4x128xi32, #tpu.memory_space<vmem>>, vector<16xi32>,
        tpu.vector_store %arg6[%swap3A_2676, %swap3A_2677], %select_n3A_2674 {strides = array<i32>} : memref<4x128xi32, #tpu.memory_space<vmem>>, vector<16xi32>,
        %add3A_2679 = arith.constant 208 : i32
        %add3A_2680 = arith.addi %mul3A_2522, %add3A_2679 : i32
        %get3A_2681 = arith.index_cast %add3A_2680 : i32 to index
        %get3A_2682 = tpu.vector_load %arg5[%get3A_2681] {strides = array<i32>} : memref<25600xi32, #tpu.memory_space<vmem>>, vector<16xi32>,
        %ge3A_2683 = arith.constant 1000000 : i32
        %ge3A_2684 = vector.broadcast %ge3A_2683 : i32 to vector<16xi32>
        %ge3A_2685 = arith.cmpi sge, %get3A_2682, %ge3A_2684 : vector<16xi32>
        %select_n3A_2686 = arith.select %ge3A_2685, %broadcast_in_dim3A_1, %get3A_2682 : vector<16xi1>, vector<16xi32>
        %swap3A_2687 = arith.constant 1 : i32
        %swap3A_2688 = arith.index_cast %swap3A_2687 : i32 to index
        %swap3A_2689 = arith.constant 80 : index
        %swap3A_2690 = tpu.vector_load %arg6[%swap3A_2688, %swap3A_2689] {strides = array<i32>} : memref<4x128xi32, #tpu.memory_space<vmem>>, vector<16xi32>,
        tpu.vector_store %arg6[%swap3A_2688, %swap3A_2689], %select_n3A_2686 {strides = array<i32>} : memref<4x128xi32, #tpu.memory_space<vmem>>, vector<16xi32>,
        %add3A_2691 = arith.constant 224 : i32
        %add3A_2692 = arith.addi %mul3A_2522, %add3A_2691 : i32
        %get3A_2693 = arith.index_cast %add3A_2692 : i32 to index
        %get3A_2694 = tpu.vector_load %arg5[%get3A_2693] {strides = array<i32>} : memref<25600xi32, #tpu.memory_space<vmem>>, vector<16xi32>,
        %ge3A_2695 = arith.constant 1000000 : i32
        %ge3A_2696 = vector.broadcast %ge3A_2695 : i32 to vector<16xi32>
        %ge3A_2697 = arith.cmpi sge, %get3A_2694, %ge3A_2696 : vector<16xi32>
        %select_n3A_2698 = arith.select %ge3A_2697, %broadcast_in_dim3A_1, %get3A_2694 : vector<16xi1>, vector<16xi32>
        %swap3A_2699 = arith.constant 1 : i32
        %swap3A_2700 = arith.index_cast %swap3A_2699 : i32 to index
        %swap3A_2701 = arith.constant 96 : index
        %swap3A_2702 = tpu.vector_load %arg6[%swap3A_2700, %swap3A_2701] {strides = array<i32>} : memref<4x128xi32, #tpu.memory_space<vmem>>, vector<16xi32>,
        tpu.vector_store %arg6[%swap3A_2700, %swap3A_2701], %select_n3A_2698 {strides = array<i32>} : memref<4x128xi32, #tpu.memory_space<vmem>>, vector<16xi32>,
        %add3A_2703 = arith.constant 240 : i32
        %add3A_2704 = arith.addi %mul3A_2522, %add3A_2703 : i32
        %get3A_2705 = arith.index_cast %add3A_2704 : i32 to index
        %get3A_2706 = tpu.vector_load %arg5[%get3A_2705] {strides = array<i32>} : memref<25600xi32, #tpu.memory_space<vmem>>, vector<16xi32>,
        %ge3A_2707 = arith.constant 1000000 : i32
        %ge3A_2708 = vector.broadcast %ge3A_2707 : i32 to vector<16xi32>
        %ge3A_2709 = arith.cmpi sge, %get3A_2706, %ge3A_2708 : vector<16xi32>
        %select_n3A_2710 = arith.select %ge3A_2709, %broadcast_in_dim3A_1, %get3A_2706 : vector<16xi1>, vector<16xi32>
        %swap3A_2711 = arith.constant 1 : i32
        %swap3A_2712 = arith.index_cast %swap3A_2711 : i32 to index
        %swap3A_2713 = arith.constant 112 : index
        %swap3A_2714 = tpu.vector_load %arg6[%swap3A_2712, %swap3A_2713] {strides = array<i32>} : memref<4x128xi32, #tpu.memory_space<vmem>>, vector<16xi32>,
        tpu.vector_store %arg6[%swap3A_2712, %swap3A_2713], %select_n3A_2710 {strides = array<i32>} : memref<4x128xi32, #tpu.memory_space<vmem>>, vector<16xi32>,
        %add3A_2715 = arith.constant 256 : i32
        %add3A_2716 = arith.addi %mul3A_2522, %add3A_2715 : i32
        %get3A_2717 = arith.index_cast %add3A_2716 : i32 to index
        %get3A_2718 = tpu.vector_load %arg5[%get3A_2717] {strides = array<i32>} : memref<25600xi32, #tpu.memory_space<vmem>>, vector<16xi32>,
        %ge3A_2719 = arith.constant 1000000 : i32
        %ge3A_2720 = vector.broadcast %ge3A_2719 : i32 to vector<16xi32>
        %ge3A_2721 = arith.cmpi sge, %get3A_2718, %ge3A_2720 : vector<16xi32>
        %select_n3A_2722 = arith.select %ge3A_2721, %broadcast_in_dim3A_1, %get3A_2718 : vector<16xi1>, vector<16xi32>
        %swap3A_2723 = arith.constant 2 : i32
        %swap3A_2724 = arith.index_cast %swap3A_2723 : i32 to index
        %swap3A_2725 = arith.constant 0 : index
        %swap3A_2726 = tpu.vector_load %arg6[%swap3A_2724, %swap3A_2725] {strides = array<i32>} : memref<4x128xi32, #tpu.memory_space<vmem>>, vector<16xi32>,
        tpu.vector_store %arg6[%swap3A_2724, %swap3A_2725], %select_n3A_2722 {strides = array<i32>} : memref<4x128xi32, #tpu.memory_space<vmem>>, vector<16xi32>,
        %add3A_2727 = arith.constant 272 : i32
        %add3A_2728 = arith.addi %mul3A_2522, %add3A_2727 : i32
        %get3A_2729 = arith.index_cast %add3A_2728 : i32 to index
        %get3A_2730 = tpu.vector_load %arg5[%get3A_2729] {strides = array<i32>} : memref<25600xi32, #tpu.memory_space<vmem>>, vector<16xi32>,
        %ge3A_2731 = arith.constant 1000000 : i32
        %ge3A_2732 = vector.broadcast %ge3A_2731 : i32 to vector<16xi32>
        %ge3A_2733 = arith.cmpi sge, %get3A_2730, %ge3A_2732 : vector<16xi32>
        %select_n3A_2734 = arith.select %ge3A_2733, %broadcast_in_dim3A_1, %get3A_2730 : vector<16xi1>, vector<16xi32>
        %swap3A_2735 = arith.constant 2 : i32
        %swap3A_2736 = arith.index_cast %swap3A_2735 : i32 to index
        %swap3A_2737 = arith.constant 16 : index
        %swap3A_2738 = tpu.vector_load %arg6[%swap3A_2736, %swap3A_2737] {strides = array<i32>} : memref<4x128xi32, #tpu.memory_space<vmem>>, vector<16xi32>,
        tpu.vector_store %arg6[%swap3A_2736, %swap3A_2737], %select_n3A_2734 {strides = array<i32>} : memref<4x128xi32, #tpu.memory_space<vmem>>, vector<16xi32>,
        %add3A_2739 = arith.constant 288 : i32
        %add3A_2740 = arith.addi %mul3A_2522, %add3A_2739 : i32
        %get3A_2741 = arith.index_cast %add3A_2740 : i32 to index
        %get3A_2742 = tpu.vector_load %arg5[%get3A_2741] {strides = array<i32>} : memref<25600xi32, #tpu.memory_space<vmem>>, vector<16xi32>,
        %ge3A_2743 = arith.constant 1000000 : i32
        %ge3A_2744 = vector.broadcast %ge3A_2743 : i32 to vector<16xi32>
        %ge3A_2745 = arith.cmpi sge, %get3A_2742, %ge3A_2744 : vector<16xi32>
        %select_n3A_2746 = arith.select %ge3A_2745, %broadcast_in_dim3A_1, %get3A_2742 : vector<16xi1>, vector<16xi32>
        %swap3A_2747 = arith.constant 2 : i32
        %swap3A_2748 = arith.index_cast %swap3A_2747 : i32 to index
        %swap3A_2749 = arith.constant 32 : index
        %swap3A_2750 = tpu.vector_load %arg6[%swap3A_2748, %swap3A_2749] {strides = array<i32>} : memref<4x128xi32, #tpu.memory_space<vmem>>, vector<16xi32>,
        tpu.vector_store %arg6[%swap3A_2748, %swap3A_2749], %select_n3A_2746 {strides = array<i32>} : memref<4x128xi32, #tpu.memory_space<vmem>>, vector<16xi32>,
        %add3A_2751 = arith.constant 304 : i32
        %add3A_2752 = arith.addi %mul3A_2522, %add3A_2751 : i32
        %get3A_2753 = arith.index_cast %add3A_2752 : i32 to index
        %get3A_2754 = tpu.vector_load %arg5[%get3A_2753] {strides = array<i32>} : memref<25600xi32, #tpu.memory_space<vmem>>, vector<16xi32>,
        %ge3A_2755 = arith.constant 1000000 : i32
        %ge3A_2756 = vector.broadcast %ge3A_2755 : i32 to vector<16xi32>
        %ge3A_2757 = arith.cmpi sge, %get3A_2754, %ge3A_2756 : vector<16xi32>
        %select_n3A_2758 = arith.select %ge3A_2757, %broadcast_in_dim3A_1, %get3A_2754 : vector<16xi1>, vector<16xi32>
        %swap3A_2759 = arith.constant 2 : i32
        %swap3A_2760 = arith.index_cast %swap3A_2759 : i32 to index
        %swap3A_2761 = arith.constant 48 : index
        %swap3A_2762 = tpu.vector_load %arg6[%swap3A_2760, %swap3A_2761] {strides = array<i32>} : memref<4x128xi32, #tpu.memory_space<vmem>>, vector<16xi32>,
        tpu.vector_store %arg6[%swap3A_2760, %swap3A_2761], %select_n3A_2758 {strides = array<i32>} : memref<4x128xi32, #tpu.memory_space<vmem>>, vector<16xi32>,
        %add3A_2763 = arith.constant 320 : i32
        %add3A_2764 = arith.addi %mul3A_2522, %add3A_2763 : i32
        %get3A_2765 = arith.index_cast %add3A_2764 : i32 to index
        %get3A_2766 = tpu.vector_load %arg5[%get3A_2765] {strides = array<i32>} : memref<25600xi32, #tpu.memory_space<vmem>>, vector<16xi32>,
        %ge3A_2767 = arith.constant 1000000 : i32
        %ge3A_2768 = vector.broadcast %ge3A_2767 : i32 to vector<16xi32>
        %ge3A_2769 = arith.cmpi sge, %get3A_2766, %ge3A_2768 : vector<16xi32>
        %select_n3A_2770 = arith.select %ge3A_2769, %broadcast_in_dim3A_1, %get3A_2766 : vector<16xi1>, vector<16xi32>
        %swap3A_2771 = arith.constant 2 : i32
        %swap3A_2772 = arith.index_cast %swap3A_2771 : i32 to index
        %swap3A_2773 = arith.constant 64 : index
        %swap3A_2774 = tpu.vector_load %arg6[%swap3A_2772, %swap3A_2773] {strides = array<i32>} : memref<4x128xi32, #tpu.memory_space<vmem>>, vector<16xi32>,
        tpu.vector_store %arg6[%swap3A_2772, %swap3A_2773], %select_n3A_2770 {strides = array<i32>} : memref<4x128xi32, #tpu.memory_space<vmem>>, vector<16xi32>,
        %add3A_2775 = arith.constant 336 : i32
        %add3A_2776 = arith.addi %mul3A_2522, %add3A_2775 : i32
        %get3A_2777 = arith.index_cast %add3A_2776 : i32 to index
        %get3A_2778 = tpu.vector_load %arg5[%get3A_2777] {strides = array<i32>} : memref<25600xi32, #tpu.memory_space<vmem>>, vector<16xi32>,
        %ge3A_2779 = arith.constant 1000000 : i32
        %ge3A_2780 = vector.broadcast %ge3A_2779 : i32 to vector<16xi32>
        %ge3A_2781 = arith.cmpi sge, %get3A_2778, %ge3A_2780 : vector<16xi32>
        %select_n3A_2782 = arith.select %ge3A_2781, %broadcast_in_dim3A_1, %get3A_2778 : vector<16xi1>, vector<16xi32>
        %swap3A_2783 = arith.constant 2 : i32
        %swap3A_2784 = arith.index_cast %swap3A_2783 : i32 to index
        %swap3A_2785 = arith.constant 80 : index
        %swap3A_2786 = tpu.vector_load %arg6[%swap3A_2784, %swap3A_2785] {strides = array<i32>} : memref<4x128xi32, #tpu.memory_space<vmem>>, vector<16xi32>,
        tpu.vector_store %arg6[%swap3A_2784, %swap3A_2785], %select_n3A_2782 {strides = array<i32>} : memref<4x128xi32, #tpu.memory_space<vmem>>, vector<16xi32>,
        %add3A_2787 = arith.constant 352 : i32
        %add3A_2788 = arith.addi %mul3A_2522, %add3A_2787 : i32
        %get3A_2789 = arith.index_cast %add3A_2788 : i32 to index
        %get3A_2790 = tpu.vector_load %arg5[%get3A_2789] {strides = array<i32>} : memref<25600xi32, #tpu.memory_space<vmem>>, vector<16xi32>,
        %ge3A_2791 = arith.constant 1000000 : i32
        %ge3A_2792 = vector.broadcast %ge3A_2791 : i32 to vector<16xi32>
        %ge3A_2793 = arith.cmpi sge, %get3A_2790, %ge3A_2792 : vector<16xi32>
        %select_n3A_2794 = arith.select %ge3A_2793, %broadcast_in_dim3A_1, %get3A_2790 : vector<16xi1>, vector<16xi32>
        %swap3A_2795 = arith.constant 2 : i32
        %swap3A_2796 = arith.index_cast %swap3A_2795 : i32 to index
        %swap3A_2797 = arith.constant 96 : index
        %swap3A_2798 = tpu.vector_load %arg6[%swap3A_2796, %swap3A_2797] {strides = array<i32>} : memref<4x128xi32, #tpu.memory_space<vmem>>, vector<16xi32>,
        tpu.vector_store %arg6[%swap3A_2796, %swap3A_2797], %select_n3A_2794 {strides = array<i32>} : memref<4x128xi32, #tpu.memory_space<vmem>>, vector<16xi32>,
        %add3A_2799 = arith.constant 368 : i32
        %add3A_2800 = arith.addi %mul3A_2522, %add3A_2799 : i32
        %get3A_2801 = arith.index_cast %add3A_2800 : i32 to index
        %get3A_2802 = tpu.vector_load %arg5[%get3A_2801] {strides = array<i32>} : memref<25600xi32, #tpu.memory_space<vmem>>, vector<16xi32>,
        %ge3A_2803 = arith.constant 1000000 : i32
        %ge3A_2804 = vector.broadcast %ge3A_2803 : i32 to vector<16xi32>
        %ge3A_2805 = arith.cmpi sge, %get3A_2802, %ge3A_2804 : vector<16xi32>
        %select_n3A_2806 = arith.select %ge3A_2805, %broadcast_in_dim3A_1, %get3A_2802 : vector<16xi1>, vector<16xi32>
        %swap3A_2807 = arith.constant 2 : i32
        %swap3A_2808 = arith.index_cast %swap3A_2807 : i32 to index
        %swap3A_2809 = arith.constant 112 : index
        %swap3A_2810 = tpu.vector_load %arg6[%swap3A_2808, %swap3A_2809] {strides = array<i32>} : memref<4x128xi32, #tpu.memory_space<vmem>>, vector<16xi32>,
        tpu.vector_store %arg6[%swap3A_2808, %swap3A_2809], %select_n3A_2806 {strides = array<i32>} : memref<4x128xi32, #tpu.memory_space<vmem>>, vector<16xi32>,
        %add3A_2811 = arith.constant 384 : i32
        %add3A_2812 = arith.addi %mul3A_2522, %add3A_2811 : i32
        %get3A_2813 = arith.index_cast %add3A_2812 : i32 to index
        %get3A_2814 = tpu.vector_load %arg5[%get3A_2813] {strides = array<i32>} : memref<25600xi32, #tpu.memory_space<vmem>>, vector<16xi32>,
        %ge3A_2815 = arith.constant 1000000 : i32
        %ge3A_2816 = vector.broadcast %ge3A_2815 : i32 to vector<16xi32>
        %ge3A_2817 = arith.cmpi sge, %get3A_2814, %ge3A_2816 : vector<16xi32>
        %select_n3A_2818 = arith.select %ge3A_2817, %broadcast_in_dim3A_1, %get3A_2814 : vector<16xi1>, vector<16xi32>
        %swap3A_2819 = arith.constant 3 : i32
        %swap3A_2820 = arith.index_cast %swap3A_2819 : i32 to index
        %swap3A_2821 = arith.constant 0 : index
        %swap3A_2822 = tpu.vector_load %arg6[%swap3A_2820, %swap3A_2821] {strides = array<i32>} : memref<4x128xi32, #tpu.memory_space<vmem>>, vector<16xi32>,
        tpu.vector_store %arg6[%swap3A_2820, %swap3A_2821], %select_n3A_2818 {strides = array<i32>} : memref<4x128xi32, #tpu.memory_space<vmem>>, vector<16xi32>,
        %add3A_2823 = arith.constant 400 : i32
        %add3A_2824 = arith.addi %mul3A_2522, %add3A_2823 : i32
        %get3A_2825 = arith.index_cast %add3A_2824 : i32 to index
        %get3A_2826 = tpu.vector_load %arg5[%get3A_2825] {strides = array<i32>} : memref<25600xi32, #tpu.memory_space<vmem>>, vector<16xi32>,
        %ge3A_2827 = arith.constant 1000000 : i32
        %ge3A_2828 = vector.broadcast %ge3A_2827 : i32 to vector<16xi32>
        %ge3A_2829 = arith.cmpi sge, %get3A_2826, %ge3A_2828 : vector<16xi32>
        %select_n3A_2830 = arith.select %ge3A_2829, %broadcast_in_dim3A_1, %get3A_2826 : vector<16xi1>, vector<16xi32>
        %swap3A_2831 = arith.constant 3 : i32
        %swap3A_2832 = arith.index_cast %swap3A_2831 : i32 to index
        %swap3A_2833 = arith.constant 16 : index
        %swap3A_2834 = tpu.vector_load %arg6[%swap3A_2832, %swap3A_2833] {strides = array<i32>} : memref<4x128xi32, #tpu.memory_space<vmem>>, vector<16xi32>,
        tpu.vector_store %arg6[%swap3A_2832, %swap3A_2833], %select_n3A_2830 {strides = array<i32>} : memref<4x128xi32, #tpu.memory_space<vmem>>, vector<16xi32>,
        %add3A_2835 = arith.constant 416 : i32
        %add3A_2836 = arith.addi %mul3A_2522, %add3A_2835 : i32
        %get3A_2837 = arith.index_cast %add3A_2836 : i32 to index
        %get3A_2838 = tpu.vector_load %arg5[%get3A_2837] {strides = array<i32>} : memref<25600xi32, #tpu.memory_space<vmem>>, vector<16xi32>,
        %ge3A_2839 = arith.constant 1000000 : i32
        %ge3A_2840 = vector.broadcast %ge3A_2839 : i32 to vector<16xi32>
        %ge3A_2841 = arith.cmpi sge, %get3A_2838, %ge3A_2840 : vector<16xi32>
        %select_n3A_2842 = arith.select %ge3A_2841, %broadcast_in_dim3A_1, %get3A_2838 : vector<16xi1>, vector<16xi32>
        %swap3A_2843 = arith.constant 3 : i32
        %swap3A_2844 = arith.index_cast %swap3A_2843 : i32 to index
        %swap3A_2845 = arith.constant 32 : index
        %swap3A_2846 = tpu.vector_load %arg6[%swap3A_2844, %swap3A_2845] {strides = array<i32>} : memref<4x128xi32, #tpu.memory_space<vmem>>, vector<16xi32>,
        tpu.vector_store %arg6[%swap3A_2844, %swap3A_2845], %select_n3A_2842 {strides = array<i32>} : memref<4x128xi32, #tpu.memory_space<vmem>>, vector<16xi32>,
        %add3A_2847 = arith.constant 432 : i32
        %add3A_2848 = arith.addi %mul3A_2522, %add3A_2847 : i32
        %get3A_2849 = arith.index_cast %add3A_2848 : i32 to index
        %get3A_2850 = tpu.vector_load %arg5[%get3A_2849] {strides = array<i32>} : memref<25600xi32, #tpu.memory_space<vmem>>, vector<16xi32>,
        %ge3A_2851 = arith.constant 1000000 : i32
        %ge3A_2852 = vector.broadcast %ge3A_2851 : i32 to vector<16xi32>
        %ge3A_2853 = arith.cmpi sge, %get3A_2850, %ge3A_2852 : vector<16xi32>
        %select_n3A_2854 = arith.select %ge3A_2853, %broadcast_in_dim3A_1, %get3A_2850 : vector<16xi1>, vector<16xi32>
        %swap3A_2855 = arith.constant 3 : i32
        %swap3A_2856 = arith.index_cast %swap3A_2855 : i32 to index
        %swap3A_2857 = arith.constant 48 : index
        %swap3A_2858 = tpu.vector_load %arg6[%swap3A_2856, %swap3A_2857] {strides = array<i32>} : memref<4x128xi32, #tpu.memory_space<vmem>>, vector<16xi32>,
        tpu.vector_store %arg6[%swap3A_2856, %swap3A_2857], %select_n3A_2854 {strides = array<i32>} : memref<4x128xi32, #tpu.memory_space<vmem>>, vector<16xi32>,
        %add3A_2859 = arith.constant 448 : i32
        %add3A_2860 = arith.addi %mul3A_2522, %add3A_2859 : i32
        %get3A_2861 = arith.index_cast %add3A_2860 : i32 to index
        %get3A_2862 = tpu.vector_load %arg5[%get3A_2861] {strides = array<i32>} : memref<25600xi32, #tpu.memory_space<vmem>>, vector<16xi32>,
        %ge3A_2863 = arith.constant 1000000 : i32
        %ge3A_2864 = vector.broadcast %ge3A_2863 : i32 to vector<16xi32>
        %ge3A_2865 = arith.cmpi sge, %get3A_2862, %ge3A_2864 : vector<16xi32>
        %select_n3A_2866 = arith.select %ge3A_2865, %broadcast_in_dim3A_1, %get3A_2862 : vector<16xi1>, vector<16xi32>
        %swap3A_2867 = arith.constant 3 : i32
        %swap3A_2868 = arith.index_cast %swap3A_2867 : i32 to index
        %swap3A_2869 = arith.constant 64 : index
        %swap3A_2870 = tpu.vector_load %arg6[%swap3A_2868, %swap3A_2869] {strides = array<i32>} : memref<4x128xi32, #tpu.memory_space<vmem>>, vector<16xi32>,
        tpu.vector_store %arg6[%swap3A_2868, %swap3A_2869], %select_n3A_2866 {strides = array<i32>} : memref<4x128xi32, #tpu.memory_space<vmem>>, vector<16xi32>,
        %add3A_2871 = arith.constant 464 : i32
        %add3A_2872 = arith.addi %mul3A_2522, %add3A_2871 : i32
        %get3A_2873 = arith.index_cast %add3A_2872 : i32 to index
        %get3A_2874 = tpu.vector_load %arg5[%get3A_2873] {strides = array<i32>} : memref<25600xi32, #tpu.memory_space<vmem>>, vector<16xi32>,
        %ge3A_2875 = arith.constant 1000000 : i32
        %ge3A_2876 = vector.broadcast %ge3A_2875 : i32 to vector<16xi32>
        %ge3A_2877 = arith.cmpi sge, %get3A_2874, %ge3A_2876 : vector<16xi32>
        %select_n3A_2878 = arith.select %ge3A_2877, %broadcast_in_dim3A_1, %get3A_2874 : vector<16xi1>, vector<16xi32>
        %swap3A_2879 = arith.constant 3 : i32
        %swap3A_2880 = arith.index_cast %swap3A_2879 : i32 to index
        %swap3A_2881 = arith.constant 80 : index
        %swap3A_2882 = tpu.vector_load %arg6[%swap3A_2880, %swap3A_2881] {strides = array<i32>} : memref<4x128xi32, #tpu.memory_space<vmem>>, vector<16xi32>,
        tpu.vector_store %arg6[%swap3A_2880, %swap3A_2881], %select_n3A_2878 {strides = array<i32>} : memref<4x128xi32, #tpu.memory_space<vmem>>, vector<16xi32>,
        %add3A_2883 = arith.constant 480 : i32
        %add3A_2884 = arith.addi %mul3A_2522, %add3A_2883 : i32
        %get3A_2885 = arith.index_cast %add3A_2884 : i32 to index
        %get3A_2886 = tpu.vector_load %arg5[%get3A_2885] {strides = array<i32>} : memref<25600xi32, #tpu.memory_space<vmem>>, vector<16xi32>,
        %ge3A_2887 = arith.constant 1000000 : i32
        %ge3A_2888 = vector.broadcast %ge3A_2887 : i32 to vector<16xi32>
        %ge3A_2889 = arith.cmpi sge, %get3A_2886, %ge3A_2888 : vector<16xi32>
        %select_n3A_2890 = arith.select %ge3A_2889, %broadcast_in_dim3A_1, %get3A_2886 : vector<16xi1>, vector<16xi32>
        %swap3A_2891 = arith.constant 3 : i32
        %swap3A_2892 = arith.index_cast %swap3A_2891 : i32 to index
        %swap3A_2893 = arith.constant 96 : index
        %swap3A_2894 = tpu.vector_load %arg6[%swap3A_2892, %swap3A_2893] {strides = array<i32>} : memref<4x128xi32, #tpu.memory_space<vmem>>, vector<16xi32>,
        tpu.vector_store %arg6[%swap3A_2892, %swap3A_2893], %select_n3A_2890 {strides = array<i32>} : memref<4x128xi32, #tpu.memory_space<vmem>>, vector<16xi32>,
        %add3A_2895 = arith.constant 496 : i32
        %add3A_2896 = arith.addi %mul3A_2522, %add3A_2895 : i32
        %get3A_2897 = arith.index_cast %add3A_2896 : i32 to index
        %get3A_2898 = tpu.vector_load %arg5[%get3A_2897] {strides = array<i32>} : memref<25600xi32, #tpu.memory_space<vmem>>, vector<16xi32>,
        %ge3A_2899 = arith.constant 1000000 : i32
        %ge3A_2900 = vector.broadcast %ge3A_2899 : i32 to vector<16xi32>
        %ge3A_2901 = arith.cmpi sge, %get3A_2898, %ge3A_2900 : vector<16xi32>
        %select_n3A_2902 = arith.select %ge3A_2901, %broadcast_in_dim3A_1, %get3A_2898 : vector<16xi1>, vector<16xi32>
        %swap3A_2903 = arith.constant 3 : i32
        %swap3A_2904 = arith.index_cast %swap3A_2903 : i32 to index
        %swap3A_2905 = arith.constant 112 : index
        %swap3A_2906 = tpu.vector_load %arg6[%swap3A_2904, %swap3A_2905] {strides = array<i32>} : memref<4x128xi32, #tpu.memory_space<vmem>>, vector<16xi32>,
        tpu.vector_store %arg6[%swap3A_2904, %swap3A_2905], %select_n3A_2902 {strides = array<i32>} : memref<4x128xi32, #tpu.memory_space<vmem>>, vector<16xi32>,
        %dma_start3A_2907 = arith.constant 0 : i32
        %dma_start3A_2908 = arith.constant 0 : i32
        %dma_start3A_2909 = arith.constant 0 : i32
        %dma_start3A_2910 = tpu.memref_slice %arg8[%dma_start3A_2908, %dma_start3A_2909] : memref<512x32xf32, #tpu.memory_space<vmem>> -> memref<128x32xf32, #tpu.memory_space<vmem>>
        %dma_start3A_2911 = arith.constant 0 : i32
        %dma_start3A_2912 = tpu.memref_slice %arg6[%dma_start3A_2907, %dma_start3A_2911] : memref<4x128xi32, #tpu.memory_space<vmem>> -> memref<1x128xi32, #tpu.memory_space<vmem>>
        %dma_start3A_2913 = tpu.memref_squeeze %dma_start3A_2912 : memref<1x128xi32, #tpu.memory_space<vmem>> -> memref<128xi32, #tpu.memory_space<vmem>>
        %dma_start3A_2914 = arith.constant 0 : i32
        %dma_start3A_2915 = arith.constant 0 : i32
        %dma_start3A_2916 = tpu.memref_slice %arg3[%dma_start3A_2914, %dma_start3A_2915] : memref<1000000x32xf32, #tpu.memory_space<hbm>> -> memref<1000000x32xf32, #tpu.memory_space<hbm>>
        tpu.enqueue_indirect_dma source(%dma_start3A_2916 : memref<1000000x32xf32, #tpu.memory_space<hbm>>) target(%dma_start3A_2910 : memref<128x32xf32, #tpu.memory_space<vmem>>) offsets(%dma_start3A_2913 : memref<128xi32, #tpu.memory_space<vmem>>) semaphore(%arg15 : memref<!tpu.dma_semaphore, #tpu.memory_space<semaphore_mem>>)
        %dma_start3A_2917 = arith.constant 1 : i32
        %dma_start3A_2918 = arith.constant 128 : i32
        %dma_start3A_2919 = arith.constant 0 : i32
        %dma_start3A_2920 = tpu.memref_slice %arg8[%dma_start3A_2918, %dma_start3A_2919] : memref<512x32xf32, #tpu.memory_space<vmem>> -> memref<128x32xf32, #tpu.memory_space<vmem>>
        %dma_start3A_2921 = arith.constant 0 : i32
        %dma_start3A_2922 = tpu.memref_slice %arg6[%dma_start3A_2917, %dma_start3A_2921] : memref<4x128xi32, #tpu.memory_space<vmem>> -> memref<1x128xi32, #tpu.memory_space<vmem>>
        %dma_start3A_2923 = tpu.memref_squeeze %dma_start3A_2922 : memref<1x128xi32, #tpu.memory_space<vmem>> -> memref<128xi32, #tpu.memory_space<vmem>>
        %dma_start3A_2924 = arith.constant 0 : i32
        %dma_start3A_2925 = arith.constant 0 : i32
        %dma_start3A_2926 = tpu.memref_slice %arg3[%dma_start3A_2924, %dma_start3A_2925] : memref<1000000x32xf32, #tpu.memory_space<hbm>> -> memref<1000000x32xf32, #tpu.memory_space<hbm>>
        tpu.enqueue_indirect_dma source(%dma_start3A_2926 : memref<1000000x32xf32, #tpu.memory_space<hbm>>) target(%dma_start3A_2920 : memref<128x32xf32, #tpu.memory_space<vmem>>) offsets(%dma_start3A_2923 : memref<128xi32, #tpu.memory_space<vmem>>) semaphore(%arg15 : memref<!tpu.dma_semaphore, #tpu.memory_space<semaphore_mem>>)
        %dma_start3A_2927 = arith.constant 2 : i32
        %dma_start3A_2928 = arith.constant 256 : i32
        %dma_start3A_2929 = arith.constant 0 : i32
        %dma_start3A_2930 = tpu.memref_slice %arg8[%dma_start3A_2928, %dma_start3A_2929] : memref<512x32xf32, #tpu.memory_space<vmem>> -> memref<128x32xf32, #tpu.memory_space<vmem>>
        %dma_start3A_2931 = arith.constant 0 : i32
        %dma_start3A_2932 = tpu.memref_slice %arg6[%dma_start3A_2927, %dma_start3A_2931] : memref<4x128xi32, #tpu.memory_space<vmem>> -> memref<1x128xi32, #tpu.memory_space<vmem>>
        %dma_start3A_2933 = tpu.memref_squeeze %dma_start3A_2932 : memref<1x128xi32, #tpu.memory_space<vmem>> -> memref<128xi32, #tpu.memory_space<vmem>>
        %dma_start3A_2934 = arith.constant 0 : i32
        %dma_start3A_2935 = arith.constant 0 : i32
        %dma_start3A_2936 = tpu.memref_slice %arg3[%dma_start3A_2934, %dma_start3A_2935] : memref<1000000x32xf32, #tpu.memory_space<hbm>> -> memref<1000000x32xf32, #tpu.memory_space<hbm>>
        tpu.enqueue_indirect_dma source(%dma_start3A_2936 : memref<1000000x32xf32, #tpu.memory_space<hbm>>) target(%dma_start3A_2930 : memref<128x32xf32, #tpu.memory_space<vmem>>) offsets(%dma_start3A_2933 : memref<128xi32, #tpu.memory_space<vmem>>) semaphore(%arg15 : memref<!tpu.dma_semaphore, #tpu.memory_space<semaphore_mem>>)
        %dma_start3A_2937 = arith.constant 3 : i32
        %dma_start3A_2938 = arith.constant 384 : i32
        %dma_start3A_2939 = arith.constant 0 : i32
        %dma_start3A_2940 = tpu.memref_slice %arg8[%dma_start3A_2938, %dma_start3A_2939] : memref<512x32xf32, #tpu.memory_space<vmem>> -> memref<128x32xf32, #tpu.memory_space<vmem>>
        %dma_start3A_2941 = arith.constant 0 : i32
        %dma_start3A_2942 = tpu.memref_slice %arg6[%dma_start3A_2937, %dma_start3A_2941] : memref<4x128xi32, #tpu.memory_space<vmem>> -> memref<1x128xi32, #tpu.memory_space<vmem>>
        %dma_start3A_2943 = tpu.memref_squeeze %dma_start3A_2942 : memref<1x128xi32, #tpu.memory_space<vmem>> -> memref<128xi32, #tpu.memory_space<vmem>>
        %dma_start3A_2944 = arith.constant 0 : i32
        %dma_start3A_2945 = arith.constant 0 : i32
        %dma_start3A_2946 = tpu.memref_slice %arg3[%dma_start3A_2944, %dma_start3A_2945] : memref<1000000x32xf32, #tpu.memory_space<hbm>> -> memref<1000000x32xf32, #tpu.memory_space<hbm>>
        tpu.enqueue_indirect_dma source(%dma_start3A_2946 : memref<1000000x32xf32, #tpu.memory_space<hbm>>) target(%dma_start3A_2940 : memref<128x32xf32, #tpu.memory_space<vmem>>) offsets(%dma_start3A_2943 : memref<128xi32, #tpu.memory_space<vmem>>) semaphore(%arg15 : memref<!tpu.dma_semaphore, #tpu.memory_space<semaphore_mem>>)
      } else {
      }
      %dma_wait3A_2084 = arith.constant 0 : i32
      %dma_wait3A_2085 = arith.constant 0 : i32
      %dma_wait3A_2086 = arith.constant 0 : i32
      %dma_wait3A_2087 = tpu.memref_slice %arg9[%dma_wait3A_2085, %dma_wait3A_2086] : memref<512x32xf32, #tpu.memory_space<vmem>> -> memref<128x32xf32, #tpu.memory_space<vmem>>
      %dma_wait3A_2088 = arith.constant 0 : i32
      %dma_wait3A_2089 = tpu.memref_slice %arg7[%dma_wait3A_2084, %dma_wait3A_2088] : memref<4x128xi32, #tpu.memory_space<vmem>> -> memref<1x128xi32, #tpu.memory_space<vmem>>
      %dma_wait3A_2090 = tpu.memref_squeeze %dma_wait3A_2089 : memref<1x128xi32, #tpu.memory_space<vmem>> -> memref<128xi32, #tpu.memory_space<vmem>>
      %dma_wait3A_2091 = arith.constant 0 : i32
      %dma_wait3A_2092 = arith.constant 0 : i32
      %dma_wait3A_2093 = tpu.memref_slice %arg3[%dma_wait3A_2091, %dma_wait3A_2092] : memref<1000000x32xf32, #tpu.memory_space<hbm>> -> memref<1000000x32xf32, #tpu.memory_space<hbm>>
      tpu.wait_indirect_dma semaphore(%arg16 : memref<!tpu.dma_semaphore, #tpu.memory_space<semaphore_mem>>) src(%dma_wait3A_2093 : memref<1000000x32xf32, #tpu.memory_space<hbm>>) dst(%dma_wait3A_2087 : memref<128x32xf32, #tpu.memory_space<vmem>>)
      %dma_wait3A_2094 = arith.constant 1 : i32
      %dma_wait3A_2095 = arith.constant 128 : i32
      %dma_wait3A_2096 = arith.constant 0 : i32
      %dma_wait3A_2097 = tpu.memref_slice %arg9[%dma_wait3A_2095, %dma_wait3A_2096] : memref<512x32xf32, #tpu.memory_space<vmem>> -> memref<128x32xf32, #tpu.memory_space<vmem>>
      %dma_wait3A_2098 = arith.constant 0 : i32
      %dma_wait3A_2099 = tpu.memref_slice %arg7[%dma_wait3A_2094, %dma_wait3A_2098] : memref<4x128xi32, #tpu.memory_space<vmem>> -> memref<1x128xi32, #tpu.memory_space<vmem>>
      %dma_wait3A_2100 = tpu.memref_squeeze %dma_wait3A_2099 : memref<1x128xi32, #tpu.memory_space<vmem>> -> memref<128xi32, #tpu.memory_space<vmem>>
      %dma_wait3A_2101 = arith.constant 0 : i32
      %dma_wait3A_2102 = arith.constant 0 : i32
      %dma_wait3A_2103 = tpu.memref_slice %arg3[%dma_wait3A_2101, %dma_wait3A_2102] : memref<1000000x32xf32, #tpu.memory_space<hbm>> -> memref<1000000x32xf32, #tpu.memory_space<hbm>>
      tpu.wait_indirect_dma semaphore(%arg16 : memref<!tpu.dma_semaphore, #tpu.memory_space<semaphore_mem>>) src(%dma_wait3A_2103 : memref<1000000x32xf32, #tpu.memory_space<hbm>>) dst(%dma_wait3A_2097 : memref<128x32xf32, #tpu.memory_space<vmem>>)
      %dma_wait3A_2104 = arith.constant 2 : i32
      %dma_wait3A_2105 = arith.constant 256 : i32
      %dma_wait3A_2106 = arith.constant 0 : i32
      %dma_wait3A_2107 = tpu.memref_slice %arg9[%dma_wait3A_2105, %dma_wait3A_2106] : memref<512x32xf32, #tpu.memory_space<vmem>> -> memref<128x32xf32, #tpu.memory_space<vmem>>
      %dma_wait3A_2108 = arith.constant 0 : i32
      %dma_wait3A_2109 = tpu.memref_slice %arg7[%dma_wait3A_2104, %dma_wait3A_2108] : memref<4x128xi32, #tpu.memory_space<vmem>> -> memref<1x128xi32, #tpu.memory_space<vmem>>
      %dma_wait3A_2110 = tpu.memref_squeeze %dma_wait3A_2109 : memref<1x128xi32, #tpu.memory_space<vmem>> -> memref<128xi32, #tpu.memory_space<vmem>>
      %dma_wait3A_2111 = arith.constant 0 : i32
      %dma_wait3A_2112 = arith.constant 0 : i32
      %dma_wait3A_2113 = tpu.memref_slice %arg3[%dma_wait3A_2111, %dma_wait3A_2112] : memref<1000000x32xf32, #tpu.memory_space<hbm>> -> memref<1000000x32xf32, #tpu.memory_space<hbm>>
      tpu.wait_indirect_dma semaphore(%arg16 : memref<!tpu.dma_semaphore, #tpu.memory_space<semaphore_mem>>) src(%dma_wait3A_2113 : memref<1000000x32xf32, #tpu.memory_space<hbm>>) dst(%dma_wait3A_2107 : memref<128x32xf32, #tpu.memory_space<vmem>>)
      %dma_wait3A_2114 = arith.constant 3 : i32
      %dma_wait3A_2115 = arith.constant 384 : i32
      %dma_wait3A_2116 = arith.constant 0 : i32
      %dma_wait3A_2117 = tpu.memref_slice %arg9[%dma_wait3A_2115, %dma_wait3A_2116] : memref<512x32xf32, #tpu.memory_space<vmem>> -> memref<128x32xf32, #tpu.memory_space<vmem>>
      %dma_wait3A_2118 = arith.constant 0 : i32
      %dma_wait3A_2119 = tpu.memref_slice %arg7[%dma_wait3A_2114, %dma_wait3A_2118] : memref<4x128xi32, #tpu.memory_space<vmem>> -> memref<1x128xi32, #tpu.memory_space<vmem>>
      %dma_wait3A_2120 = tpu.memref_squeeze %dma_wait3A_2119 : memref<1x128xi32, #tpu.memory_space<vmem>> -> memref<128xi32, #tpu.memory_space<vmem>>
      %dma_wait3A_2121 = arith.constant 0 : i32
      %dma_wait3A_2122 = arith.constant 0 : i32
      %dma_wait3A_2123 = tpu.memref_slice %arg3[%dma_wait3A_2121, %dma_wait3A_2122] : memref<1000000x32xf32, #tpu.memory_space<hbm>> -> memref<1000000x32xf32, #tpu.memory_space<hbm>>
      tpu.wait_indirect_dma semaphore(%arg16 : memref<!tpu.dma_semaphore, #tpu.memory_space<semaphore_mem>>) src(%dma_wait3A_2123 : memref<1000000x32xf32, #tpu.memory_space<hbm>>) dst(%dma_wait3A_2117 : memref<128x32xf32, #tpu.memory_space<vmem>>)
      %mul3A_2124 = arith.constant 512 : i32
      %mul3A_2125 = arith.muli %add3A_1229, %mul3A_2124 : i32
      %add3A_2126 = arith.constant 0 : i32
      %add3A_2127 = arith.addi %mul3A_2125, %add3A_2126 : i32
      %get3A_2128 = arith.index_cast %add3A_2127 : i32 to index
      %get3A_2129 = tpu.vector_load %arg5[%get3A_2128] {strides = array<i32>} : memref<25600xi32, #tpu.memory_space<vmem>>, vector<16xi32>,
      %ge3A_2130 = arith.constant 1000000 : i32
      %ge3A_2131 = vector.broadcast %ge3A_2130 : i32 to vector<16xi32>
      %ge3A_2132 = arith.cmpi sge, %get3A_2129, %ge3A_2131 : vector<16xi32>
      %select_n3A_2133 = arith.select %ge3A_2132, %broadcast_in_dim3A_3, %broadcast_in_dim3A_1 : vector<16xi1>, vector<16xi32>
      %add3A_2134 = arith.addi %broadcast_in_dim3A_1, %select_n3A_2133 : vector<16xi32>
      %add3A_2135 = arith.constant 16 : i32
      %add3A_2136 = arith.addi %mul3A_2125, %add3A_2135 : i32
      %get3A_2137 = arith.index_cast %add3A_2136 : i32 to index
      %get3A_2138 = tpu.vector_load %arg5[%get3A_2137] {strides = array<i32>} : memref<25600xi32, #tpu.memory_space<vmem>>, vector<16xi32>,
      %ge3A_2139 = arith.constant 1000000 : i32
      %ge3A_2140 = vector.broadcast %ge3A_2139 : i32 to vector<16xi32>
      %ge3A_2141 = arith.cmpi sge, %get3A_2138, %ge3A_2140 : vector<16xi32>
      %select_n3A_2142 = arith.select %ge3A_2141, %broadcast_in_dim3A_3, %broadcast_in_dim3A_1 : vector<16xi1>, vector<16xi32>
      %add3A_2143 = arith.addi %add3A_2134, %select_n3A_2142 : vector<16xi32>
      %add3A_2144 = arith.constant 32 : i32
      %add3A_2145 = arith.addi %mul3A_2125, %add3A_2144 : i32
      %get3A_2146 = arith.index_cast %add3A_2145 : i32 to index
      %get3A_2147 = tpu.vector_load %arg5[%get3A_2146] {strides = array<i32>} : memref<25600xi32, #tpu.memory_space<vmem>>, vector<16xi32>,
      %ge3A_2148 = arith.constant 1000000 : i32
      %ge3A_2149 = vector.broadcast %ge3A_2148 : i32 to vector<16xi32>
      %ge3A_2150 = arith.cmpi sge, %get3A_2147, %ge3A_2149 : vector<16xi32>
      %select_n3A_2151 = arith.select %ge3A_2150, %broadcast_in_dim3A_3, %broadcast_in_dim3A_1 : vector<16xi1>, vector<16xi32>
      %add3A_2152 = arith.addi %add3A_2143, %select_n3A_2151 : vector<16xi32>
      %add3A_2153 = arith.constant 48 : i32
      %add3A_2154 = arith.addi %mul3A_2125, %add3A_2153 : i32
      %get3A_2155 = arith.index_cast %add3A_2154 : i32 to index
      %get3A_2156 = tpu.vector_load %arg5[%get3A_2155] {strides = array<i32>} : memref<25600xi32, #tpu.memory_space<vmem>>, vector<16xi32>,
      %ge3A_2157 = arith.constant 1000000 : i32
      %ge3A_2158 = vector.broadcast %ge3A_2157 : i32 to vector<16xi32>
      %ge3A_2159 = arith.cmpi sge, %get3A_2156, %ge3A_2158 : vector<16xi32>
      %select_n3A_2160 = arith.select %ge3A_2159, %broadcast_in_dim3A_3, %broadcast_in_dim3A_1 : vector<16xi1>, vector<16xi32>
      %add3A_2161 = arith.addi %add3A_2152, %select_n3A_2160 : vector<16xi32>
      %add3A_2162 = arith.constant 64 : i32
      %add3A_2163 = arith.addi %mul3A_2125, %add3A_2162 : i32
      %get3A_2164 = arith.index_cast %add3A_2163 : i32 to index
      %get3A_2165 = tpu.vector_load %arg5[%get3A_2164] {strides = array<i32>} : memref<25600xi32, #tpu.memory_space<vmem>>, vector<16xi32>,
      %ge3A_2166 = arith.constant 1000000 : i32
      %ge3A_2167 = vector.broadcast %ge3A_2166 : i32 to vector<16xi32>
      %ge3A_2168 = arith.cmpi sge, %get3A_2165, %ge3A_2167 : vector<16xi32>
      %select_n3A_2169 = arith.select %ge3A_2168, %broadcast_in_dim3A_3, %broadcast_in_dim3A_1 : vector<16xi1>, vector<16xi32>
      %add3A_2170 = arith.addi %add3A_2161, %select_n3A_2169 : vector<16xi32>
      %add3A_2171 = arith.constant 80 : i32
      %add3A_2172 = arith.addi %mul3A_2125, %add3A_2171 : i32
      %get3A_2173 = arith.index_cast %add3A_2172 : i32 to index
      %get3A_2174 = tpu.vector_load %arg5[%get3A_2173] {strides = array<i32>} : memref<25600xi32, #tpu.memory_space<vmem>>, vector<16xi32>,
      %ge3A_2175 = arith.constant 1000000 : i32
      %ge3A_2176 = vector.broadcast %ge3A_2175 : i32 to vector<16xi32>
      %ge3A_2177 = arith.cmpi sge, %get3A_2174, %ge3A_2176 : vector<16xi32>
      %select_n3A_2178 = arith.select %ge3A_2177, %broadcast_in_dim3A_3, %broadcast_in_dim3A_1 : vector<16xi1>, vector<16xi32>
      %add3A_2179 = arith.addi %add3A_2170, %select_n3A_2178 : vector<16xi32>
      %add3A_2180 = arith.constant 96 : i32
      %add3A_2181 = arith.addi %mul3A_2125, %add3A_2180 : i32
      %get3A_2182 = arith.index_cast %add3A_2181 : i32 to index
      %get3A_2183 = tpu.vector_load %arg5[%get3A_2182] {strides = array<i32>} : memref<25600xi32, #tpu.memory_space<vmem>>, vector<16xi32>,
      %ge3A_2184 = arith.constant 1000000 : i32
      %ge3A_2185 = vector.broadcast %ge3A_2184 : i32 to vector<16xi32>
      %ge3A_2186 = arith.cmpi sge, %get3A_2183, %ge3A_2185 : vector<16xi32>
      %select_n3A_2187 = arith.select %ge3A_2186, %broadcast_in_dim3A_3, %broadcast_in_dim3A_1 : vector<16xi1>, vector<16xi32>
      %add3A_2188 = arith.addi %add3A_2179, %select_n3A_2187 : vector<16xi32>
      %add3A_2189 = arith.constant 112 : i32
      %add3A_2190 = arith.addi %mul3A_2125, %add3A_2189 : i32
      %get3A_2191 = arith.index_cast %add3A_2190 : i32 to index
      %get3A_2192 = tpu.vector_load %arg5[%get3A_2191] {strides = array<i32>} : memref<25600xi32, #tpu.memory_space<vmem>>, vector<16xi32>,
      %ge3A_2193 = arith.constant 1000000 : i32
      %ge3A_2194 = vector.broadcast %ge3A_2193 : i32 to vector<16xi32>
      %ge3A_2195 = arith.cmpi sge, %get3A_2192, %ge3A_2194 : vector<16xi32>
      %select_n3A_2196 = arith.select %ge3A_2195, %broadcast_in_dim3A_3, %broadcast_in_dim3A_1 : vector<16xi1>, vector<16xi32>
      %add3A_2197 = arith.addi %add3A_2188, %select_n3A_2196 : vector<16xi32>
      %add3A_2198 = arith.constant 128 : i32
      %add3A_2199 = arith.addi %mul3A_2125, %add3A_2198 : i32
      %get3A_2200 = arith.index_cast %add3A_2199 : i32 to index
      %get3A_2201 = tpu.vector_load %arg5[%get3A_2200] {strides = array<i32>} : memref<25600xi32, #tpu.memory_space<vmem>>, vector<16xi32>,
      %ge3A_2202 = arith.constant 1000000 : i32
      %ge3A_2203 = vector.broadcast %ge3A_2202 : i32 to vector<16xi32>
      %ge3A_2204 = arith.cmpi sge, %get3A_2201, %ge3A_2203 : vector<16xi32>
      %select_n3A_2205 = arith.select %ge3A_2204, %broadcast_in_dim3A_3, %broadcast_in_dim3A_1 : vector<16xi1>, vector<16xi32>
      %add3A_2206 = arith.addi %add3A_2197, %select_n3A_2205 : vector<16xi32>
      %add3A_2207 = arith.constant 144 : i32
      %add3A_2208 = arith.addi %mul3A_2125, %add3A_2207 : i32
      %get3A_2209 = arith.index_cast %add3A_2208 : i32 to index
      %get3A_2210 = tpu.vector_load %arg5[%get3A_2209] {strides = array<i32>} : memref<25600xi32, #tpu.memory_space<vmem>>, vector<16xi32>,
      %ge3A_2211 = arith.constant 1000000 : i32
      %ge3A_2212 = vector.broadcast %ge3A_2211 : i32 to vector<16xi32>
      %ge3A_2213 = arith.cmpi sge, %get3A_2210, %ge3A_2212 : vector<16xi32>
      %select_n3A_2214 = arith.select %ge3A_2213, %broadcast_in_dim3A_3, %broadcast_in_dim3A_1 : vector<16xi1>, vector<16xi32>
      %add3A_2215 = arith.addi %add3A_2206, %select_n3A_2214 : vector<16xi32>
      %add3A_2216 = arith.constant 160 : i32
      %add3A_2217 = arith.addi %mul3A_2125, %add3A_2216 : i32
      %get3A_2218 = arith.index_cast %add3A_2217 : i32 to index
      %get3A_2219 = tpu.vector_load %arg5[%get3A_2218] {strides = array<i32>} : memref<25600xi32, #tpu.memory_space<vmem>>, vector<16xi32>,
      %ge3A_2220 = arith.constant 1000000 : i32
      %ge3A_2221 = vector.broadcast %ge3A_2220 : i32 to vector<16xi32>
      %ge3A_2222 = arith.cmpi sge, %get3A_2219, %ge3A_2221 : vector<16xi32>
      %select_n3A_2223 = arith.select %ge3A_2222, %broadcast_in_dim3A_3, %broadcast_in_dim3A_1 : vector<16xi1>, vector<16xi32>
      %add3A_2224 = arith.addi %add3A_2215, %select_n3A_2223 : vector<16xi32>
      %add3A_2225 = arith.constant 176 : i32
      %add3A_2226 = arith.addi %mul3A_2125, %add3A_2225 : i32
      %get3A_2227 = arith.index_cast %add3A_2226 : i32 to index
      %get3A_2228 = tpu.vector_load %arg5[%get3A_2227] {strides = array<i32>} : memref<25600xi32, #tpu.memory_space<vmem>>, vector<16xi32>,
      %ge3A_2229 = arith.constant 1000000 : i32
      %ge3A_2230 = vector.broadcast %ge3A_2229 : i32 to vector<16xi32>
      %ge3A_2231 = arith.cmpi sge, %get3A_2228, %ge3A_2230 : vector<16xi32>
      %select_n3A_2232 = arith.select %ge3A_2231, %broadcast_in_dim3A_3, %broadcast_in_dim3A_1 : vector<16xi1>, vector<16xi32>
      %add3A_2233 = arith.addi %add3A_2224, %select_n3A_2232 : vector<16xi32>
      %add3A_2234 = arith.constant 192 : i32
      %add3A_2235 = arith.addi %mul3A_2125, %add3A_2234 : i32
      %get3A_2236 = arith.index_cast %add3A_2235 : i32 to index
      %get3A_2237 = tpu.vector_load %arg5[%get3A_2236] {strides = array<i32>} : memref<25600xi32, #tpu.memory_space<vmem>>, vector<16xi32>,
      %ge3A_2238 = arith.constant 1000000 : i32
      %ge3A_2239 = vector.broadcast %ge3A_2238 : i32 to vector<16xi32>
      %ge3A_2240 = arith.cmpi sge, %get3A_2237, %ge3A_2239 : vector<16xi32>
      %select_n3A_2241 = arith.select %ge3A_2240, %broadcast_in_dim3A_3, %broadcast_in_dim3A_1 : vector<16xi1>, vector<16xi32>
      %add3A_2242 = arith.addi %add3A_2233, %select_n3A_2241 : vector<16xi32>
      %add3A_2243 = arith.constant 208 : i32
      %add3A_2244 = arith.addi %mul3A_2125, %add3A_2243 : i32
      %get3A_2245 = arith.index_cast %add3A_2244 : i32 to index
      %get3A_2246 = tpu.vector_load %arg5[%get3A_2245] {strides = array<i32>} : memref<25600xi32, #tpu.memory_space<vmem>>, vector<16xi32>,
      %ge3A_2247 = arith.constant 1000000 : i32
      %ge3A_2248 = vector.broadcast %ge3A_2247 : i32 to vector<16xi32>
      %ge3A_2249 = arith.cmpi sge, %get3A_2246, %ge3A_2248 : vector<16xi32>
      %select_n3A_2250 = arith.select %ge3A_2249, %broadcast_in_dim3A_3, %broadcast_in_dim3A_1 : vector<16xi1>, vector<16xi32>
      %add3A_2251 = arith.addi %add3A_2242, %select_n3A_2250 : vector<16xi32>
      %add3A_2252 = arith.constant 224 : i32
      %add3A_2253 = arith.addi %mul3A_2125, %add3A_2252 : i32
      %get3A_2254 = arith.index_cast %add3A_2253 : i32 to index
      %get3A_2255 = tpu.vector_load %arg5[%get3A_2254] {strides = array<i32>} : memref<25600xi32, #tpu.memory_space<vmem>>, vector<16xi32>,
      %ge3A_2256 = arith.constant 1000000 : i32
      %ge3A_2257 = vector.broadcast %ge3A_2256 : i32 to vector<16xi32>
      %ge3A_2258 = arith.cmpi sge, %get3A_2255, %ge3A_2257 : vector<16xi32>
      %select_n3A_2259 = arith.select %ge3A_2258, %broadcast_in_dim3A_3, %broadcast_in_dim3A_1 : vector<16xi1>, vector<16xi32>
      %add3A_2260 = arith.addi %add3A_2251, %select_n3A_2259 : vector<16xi32>
      %add3A_2261 = arith.constant 240 : i32
      %add3A_2262 = arith.addi %mul3A_2125, %add3A_2261 : i32
      %get3A_2263 = arith.index_cast %add3A_2262 : i32 to index
      %get3A_2264 = tpu.vector_load %arg5[%get3A_2263] {strides = array<i32>} : memref<25600xi32, #tpu.memory_space<vmem>>, vector<16xi32>,
      %ge3A_2265 = arith.constant 1000000 : i32
      %ge3A_2266 = vector.broadcast %ge3A_2265 : i32 to vector<16xi32>
      %ge3A_2267 = arith.cmpi sge, %get3A_2264, %ge3A_2266 : vector<16xi32>
      %select_n3A_2268 = arith.select %ge3A_2267, %broadcast_in_dim3A_3, %broadcast_in_dim3A_1 : vector<16xi1>, vector<16xi32>
      %add3A_2269 = arith.addi %add3A_2260, %select_n3A_2268 : vector<16xi32>
      %add3A_2270 = arith.constant 256 : i32
      %add3A_2271 = arith.addi %mul3A_2125, %add3A_2270 : i32
      %get3A_2272 = arith.index_cast %add3A_2271 : i32 to index
      %get3A_2273 = tpu.vector_load %arg5[%get3A_2272] {strides = array<i32>} : memref<25600xi32, #tpu.memory_space<vmem>>, vector<16xi32>,
      %ge3A_2274 = arith.constant 1000000 : i32
      %ge3A_2275 = vector.broadcast %ge3A_2274 : i32 to vector<16xi32>
      %ge3A_2276 = arith.cmpi sge, %get3A_2273, %ge3A_2275 : vector<16xi32>
      %select_n3A_2277 = arith.select %ge3A_2276, %broadcast_in_dim3A_3, %broadcast_in_dim3A_1 : vector<16xi1>, vector<16xi32>
      %add3A_2278 = arith.addi %add3A_2269, %select_n3A_2277 : vector<16xi32>
      %add3A_2279 = arith.constant 272 : i32
      %add3A_2280 = arith.addi %mul3A_2125, %add3A_2279 : i32
      %get3A_2281 = arith.index_cast %add3A_2280 : i32 to index
      %get3A_2282 = tpu.vector_load %arg5[%get3A_2281] {strides = array<i32>} : memref<25600xi32, #tpu.memory_space<vmem>>, vector<16xi32>,
      %ge3A_2283 = arith.constant 1000000 : i32
      %ge3A_2284 = vector.broadcast %ge3A_2283 : i32 to vector<16xi32>
      %ge3A_2285 = arith.cmpi sge, %get3A_2282, %ge3A_2284 : vector<16xi32>
      %select_n3A_2286 = arith.select %ge3A_2285, %broadcast_in_dim3A_3, %broadcast_in_dim3A_1 : vector<16xi1>, vector<16xi32>
      %add3A_2287 = arith.addi %add3A_2278, %select_n3A_2286 : vector<16xi32>
      %add3A_2288 = arith.constant 288 : i32
      %add3A_2289 = arith.addi %mul3A_2125, %add3A_2288 : i32
      %get3A_2290 = arith.index_cast %add3A_2289 : i32 to index
      %get3A_2291 = tpu.vector_load %arg5[%get3A_2290] {strides = array<i32>} : memref<25600xi32, #tpu.memory_space<vmem>>, vector<16xi32>,
      %ge3A_2292 = arith.constant 1000000 : i32
      %ge3A_2293 = vector.broadcast %ge3A_2292 : i32 to vector<16xi32>
      %ge3A_2294 = arith.cmpi sge, %get3A_2291, %ge3A_2293 : vector<16xi32>
      %select_n3A_2295 = arith.select %ge3A_2294, %broadcast_in_dim3A_3, %broadcast_in_dim3A_1 : vector<16xi1>, vector<16xi32>
      %add3A_2296 = arith.addi %add3A_2287, %select_n3A_2295 : vector<16xi32>
      %add3A_2297 = arith.constant 304 : i32
      %add3A_2298 = arith.addi %mul3A_2125, %add3A_2297 : i32
      %get3A_2299 = arith.index_cast %add3A_2298 : i32 to index
      %get3A_2300 = tpu.vector_load %arg5[%get3A_2299] {strides = array<i32>} : memref<25600xi32, #tpu.memory_space<vmem>>, vector<16xi32>,
      %ge3A_2301 = arith.constant 1000000 : i32
      %ge3A_2302 = vector.broadcast %ge3A_2301 : i32 to vector<16xi32>
      %ge3A_2303 = arith.cmpi sge, %get3A_2300, %ge3A_2302 : vector<16xi32>
      %select_n3A_2304 = arith.select %ge3A_2303, %broadcast_in_dim3A_3, %broadcast_in_dim3A_1 : vector<16xi1>, vector<16xi32>
      %add3A_2305 = arith.addi %add3A_2296, %select_n3A_2304 : vector<16xi32>
      %add3A_2306 = arith.constant 320 : i32
      %add3A_2307 = arith.addi %mul3A_2125, %add3A_2306 : i32
      %get3A_2308 = arith.index_cast %add3A_2307 : i32 to index
      %get3A_2309 = tpu.vector_load %arg5[%get3A_2308] {strides = array<i32>} : memref<25600xi32, #tpu.memory_space<vmem>>, vector<16xi32>,
      %ge3A_2310 = arith.constant 1000000 : i32
      %ge3A_2311 = vector.broadcast %ge3A_2310 : i32 to vector<16xi32>
      %ge3A_2312 = arith.cmpi sge, %get3A_2309, %ge3A_2311 : vector<16xi32>
      %select_n3A_2313 = arith.select %ge3A_2312, %broadcast_in_dim3A_3, %broadcast_in_dim3A_1 : vector<16xi1>, vector<16xi32>
      %add3A_2314 = arith.addi %add3A_2305, %select_n3A_2313 : vector<16xi32>
      %add3A_2315 = arith.constant 336 : i32
      %add3A_2316 = arith.addi %mul3A_2125, %add3A_2315 : i32
      %get3A_2317 = arith.index_cast %add3A_2316 : i32 to index
      %get3A_2318 = tpu.vector_load %arg5[%get3A_2317] {strides = array<i32>} : memref<25600xi32, #tpu.memory_space<vmem>>, vector<16xi32>,
      %ge3A_2319 = arith.constant 1000000 : i32
      %ge3A_2320 = vector.broadcast %ge3A_2319 : i32 to vector<16xi32>
      %ge3A_2321 = arith.cmpi sge, %get3A_2318, %ge3A_2320 : vector<16xi32>
      %select_n3A_2322 = arith.select %ge3A_2321, %broadcast_in_dim3A_3, %broadcast_in_dim3A_1 : vector<16xi1>, vector<16xi32>
      %add3A_2323 = arith.addi %add3A_2314, %select_n3A_2322 : vector<16xi32>
      %add3A_2324 = arith.constant 352 : i32
      %add3A_2325 = arith.addi %mul3A_2125, %add3A_2324 : i32
      %get3A_2326 = arith.index_cast %add3A_2325 : i32 to index
      %get3A_2327 = tpu.vector_load %arg5[%get3A_2326] {strides = array<i32>} : memref<25600xi32, #tpu.memory_space<vmem>>, vector<16xi32>,
      %ge3A_2328 = arith.constant 1000000 : i32
      %ge3A_2329 = vector.broadcast %ge3A_2328 : i32 to vector<16xi32>
      %ge3A_2330 = arith.cmpi sge, %get3A_2327, %ge3A_2329 : vector<16xi32>
      %select_n3A_2331 = arith.select %ge3A_2330, %broadcast_in_dim3A_3, %broadcast_in_dim3A_1 : vector<16xi1>, vector<16xi32>
      %add3A_2332 = arith.addi %add3A_2323, %select_n3A_2331 : vector<16xi32>
      %add3A_2333 = arith.constant 368 : i32
      %add3A_2334 = arith.addi %mul3A_2125, %add3A_2333 : i32
      %get3A_2335 = arith.index_cast %add3A_2334 : i32 to index
      %get3A_2336 = tpu.vector_load %arg5[%get3A_2335] {strides = array<i32>} : memref<25600xi32, #tpu.memory_space<vmem>>, vector<16xi32>,
      %ge3A_2337 = arith.constant 1000000 : i32
      %ge3A_2338 = vector.broadcast %ge3A_2337 : i32 to vector<16xi32>
      %ge3A_2339 = arith.cmpi sge, %get3A_2336, %ge3A_2338 : vector<16xi32>
      %select_n3A_2340 = arith.select %ge3A_2339, %broadcast_in_dim3A_3, %broadcast_in_dim3A_1 : vector<16xi1>, vector<16xi32>
      %add3A_2341 = arith.addi %add3A_2332, %select_n3A_2340 : vector<16xi32>
      %add3A_2342 = arith.constant 384 : i32
      %add3A_2343 = arith.addi %mul3A_2125, %add3A_2342 : i32
      %get3A_2344 = arith.index_cast %add3A_2343 : i32 to index
      %get3A_2345 = tpu.vector_load %arg5[%get3A_2344] {strides = array<i32>} : memref<25600xi32, #tpu.memory_space<vmem>>, vector<16xi32>,
      %ge3A_2346 = arith.constant 1000000 : i32
      %ge3A_2347 = vector.broadcast %ge3A_2346 : i32 to vector<16xi32>
      %ge3A_2348 = arith.cmpi sge, %get3A_2345, %ge3A_2347 : vector<16xi32>
      %select_n3A_2349 = arith.select %ge3A_2348, %broadcast_in_dim3A_3, %broadcast_in_dim3A_1 : vector<16xi1>, vector<16xi32>
      %add3A_2350 = arith.addi %add3A_2341, %select_n3A_2349 : vector<16xi32>
      %add3A_2351 = arith.constant 400 : i32
      %add3A_2352 = arith.addi %mul3A_2125, %add3A_2351 : i32
      %get3A_2353 = arith.index_cast %add3A_2352 : i32 to index
      %get3A_2354 = tpu.vector_load %arg5[%get3A_2353] {strides = array<i32>} : memref<25600xi32, #tpu.memory_space<vmem>>, vector<16xi32>,
      %ge3A_2355 = arith.constant 1000000 : i32
      %ge3A_2356 = vector.broadcast %ge3A_2355 : i32 to vector<16xi32>
      %ge3A_2357 = arith.cmpi sge, %get3A_2354, %ge3A_2356 : vector<16xi32>
      %select_n3A_2358 = arith.select %ge3A_2357, %broadcast_in_dim3A_3, %broadcast_in_dim3A_1 : vector<16xi1>, vector<16xi32>
      %add3A_2359 = arith.addi %add3A_2350, %select_n3A_2358 : vector<16xi32>
      %add3A_2360 = arith.constant 416 : i32
      %add3A_2361 = arith.addi %mul3A_2125, %add3A_2360 : i32
      %get3A_2362 = arith.index_cast %add3A_2361 : i32 to index
      %get3A_2363 = tpu.vector_load %arg5[%get3A_2362] {strides = array<i32>} : memref<25600xi32, #tpu.memory_space<vmem>>, vector<16xi32>,
      %ge3A_2364 = arith.constant 1000000 : i32
      %ge3A_2365 = vector.broadcast %ge3A_2364 : i32 to vector<16xi32>
      %ge3A_2366 = arith.cmpi sge, %get3A_2363, %ge3A_2365 : vector<16xi32>
      %select_n3A_2367 = arith.select %ge3A_2366, %broadcast_in_dim3A_3, %broadcast_in_dim3A_1 : vector<16xi1>, vector<16xi32>
      %add3A_2368 = arith.addi %add3A_2359, %select_n3A_2367 : vector<16xi32>
      %add3A_2369 = arith.constant 432 : i32
      %add3A_2370 = arith.addi %mul3A_2125, %add3A_2369 : i32
      %get3A_2371 = arith.index_cast %add3A_2370 : i32 to index
      %get3A_2372 = tpu.vector_load %arg5[%get3A_2371] {strides = array<i32>} : memref<25600xi32, #tpu.memory_space<vmem>>, vector<16xi32>,
      %ge3A_2373 = arith.constant 1000000 : i32
      %ge3A_2374 = vector.broadcast %ge3A_2373 : i32 to vector<16xi32>
      %ge3A_2375 = arith.cmpi sge, %get3A_2372, %ge3A_2374 : vector<16xi32>
      %select_n3A_2376 = arith.select %ge3A_2375, %broadcast_in_dim3A_3, %broadcast_in_dim3A_1 : vector<16xi1>, vector<16xi32>
      %add3A_2377 = arith.addi %add3A_2368, %select_n3A_2376 : vector<16xi32>
      %add3A_2378 = arith.constant 448 : i32
      %add3A_2379 = arith.addi %mul3A_2125, %add3A_2378 : i32
      %get3A_2380 = arith.index_cast %add3A_2379 : i32 to index
      %get3A_2381 = tpu.vector_load %arg5[%get3A_2380] {strides = array<i32>} : memref<25600xi32, #tpu.memory_space<vmem>>, vector<16xi32>,
      %ge3A_2382 = arith.constant 1000000 : i32
      %ge3A_2383 = vector.broadcast %ge3A_2382 : i32 to vector<16xi32>
      %ge3A_2384 = arith.cmpi sge, %get3A_2381, %ge3A_2383 : vector<16xi32>
      %select_n3A_2385 = arith.select %ge3A_2384, %broadcast_in_dim3A_3, %broadcast_in_dim3A_1 : vector<16xi1>, vector<16xi32>
      %add3A_2386 = arith.addi %add3A_2377, %select_n3A_2385 : vector<16xi32>
      %add3A_2387 = arith.constant 464 : i32
      %add3A_2388 = arith.addi %mul3A_2125, %add3A_2387 : i32
      %get3A_2389 = arith.index_cast %add3A_2388 : i32 to index
      %get3A_2390 = tpu.vector_load %arg5[%get3A_2389] {strides = array<i32>} : memref<25600xi32, #tpu.memory_space<vmem>>, vector<16xi32>,
      %ge3A_2391 = arith.constant 1000000 : i32
      %ge3A_2392 = vector.broadcast %ge3A_2391 : i32 to vector<16xi32>
      %ge3A_2393 = arith.cmpi sge, %get3A_2390, %ge3A_2392 : vector<16xi32>
      %select_n3A_2394 = arith.select %ge3A_2393, %broadcast_in_dim3A_3, %broadcast_in_dim3A_1 : vector<16xi1>, vector<16xi32>
      %add3A_2395 = arith.addi %add3A_2386, %select_n3A_2394 : vector<16xi32>
      %add3A_2396 = arith.constant 480 : i32
      %add3A_2397 = arith.addi %mul3A_2125, %add3A_2396 : i32
      %get3A_2398 = arith.index_cast %add3A_2397 : i32 to index
      %get3A_2399 = tpu.vector_load %arg5[%get3A_2398] {strides = array<i32>} : memref<25600xi32, #tpu.memory_space<vmem>>, vector<16xi32>,
      %ge3A_2400 = arith.constant 1000000 : i32
      %ge3A_2401 = vector.broadcast %ge3A_2400 : i32 to vector<16xi32>
      %ge3A_2402 = arith.cmpi sge, %get3A_2399, %ge3A_2401 : vector<16xi32>
      %select_n3A_2403 = arith.select %ge3A_2402, %broadcast_in_dim3A_3, %broadcast_in_dim3A_1 : vector<16xi1>, vector<16xi32>
      %add3A_2404 = arith.addi %add3A_2395, %select_n3A_2403 : vector<16xi32>
      %add3A_2405 = arith.constant 496 : i32
      %add3A_2406 = arith.addi %mul3A_2125, %add3A_2405 : i32
      %get3A_2407 = arith.index_cast %add3A_2406 : i32 to index
      %get3A_2408 = tpu.vector_load %arg5[%get3A_2407] {strides = array<i32>} : memref<25600xi32, #tpu.memory_space<vmem>>, vector<16xi32>,
      %ge3A_2409 = arith.constant 1000000 : i32
      %ge3A_2410 = vector.broadcast %ge3A_2409 : i32 to vector<16xi32>
      %ge3A_2411 = arith.cmpi sge, %get3A_2408, %ge3A_2410 : vector<16xi32>
      %select_n3A_2412 = arith.select %ge3A_2411, %broadcast_in_dim3A_3, %broadcast_in_dim3A_1 : vector<16xi1>, vector<16xi32>
      %add3A_2413 = arith.addi %add3A_2404, %select_n3A_2412 : vector<16xi32>
      %reduce_sum3A_2414 = arith.constant true
      %reduce_sum3A_2415 = vector.broadcast %reduce_sum3A_2414 : i1 to vector<16xi1>
      %reduce_sum3A_2416 = tpu.scan <sum>, %add3A_2413 masked %reduce_sum3A_2415 : vector<16xi32>, vector<16xi1> -> vector<16xi32>
      %reduce_sum3A_2417 = vector.extract %reduce_sum3A_2416[15] : i32 from vector<16xi32>
      %gt3A_2418 = arith.constant 0 : i32
      %gt3A_2419 = arith.cmpi sgt, %reduce_sum3A_2417, %gt3A_2418 : i32
      %convert_element_type3A_2420 = arith.extui %gt3A_2419 : i1 to i32
      %cond3A_2421 = arith.constant 0 : i32
      %cond3A_2422 = arith.cmpi ne, %convert_element_type3A_2420, %cond3A_2421 : i32
      scf.if %cond3A_2422 {
        %mul3A_2519 = arith.constant 512 : i32
        %mul3A_2520 = arith.muli %add3A_1229, %mul3A_2519 : i32
        %scan3A_2521 = arith.constant 0 : i32
        %scan3A_2522 = arith.constant 0 : i32
        %scan3A_2523 = arith.constant 32 : i32
        %scan3A_2524 = arith.addi %scan3A_2522, %scan3A_2523 : i32
        %scan3A_2525 = arith.constant 1 : i32
        scf.for %scan3A_2527 = %scan3A_2522 to %scan3A_2524 step %scan3A_2525  : i32 {
          %mul3A_2528 = arith.constant 16 : i32
          %mul3A_2529 = arith.muli %scan3A_2527, %mul3A_2528 : i32
          %add3A_2530 = arith.addi %mul3A_2520, %mul3A_2529 : i32
          %get3A_2531 = arith.index_cast %add3A_2530 : i32 to index
          %get3A_2532 = tpu.vector_load %arg5[%get3A_2531] {strides = array<i32>} : memref<25600xi32, #tpu.memory_space<vmem>>, vector<16xi32>,
          %ge3A_2533 = arith.constant 1000000 : i32
          %ge3A_2534 = vector.broadcast %ge3A_2533 : i32 to vector<16xi32>
          %ge3A_2535 = arith.cmpi sge, %get3A_2532, %ge3A_2534 : vector<16xi32>
          %mul3A_2536 = arith.constant 16 : i32
          %mul3A_2537 = arith.muli %scan3A_2527, %mul3A_2536 : i32
          %add3A_2538 = vector.broadcast %mul3A_2537 : i32 to vector<16xi32>
          %add3A_2539 = arith.addi %add3A_2538, %iota3A : vector<16xi32>
          %broadcast_in_dim3A_2540 = arith.constant 0 : i32
          %broadcast_in_dim3A_2541 = vector.broadcast %broadcast_in_dim3A_2540 : i32 to vector<16xi32>
          tpu.vector_store_idx %arg9[%add3A_2539, %broadcast_in_dim3A_2541], %broadcast_in_dim3A_5 masked %ge3A_2535 : memref<512x32xf32, #tpu.memory_space<vmem>>[vector<16xi32>, vector<16xi32>], vector<16xf32>, vector<16xi1>
          %broadcast_in_dim3A_2542 = arith.constant 1 : i32
          %broadcast_in_dim3A_2543 = vector.broadcast %broadcast_in_dim3A_2542 : i32 to vector<16xi32>
          tpu.vector_store_idx %arg9[%add3A_2539, %broadcast_in_dim3A_2543], %broadcast_in_dim3A_5 masked %ge3A_2535 : memref<512x32xf32, #tpu.memory_space<vmem>>[vector<16xi32>, vector<16xi32>], vector<16xf32>, vector<16xi1>
          %broadcast_in_dim3A_2544 = arith.constant 2 : i32
          %broadcast_in_dim3A_2545 = vector.broadcast %broadcast_in_dim3A_2544 : i32 to vector<16xi32>
          tpu.vector_store_idx %arg9[%add3A_2539, %broadcast_in_dim3A_2545], %broadcast_in_dim3A_5 masked %ge3A_2535 : memref<512x32xf32, #tpu.memory_space<vmem>>[vector<16xi32>, vector<16xi32>], vector<16xf32>, vector<16xi1>
          %broadcast_in_dim3A_2546 = arith.constant 3 : i32
          %broadcast_in_dim3A_2547 = vector.broadcast %broadcast_in_dim3A_2546 : i32 to vector<16xi32>
          tpu.vector_store_idx %arg9[%add3A_2539, %broadcast_in_dim3A_2547], %broadcast_in_dim3A_5 masked %ge3A_2535 : memref<512x32xf32, #tpu.memory_space<vmem>>[vector<16xi32>, vector<16xi32>], vector<16xf32>, vector<16xi1>
          %broadcast_in_dim3A_2548 = arith.constant 4 : i32
          %broadcast_in_dim3A_2549 = vector.broadcast %broadcast_in_dim3A_2548 : i32 to vector<16xi32>
          tpu.vector_store_idx %arg9[%add3A_2539, %broadcast_in_dim3A_2549], %broadcast_in_dim3A_5 masked %ge3A_2535 : memref<512x32xf32, #tpu.memory_space<vmem>>[vector<16xi32>, vector<16xi32>], vector<16xf32>, vector<16xi1>
          %broadcast_in_dim3A_2550 = arith.constant 5 : i32
          %broadcast_in_dim3A_2551 = vector.broadcast %broadcast_in_dim3A_2550 : i32 to vector<16xi32>
          tpu.vector_store_idx %arg9[%add3A_2539, %broadcast_in_dim3A_2551], %broadcast_in_dim3A_5 masked %ge3A_2535 : memref<512x32xf32, #tpu.memory_space<vmem>>[vector<16xi32>, vector<16xi32>], vector<16xf32>, vector<16xi1>
          %broadcast_in_dim3A_2552 = arith.constant 6 : i32
          %broadcast_in_dim3A_2553 = vector.broadcast %broadcast_in_dim3A_2552 : i32 to vector<16xi32>
          tpu.vector_store_idx %arg9[%add3A_2539, %broadcast_in_dim3A_2553], %broadcast_in_dim3A_5 masked %ge3A_2535 : memref<512x32xf32, #tpu.memory_space<vmem>>[vector<16xi32>, vector<16xi32>], vector<16xf32>, vector<16xi1>
          %broadcast_in_dim3A_2554 = arith.constant 7 : i32
          %broadcast_in_dim3A_2555 = vector.broadcast %broadcast_in_dim3A_2554 : i32 to vector<16xi32>
          tpu.vector_store_idx %arg9[%add3A_2539, %broadcast_in_dim3A_2555], %broadcast_in_dim3A_5 masked %ge3A_2535 : memref<512x32xf32, #tpu.memory_space<vmem>>[vector<16xi32>, vector<16xi32>], vector<16xf32>, vector<16xi1>
          %broadcast_in_dim3A_2556 = arith.constant 8 : i32
          %broadcast_in_dim3A_2557 = vector.broadcast %broadcast_in_dim3A_2556 : i32 to vector<16xi32>
          tpu.vector_store_idx %arg9[%add3A_2539, %broadcast_in_dim3A_2557], %broadcast_in_dim3A_5 masked %ge3A_2535 : memref<512x32xf32, #tpu.memory_space<vmem>>[vector<16xi32>, vector<16xi32>], vector<16xf32>, vector<16xi1>
          %broadcast_in_dim3A_2558 = arith.constant 9 : i32
          %broadcast_in_dim3A_2559 = vector.broadcast %broadcast_in_dim3A_2558 : i32 to vector<16xi32>
          tpu.vector_store_idx %arg9[%add3A_2539, %broadcast_in_dim3A_2559], %broadcast_in_dim3A_5 masked %ge3A_2535 : memref<512x32xf32, #tpu.memory_space<vmem>>[vector<16xi32>, vector<16xi32>], vector<16xf32>, vector<16xi1>
          %broadcast_in_dim3A_2560 = arith.constant 10 : i32
          %broadcast_in_dim3A_2561 = vector.broadcast %broadcast_in_dim3A_2560 : i32 to vector<16xi32>
          tpu.vector_store_idx %arg9[%add3A_2539, %broadcast_in_dim3A_2561], %broadcast_in_dim3A_5 masked %ge3A_2535 : memref<512x32xf32, #tpu.memory_space<vmem>>[vector<16xi32>, vector<16xi32>], vector<16xf32>, vector<16xi1>
          %broadcast_in_dim3A_2562 = arith.constant 11 : i32
          %broadcast_in_dim3A_2563 = vector.broadcast %broadcast_in_dim3A_2562 : i32 to vector<16xi32>
          tpu.vector_store_idx %arg9[%add3A_2539, %broadcast_in_dim3A_2563], %broadcast_in_dim3A_5 masked %ge3A_2535 : memref<512x32xf32, #tpu.memory_space<vmem>>[vector<16xi32>, vector<16xi32>], vector<16xf32>, vector<16xi1>
          %broadcast_in_dim3A_2564 = arith.constant 12 : i32
          %broadcast_in_dim3A_2565 = vector.broadcast %broadcast_in_dim3A_2564 : i32 to vector<16xi32>
          tpu.vector_store_idx %arg9[%add3A_2539, %broadcast_in_dim3A_2565], %broadcast_in_dim3A_5 masked %ge3A_2535 : memref<512x32xf32, #tpu.memory_space<vmem>>[vector<16xi32>, vector<16xi32>], vector<16xf32>, vector<16xi1>
          %broadcast_in_dim3A_2566 = arith.constant 13 : i32
          %broadcast_in_dim3A_2567 = vector.broadcast %broadcast_in_dim3A_2566 : i32 to vector<16xi32>
          tpu.vector_store_idx %arg9[%add3A_2539, %broadcast_in_dim3A_2567], %broadcast_in_dim3A_5 masked %ge3A_2535 : memref<512x32xf32, #tpu.memory_space<vmem>>[vector<16xi32>, vector<16xi32>], vector<16xf32>, vector<16xi1>
          %broadcast_in_dim3A_2568 = arith.constant 14 : i32
          %broadcast_in_dim3A_2569 = vector.broadcast %broadcast_in_dim3A_2568 : i32 to vector<16xi32>
          tpu.vector_store_idx %arg9[%add3A_2539, %broadcast_in_dim3A_2569], %broadcast_in_dim3A_5 masked %ge3A_2535 : memref<512x32xf32, #tpu.memory_space<vmem>>[vector<16xi32>, vector<16xi32>], vector<16xf32>, vector<16xi1>
          %broadcast_in_dim3A_2570 = arith.constant 15 : i32
          %broadcast_in_dim3A_2571 = vector.broadcast %broadcast_in_dim3A_2570 : i32 to vector<16xi32>
          tpu.vector_store_idx %arg9[%add3A_2539, %broadcast_in_dim3A_2571], %broadcast_in_dim3A_5 masked %ge3A_2535 : memref<512x32xf32, #tpu.memory_space<vmem>>[vector<16xi32>, vector<16xi32>], vector<16xf32>, vector<16xi1>
          %broadcast_in_dim3A_2572 = arith.constant 16 : i32
          %broadcast_in_dim3A_2573 = vector.broadcast %broadcast_in_dim3A_2572 : i32 to vector<16xi32>
          tpu.vector_store_idx %arg9[%add3A_2539, %broadcast_in_dim3A_2573], %broadcast_in_dim3A_5 masked %ge3A_2535 : memref<512x32xf32, #tpu.memory_space<vmem>>[vector<16xi32>, vector<16xi32>], vector<16xf32>, vector<16xi1>
          %broadcast_in_dim3A_2574 = arith.constant 17 : i32
          %broadcast_in_dim3A_2575 = vector.broadcast %broadcast_in_dim3A_2574 : i32 to vector<16xi32>
          tpu.vector_store_idx %arg9[%add3A_2539, %broadcast_in_dim3A_2575], %broadcast_in_dim3A_5 masked %ge3A_2535 : memref<512x32xf32, #tpu.memory_space<vmem>>[vector<16xi32>, vector<16xi32>], vector<16xf32>, vector<16xi1>
          %broadcast_in_dim3A_2576 = arith.constant 18 : i32
          %broadcast_in_dim3A_2577 = vector.broadcast %broadcast_in_dim3A_2576 : i32 to vector<16xi32>
          tpu.vector_store_idx %arg9[%add3A_2539, %broadcast_in_dim3A_2577], %broadcast_in_dim3A_5 masked %ge3A_2535 : memref<512x32xf32, #tpu.memory_space<vmem>>[vector<16xi32>, vector<16xi32>], vector<16xf32>, vector<16xi1>
          %broadcast_in_dim3A_2578 = arith.constant 19 : i32
          %broadcast_in_dim3A_2579 = vector.broadcast %broadcast_in_dim3A_2578 : i32 to vector<16xi32>
          tpu.vector_store_idx %arg9[%add3A_2539, %broadcast_in_dim3A_2579], %broadcast_in_dim3A_5 masked %ge3A_2535 : memref<512x32xf32, #tpu.memory_space<vmem>>[vector<16xi32>, vector<16xi32>], vector<16xf32>, vector<16xi1>
          %broadcast_in_dim3A_2580 = arith.constant 20 : i32
          %broadcast_in_dim3A_2581 = vector.broadcast %broadcast_in_dim3A_2580 : i32 to vector<16xi32>
          tpu.vector_store_idx %arg9[%add3A_2539, %broadcast_in_dim3A_2581], %broadcast_in_dim3A_5 masked %ge3A_2535 : memref<512x32xf32, #tpu.memory_space<vmem>>[vector<16xi32>, vector<16xi32>], vector<16xf32>, vector<16xi1>
          %broadcast_in_dim3A_2582 = arith.constant 21 : i32
          %broadcast_in_dim3A_2583 = vector.broadcast %broadcast_in_dim3A_2582 : i32 to vector<16xi32>
          tpu.vector_store_idx %arg9[%add3A_2539, %broadcast_in_dim3A_2583], %broadcast_in_dim3A_5 masked %ge3A_2535 : memref<512x32xf32, #tpu.memory_space<vmem>>[vector<16xi32>, vector<16xi32>], vector<16xf32>, vector<16xi1>
          %broadcast_in_dim3A_2584 = arith.constant 22 : i32
          %broadcast_in_dim3A_2585 = vector.broadcast %broadcast_in_dim3A_2584 : i32 to vector<16xi32>
          tpu.vector_store_idx %arg9[%add3A_2539, %broadcast_in_dim3A_2585], %broadcast_in_dim3A_5 masked %ge3A_2535 : memref<512x32xf32, #tpu.memory_space<vmem>>[vector<16xi32>, vector<16xi32>], vector<16xf32>, vector<16xi1>
          %broadcast_in_dim3A_2586 = arith.constant 23 : i32
          %broadcast_in_dim3A_2587 = vector.broadcast %broadcast_in_dim3A_2586 : i32 to vector<16xi32>
          tpu.vector_store_idx %arg9[%add3A_2539, %broadcast_in_dim3A_2587], %broadcast_in_dim3A_5 masked %ge3A_2535 : memref<512x32xf32, #tpu.memory_space<vmem>>[vector<16xi32>, vector<16xi32>], vector<16xf32>, vector<16xi1>
          %broadcast_in_dim3A_2588 = arith.constant 24 : i32
          %broadcast_in_dim3A_2589 = vector.broadcast %broadcast_in_dim3A_2588 : i32 to vector<16xi32>
          tpu.vector_store_idx %arg9[%add3A_2539, %broadcast_in_dim3A_2589], %broadcast_in_dim3A_5 masked %ge3A_2535 : memref<512x32xf32, #tpu.memory_space<vmem>>[vector<16xi32>, vector<16xi32>], vector<16xf32>, vector<16xi1>
          %broadcast_in_dim3A_2590 = arith.constant 25 : i32
          %broadcast_in_dim3A_2591 = vector.broadcast %broadcast_in_dim3A_2590 : i32 to vector<16xi32>
          tpu.vector_store_idx %arg9[%add3A_2539, %broadcast_in_dim3A_2591], %broadcast_in_dim3A_5 masked %ge3A_2535 : memref<512x32xf32, #tpu.memory_space<vmem>>[vector<16xi32>, vector<16xi32>], vector<16xf32>, vector<16xi1>
          %broadcast_in_dim3A_2592 = arith.constant 26 : i32
          %broadcast_in_dim3A_2593 = vector.broadcast %broadcast_in_dim3A_2592 : i32 to vector<16xi32>
          tpu.vector_store_idx %arg9[%add3A_2539, %broadcast_in_dim3A_2593], %broadcast_in_dim3A_5 masked %ge3A_2535 : memref<512x32xf32, #tpu.memory_space<vmem>>[vector<16xi32>, vector<16xi32>], vector<16xf32>, vector<16xi1>
          %broadcast_in_dim3A_2594 = arith.constant 27 : i32
          %broadcast_in_dim3A_2595 = vector.broadcast %broadcast_in_dim3A_2594 : i32 to vector<16xi32>
          tpu.vector_store_idx %arg9[%add3A_2539, %broadcast_in_dim3A_2595], %broadcast_in_dim3A_5 masked %ge3A_2535 : memref<512x32xf32, #tpu.memory_space<vmem>>[vector<16xi32>, vector<16xi32>], vector<16xf32>, vector<16xi1>
          %broadcast_in_dim3A_2596 = arith.constant 28 : i32
          %broadcast_in_dim3A_2597 = vector.broadcast %broadcast_in_dim3A_2596 : i32 to vector<16xi32>
          tpu.vector_store_idx %arg9[%add3A_2539, %broadcast_in_dim3A_2597], %broadcast_in_dim3A_5 masked %ge3A_2535 : memref<512x32xf32, #tpu.memory_space<vmem>>[vector<16xi32>, vector<16xi32>], vector<16xf32>, vector<16xi1>
          %broadcast_in_dim3A_2598 = arith.constant 29 : i32
          %broadcast_in_dim3A_2599 = vector.broadcast %broadcast_in_dim3A_2598 : i32 to vector<16xi32>
          tpu.vector_store_idx %arg9[%add3A_2539, %broadcast_in_dim3A_2599], %broadcast_in_dim3A_5 masked %ge3A_2535 : memref<512x32xf32, #tpu.memory_space<vmem>>[vector<16xi32>, vector<16xi32>], vector<16xf32>, vector<16xi1>
          %broadcast_in_dim3A_2600 = arith.constant 30 : i32
          %broadcast_in_dim3A_2601 = vector.broadcast %broadcast_in_dim3A_2600 : i32 to vector<16xi32>
          tpu.vector_store_idx %arg9[%add3A_2539, %broadcast_in_dim3A_2601], %broadcast_in_dim3A_5 masked %ge3A_2535 : memref<512x32xf32, #tpu.memory_space<vmem>>[vector<16xi32>, vector<16xi32>], vector<16xf32>, vector<16xi1>
          %broadcast_in_dim3A_2602 = arith.constant 31 : i32
          %broadcast_in_dim3A_2603 = vector.broadcast %broadcast_in_dim3A_2602 : i32 to vector<16xi32>
          tpu.vector_store_idx %arg9[%add3A_2539, %broadcast_in_dim3A_2603], %broadcast_in_dim3A_5 masked %ge3A_2535 : memref<512x32xf32, #tpu.memory_space<vmem>>[vector<16xi32>, vector<16xi32>], vector<16xf32>, vector<16xi1>
        }
        %scan3A_2526 = arith.constant 32 : i32
      } else {
      }
      %ge3A_2423 = arith.constant 1 : i32
      %ge3A_2424 = arith.cmpi sge, %scan3A_1225, %ge3A_2423 : i32
      %convert_element_type3A_2425 = arith.extui %ge3A_2424 : i1 to i32
      %cond3A_2426 = arith.constant 0 : i32
      %cond3A_2427 = arith.cmpi ne, %convert_element_type3A_2425, %cond3A_2426 : i32
      scf.if %cond3A_2427 {
        %dma_wait3A_2519 = arith.constant 0 : i32
        %dma_wait3A_2520 = arith.constant 0 : i32
        %dma_wait3A_2521 = tpu.memref_slice %arg11[%dma_wait3A_2520] : memref<16384xf32, #tpu.memory_space<vmem>> -> memref<4096xf32, #tpu.memory_space<vmem>>
        %dma_wait3A_2522 = arith.constant 0 : i32
        %dma_wait3A_2523 = tpu.memref_slice %arg4[%dma_wait3A_2519, %dma_wait3A_2522] : memref<50x524288xf32, #tpu.memory_space<hbm>> -> memref<1x4096xf32, #tpu.memory_space<hbm>>
        %dma_wait3A_2524 = tpu.memref_squeeze %dma_wait3A_2523 : memref<1x4096xf32, #tpu.memory_space<hbm>> -> memref<4096xf32, #tpu.memory_space<hbm>>
        %dma_wait3A_2525 = arith.constant 0 : i32
        %dma_wait3A_2526 = tpu.memref_slice %arg4[%dma_wait3A_2519, %dma_wait3A_2525] : memref<50x524288xf32, #tpu.memory_space<hbm>> -> memref<1x4096xf32, #tpu.memory_space<hbm>>
        %dma_wait3A_2527 = tpu.memref_squeeze %dma_wait3A_2526 : memref<1x4096xf32, #tpu.memory_space<hbm>> -> memref<4096xf32, #tpu.memory_space<hbm>>
        %dma_wait3A_2528 = arith.constant 0 : i32
        %dma_wait3A_2529 = tpu.memref_slice %arg11[%dma_wait3A_2528] : memref<16384xf32, #tpu.memory_space<vmem>> -> memref<4096xf32, #tpu.memory_space<vmem>>
        tpu.wait_dma2 semaphore(%arg18 : memref<!tpu.dma_semaphore, #tpu.memory_space<semaphore_mem>>) src(%dma_wait3A_2529 : memref<4096xf32, #tpu.memory_space<vmem>>) dst(%dma_wait3A_2527 : memref<4096xf32, #tpu.memory_space<hbm>>)
        %dma_wait3A_2530 = arith.constant 0 : i32
        %dma_wait3A_2531 = arith.constant 4096 : i32
        %dma_wait3A_2532 = tpu.memref_slice %arg11[%dma_wait3A_2531] : memref<16384xf32, #tpu.memory_space<vmem>> -> memref<4096xf32, #tpu.memory_space<vmem>>
        %dma_wait3A_2533 = arith.constant 131072 : i32
        %dma_wait3A_2534 = tpu.memref_slice %arg4[%dma_wait3A_2530, %dma_wait3A_2533] : memref<50x524288xf32, #tpu.memory_space<hbm>> -> memref<1x4096xf32, #tpu.memory_space<hbm>>
        %dma_wait3A_2535 = tpu.memref_squeeze %dma_wait3A_2534 : memref<1x4096xf32, #tpu.memory_space<hbm>> -> memref<4096xf32, #tpu.memory_space<hbm>>
        %dma_wait3A_2536 = arith.constant 131072 : i32
        %dma_wait3A_2537 = tpu.memref_slice %arg4[%dma_wait3A_2530, %dma_wait3A_2536] : memref<50x524288xf32, #tpu.memory_space<hbm>> -> memref<1x4096xf32, #tpu.memory_space<hbm>>
        %dma_wait3A_2538 = tpu.memref_squeeze %dma_wait3A_2537 : memref<1x4096xf32, #tpu.memory_space<hbm>> -> memref<4096xf32, #tpu.memory_space<hbm>>
        %dma_wait3A_2539 = arith.constant 4096 : i32
        %dma_wait3A_2540 = tpu.memref_slice %arg11[%dma_wait3A_2539] : memref<16384xf32, #tpu.memory_space<vmem>> -> memref<4096xf32, #tpu.memory_space<vmem>>
        tpu.wait_dma2 semaphore(%arg18 : memref<!tpu.dma_semaphore, #tpu.memory_space<semaphore_mem>>) src(%dma_wait3A_2540 : memref<4096xf32, #tpu.memory_space<vmem>>) dst(%dma_wait3A_2538 : memref<4096xf32, #tpu.memory_space<hbm>>)
        %dma_wait3A_2541 = arith.constant 0 : i32
        %dma_wait3A_2542 = arith.constant 8192 : i32
        %dma_wait3A_2543 = tpu.memref_slice %arg11[%dma_wait3A_2542] : memref<16384xf32, #tpu.memory_space<vmem>> -> memref<4096xf32, #tpu.memory_space<vmem>>
        %dma_wait3A_2544 = arith.constant 262144 : i32
        %dma_wait3A_2545 = tpu.memref_slice %arg4[%dma_wait3A_2541, %dma_wait3A_2544] : memref<50x524288xf32, #tpu.memory_space<hbm>> -> memref<1x4096xf32, #tpu.memory_space<hbm>>
        %dma_wait3A_2546 = tpu.memref_squeeze %dma_wait3A_2545 : memref<1x4096xf32, #tpu.memory_space<hbm>> -> memref<4096xf32, #tpu.memory_space<hbm>>
        %dma_wait3A_2547 = arith.constant 262144 : i32
        %dma_wait3A_2548 = tpu.memref_slice %arg4[%dma_wait3A_2541, %dma_wait3A_2547] : memref<50x524288xf32, #tpu.memory_space<hbm>> -> memref<1x4096xf32, #tpu.memory_space<hbm>>
        %dma_wait3A_2549 = tpu.memref_squeeze %dma_wait3A_2548 : memref<1x4096xf32, #tpu.memory_space<hbm>> -> memref<4096xf32, #tpu.memory_space<hbm>>
        %dma_wait3A_2550 = arith.constant 8192 : i32
        %dma_wait3A_2551 = tpu.memref_slice %arg11[%dma_wait3A_2550] : memref<16384xf32, #tpu.memory_space<vmem>> -> memref<4096xf32, #tpu.memory_space<vmem>>
        tpu.wait_dma2 semaphore(%arg18 : memref<!tpu.dma_semaphore, #tpu.memory_space<semaphore_mem>>) src(%dma_wait3A_2551 : memref<4096xf32, #tpu.memory_space<vmem>>) dst(%dma_wait3A_2549 : memref<4096xf32, #tpu.memory_space<hbm>>)
        %dma_wait3A_2552 = arith.constant 0 : i32
        %dma_wait3A_2553 = arith.constant 12288 : i32
        %dma_wait3A_2554 = tpu.memref_slice %arg11[%dma_wait3A_2553] : memref<16384xf32, #tpu.memory_space<vmem>> -> memref<4096xf32, #tpu.memory_space<vmem>>
        %dma_wait3A_2555 = arith.constant 393216 : i32
        %dma_wait3A_2556 = tpu.memref_slice %arg4[%dma_wait3A_2552, %dma_wait3A_2555] : memref<50x524288xf32, #tpu.memory_space<hbm>> -> memref<1x4096xf32, #tpu.memory_space<hbm>>
        %dma_wait3A_2557 = tpu.memref_squeeze %dma_wait3A_2556 : memref<1x4096xf32, #tpu.memory_space<hbm>> -> memref<4096xf32, #tpu.memory_space<hbm>>
        %dma_wait3A_2558 = arith.constant 393216 : i32
        %dma_wait3A_2559 = tpu.memref_slice %arg4[%dma_wait3A_2552, %dma_wait3A_2558] : memref<50x524288xf32, #tpu.memory_space<hbm>> -> memref<1x4096xf32, #tpu.memory_space<hbm>>
        %dma_wait3A_2560 = tpu.memref_squeeze %dma_wait3A_2559 : memref<1x4096xf32, #tpu.memory_space<hbm>> -> memref<4096xf32, #tpu.memory_space<hbm>>
        %dma_wait3A_2561 = arith.constant 12288 : i32
        %dma_wait3A_2562 = tpu.memref_slice %arg11[%dma_wait3A_2561] : memref<16384xf32, #tpu.memory_space<vmem>> -> memref<4096xf32, #tpu.memory_space<vmem>>
        tpu.wait_dma2 semaphore(%arg18 : memref<!tpu.dma_semaphore, #tpu.memory_space<semaphore_mem>>) src(%dma_wait3A_2562 : memref<4096xf32, #tpu.memory_space<vmem>>) dst(%dma_wait3A_2560 : memref<4096xf32, #tpu.memory_space<hbm>>)
      } else {
      }
      %scan3A_2428 = arith.constant 0 : i32
      %scan3A_2429 = arith.constant 0 : i32
      %scan3A_2430 = arith.constant 32 : i32
      %scan3A_2431 = arith.addi %scan3A_2429, %scan3A_2430 : i32
      %scan3A_2432 = arith.constant 1 : i32
      scf.for %scan3A_2519 = %scan3A_2429 to %scan3A_2431 step %scan3A_2432  : i32 {
        %mul3A_2520 = arith.constant 16 : i32
        %mul3A_2521 = arith.muli %scan3A_2519, %mul3A_2520 : i32
        %add3A_2522 = vector.broadcast %mul3A_2521 : i32 to vector<16xi32>
        %add3A_2523 = arith.addi %add3A_2522, %iota3A : vector<16xi32>
        %shift_right_arithmetic3A_2524 = arith.constant 3 : i32
        %shift_right_arithmetic3A_2525 = arith.shrsi %scan3A_2519, %shift_right_arithmetic3A_2524 : i32
        %mul3A_2526 = arith.constant 1024 : i32
        %mul3A_2527 = arith.muli %shift_right_arithmetic3A_2525, %mul3A_2526 : i32
        %and3A_2528 = arith.constant 7 : i32
        %and3A_2529 = arith.andi %scan3A_2519, %and3A_2528 : i32
        %mul3A_2530 = arith.constant 16 : i32
        %mul3A_2531 = arith.muli %and3A_2529, %mul3A_2530 : i32
        %add3A_2532 = arith.addi %mul3A_2527, %mul3A_2531 : i32
        %get3A_2533 = arith.constant 0 : index
        %get3A_2534 = tpu.vector_load %arg12[%get3A_2533] {strides = array<i32>} : memref<512xi32, #tpu.memory_space<vmem>>, vector<16xi32>,
        %get3A_2535 = arith.constant 0 : index
        %get3A_2536 = tpu.vector_load %arg13[%get3A_2535] {strides = array<i32>} : memref<512xi32, #tpu.memory_space<vmem>>, vector<16xi32>,
        %gather3A = tpu.vector_load_idx %arg9[%add3A_2523, %get3A_2534] : memref<512x32xf32, #tpu.memory_space<vmem>>[vector<16xi32>, vector<16xi32>], vector<16xf32>,
        %add3A_2537 = vector.broadcast %add3A_2532 : i32 to vector<16xi32>
        %add3A_2538 = arith.addi %get3A_2536, %add3A_2537 : vector<16xi32>
        tpu.vector_store_idx %arg11[%add3A_2538], %gather3A : memref<16384xf32, #tpu.memory_space<vmem>>[vector<16xi32>], vector<16xf32>,
        %get3A_2539 = arith.constant 16 : index
        %get3A_2540 = tpu.vector_load %arg12[%get3A_2539] {strides = array<i32>} : memref<512xi32, #tpu.memory_space<vmem>>, vector<16xi32>,
        %get3A_2541 = arith.constant 16 : index
        %get3A_2542 = tpu.vector_load %arg13[%get3A_2541] {strides = array<i32>} : memref<512xi32, #tpu.memory_space<vmem>>, vector<16xi32>,
        %gather3A_2543 = tpu.vector_load_idx %arg9[%add3A_2523, %get3A_2540] : memref<512x32xf32, #tpu.memory_space<vmem>>[vector<16xi32>, vector<16xi32>], vector<16xf32>,
        %add3A_2544 = vector.broadcast %add3A_2532 : i32 to vector<16xi32>
        %add3A_2545 = arith.addi %get3A_2542, %add3A_2544 : vector<16xi32>
        tpu.vector_store_idx %arg11[%add3A_2545], %gather3A_2543 : memref<16384xf32, #tpu.memory_space<vmem>>[vector<16xi32>], vector<16xf32>,
        %get3A_2546 = arith.constant 32 : index
        %get3A_2547 = tpu.vector_load %arg12[%get3A_2546] {strides = array<i32>} : memref<512xi32, #tpu.memory_space<vmem>>, vector<16xi32>,
        %get3A_2548 = arith.constant 32 : index
        %get3A_2549 = tpu.vector_load %arg13[%get3A_2548] {strides = array<i32>} : memref<512xi32, #tpu.memory_space<vmem>>, vector<16xi32>,
        %gather3A_2550 = tpu.vector_load_idx %arg9[%add3A_2523, %get3A_2547] : memref<512x32xf32, #tpu.memory_space<vmem>>[vector<16xi32>, vector<16xi32>], vector<16xf32>,
        %add3A_2551 = vector.broadcast %add3A_2532 : i32 to vector<16xi32>
        %add3A_2552 = arith.addi %get3A_2549, %add3A_2551 : vector<16xi32>
        tpu.vector_store_idx %arg11[%add3A_2552], %gather3A_2550 : memref<16384xf32, #tpu.memory_space<vmem>>[vector<16xi32>], vector<16xf32>,
        %get3A_2553 = arith.constant 48 : index
        %get3A_2554 = tpu.vector_load %arg12[%get3A_2553] {strides = array<i32>} : memref<512xi32, #tpu.memory_space<vmem>>, vector<16xi32>,
        %get3A_2555 = arith.constant 48 : index
        %get3A_2556 = tpu.vector_load %arg13[%get3A_2555] {strides = array<i32>} : memref<512xi32, #tpu.memory_space<vmem>>, vector<16xi32>,
        %gather3A_2557 = tpu.vector_load_idx %arg9[%add3A_2523, %get3A_2554] : memref<512x32xf32, #tpu.memory_space<vmem>>[vector<16xi32>, vector<16xi32>], vector<16xf32>,
        %add3A_2558 = vector.broadcast %add3A_2532 : i32 to vector<16xi32>
        %add3A_2559 = arith.addi %get3A_2556, %add3A_2558 : vector<16xi32>
        tpu.vector_store_idx %arg11[%add3A_2559], %gather3A_2557 : memref<16384xf32, #tpu.memory_space<vmem>>[vector<16xi32>], vector<16xf32>,
        %get3A_2560 = arith.constant 64 : index
        %get3A_2561 = tpu.vector_load %arg12[%get3A_2560] {strides = array<i32>} : memref<512xi32, #tpu.memory_space<vmem>>, vector<16xi32>,
        %get3A_2562 = arith.constant 64 : index
        %get3A_2563 = tpu.vector_load %arg13[%get3A_2562] {strides = array<i32>} : memref<512xi32, #tpu.memory_space<vmem>>, vector<16xi32>,
        %gather3A_2564 = tpu.vector_load_idx %arg9[%add3A_2523, %get3A_2561] : memref<512x32xf32, #tpu.memory_space<vmem>>[vector<16xi32>, vector<16xi32>], vector<16xf32>,
        %add3A_2565 = vector.broadcast %add3A_2532 : i32 to vector<16xi32>
        %add3A_2566 = arith.addi %get3A_2563, %add3A_2565 : vector<16xi32>
        tpu.vector_store_idx %arg11[%add3A_2566], %gather3A_2564 : memref<16384xf32, #tpu.memory_space<vmem>>[vector<16xi32>], vector<16xf32>,
        %get3A_2567 = arith.constant 80 : index
        %get3A_2568 = tpu.vector_load %arg12[%get3A_2567] {strides = array<i32>} : memref<512xi32, #tpu.memory_space<vmem>>, vector<16xi32>,
        %get3A_2569 = arith.constant 80 : index
        %get3A_2570 = tpu.vector_load %arg13[%get3A_2569] {strides = array<i32>} : memref<512xi32, #tpu.memory_space<vmem>>, vector<16xi32>,
        %gather3A_2571 = tpu.vector_load_idx %arg9[%add3A_2523, %get3A_2568] : memref<512x32xf32, #tpu.memory_space<vmem>>[vector<16xi32>, vector<16xi32>], vector<16xf32>,
        %add3A_2572 = vector.broadcast %add3A_2532 : i32 to vector<16xi32>
        %add3A_2573 = arith.addi %get3A_2570, %add3A_2572 : vector<16xi32>
        tpu.vector_store_idx %arg11[%add3A_2573], %gather3A_2571 : memref<16384xf32, #tpu.memory_space<vmem>>[vector<16xi32>], vector<16xf32>,
        %get3A_2574 = arith.constant 96 : index
        %get3A_2575 = tpu.vector_load %arg12[%get3A_2574] {strides = array<i32>} : memref<512xi32, #tpu.memory_space<vmem>>, vector<16xi32>,
        %get3A_2576 = arith.constant 96 : index
        %get3A_2577 = tpu.vector_load %arg13[%get3A_2576] {strides = array<i32>} : memref<512xi32, #tpu.memory_space<vmem>>, vector<16xi32>,
        %gather3A_2578 = tpu.vector_load_idx %arg9[%add3A_2523, %get3A_2575] : memref<512x32xf32, #tpu.memory_space<vmem>>[vector<16xi32>, vector<16xi32>], vector<16xf32>,
        %add3A_2579 = vector.broadcast %add3A_2532 : i32 to vector<16xi32>
        %add3A_2580 = arith.addi %get3A_2577, %add3A_2579 : vector<16xi32>
        tpu.vector_store_idx %arg11[%add3A_2580], %gather3A_2578 : memref<16384xf32, #tpu.memory_space<vmem>>[vector<16xi32>], vector<16xf32>,
        %get3A_2581 = arith.constant 112 : index
        %get3A_2582 = tpu.vector_load %arg12[%get3A_2581] {strides = array<i32>} : memref<512xi32, #tpu.memory_space<vmem>>, vector<16xi32>,
        %get3A_2583 = arith.constant 112 : index
        %get3A_2584 = tpu.vector_load %arg13[%get3A_2583] {strides = array<i32>} : memref<512xi32, #tpu.memory_space<vmem>>, vector<16xi32>,
        %gather3A_2585 = tpu.vector_load_idx %arg9[%add3A_2523, %get3A_2582] : memref<512x32xf32, #tpu.memory_space<vmem>>[vector<16xi32>, vector<16xi32>], vector<16xf32>,
        %add3A_2586 = vector.broadcast %add3A_2532 : i32 to vector<16xi32>
        %add3A_2587 = arith.addi %get3A_2584, %add3A_2586 : vector<16xi32>
        tpu.vector_store_idx %arg11[%add3A_2587], %gather3A_2585 : memref<16384xf32, #tpu.memory_space<vmem>>[vector<16xi32>], vector<16xf32>,
        %get3A_2588 = arith.constant 128 : index
        %get3A_2589 = tpu.vector_load %arg12[%get3A_2588] {strides = array<i32>} : memref<512xi32, #tpu.memory_space<vmem>>, vector<16xi32>,
        %get3A_2590 = arith.constant 128 : index
        %get3A_2591 = tpu.vector_load %arg13[%get3A_2590] {strides = array<i32>} : memref<512xi32, #tpu.memory_space<vmem>>, vector<16xi32>,
        %gather3A_2592 = tpu.vector_load_idx %arg9[%add3A_2523, %get3A_2589] : memref<512x32xf32, #tpu.memory_space<vmem>>[vector<16xi32>, vector<16xi32>], vector<16xf32>,
        %add3A_2593 = vector.broadcast %add3A_2532 : i32 to vector<16xi32>
        %add3A_2594 = arith.addi %get3A_2591, %add3A_2593 : vector<16xi32>
        tpu.vector_store_idx %arg11[%add3A_2594], %gather3A_2592 : memref<16384xf32, #tpu.memory_space<vmem>>[vector<16xi32>], vector<16xf32>,
        %get3A_2595 = arith.constant 144 : index
        %get3A_2596 = tpu.vector_load %arg12[%get3A_2595] {strides = array<i32>} : memref<512xi32, #tpu.memory_space<vmem>>, vector<16xi32>,
        %get3A_2597 = arith.constant 144 : index
        %get3A_2598 = tpu.vector_load %arg13[%get3A_2597] {strides = array<i32>} : memref<512xi32, #tpu.memory_space<vmem>>, vector<16xi32>,
        %gather3A_2599 = tpu.vector_load_idx %arg9[%add3A_2523, %get3A_2596] : memref<512x32xf32, #tpu.memory_space<vmem>>[vector<16xi32>, vector<16xi32>], vector<16xf32>,
        %add3A_2600 = vector.broadcast %add3A_2532 : i32 to vector<16xi32>
        %add3A_2601 = arith.addi %get3A_2598, %add3A_2600 : vector<16xi32>
        tpu.vector_store_idx %arg11[%add3A_2601], %gather3A_2599 : memref<16384xf32, #tpu.memory_space<vmem>>[vector<16xi32>], vector<16xf32>,
        %get3A_2602 = arith.constant 160 : index
        %get3A_2603 = tpu.vector_load %arg12[%get3A_2602] {strides = array<i32>} : memref<512xi32, #tpu.memory_space<vmem>>, vector<16xi32>,
        %get3A_2604 = arith.constant 160 : index
        %get3A_2605 = tpu.vector_load %arg13[%get3A_2604] {strides = array<i32>} : memref<512xi32, #tpu.memory_space<vmem>>, vector<16xi32>,
        %gather3A_2606 = tpu.vector_load_idx %arg9[%add3A_2523, %get3A_2603] : memref<512x32xf32, #tpu.memory_space<vmem>>[vector<16xi32>, vector<16xi32>], vector<16xf32>,
        %add3A_2607 = vector.broadcast %add3A_2532 : i32 to vector<16xi32>
        %add3A_2608 = arith.addi %get3A_2605, %add3A_2607 : vector<16xi32>
        tpu.vector_store_idx %arg11[%add3A_2608], %gather3A_2606 : memref<16384xf32, #tpu.memory_space<vmem>>[vector<16xi32>], vector<16xf32>,
        %get3A_2609 = arith.constant 176 : index
        %get3A_2610 = tpu.vector_load %arg12[%get3A_2609] {strides = array<i32>} : memref<512xi32, #tpu.memory_space<vmem>>, vector<16xi32>,
        %get3A_2611 = arith.constant 176 : index
        %get3A_2612 = tpu.vector_load %arg13[%get3A_2611] {strides = array<i32>} : memref<512xi32, #tpu.memory_space<vmem>>, vector<16xi32>,
        %gather3A_2613 = tpu.vector_load_idx %arg9[%add3A_2523, %get3A_2610] : memref<512x32xf32, #tpu.memory_space<vmem>>[vector<16xi32>, vector<16xi32>], vector<16xf32>,
        %add3A_2614 = vector.broadcast %add3A_2532 : i32 to vector<16xi32>
        %add3A_2615 = arith.addi %get3A_2612, %add3A_2614 : vector<16xi32>
        tpu.vector_store_idx %arg11[%add3A_2615], %gather3A_2613 : memref<16384xf32, #tpu.memory_space<vmem>>[vector<16xi32>], vector<16xf32>,
        %get3A_2616 = arith.constant 192 : index
        %get3A_2617 = tpu.vector_load %arg12[%get3A_2616] {strides = array<i32>} : memref<512xi32, #tpu.memory_space<vmem>>, vector<16xi32>,
        %get3A_2618 = arith.constant 192 : index
        %get3A_2619 = tpu.vector_load %arg13[%get3A_2618] {strides = array<i32>} : memref<512xi32, #tpu.memory_space<vmem>>, vector<16xi32>,
        %gather3A_2620 = tpu.vector_load_idx %arg9[%add3A_2523, %get3A_2617] : memref<512x32xf32, #tpu.memory_space<vmem>>[vector<16xi32>, vector<16xi32>], vector<16xf32>,
        %add3A_2621 = vector.broadcast %add3A_2532 : i32 to vector<16xi32>
        %add3A_2622 = arith.addi %get3A_2619, %add3A_2621 : vector<16xi32>
        tpu.vector_store_idx %arg11[%add3A_2622], %gather3A_2620 : memref<16384xf32, #tpu.memory_space<vmem>>[vector<16xi32>], vector<16xf32>,
        %get3A_2623 = arith.constant 208 : index
        %get3A_2624 = tpu.vector_load %arg12[%get3A_2623] {strides = array<i32>} : memref<512xi32, #tpu.memory_space<vmem>>, vector<16xi32>,
        %get3A_2625 = arith.constant 208 : index
        %get3A_2626 = tpu.vector_load %arg13[%get3A_2625] {strides = array<i32>} : memref<512xi32, #tpu.memory_space<vmem>>, vector<16xi32>,
        %gather3A_2627 = tpu.vector_load_idx %arg9[%add3A_2523, %get3A_2624] : memref<512x32xf32, #tpu.memory_space<vmem>>[vector<16xi32>, vector<16xi32>], vector<16xf32>,
        %add3A_2628 = vector.broadcast %add3A_2532 : i32 to vector<16xi32>
        %add3A_2629 = arith.addi %get3A_2626, %add3A_2628 : vector<16xi32>
        tpu.vector_store_idx %arg11[%add3A_2629], %gather3A_2627 : memref<16384xf32, #tpu.memory_space<vmem>>[vector<16xi32>], vector<16xf32>,
        %get3A_2630 = arith.constant 224 : index
        %get3A_2631 = tpu.vector_load %arg12[%get3A_2630] {strides = array<i32>} : memref<512xi32, #tpu.memory_space<vmem>>, vector<16xi32>,
        %get3A_2632 = arith.constant 224 : index
        %get3A_2633 = tpu.vector_load %arg13[%get3A_2632] {strides = array<i32>} : memref<512xi32, #tpu.memory_space<vmem>>, vector<16xi32>,
        %gather3A_2634 = tpu.vector_load_idx %arg9[%add3A_2523, %get3A_2631] : memref<512x32xf32, #tpu.memory_space<vmem>>[vector<16xi32>, vector<16xi32>], vector<16xf32>,
        %add3A_2635 = vector.broadcast %add3A_2532 : i32 to vector<16xi32>
        %add3A_2636 = arith.addi %get3A_2633, %add3A_2635 : vector<16xi32>
        tpu.vector_store_idx %arg11[%add3A_2636], %gather3A_2634 : memref<16384xf32, #tpu.memory_space<vmem>>[vector<16xi32>], vector<16xf32>,
        %get3A_2637 = arith.constant 240 : index
        %get3A_2638 = tpu.vector_load %arg12[%get3A_2637] {strides = array<i32>} : memref<512xi32, #tpu.memory_space<vmem>>, vector<16xi32>,
        %get3A_2639 = arith.constant 240 : index
        %get3A_2640 = tpu.vector_load %arg13[%get3A_2639] {strides = array<i32>} : memref<512xi32, #tpu.memory_space<vmem>>, vector<16xi32>,
        %gather3A_2641 = tpu.vector_load_idx %arg9[%add3A_2523, %get3A_2638] : memref<512x32xf32, #tpu.memory_space<vmem>>[vector<16xi32>, vector<16xi32>], vector<16xf32>,
        %add3A_2642 = vector.broadcast %add3A_2532 : i32 to vector<16xi32>
        %add3A_2643 = arith.addi %get3A_2640, %add3A_2642 : vector<16xi32>
        tpu.vector_store_idx %arg11[%add3A_2643], %gather3A_2641 : memref<16384xf32, #tpu.memory_space<vmem>>[vector<16xi32>], vector<16xf32>,
        %get3A_2644 = arith.constant 256 : index
        %get3A_2645 = tpu.vector_load %arg12[%get3A_2644] {strides = array<i32>} : memref<512xi32, #tpu.memory_space<vmem>>, vector<16xi32>,
        %get3A_2646 = arith.constant 256 : index
        %get3A_2647 = tpu.vector_load %arg13[%get3A_2646] {strides = array<i32>} : memref<512xi32, #tpu.memory_space<vmem>>, vector<16xi32>,
        %gather3A_2648 = tpu.vector_load_idx %arg9[%add3A_2523, %get3A_2645] : memref<512x32xf32, #tpu.memory_space<vmem>>[vector<16xi32>, vector<16xi32>], vector<16xf32>,
        %add3A_2649 = vector.broadcast %add3A_2532 : i32 to vector<16xi32>
        %add3A_2650 = arith.addi %get3A_2647, %add3A_2649 : vector<16xi32>
        tpu.vector_store_idx %arg11[%add3A_2650], %gather3A_2648 : memref<16384xf32, #tpu.memory_space<vmem>>[vector<16xi32>], vector<16xf32>,
        %get3A_2651 = arith.constant 272 : index
        %get3A_2652 = tpu.vector_load %arg12[%get3A_2651] {strides = array<i32>} : memref<512xi32, #tpu.memory_space<vmem>>, vector<16xi32>,
        %get3A_2653 = arith.constant 272 : index
        %get3A_2654 = tpu.vector_load %arg13[%get3A_2653] {strides = array<i32>} : memref<512xi32, #tpu.memory_space<vmem>>, vector<16xi32>,
        %gather3A_2655 = tpu.vector_load_idx %arg9[%add3A_2523, %get3A_2652] : memref<512x32xf32, #tpu.memory_space<vmem>>[vector<16xi32>, vector<16xi32>], vector<16xf32>,
        %add3A_2656 = vector.broadcast %add3A_2532 : i32 to vector<16xi32>
        %add3A_2657 = arith.addi %get3A_2654, %add3A_2656 : vector<16xi32>
        tpu.vector_store_idx %arg11[%add3A_2657], %gather3A_2655 : memref<16384xf32, #tpu.memory_space<vmem>>[vector<16xi32>], vector<16xf32>,
        %get3A_2658 = arith.constant 288 : index
        %get3A_2659 = tpu.vector_load %arg12[%get3A_2658] {strides = array<i32>} : memref<512xi32, #tpu.memory_space<vmem>>, vector<16xi32>,
        %get3A_2660 = arith.constant 288 : index
        %get3A_2661 = tpu.vector_load %arg13[%get3A_2660] {strides = array<i32>} : memref<512xi32, #tpu.memory_space<vmem>>, vector<16xi32>,
        %gather3A_2662 = tpu.vector_load_idx %arg9[%add3A_2523, %get3A_2659] : memref<512x32xf32, #tpu.memory_space<vmem>>[vector<16xi32>, vector<16xi32>], vector<16xf32>,
        %add3A_2663 = vector.broadcast %add3A_2532 : i32 to vector<16xi32>
        %add3A_2664 = arith.addi %get3A_2661, %add3A_2663 : vector<16xi32>
        tpu.vector_store_idx %arg11[%add3A_2664], %gather3A_2662 : memref<16384xf32, #tpu.memory_space<vmem>>[vector<16xi32>], vector<16xf32>,
        %get3A_2665 = arith.constant 304 : index
        %get3A_2666 = tpu.vector_load %arg12[%get3A_2665] {strides = array<i32>} : memref<512xi32, #tpu.memory_space<vmem>>, vector<16xi32>,
        %get3A_2667 = arith.constant 304 : index
        %get3A_2668 = tpu.vector_load %arg13[%get3A_2667] {strides = array<i32>} : memref<512xi32, #tpu.memory_space<vmem>>, vector<16xi32>,
        %gather3A_2669 = tpu.vector_load_idx %arg9[%add3A_2523, %get3A_2666] : memref<512x32xf32, #tpu.memory_space<vmem>>[vector<16xi32>, vector<16xi32>], vector<16xf32>,
        %add3A_2670 = vector.broadcast %add3A_2532 : i32 to vector<16xi32>
        %add3A_2671 = arith.addi %get3A_2668, %add3A_2670 : vector<16xi32>
        tpu.vector_store_idx %arg11[%add3A_2671], %gather3A_2669 : memref<16384xf32, #tpu.memory_space<vmem>>[vector<16xi32>], vector<16xf32>,
        %get3A_2672 = arith.constant 320 : index
        %get3A_2673 = tpu.vector_load %arg12[%get3A_2672] {strides = array<i32>} : memref<512xi32, #tpu.memory_space<vmem>>, vector<16xi32>,
        %get3A_2674 = arith.constant 320 : index
        %get3A_2675 = tpu.vector_load %arg13[%get3A_2674] {strides = array<i32>} : memref<512xi32, #tpu.memory_space<vmem>>, vector<16xi32>,
        %gather3A_2676 = tpu.vector_load_idx %arg9[%add3A_2523, %get3A_2673] : memref<512x32xf32, #tpu.memory_space<vmem>>[vector<16xi32>, vector<16xi32>], vector<16xf32>,
        %add3A_2677 = vector.broadcast %add3A_2532 : i32 to vector<16xi32>
        %add3A_2678 = arith.addi %get3A_2675, %add3A_2677 : vector<16xi32>
        tpu.vector_store_idx %arg11[%add3A_2678], %gather3A_2676 : memref<16384xf32, #tpu.memory_space<vmem>>[vector<16xi32>], vector<16xf32>,
        %get3A_2679 = arith.constant 336 : index
        %get3A_2680 = tpu.vector_load %arg12[%get3A_2679] {strides = array<i32>} : memref<512xi32, #tpu.memory_space<vmem>>, vector<16xi32>,
        %get3A_2681 = arith.constant 336 : index
        %get3A_2682 = tpu.vector_load %arg13[%get3A_2681] {strides = array<i32>} : memref<512xi32, #tpu.memory_space<vmem>>, vector<16xi32>,
        %gather3A_2683 = tpu.vector_load_idx %arg9[%add3A_2523, %get3A_2680] : memref<512x32xf32, #tpu.memory_space<vmem>>[vector<16xi32>, vector<16xi32>], vector<16xf32>,
        %add3A_2684 = vector.broadcast %add3A_2532 : i32 to vector<16xi32>
        %add3A_2685 = arith.addi %get3A_2682, %add3A_2684 : vector<16xi32>
        tpu.vector_store_idx %arg11[%add3A_2685], %gather3A_2683 : memref<16384xf32, #tpu.memory_space<vmem>>[vector<16xi32>], vector<16xf32>,
        %get3A_2686 = arith.constant 352 : index
        %get3A_2687 = tpu.vector_load %arg12[%get3A_2686] {strides = array<i32>} : memref<512xi32, #tpu.memory_space<vmem>>, vector<16xi32>,
        %get3A_2688 = arith.constant 352 : index
        %get3A_2689 = tpu.vector_load %arg13[%get3A_2688] {strides = array<i32>} : memref<512xi32, #tpu.memory_space<vmem>>, vector<16xi32>,
        %gather3A_2690 = tpu.vector_load_idx %arg9[%add3A_2523, %get3A_2687] : memref<512x32xf32, #tpu.memory_space<vmem>>[vector<16xi32>, vector<16xi32>], vector<16xf32>,
        %add3A_2691 = vector.broadcast %add3A_2532 : i32 to vector<16xi32>
        %add3A_2692 = arith.addi %get3A_2689, %add3A_2691 : vector<16xi32>
        tpu.vector_store_idx %arg11[%add3A_2692], %gather3A_2690 : memref<16384xf32, #tpu.memory_space<vmem>>[vector<16xi32>], vector<16xf32>,
        %get3A_2693 = arith.constant 368 : index
        %get3A_2694 = tpu.vector_load %arg12[%get3A_2693] {strides = array<i32>} : memref<512xi32, #tpu.memory_space<vmem>>, vector<16xi32>,
        %get3A_2695 = arith.constant 368 : index
        %get3A_2696 = tpu.vector_load %arg13[%get3A_2695] {strides = array<i32>} : memref<512xi32, #tpu.memory_space<vmem>>, vector<16xi32>,
        %gather3A_2697 = tpu.vector_load_idx %arg9[%add3A_2523, %get3A_2694] : memref<512x32xf32, #tpu.memory_space<vmem>>[vector<16xi32>, vector<16xi32>], vector<16xf32>,
        %add3A_2698 = vector.broadcast %add3A_2532 : i32 to vector<16xi32>
        %add3A_2699 = arith.addi %get3A_2696, %add3A_2698 : vector<16xi32>
        tpu.vector_store_idx %arg11[%add3A_2699], %gather3A_2697 : memref<16384xf32, #tpu.memory_space<vmem>>[vector<16xi32>], vector<16xf32>,
        %get3A_2700 = arith.constant 384 : index
        %get3A_2701 = tpu.vector_load %arg12[%get3A_2700] {strides = array<i32>} : memref<512xi32, #tpu.memory_space<vmem>>, vector<16xi32>,
        %get3A_2702 = arith.constant 384 : index
        %get3A_2703 = tpu.vector_load %arg13[%get3A_2702] {strides = array<i32>} : memref<512xi32, #tpu.memory_space<vmem>>, vector<16xi32>,
        %gather3A_2704 = tpu.vector_load_idx %arg9[%add3A_2523, %get3A_2701] : memref<512x32xf32, #tpu.memory_space<vmem>>[vector<16xi32>, vector<16xi32>], vector<16xf32>,
        %add3A_2705 = vector.broadcast %add3A_2532 : i32 to vector<16xi32>
        %add3A_2706 = arith.addi %get3A_2703, %add3A_2705 : vector<16xi32>
        tpu.vector_store_idx %arg11[%add3A_2706], %gather3A_2704 : memref<16384xf32, #tpu.memory_space<vmem>>[vector<16xi32>], vector<16xf32>,
        %get3A_2707 = arith.constant 400 : index
        %get3A_2708 = tpu.vector_load %arg12[%get3A_2707] {strides = array<i32>} : memref<512xi32, #tpu.memory_space<vmem>>, vector<16xi32>,
        %get3A_2709 = arith.constant 400 : index
        %get3A_2710 = tpu.vector_load %arg13[%get3A_2709] {strides = array<i32>} : memref<512xi32, #tpu.memory_space<vmem>>, vector<16xi32>,
        %gather3A_2711 = tpu.vector_load_idx %arg9[%add3A_2523, %get3A_2708] : memref<512x32xf32, #tpu.memory_space<vmem>>[vector<16xi32>, vector<16xi32>], vector<16xf32>,
        %add3A_2712 = vector.broadcast %add3A_2532 : i32 to vector<16xi32>
        %add3A_2713 = arith.addi %get3A_2710, %add3A_2712 : vector<16xi32>
        tpu.vector_store_idx %arg11[%add3A_2713], %gather3A_2711 : memref<16384xf32, #tpu.memory_space<vmem>>[vector<16xi32>], vector<16xf32>,
        %get3A_2714 = arith.constant 416 : index
        %get3A_2715 = tpu.vector_load %arg12[%get3A_2714] {strides = array<i32>} : memref<512xi32, #tpu.memory_space<vmem>>, vector<16xi32>,
        %get3A_2716 = arith.constant 416 : index
        %get3A_2717 = tpu.vector_load %arg13[%get3A_2716] {strides = array<i32>} : memref<512xi32, #tpu.memory_space<vmem>>, vector<16xi32>,
        %gather3A_2718 = tpu.vector_load_idx %arg9[%add3A_2523, %get3A_2715] : memref<512x32xf32, #tpu.memory_space<vmem>>[vector<16xi32>, vector<16xi32>], vector<16xf32>,
        %add3A_2719 = vector.broadcast %add3A_2532 : i32 to vector<16xi32>
        %add3A_2720 = arith.addi %get3A_2717, %add3A_2719 : vector<16xi32>
        tpu.vector_store_idx %arg11[%add3A_2720], %gather3A_2718 : memref<16384xf32, #tpu.memory_space<vmem>>[vector<16xi32>], vector<16xf32>,
        %get3A_2721 = arith.constant 432 : index
        %get3A_2722 = tpu.vector_load %arg12[%get3A_2721] {strides = array<i32>} : memref<512xi32, #tpu.memory_space<vmem>>, vector<16xi32>,
        %get3A_2723 = arith.constant 432 : index
        %get3A_2724 = tpu.vector_load %arg13[%get3A_2723] {strides = array<i32>} : memref<512xi32, #tpu.memory_space<vmem>>, vector<16xi32>,
        %gather3A_2725 = tpu.vector_load_idx %arg9[%add3A_2523, %get3A_2722] : memref<512x32xf32, #tpu.memory_space<vmem>>[vector<16xi32>, vector<16xi32>], vector<16xf32>,
        %add3A_2726 = vector.broadcast %add3A_2532 : i32 to vector<16xi32>
        %add3A_2727 = arith.addi %get3A_2724, %add3A_2726 : vector<16xi32>
        tpu.vector_store_idx %arg11[%add3A_2727], %gather3A_2725 : memref<16384xf32, #tpu.memory_space<vmem>>[vector<16xi32>], vector<16xf32>,
        %get3A_2728 = arith.constant 448 : index
        %get3A_2729 = tpu.vector_load %arg12[%get3A_2728] {strides = array<i32>} : memref<512xi32, #tpu.memory_space<vmem>>, vector<16xi32>,
        %get3A_2730 = arith.constant 448 : index
        %get3A_2731 = tpu.vector_load %arg13[%get3A_2730] {strides = array<i32>} : memref<512xi32, #tpu.memory_space<vmem>>, vector<16xi32>,
        %gather3A_2732 = tpu.vector_load_idx %arg9[%add3A_2523, %get3A_2729] : memref<512x32xf32, #tpu.memory_space<vmem>>[vector<16xi32>, vector<16xi32>], vector<16xf32>,
        %add3A_2733 = vector.broadcast %add3A_2532 : i32 to vector<16xi32>
        %add3A_2734 = arith.addi %get3A_2731, %add3A_2733 : vector<16xi32>
        tpu.vector_store_idx %arg11[%add3A_2734], %gather3A_2732 : memref<16384xf32, #tpu.memory_space<vmem>>[vector<16xi32>], vector<16xf32>,
        %get3A_2735 = arith.constant 464 : index
        %get3A_2736 = tpu.vector_load %arg12[%get3A_2735] {strides = array<i32>} : memref<512xi32, #tpu.memory_space<vmem>>, vector<16xi32>,
        %get3A_2737 = arith.constant 464 : index
        %get3A_2738 = tpu.vector_load %arg13[%get3A_2737] {strides = array<i32>} : memref<512xi32, #tpu.memory_space<vmem>>, vector<16xi32>,
        %gather3A_2739 = tpu.vector_load_idx %arg9[%add3A_2523, %get3A_2736] : memref<512x32xf32, #tpu.memory_space<vmem>>[vector<16xi32>, vector<16xi32>], vector<16xf32>,
        %add3A_2740 = vector.broadcast %add3A_2532 : i32 to vector<16xi32>
        %add3A_2741 = arith.addi %get3A_2738, %add3A_2740 : vector<16xi32>
        tpu.vector_store_idx %arg11[%add3A_2741], %gather3A_2739 : memref<16384xf32, #tpu.memory_space<vmem>>[vector<16xi32>], vector<16xf32>,
        %get3A_2742 = arith.constant 480 : index
        %get3A_2743 = tpu.vector_load %arg12[%get3A_2742] {strides = array<i32>} : memref<512xi32, #tpu.memory_space<vmem>>, vector<16xi32>,
        %get3A_2744 = arith.constant 480 : index
        %get3A_2745 = tpu.vector_load %arg13[%get3A_2744] {strides = array<i32>} : memref<512xi32, #tpu.memory_space<vmem>>, vector<16xi32>,
        %gather3A_2746 = tpu.vector_load_idx %arg9[%add3A_2523, %get3A_2743] : memref<512x32xf32, #tpu.memory_space<vmem>>[vector<16xi32>, vector<16xi32>], vector<16xf32>,
        %add3A_2747 = vector.broadcast %add3A_2532 : i32 to vector<16xi32>
        %add3A_2748 = arith.addi %get3A_2745, %add3A_2747 : vector<16xi32>
        tpu.vector_store_idx %arg11[%add3A_2748], %gather3A_2746 : memref<16384xf32, #tpu.memory_space<vmem>>[vector<16xi32>], vector<16xf32>,
        %get3A_2749 = arith.constant 496 : index
        %get3A_2750 = tpu.vector_load %arg12[%get3A_2749] {strides = array<i32>} : memref<512xi32, #tpu.memory_space<vmem>>, vector<16xi32>,
        %get3A_2751 = arith.constant 496 : index
        %get3A_2752 = tpu.vector_load %arg13[%get3A_2751] {strides = array<i32>} : memref<512xi32, #tpu.memory_space<vmem>>, vector<16xi32>,
        %gather3A_2753 = tpu.vector_load_idx %arg9[%add3A_2523, %get3A_2750] : memref<512x32xf32, #tpu.memory_space<vmem>>[vector<16xi32>, vector<16xi32>], vector<16xf32>,
        %add3A_2754 = vector.broadcast %add3A_2532 : i32 to vector<16xi32>
        %add3A_2755 = arith.addi %get3A_2752, %add3A_2754 : vector<16xi32>
        tpu.vector_store_idx %arg11[%add3A_2755], %gather3A_2753 : memref<16384xf32, #tpu.memory_space<vmem>>[vector<16xi32>], vector<16xf32>,
      }
      %scan3A_2433 = arith.constant 32 : i32
      %mul3A_2434 = arith.constant 50 : i32
      %mul3A_2435 = arith.muli %add3A, %mul3A_2434 : i32
      %add3A_2436 = arith.addi %mul3A_2435, %add3A_1229 : i32
      %jit3A_2437 = arith.constant 32 : i32
      %div3A_2438 = arith.divsi %add3A_2436, %jit3A_2437 : i32
      %sign3A_2439 = arith.constant 0 : i32
      %sign3A_2440 = arith.cmpi sgt, %add3A_2436, %sign3A_2439 : i32
      %sign3A_2441 = arith.extui %sign3A_2440 : i1 to i32
      %sign3A_2442 = arith.constant 0 : i32
      %sign3A_2443 = arith.cmpi slt, %add3A_2436, %sign3A_2442 : i32
      %sign3A_2444 = arith.extui %sign3A_2443 : i1 to i32
      %sign3A_2445 = arith.subi %sign3A_2441, %sign3A_2444 : i32
      %sign3A_2446 = arith.constant 0 : i32
      %sign3A_2447 = arith.cmpi sgt, %jit3A_2437, %sign3A_2446 : i32
      %sign3A_2448 = arith.extui %sign3A_2447 : i1 to i32
      %sign3A_2449 = arith.constant 0 : i32
      %sign3A_2450 = arith.cmpi slt, %jit3A_2437, %sign3A_2449 : i32
      %sign3A_2451 = arith.extui %sign3A_2450 : i1 to i32
      %sign3A_2452 = arith.subi %sign3A_2448, %sign3A_2451 : i32
      %ne3A_2453 = arith.cmpi ne, %sign3A_2445, %sign3A_2452 : i32
      %rem3A_2454 = arith.remsi %add3A_2436, %jit3A_2437 : i32
      %ne3A_2455 = arith.constant 0 : i32
      %ne3A_2456 = arith.cmpi ne, %rem3A_2454, %ne3A_2455 : i32
      %and3A_2457 = arith.andi %ne3A_2453, %ne3A_2456 : i1
      %sub3A_2458 = arith.constant 1 : i32
      %sub3A_2459 = arith.subi %div3A_2438, %sub3A_2458 : i32
      %select_n3A_2460 = arith.select %and3A_2457, %sub3A_2459, %div3A_2438 : i32
      %jit3A_2461 = arith.constant 32 : i32
      %eq3A_2462 = arith.constant 0 : i32
      %eq3A_2463 = arith.cmpi eq, %jit3A_2461, %eq3A_2462 : i32
      %jit3A_2464 = arith.constant 1 : i32
      %select_n3A_2465 = arith.select %eq3A_2463, %jit3A_2464, %jit3A_2461 : i32
      %rem3A_2466 = arith.remsi %add3A_2436, %select_n3A_2465 : i32
      %ne3A_2467 = arith.constant 0 : i32
      %ne3A_2468 = arith.cmpi ne, %rem3A_2466, %ne3A_2467 : i32
      %lt3A_2469 = arith.constant 0 : i32
      %lt3A_2470 = arith.cmpi slt, %rem3A_2466, %lt3A_2469 : i32
      %lt3A_2471 = arith.constant 0 : i32
      %lt3A_2472 = arith.cmpi slt, %select_n3A_2465, %lt3A_2471 : i32
      %ne3A_2473 = arith.xori %lt3A_2470, %lt3A_2472 : i1
      %and3A_2474 = arith.andi %ne3A_2473, %ne3A_2468 : i1
      %add3A_2475 = arith.addi %rem3A_2466, %select_n3A_2465 : i32
      %select_n3A_2476 = arith.select %and3A_2474, %add3A_2475, %rem3A_2466 : i32
      %mul3A_2477 = arith.constant 4096 : i32
      %mul3A_2478 = arith.muli %select_n3A_2476, %mul3A_2477 : i32
      %add3A_2479 = arith.constant 0 : i32
      %add3A_2480 = arith.addi %add3A_2479, %mul3A_2478 : i32
      %dma_start3A_2481 = arith.constant 0 : i32
      %dma_start3A_2482 = tpu.memref_slice %arg11[%dma_start3A_2481] : memref<16384xf32, #tpu.memory_space<vmem>> -> memref<4096xf32, #tpu.memory_space<vmem>>
      %dma_start3A_2483 = tpu.memref_slice %arg4[%select_n3A_2460, %add3A_2480] : memref<50x524288xf32, #tpu.memory_space<hbm>> -> memref<1x4096xf32, #tpu.memory_space<hbm>>
      %dma_start3A_2484 = tpu.memref_squeeze %dma_start3A_2483 : memref<1x4096xf32, #tpu.memory_space<hbm>> -> memref<4096xf32, #tpu.memory_space<hbm>>
      %dma_start3A_2485 = tpu.memref_slice %arg4[%select_n3A_2460, %add3A_2480] : memref<50x524288xf32, #tpu.memory_space<hbm>> -> memref<1x4096xf32, #tpu.memory_space<hbm>>
      %dma_start3A_2486 = tpu.memref_squeeze %dma_start3A_2485 : memref<1x4096xf32, #tpu.memory_space<hbm>> -> memref<4096xf32, #tpu.memory_space<hbm>>
      %dma_start3A_2487 = arith.constant 0 : i32
      %dma_start3A_2488 = tpu.memref_slice %arg11[%dma_start3A_2487] : memref<16384xf32, #tpu.memory_space<vmem>> -> memref<4096xf32, #tpu.memory_space<vmem>>
      tpu.enqueue_dma source(%dma_start3A_2488 : memref<4096xf32, #tpu.memory_space<vmem>>) target(%dma_start3A_2486 : memref<4096xf32, #tpu.memory_space<hbm>>) target_semaphore(%arg18 : memref<!tpu.dma_semaphore, #tpu.memory_space<semaphore_mem>>)
      %add3A_2489 = arith.constant 131072 : i32
      %add3A_2490 = arith.addi %add3A_2489, %mul3A_2478 : i32
      %dma_start3A_2491 = arith.constant 4096 : i32
      %dma_start3A_2492 = tpu.memref_slice %arg11[%dma_start3A_2491] : memref<16384xf32, #tpu.memory_space<vmem>> -> memref<4096xf32, #tpu.memory_space<vmem>>
      %dma_start3A_2493 = tpu.memref_slice %arg4[%select_n3A_2460, %add3A_2490] : memref<50x524288xf32, #tpu.memory_space<hbm>> -> memref<1x4096xf32, #tpu.memory_space<hbm>>
      %dma_start3A_2494 = tpu.memref_squeeze %dma_start3A_2493 : memref<1x4096xf32, #tpu.memory_space<hbm>> -> memref<4096xf32, #tpu.memory_space<hbm>>
      %dma_start3A_2495 = tpu.memref_slice %arg4[%select_n3A_2460, %add3A_2490] : memref<50x524288xf32, #tpu.memory_space<hbm>> -> memref<1x4096xf32, #tpu.memory_space<hbm>>
      %dma_start3A_2496 = tpu.memref_squeeze %dma_start3A_2495 : memref<1x4096xf32, #tpu.memory_space<hbm>> -> memref<4096xf32, #tpu.memory_space<hbm>>
      %dma_start3A_2497 = arith.constant 4096 : i32
      %dma_start3A_2498 = tpu.memref_slice %arg11[%dma_start3A_2497] : memref<16384xf32, #tpu.memory_space<vmem>> -> memref<4096xf32, #tpu.memory_space<vmem>>
      tpu.enqueue_dma source(%dma_start3A_2498 : memref<4096xf32, #tpu.memory_space<vmem>>) target(%dma_start3A_2496 : memref<4096xf32, #tpu.memory_space<hbm>>) target_semaphore(%arg18 : memref<!tpu.dma_semaphore, #tpu.memory_space<semaphore_mem>>)
      %add3A_2499 = arith.constant 262144 : i32
      %add3A_2500 = arith.addi %add3A_2499, %mul3A_2478 : i32
      %dma_start3A_2501 = arith.constant 8192 : i32
      %dma_start3A_2502 = tpu.memref_slice %arg11[%dma_start3A_2501] : memref<16384xf32, #tpu.memory_space<vmem>> -> memref<4096xf32, #tpu.memory_space<vmem>>
      %dma_start3A_2503 = tpu.memref_slice %arg4[%select_n3A_2460, %add3A_2500] : memref<50x524288xf32, #tpu.memory_space<hbm>> -> memref<1x4096xf32, #tpu.memory_space<hbm>>
      %dma_start3A_2504 = tpu.memref_squeeze %dma_start3A_2503 : memref<1x4096xf32, #tpu.memory_space<hbm>> -> memref<4096xf32, #tpu.memory_space<hbm>>
      %dma_start3A_2505 = tpu.memref_slice %arg4[%select_n3A_2460, %add3A_2500] : memref<50x524288xf32, #tpu.memory_space<hbm>> -> memref<1x4096xf32, #tpu.memory_space<hbm>>
      %dma_start3A_2506 = tpu.memref_squeeze %dma_start3A_2505 : memref<1x4096xf32, #tpu.memory_space<hbm>> -> memref<4096xf32, #tpu.memory_space<hbm>>
      %dma_start3A_2507 = arith.constant 8192 : i32
      %dma_start3A_2508 = tpu.memref_slice %arg11[%dma_start3A_2507] : memref<16384xf32, #tpu.memory_space<vmem>> -> memref<4096xf32, #tpu.memory_space<vmem>>
      tpu.enqueue_dma source(%dma_start3A_2508 : memref<4096xf32, #tpu.memory_space<vmem>>) target(%dma_start3A_2506 : memref<4096xf32, #tpu.memory_space<hbm>>) target_semaphore(%arg18 : memref<!tpu.dma_semaphore, #tpu.memory_space<semaphore_mem>>)
      %add3A_2509 = arith.constant 393216 : i32
      %add3A_2510 = arith.addi %add3A_2509, %mul3A_2478 : i32
      %dma_start3A_2511 = arith.constant 12288 : i32
      %dma_start3A_2512 = tpu.memref_slice %arg11[%dma_start3A_2511] : memref<16384xf32, #tpu.memory_space<vmem>> -> memref<4096xf32, #tpu.memory_space<vmem>>
      %dma_start3A_2513 = tpu.memref_slice %arg4[%select_n3A_2460, %add3A_2510] : memref<50x524288xf32, #tpu.memory_space<hbm>> -> memref<1x4096xf32, #tpu.memory_space<hbm>>
      %dma_start3A_2514 = tpu.memref_squeeze %dma_start3A_2513 : memref<1x4096xf32, #tpu.memory_space<hbm>> -> memref<4096xf32, #tpu.memory_space<hbm>>
      %dma_start3A_2515 = tpu.memref_slice %arg4[%select_n3A_2460, %add3A_2510] : memref<50x524288xf32, #tpu.memory_space<hbm>> -> memref<1x4096xf32, #tpu.memory_space<hbm>>
      %dma_start3A_2516 = tpu.memref_squeeze %dma_start3A_2515 : memref<1x4096xf32, #tpu.memory_space<hbm>> -> memref<4096xf32, #tpu.memory_space<hbm>>
      %dma_start3A_2517 = arith.constant 12288 : i32
      %dma_start3A_2518 = tpu.memref_slice %arg11[%dma_start3A_2517] : memref<16384xf32, #tpu.memory_space<vmem>> -> memref<4096xf32, #tpu.memory_space<vmem>>
      tpu.enqueue_dma source(%dma_start3A_2518 : memref<4096xf32, #tpu.memory_space<vmem>>) target(%dma_start3A_2516 : memref<4096xf32, #tpu.memory_space<hbm>>) target_semaphore(%arg18 : memref<!tpu.dma_semaphore, #tpu.memory_space<semaphore_mem>>)
    }
    %scan3A_1136 = arith.constant 25 : i32
    %dma_wait3A_1137 = arith.constant 0 : i32
    %dma_wait3A_1138 = arith.constant 0 : i32
    %dma_wait3A_1139 = tpu.memref_slice %arg10[%dma_wait3A_1138] : memref<16384xf32, #tpu.memory_space<vmem>> -> memref<4096xf32, #tpu.memory_space<vmem>>
    %dma_wait3A_1140 = arith.constant 0 : i32
    %dma_wait3A_1141 = tpu.memref_slice %arg4[%dma_wait3A_1137, %dma_wait3A_1140] : memref<50x524288xf32, #tpu.memory_space<hbm>> -> memref<1x4096xf32, #tpu.memory_space<hbm>>
    %dma_wait3A_1142 = tpu.memref_squeeze %dma_wait3A_1141 : memref<1x4096xf32, #tpu.memory_space<hbm>> -> memref<4096xf32, #tpu.memory_space<hbm>>
    %dma_wait3A_1143 = arith.constant 0 : i32
    %dma_wait3A_1144 = tpu.memref_slice %arg4[%dma_wait3A_1137, %dma_wait3A_1143] : memref<50x524288xf32, #tpu.memory_space<hbm>> -> memref<1x4096xf32, #tpu.memory_space<hbm>>
    %dma_wait3A_1145 = tpu.memref_squeeze %dma_wait3A_1144 : memref<1x4096xf32, #tpu.memory_space<hbm>> -> memref<4096xf32, #tpu.memory_space<hbm>>
    %dma_wait3A_1146 = arith.constant 0 : i32
    %dma_wait3A_1147 = tpu.memref_slice %arg10[%dma_wait3A_1146] : memref<16384xf32, #tpu.memory_space<vmem>> -> memref<4096xf32, #tpu.memory_space<vmem>>
    tpu.wait_dma2 semaphore(%arg17 : memref<!tpu.dma_semaphore, #tpu.memory_space<semaphore_mem>>) src(%dma_wait3A_1147 : memref<4096xf32, #tpu.memory_space<vmem>>) dst(%dma_wait3A_1145 : memref<4096xf32, #tpu.memory_space<hbm>>)
    %dma_wait3A_1148 = arith.constant 0 : i32
    %dma_wait3A_1149 = arith.constant 4096 : i32
    %dma_wait3A_1150 = tpu.memref_slice %arg10[%dma_wait3A_1149] : memref<16384xf32, #tpu.memory_space<vmem>> -> memref<4096xf32, #tpu.memory_space<vmem>>
    %dma_wait3A_1151 = arith.constant 131072 : i32
    %dma_wait3A_1152 = tpu.memref_slice %arg4[%dma_wait3A_1148, %dma_wait3A_1151] : memref<50x524288xf32, #tpu.memory_space<hbm>> -> memref<1x4096xf32, #tpu.memory_space<hbm>>
    %dma_wait3A_1153 = tpu.memref_squeeze %dma_wait3A_1152 : memref<1x4096xf32, #tpu.memory_space<hbm>> -> memref<4096xf32, #tpu.memory_space<hbm>>
    %dma_wait3A_1154 = arith.constant 131072 : i32
    %dma_wait3A_1155 = tpu.memref_slice %arg4[%dma_wait3A_1148, %dma_wait3A_1154] : memref<50x524288xf32, #tpu.memory_space<hbm>> -> memref<1x4096xf32, #tpu.memory_space<hbm>>
    %dma_wait3A_1156 = tpu.memref_squeeze %dma_wait3A_1155 : memref<1x4096xf32, #tpu.memory_space<hbm>> -> memref<4096xf32, #tpu.memory_space<hbm>>
    %dma_wait3A_1157 = arith.constant 4096 : i32
    %dma_wait3A_1158 = tpu.memref_slice %arg10[%dma_wait3A_1157] : memref<16384xf32, #tpu.memory_space<vmem>> -> memref<4096xf32, #tpu.memory_space<vmem>>
    tpu.wait_dma2 semaphore(%arg17 : memref<!tpu.dma_semaphore, #tpu.memory_space<semaphore_mem>>) src(%dma_wait3A_1158 : memref<4096xf32, #tpu.memory_space<vmem>>) dst(%dma_wait3A_1156 : memref<4096xf32, #tpu.memory_space<hbm>>)
    %dma_wait3A_1159 = arith.constant 0 : i32
    %dma_wait3A_1160 = arith.constant 8192 : i32
    %dma_wait3A_1161 = tpu.memref_slice %arg10[%dma_wait3A_1160] : memref<16384xf32, #tpu.memory_space<vmem>> -> memref<4096xf32, #tpu.memory_space<vmem>>
    %dma_wait3A_1162 = arith.constant 262144 : i32
    %dma_wait3A_1163 = tpu.memref_slice %arg4[%dma_wait3A_1159, %dma_wait3A_1162] : memref<50x524288xf32, #tpu.memory_space<hbm>> -> memref<1x4096xf32, #tpu.memory_space<hbm>>
    %dma_wait3A_1164 = tpu.memref_squeeze %dma_wait3A_1163 : memref<1x4096xf32, #tpu.memory_space<hbm>> -> memref<4096xf32, #tpu.memory_space<hbm>>
    %dma_wait3A_1165 = arith.constant 262144 : i32
    %dma_wait3A_1166 = tpu.memref_slice %arg4[%dma_wait3A_1159, %dma_wait3A_1165] : memref<50x524288xf32, #tpu.memory_space<hbm>> -> memref<1x4096xf32, #tpu.memory_space<hbm>>
    %dma_wait3A_1167 = tpu.memref_squeeze %dma_wait3A_1166 : memref<1x4096xf32, #tpu.memory_space<hbm>> -> memref<4096xf32, #tpu.memory_space<hbm>>
    %dma_wait3A_1168 = arith.constant 8192 : i32
    %dma_wait3A_1169 = tpu.memref_slice %arg10[%dma_wait3A_1168] : memref<16384xf32, #tpu.memory_space<vmem>> -> memref<4096xf32, #tpu.memory_space<vmem>>
    tpu.wait_dma2 semaphore(%arg17 : memref<!tpu.dma_semaphore, #tpu.memory_space<semaphore_mem>>) src(%dma_wait3A_1169 : memref<4096xf32, #tpu.memory_space<vmem>>) dst(%dma_wait3A_1167 : memref<4096xf32, #tpu.memory_space<hbm>>)
    %dma_wait3A_1170 = arith.constant 0 : i32
    %dma_wait3A_1171 = arith.constant 12288 : i32
    %dma_wait3A_1172 = tpu.memref_slice %arg10[%dma_wait3A_1171] : memref<16384xf32, #tpu.memory_space<vmem>> -> memref<4096xf32, #tpu.memory_space<vmem>>
    %dma_wait3A_1173 = arith.constant 393216 : i32
    %dma_wait3A_1174 = tpu.memref_slice %arg4[%dma_wait3A_1170, %dma_wait3A_1173] : memref<50x524288xf32, #tpu.memory_space<hbm>> -> memref<1x4096xf32, #tpu.memory_space<hbm>>
    %dma_wait3A_1175 = tpu.memref_squeeze %dma_wait3A_1174 : memref<1x4096xf32, #tpu.memory_space<hbm>> -> memref<4096xf32, #tpu.memory_space<hbm>>
    %dma_wait3A_1176 = arith.constant 393216 : i32
    %dma_wait3A_1177 = tpu.memref_slice %arg4[%dma_wait3A_1170, %dma_wait3A_1176] : memref<50x524288xf32, #tpu.memory_space<hbm>> -> memref<1x4096xf32, #tpu.memory_space<hbm>>
    %dma_wait3A_1178 = tpu.memref_squeeze %dma_wait3A_1177 : memref<1x4096xf32, #tpu.memory_space<hbm>> -> memref<4096xf32, #tpu.memory_space<hbm>>
    %dma_wait3A_1179 = arith.constant 12288 : i32
    %dma_wait3A_1180 = tpu.memref_slice %arg10[%dma_wait3A_1179] : memref<16384xf32, #tpu.memory_space<vmem>> -> memref<4096xf32, #tpu.memory_space<vmem>>
    tpu.wait_dma2 semaphore(%arg17 : memref<!tpu.dma_semaphore, #tpu.memory_space<semaphore_mem>>) src(%dma_wait3A_1180 : memref<4096xf32, #tpu.memory_space<vmem>>) dst(%dma_wait3A_1178 : memref<4096xf32, #tpu.memory_space<hbm>>)
    %dma_wait3A_1181 = arith.constant 0 : i32
    %dma_wait3A_1182 = arith.constant 0 : i32
    %dma_wait3A_1183 = tpu.memref_slice %arg11[%dma_wait3A_1182] : memref<16384xf32, #tpu.memory_space<vmem>> -> memref<4096xf32, #tpu.memory_space<vmem>>
    %dma_wait3A_1184 = arith.constant 0 : i32
    %dma_wait3A_1185 = tpu.memref_slice %arg4[%dma_wait3A_1181, %dma_wait3A_1184] : memref<50x524288xf32, #tpu.memory_space<hbm>> -> memref<1x4096xf32, #tpu.memory_space<hbm>>
    %dma_wait3A_1186 = tpu.memref_squeeze %dma_wait3A_1185 : memref<1x4096xf32, #tpu.memory_space<hbm>> -> memref<4096xf32, #tpu.memory_space<hbm>>
    %dma_wait3A_1187 = arith.constant 0 : i32
    %dma_wait3A_1188 = tpu.memref_slice %arg4[%dma_wait3A_1181, %dma_wait3A_1187] : memref<50x524288xf32, #tpu.memory_space<hbm>> -> memref<1x4096xf32, #tpu.memory_space<hbm>>
    %dma_wait3A_1189 = tpu.memref_squeeze %dma_wait3A_1188 : memref<1x4096xf32, #tpu.memory_space<hbm>> -> memref<4096xf32, #tpu.memory_space<hbm>>
    %dma_wait3A_1190 = arith.constant 0 : i32
    %dma_wait3A_1191 = tpu.memref_slice %arg11[%dma_wait3A_1190] : memref<16384xf32, #tpu.memory_space<vmem>> -> memref<4096xf32, #tpu.memory_space<vmem>>
    tpu.wait_dma2 semaphore(%arg18 : memref<!tpu.dma_semaphore, #tpu.memory_space<semaphore_mem>>) src(%dma_wait3A_1191 : memref<4096xf32, #tpu.memory_space<vmem>>) dst(%dma_wait3A_1189 : memref<4096xf32, #tpu.memory_space<hbm>>)
    %dma_wait3A_1192 = arith.constant 0 : i32
    %dma_wait3A_1193 = arith.constant 4096 : i32
    %dma_wait3A_1194 = tpu.memref_slice %arg11[%dma_wait3A_1193] : memref<16384xf32, #tpu.memory_space<vmem>> -> memref<4096xf32, #tpu.memory_space<vmem>>
    %dma_wait3A_1195 = arith.constant 131072 : i32
    %dma_wait3A_1196 = tpu.memref_slice %arg4[%dma_wait3A_1192, %dma_wait3A_1195] : memref<50x524288xf32, #tpu.memory_space<hbm>> -> memref<1x4096xf32, #tpu.memory_space<hbm>>
    %dma_wait3A_1197 = tpu.memref_squeeze %dma_wait3A_1196 : memref<1x4096xf32, #tpu.memory_space<hbm>> -> memref<4096xf32, #tpu.memory_space<hbm>>
    %dma_wait3A_1198 = arith.constant 131072 : i32
    %dma_wait3A_1199 = tpu.memref_slice %arg4[%dma_wait3A_1192, %dma_wait3A_1198] : memref<50x524288xf32, #tpu.memory_space<hbm>> -> memref<1x4096xf32, #tpu.memory_space<hbm>>
    %dma_wait3A_1200 = tpu.memref_squeeze %dma_wait3A_1199 : memref<1x4096xf32, #tpu.memory_space<hbm>> -> memref<4096xf32, #tpu.memory_space<hbm>>
    %dma_wait3A_1201 = arith.constant 4096 : i32
    %dma_wait3A_1202 = tpu.memref_slice %arg11[%dma_wait3A_1201] : memref<16384xf32, #tpu.memory_space<vmem>> -> memref<4096xf32, #tpu.memory_space<vmem>>
    tpu.wait_dma2 semaphore(%arg18 : memref<!tpu.dma_semaphore, #tpu.memory_space<semaphore_mem>>) src(%dma_wait3A_1202 : memref<4096xf32, #tpu.memory_space<vmem>>) dst(%dma_wait3A_1200 : memref<4096xf32, #tpu.memory_space<hbm>>)
    %dma_wait3A_1203 = arith.constant 0 : i32
    %dma_wait3A_1204 = arith.constant 8192 : i32
    %dma_wait3A_1205 = tpu.memref_slice %arg11[%dma_wait3A_1204] : memref<16384xf32, #tpu.memory_space<vmem>> -> memref<4096xf32, #tpu.memory_space<vmem>>
    %dma_wait3A_1206 = arith.constant 262144 : i32
    %dma_wait3A_1207 = tpu.memref_slice %arg4[%dma_wait3A_1203, %dma_wait3A_1206] : memref<50x524288xf32, #tpu.memory_space<hbm>> -> memref<1x4096xf32, #tpu.memory_space<hbm>>
    %dma_wait3A_1208 = tpu.memref_squeeze %dma_wait3A_1207 : memref<1x4096xf32, #tpu.memory_space<hbm>> -> memref<4096xf32, #tpu.memory_space<hbm>>
    %dma_wait3A_1209 = arith.constant 262144 : i32
    %dma_wait3A_1210 = tpu.memref_slice %arg4[%dma_wait3A_1203, %dma_wait3A_1209] : memref<50x524288xf32, #tpu.memory_space<hbm>> -> memref<1x4096xf32, #tpu.memory_space<hbm>>
    %dma_wait3A_1211 = tpu.memref_squeeze %dma_wait3A_1210 : memref<1x4096xf32, #tpu.memory_space<hbm>> -> memref<4096xf32, #tpu.memory_space<hbm>>
    %dma_wait3A_1212 = arith.constant 8192 : i32
    %dma_wait3A_1213 = tpu.memref_slice %arg11[%dma_wait3A_1212] : memref<16384xf32, #tpu.memory_space<vmem>> -> memref<4096xf32, #tpu.memory_space<vmem>>
    tpu.wait_dma2 semaphore(%arg18 : memref<!tpu.dma_semaphore, #tpu.memory_space<semaphore_mem>>) src(%dma_wait3A_1213 : memref<4096xf32, #tpu.memory_space<vmem>>) dst(%dma_wait3A_1211 : memref<4096xf32, #tpu.memory_space<hbm>>)
    %dma_wait3A_1214 = arith.constant 0 : i32
    %dma_wait3A_1215 = arith.constant 12288 : i32
    %dma_wait3A_1216 = tpu.memref_slice %arg11[%dma_wait3A_1215] : memref<16384xf32, #tpu.memory_space<vmem>> -> memref<4096xf32, #tpu.memory_space<vmem>>
    %dma_wait3A_1217 = arith.constant 393216 : i32
    %dma_wait3A_1218 = tpu.memref_slice %arg4[%dma_wait3A_1214, %dma_wait3A_1217] : memref<50x524288xf32, #tpu.memory_space<hbm>> -> memref<1x4096xf32, #tpu.memory_space<hbm>>
    %dma_wait3A_1219 = tpu.memref_squeeze %dma_wait3A_1218 : memref<1x4096xf32, #tpu.memory_space<hbm>> -> memref<4096xf32, #tpu.memory_space<hbm>>
    %dma_wait3A_1220 = arith.constant 393216 : i32
    %dma_wait3A_1221 = tpu.memref_slice %arg4[%dma_wait3A_1214, %dma_wait3A_1220] : memref<50x524288xf32, #tpu.memory_space<hbm>> -> memref<1x4096xf32, #tpu.memory_space<hbm>>
    %dma_wait3A_1222 = tpu.memref_squeeze %dma_wait3A_1221 : memref<1x4096xf32, #tpu.memory_space<hbm>> -> memref<4096xf32, #tpu.memory_space<hbm>>
    %dma_wait3A_1223 = arith.constant 12288 : i32
    %dma_wait3A_1224 = tpu.memref_slice %arg11[%dma_wait3A_1223] : memref<16384xf32, #tpu.memory_space<vmem>> -> memref<4096xf32, #tpu.memory_space<vmem>>
    tpu.wait_dma2 semaphore(%arg18 : memref<!tpu.dma_semaphore, #tpu.memory_space<semaphore_mem>>) src(%dma_wait3A_1224 : memref<4096xf32, #tpu.memory_space<vmem>>) dst(%dma_wait3A_1222 : memref<4096xf32, #tpu.memory_space<hbm>>)
    return
  }
}

</mosaic_0001>

<sc_bundles>
// kernel: kernel.3.cloned.1.call-start
scs
__scs_entry_jumppad:
0x0: {  	(pc) =	sbr.rel $0x88, $3  }
0x1: {  	(tag) =	ssettag $0x0;
	lr =	simm.s32 $0x1  }
0x2: {  	[smem:$0x3F9F] =	sst lr;
	_ =	strace $0xD0000000  }
0x3: {  	_ = 	snop  }
0x4: {  	_ = 	snop  }
0x5: {  	_ = 	snop  }
0x6: {  	_ = 	snop  }
0x7: {  	_ = 	snop  }
__scs_overlays_trampoline_lowered:
0x8: {  	[smem:$0x3FAE] =	sst s0  }
0x9: {  	[smem:$0x3FAF] =	sst s1  }
0xa: {  	[smem:$0x3FB0] =	sst s2  }
0xb: {  	[smem:$0x3FB1] =	sst s3  }
0xc: {  	[smem:$0x3FB2] =	sst s4  }
0xd: {  	[smem:$0x3FB3] =	sst s5  }
0xe: {  	[smem:$0x3FB4] =	sst s6  }
0xf: {  	[smem:$0x3FB5] =	sst s7  }
0x10: {  	[smem:$0x3FB6] =	sst s8  }
0x11: {  	[smem:$0x3FB7] =	sst s9;
	s0 =	simm.s32 @!p0 $0x0  }
0x12: {  	s1 =	sld [smem:$0x3F9D];
	s0 =	simm.s32 @p0 $0x1  }
0x13: {  	[smem:$0x3FB8] =	sst s0;
	s0 =	simm.s32 @!p1 $0x0  }
0x14: {  	s2 =	sld [smem:$0x3F9C];
	s0 =	simm.s32 @p1 $0x1  }
0x15: {  	[smem:$0x3FB9] =	sst s0;
	s0 =	simm.s32 @!p2 $0x0  }
0x16: {  	s3 =	sld [smem:$0x3FDB];
	s0 =	simm.s32 @p2 $0x1  }
0x17: {  	s4 =	simm.s32 $0x1BF5;
	[smem:$0x3FBB] =	sst s0  }
0x18: {  	s0 =	sld [smem:$0x3F9E];
	_ =	swait.ge [sflag:s4], $0x0  }
0x19: {  	s7 =	sld [smem:$0x3F9F]  }
0x1a: {  	s8 =	sadd.s32 $0xFFFFE003, lr  }
0x1b: {  	s9 =	sadd.s32 $0xFFFFFEF7, lr;
	s5 =	simm.s32 $0xFFFFFFFF;
	p2 =	slt.u32 s8, $0xFFFFF086  }
0x1c: {  	p1 =	slt.u32 s9, $0xF7A;
	s5 =	simm.s32 @!p2 $0x0  }
0x1d: {  	s5 =	simm.s32 @p1 $0x1;
	p0 =	seq.s32 s7, s2  }
0x1e: {  	s7 =	smul.u32 @!p0 $0xF7A, s2;
	p2 =	seq.s32 @!p0 s5, $0x0  }
0x1f: {  	s9 =	smul.u32 $0xF7A, s1;
	s8 =	simm.s32 @!p0 $0x1BF5;
	p2 =	por !p2, p0  }
0x20: {  	[sflag:s8] =	ssyncset.s32 @!p0 $0xFFFFF086;
	s6 =	sadd.s32 @!p0 s3, s7;
	s7 =	simm.s32 @!p0 $0x108  }
0x21: {  	s3 =	sadd.s32 s3, s9;
	s6 =	sadd.s32 @!p0 $0x88, s6;
	s7 =	simm.s32 @p2 $0x1082  }
0x22: {  	[simem:s7], [sflag:s8] =	dma.local @!p0 [hbm:s6], $0xF7A  }
0x23: {  	s9 =	sor.u32 $0xD0000000, s2;
	s6 =	simm.s32 $0x108;
	_ =	swait.ge @!p0 [sflag:s8], $0x0  }
0x24: {  	s3 =	sadd.s32 $0x88, s3;
	s6 =	simm.s32 @!p1 $0x1082;
	[sflag:s4] =	ssyncset.s32 $0xFFFFF086  }
0x25: {  	[simem:s6], [sflag:s4] =	dma.local [hbm:s3], $0xF7A  }
0x26: {  	[smem:$0x3F9F] =	sst s1;
	(tag) =	ssettag s2;
	_ =	strace s9  }
0x27: {  	s1 =	sld [smem:$0x3FAF]  }
0x28: {  	s2 =	sld [smem:$0x3FB0]  }
0x29: {  	s4 =	sld [smem:$0x3FB2]  }
0x2a: {  	p0 =	seq.s32 s5, $0x0;
	s5 =	sld [smem:$0x3FB3]  }
0x2b: {  	s6 =	sld [smem:$0x3FB4]  }
0x2c: {  	s7 =	sld [smem:$0x3FB5]  }
0x2d: {  	s3 =	simm.s32 $0x108;
	s8 =	sld [smem:$0x3FB6]  }
0x2e: {  	s3 =	simm.s32 @!p0 $0x1082;
	s9 =	sld [smem:$0x3FB7]  }
0x2f: {  	lr =	sadd.s32 s0, s3;
	s0 =	sld [smem:$0x3FAE]  }
0x30: {  	s3 =	sld [smem:$0x3FB1]  }
0x31: {  	[smem:$0x3FBA] =	sst s10  }
0x32: {  	s10 =	sld [smem:$0x3FB8];
	_ =	sdelay $0x3  }
0x33: {  	p0 =	seq.s32 s10, $0x1;
	s10 =	sld [smem:$0x3FBA];
	_ =	sdelay $0x3  }
0x34: {  	[smem:$0x3FBA] =	sst s10  }
0x35: {  	s10 =	sld [smem:$0x3FB9];
	_ =	sdelay $0x3  }
0x36: {  	p1 =	seq.s32 s10, $0x1;
	s10 =	sld [smem:$0x3FBA];
	_ =	sdelay $0x3  }
0x37: {  	[smem:$0x3FBA] =	sst s10  }
0x38: {  	s10 =	sld [smem:$0x3FBB]  }
0x39: {  	_ = 	snop;
	(pc) =	sbr.ind lr, $3  }
0x3a: {  	_ = 	snop  }
0x3b: {  	_ = 	snop  }
0x3c: {  	p2 =	seq.s32 s10, $0x1;
	s10 =	sld [smem:$0x3FBA]  }
0x3d: {  	_ =	shalt  }
0x3e: {  	_ =	shalt  }
0x3f: {  	_ =	shalt  }
0x40: {  	_ =	shalt  }
0x41: {  	_ =	shalt  }
0x42: {  	_ =	shalt  }
0x43: {  	_ =	shalt  }
0x44: {  	_ =	shalt  }
0x45: {  	_ =	shalt  }
0x46: {  	_ =	shalt  }
0x47: {  	_ =	shalt  }
0x48: {  	_ =	shalt  }
0x49: {  	_ =	shalt  }
0x4a: {  	_ =	shalt  }
0x4b: {  	_ =	shalt  }
0x4c: {  	_ =	shalt  }
0x4d: {  	_ =	shalt  }
0x4e: {  	_ =	shalt  }
0x4f: {  	_ =	shalt  }
0x50: {  	_ =	shalt  }
0x51: {  	_ =	shalt  }
0x52: {  	_ =	shalt  }
0x53: {  	_ =	shalt  }
0x54: {  	_ =	shalt  }
0x55: {  	_ =	shalt  }
0x56: {  	_ =	shalt  }
0x57: {  	_ =	shalt  }
0x58: {  	_ =	shalt  }
0x59: {  	_ =	shalt  }
0x5a: {  	_ =	shalt  }
0x5b: {  	_ =	shalt  }
0x5c: {  	_ =	shalt  }
0x5d: {  	_ =	shalt  }
0x5e: {  	_ =	shalt  }
0x5f: {  	_ =	shalt  }
0x60: {  	_ =	shalt  }
0x61: {  	_ =	shalt  }
0x62: {  	_ =	shalt  }
0x63: {  	_ =	shalt  }
0x64: {  	_ =	shalt  }
0x65: {  	_ =	shalt  }
0x66: {  	_ =	shalt  }
0x67: {  	_ =	shalt  }
0x68: {  	_ =	shalt  }
0x69: {  	_ =	shalt  }
0x6a: {  	_ =	shalt  }
0x6b: {  	_ =	shalt  }
0x6c: {  	_ =	shalt  }
0x6d: {  	_ =	shalt  }
0x6e: {  	_ =	shalt  }
0x6f: {  	_ =	shalt  }
0x70: {  	_ =	shalt  }
0x71: {  	_ =	shalt  }
0x72: {  	_ =	shalt  }
0x73: {  	_ =	shalt  }
0x74: {  	_ =	shalt  }
0x75: {  	_ =	shalt  }
0x76: {  	_ =	shalt  }
0x77: {  	_ =	shalt  }
0x78: {  	_ =	shalt  }
0x79: {  	_ =	shalt  }
0x7a: {  	_ =	shalt  }
0x7b: {  	_ =	shalt  }
0x7c: {  	_ =	shalt  }
0x7d: {  	_ =	shalt  }
0x7e: {  	_ =	shalt  }
0x7f: {  	_ =	shalt  }
0x80: {  	_ =	shalt  }
0x81: {  	_ =	shalt  }
0x82: {  	_ =	shalt  }
0x83: {  	_ =	shalt  }
0x84: {  	_ =	shalt  }
0x85: {  	_ =	shalt  }
0x86: {  	_ =	shalt  }
0x87: {  	_ =	shalt  }
.Lfunc_end0:
.L_simem_size_0:
called_computation_lowered:
.L_overlay_start_0:
0x88: {  	s2 =	sld [smem:$0x3FD9]  }
0x89: {  	s3 =	sld [smem:$0x3FFE];
	_ =	sdelay $0x1  }
0x8a: {  	s1 =	srdreg.scid  }
0x8b: {  	s0 =	sand.u32 $0x1, s1  }
0x8c: {  	s17 =	sshll.u32 s0, $0xA;
	s2 =	sadd.s32 s3, s2  }
0x8d: {  	s2 =	sadd.s32 s2, s17  }
0x8e: {  	[smem:$0x3FC6] =	sst s2  }
0x8f: {  	_ = 	snop  }
0x90: {  	s2 =	sld [smem:$0x3FD0];
	(tm) =	ssettm $0x1  }
0x91: {  	s18 =	sld [smem:$0x3FFB];
	_ =	sdelay $0x3  }
0x92: {  	_ =	strace s18  }
0x93: {  	s3 =	sld [smem:$0x3FFC];
	_ =	sdelay $0x3  }
0x94: {  	_ =	strace s3  }
0x95: {  	s3 =	sld [smem:$0x3FFD];
	_ =	sdelay $0x3  }
0x96: {  	_ =	strace s3  }
0x97: {  	_ =	strace $0x8FFFFFFF  }
0x98: {  	s19 =	sld [smem:$0x3FDB];
	_ =	sdelay $0x1  }
0x99: {  	s4 =	simm.s32 $_scs_section_size  }
0x9a: {  	s5 =	simm.s32 $_size__tile_overlayer_lowered;
	s6 =	simm.s32 $_tile_overlayer_lowered  }
0x9b: {  	s22 =	simm.s32 $0x1BFF;
	s21 =	sshll.u32 s6, $0x1;
	s3 =	sadd.s32 s4, s19  }
0x9c: {  	s7 =	simm.s32 $0x0;
	s20 =	sshll.u32 s5, $0x1;
	s5 =	sadd.s32 s21, s3  }
0x9d: {  	[timem:s7], [sflag:s22] =	dma.local [hbm:s5], s20  }
0x9e: {  	_ =	swait.ge [sflag:s22], s20  }
0x9f: {  	s4 =	ssub.s32 $0x0, s20;
	[sflag:s22] =	ssyncset.done $0x0  }
0xa0: {  	[sflag:s22] =	ssyncadd.s32 s4;
	_ =	sdelay $0x1  }
0xa1: {  	s23 =	simm.s32 $0x1B8B  }
0xa2: {  	_ =	swait.ge [sflag:s23], $0x1  }
0xa3: {  	[sflag:s23] =	ssyncset.done $0x0  }
0xa4: {  	s25 =	simm.s32 $0x1B8E;
	s24 =	sld [smem:$0x3FFE];
	[sflag:s23] =	ssyncadd.s32 $0xFFFFFFFF  }
0xa5: {  	s26 =	simm.s32 $execute0_lowered;
	[smem:$0x3FD2] =	sst s25  }
0xa6: {  	s5 =	sshll.u32 s26, $0x1;
	_ =	strace $0x80000046;
	[dreg:$0x1] =	wrdreg $0xFFFFFFFF  }
0xa7: {  	s28 =	simm.s32 $_size_execute0_lowered;
	s3 =	sadd.s32 s3, s5;
	[dreg:$0x0] =	wrdreg $0x0  }
0xa8: {  	s5 =	sshll.u32 s28, $0x1;
	[dreg:$0x2] =	wrdreg s3  }
0xa9: {  	[dreg:$0x3] =	wrdreg s5  }
0xaa: {  	[dreg:$0x4] =	wrdreg $0xC0  }
0xab: {  	_ =	task [dreg:s7], $0x5FFFF  }
0xac: {  	[dreg:$0x1] =	wrdreg $0xFFFFFFFF  }
0xad: {  	[dreg:$0x0] =	wrdreg $0x60  }
0xae: {  	[dreg:$0x2] =	wrdreg s24  }
0xaf: {  	[dreg:$0x3] =	wrdreg s2  }
0xb0: {  	[dreg:$0x4] =	wrdreg $0x9  }
0xb1: {  	_ =	task.clear_ibuf [dreg:s7], $0x5FFFF;
	_ =	strace $0x90000046  }
0xb2: {  	s29 =	simm.s32 $0x9;
	_ =	strace $0x80000048  }
0xb3: {  	_ =	swait.ge [sflag:s29], $0x1  }
0xb4: {  	[sflag:s29] =	ssyncadd.s32 $0xFFFFFFFF  }
0xb5: {  	_ =	strace $0x90000048  }
0xb6: {  	_ =	sfence  }
0xb7: {  	s30 =	sld [smem:$0x0];
	_ =	sdelay $0x2  }
0xb8: {  	s31 =	sshll.u32 s1, $0xD;
	s1 =	sshrl.u32 s1, $0x2  }
0xb9: {  	s3 =	sand.u32 $0x4000, s31;
	s1 =	sadd.s32 s1, s30  }
0xba: {  	s0 =	sor.u32 s3, s0;
	s1 =	sshll.u32 s1, $0x11  }
0xbb: {  	s0 =	sor.u32 s1, s0  }
0xbc: {  	s0 =	sadd.s32 $0x8F2B, s0  }
0xbd: {  	[sflag:s0] =	ssyncadd.remote.s32 $0x1  }
0xbe: {  	_ =	sfence.sel $0xFFFF  }
0xbf: {  	[dreg:$0x0] =	wrdreg $0xFFFFFFFF;
	(pc) =	sbr.abs _section_cstart, $3  }
0xc0: {  	[dreg:$0x1] =	wrdreg $0xFFFFFFFF  }
0xc1: {  	_ =	task.clear_ibuf [dreg:s7], $0x2FFFF;
	_ =	strace $0x9FFFFFFF  }
0xc2: {  	(tm) =	ssettm $0x7FFFFFFF  }
0xc3: {  	_ =	shalt  }
tec
execute0_lowered:
.L_overlay_start_1:
0x0: {  	(tag) =	ssettag $0x1  }
0x1: {  	v0 =	vimm.s32 $0x138F;
	vm0 =	vcmask $0x300  }
0x2: {  	v1 =	vimm.s32 $0x14131211;
	v2 =	vimm.s32 $0x18171615;
	vm1 =	vcmask $0x1F10  }
0x3: {  	v4 =	vimm.s32 $0x1F1E1D;
	v5 =	vimm.s32 $0x15141312;
	v7 =	vimm.s32 $0x1D1C1B1A  }
0x4: {  	v8 =	vimm.s32 $0x1001F1E;
	v11 =	vimm.s32 $0x1A191817;
	v12 =	vimm.s32 $0x1E1D1C1B  }
0x5: {  	v13 =	vimm.s32 $0x201001F;
	v14 =	vimm.s32 $0x3020100;
	v15 =	vimm.s32 $0x1F1E1D1C  }
0x6: {  	v16 =	vimm.s32 $0x17161514;
	v17 =	vimm.s32 $0x1B1A1918;
	v18 =	vimm.s32 $0x4030201  }
0x7: {  	vm12 =	vcmask $0x2F10;
	vm13 =	vcmask $0x3F30;
	vm14 =	vcmask $0x704  }
0x8: {  	v19 =	vimm.s32 $0x338F;
	v20 =	vimm.s32 $0xF;
	v21 =	vimm.s32 $0x8F  }
0x9: {  	v22 =	vimm.s32 $0x10F;
	v23 =	vimm.s32 $0x18F;
	v24 =	vimm.s32 $0x20F  }
0xa: {  	v25 =	vimm.s32 $0x28F;
	v26 =	vimm.s32 $0x30F;
	v27 =	vimm.s32 $0x38F  }
0xb: {  	v28 =	vimm.s32 $0x100F;
	v29 =	vimm.s32 $0x108F;
	v30 =	vimm.s32 $0x110F  }
0xc: {  	v31 =	vimm.s32 $0x118F;
	v32 =	vimm.s32 $0x120F;
	v33 =	vimm.s32 $0x128F  }
0xd: {  	v34 =	vimm.s32 $0x130F;
	vm15 =	vcmask $0xB08;
	vm4 =	vcmask $0xF0C  }
0xe: {  	vm5 =	vcmask $0x1310;
	vm6 =	vcmask $0x1714;
	vm7 =	vcmask $0x1B18  }
0xf: {  	vm8 =	vcmask $0x1F1C;
	vm9 =	vcmask $0x2320;
	vm10 =	vcmask $0x2724  }
0x10: {  	vm11 =	vcmask $0x2B28;
	v1 =	vunpack.c.0.s8.s32 v1;
	v3 =	vunpack.c.0.s8.s32 v2  }
0x11: {  	v2 =	vimm.s32 $0x1C1B1A19;
	v4 =	vunpack.c.0.s8.s32 v4;
	v5 =	vunpack.c.0.s8.s32 v5  }
0x12: {  	v7 =	vunpack.c.0.s8.s32 v7;
	v8 =	vunpack.c.0.s8.s32 v8;
	v10 =	vsel vm0, $0x0, v0  }
0x13: {  	v11 =	vunpack.c.0.s8.s32 v11;
	v12 =	vunpack.c.0.s8.s32 v12;
	v13 =	vunpack.c.0.s8.s32 v13  }
0x14: {  	v14 =	vunpack.c.0.s8.s32 v14;
	v15 =	vunpack.c.0.s8.s32 v15;
	v16 =	vunpack.c.0.s8.s32 v16  }
0x15: {  	v17 =	vunpack.c.0.s8.s32 v17;
	v18 =	vunpack.c.0.s8.s32 v18;
	v19 =	vsel vm0, $0x2000, v19  }
0x16: {  	v20 =	vsel vm0, $0x2080, v20;
	v21 =	vsel vm0, $0x2100, v21;
	v22 =	vsel vm0, $0x2180, v22  }
0x17: {  	v23 =	vsel vm0, $0x2200, v23;
	v24 =	vsel vm0, $0x2280, v24;
	v25 =	vsel vm0, $0x2300, v25  }
0x18: {  	v26 =	vsel vm0, $0x2380, v26;
	v27 =	vsel vm0, $0x3000, v27;
	v28 =	vsel vm0, $0x3080, v28  }
0x19: {  	v29 =	vsel vm0, $0x3100, v29;
	v30 =	vsel vm0, $0x3180, v30;
	v31 =	vsel vm0, $0x3200, v31  }
0x1a: {  	v32 =	vsel vm0, $0x3280, v32;
	v33 =	vsel vm0, $0x3300, v33;
	v34 =	vsel vm0, $0x3380, v34  }
0x1b: {  	v6 =	vunpack.c.0.s8.s32 v2;
	v2 =	vimm.s32 $0x19181716;
	v19 =	vsel vm14, $0x2081, v19  }
0x1c: {  	v20 =	vsel vm14, $0x2101, v20;
	v21 =	vsel vm14, $0x2181, v21;
	v22 =	vsel vm14, $0x2201, v22  }
0x1d: {  	v23 =	vsel vm14, $0x2281, v23;
	v24 =	vsel vm14, $0x2301, v24;
	v25 =	vsel vm14, $0x2381, v25  }
0x1e: {  	v26 =	vsel vm14, $0x3001, v26;
	v27 =	vsel vm14, $0x3081, v27;
	v28 =	vsel vm14, $0x3101, v28  }
0x1f: {  	v29 =	vsel vm14, $0x3181, v29;
	v30 =	vsel vm14, $0x3201, v30;
	v31 =	vsel vm14, $0x3281, v31  }
0x20: {  	v32 =	vsel vm14, $0x3301, v32;
	v33 =	vsel vm14, $0x3381, v33;
	v34 =	vsel vm14, $0x1, v34  }
0x21: {  	v9 =	vunpack.c.0.s8.s32 v2;
	v0 =	vsel vm1, v3, v1;
	v61 =	vsel vm1, v8, v7  }
0x22: {  	v62 =	vsel vm1, v13, v12;
	v52 =	vsel vm1, v12, v11;
	v12 =	vimm.s32 $0x300F  }
0x23: {  	v19 =	vsel vm15, $0x2102, v19;
	v20 =	vsel vm15, $0x2182, v20;
	v21 =	vsel vm15, $0x2202, v21  }
0x24: {  	v22 =	vsel vm15, $0x2282, v22;
	v23 =	vsel vm15, $0x2302, v23;
	v24 =	vsel vm15, $0x2382, v24  }
0x25: {  	v25 =	vsel vm15, $0x3002, v25;
	v26 =	vsel vm15, $0x3082, v26;
	v27 =	vsel vm15, $0x3102, v27  }
0x26: {  	v28 =	vsel vm15, $0x3182, v28;
	v29 =	vsel vm15, $0x3202, v29;
	v30 =	vsel vm15, $0x3282, v30  }
0x27: {  	v31 =	vsel vm15, $0x3302, v31;
	v32 =	vsel vm15, $0x3382, v32;
	v33 =	vsel vm15, $0x2, v33  }
0x28: {  	v34 =	vsel vm15, $0x82, v34;
	v56 =	vsel vm1, v4, v6;
	v53 =	vsel vm1, v6, v3  }
0x29: {  	v12 =	vsel vm0, $0x1080, v12;
	v19 =	vsel vm4, $0x2183, v19;
	v20 =	vsel vm4, $0x2203, v20  }
0x2a: {  	v21 =	vsel vm4, $0x2283, v21;
	v22 =	vsel vm4, $0x2303, v22;
	v23 =	vsel vm4, $0x2383, v23  }
0x2b: {  	v24 =	vsel vm4, $0x3003, v24;
	v25 =	vsel vm4, $0x3083, v25;
	v26 =	vsel vm4, $0x3103, v26  }
0x2c: {  	v27 =	vsel vm4, $0x3183, v27;
	v28 =	vsel vm4, $0x3203, v28;
	v29 =	vsel vm4, $0x3283, v29  }
0x2d: {  	v30 =	vsel vm4, $0x3303, v30;
	v31 =	vsel vm4, $0x3383, v31;
	v32 =	vsel vm4, $0x3, v32  }
0x2e: {  	[tilespmem:$0x1FFD0] =	vst v0;
	v33 =	vsel vm4, $0x83, v33;
	v34 =	vsel vm4, $0x103, v34;
	v0 =	vsel vm1, v9, v5  }
0x2f: {  	v5 =	vimm.s32 $0x16151413;
	v57 =	vsel vm1, v7, v9;
	v7 =	vimm.s32 $0xB0A0908  }
0x30: {  	v9 =	vimm.s32 $0x6543A987;
	v12 =	vsel vm14, $0x1101, v12;
	v19 =	vsel vm5, $0x2204, v19  }
0x31: {  	v20 =	vsel vm5, $0x2284, v20;
	v21 =	vsel vm5, $0x2304, v21;
	v22 =	vsel vm5, $0x2384, v22  }
0x32: {  	v23 =	vsel vm5, $0x3004, v23;
	v24 =	vsel vm5, $0x3084, v24;
	v25 =	vsel vm5, $0x3104, v25  }
0x33: {  	v26 =	vsel vm5, $0x3184, v26;
	v27 =	vsel vm5, $0x3204, v27;
	v28 =	vsel vm5, $0x3284, v28  }
0x34: {  	v29 =	vsel vm5, $0x3304, v29;
	v30 =	vsel vm5, $0x3384, v30;
	v31 =	vsel vm5, $0x4, v31  }
0x35: {  	v32 =	vsel vm5, $0x84, v32;
	v33 =	vsel vm5, $0x104, v33;
	v34 =	vsel vm5, $0x184, v34  }
0x36: {  	v5 =	vunpack.c.0.s8.s32 v5;
	v9 =	vunpack.c.l.s4.s8 v9;
	v7 =	vunpack.c.0.s8.s32 v7  }
0x37: {  	v12 =	vsel vm15, $0x1182, v12;
	v19 =	vsel vm6, $0x2285, v19;
	v20 =	vsel vm6, $0x2305, v20  }
0x38: {  	v21 =	vsel vm6, $0x2385, v21;
	v22 =	vsel vm6, $0x3005, v22;
	v23 =	vsel vm6, $0x3085, v23  }
0x39: {  	v24 =	vsel vm6, $0x3105, v24;
	v25 =	vsel vm6, $0x3185, v25;
	v26 =	vsel vm6, $0x3205, v26  }
0x3a: {  	v27 =	vsel vm6, $0x3285, v27;
	v28 =	vsel vm6, $0x3305, v28;
	v29 =	vsel vm6, $0x3385, v29  }
0x3b: {  	v30 =	vsel vm6, $0x5, v30;
	v31 =	vsel vm6, $0x85, v31;
	v32 =	vsel vm6, $0x105, v32  }
0x3c: {  	v33 =	vsel vm6, $0x185, v33;
	v34 =	vsel vm6, $0x205, v34;
	v12 =	vsel vm4, $0x1203, v12  }
0x3d: {  	v19 =	vsel vm7, $0x2306, v19;
	v20 =	vsel vm7, $0x2386, v20;
	v21 =	vsel vm7, $0x3006, v21  }
0x3e: {  	v22 =	vsel vm7, $0x3086, v22;
	v23 =	vsel vm7, $0x3106, v23;
	v24 =	vsel vm7, $0x3186, v24  }
0x3f: {  	v25 =	vsel vm7, $0x3206, v25;
	v26 =	vsel vm7, $0x3286, v26;
	v27 =	vsel vm7, $0x3306, v27  }
0x40: {  	v28 =	vsel vm7, $0x3386, v28;
	v29 =	vsel vm7, $0x6, v29;
	v30 =	vsel vm7, $0x86, v30  }
0x41: {  	v31 =	vsel vm7, $0x106, v31;
	v32 =	vsel vm7, $0x186, v32;
	v33 =	vsel vm7, $0x206, v33  }
0x42: {  	[tilespmem:$0x1FFE0] =	vst v0;
	v34 =	vsel vm7, $0x286, v34;
	v0 =	vsel vm1, v11, v5;
	v5 =	vimm.s32 $0x5040302  }
0x43: {  	v9 =	vunpack.c.0.s8.s32 v9;
	v11 =	vimm.s32 $0xE0D0C0B;
	v12 =	vsel vm5, $0x1284, v12  }
0x44: {  	v19 =	vsel vm8, $0x2387, v19;
	v20 =	vsel vm8, $0x3007, v20;
	v21 =	vsel vm8, $0x3087, v21  }
0x45: {  	v22 =	vsel vm8, $0x3107, v22;
	v23 =	vsel vm8, $0x3187, v23;
	v24 =	vsel vm8, $0x3207, v24  }
0x46: {  	v25 =	vsel vm8, $0x3287, v25;
	v26 =	vsel vm8, $0x3307, v26;
	v27 =	vsel vm8, $0x3387, v27  }
0x47: {  	v28 =	vsel vm8, $0x7, v28;
	v29 =	vsel vm8, $0x87, v29;
	v30 =	vsel vm8, $0x107, v30  }
0x48: {  	v31 =	vsel vm8, $0x187, v31;
	v32 =	vsel vm8, $0x207, v32;
	v33 =	vsel vm8, $0x287, v33  }
0x49: {  	v34 =	vsel vm8, $0x307, v34;
	[tilespmem:$0x1FFF0] =	vst v0;
	v0 =	vsel vm1, v14, v15;
	v5 =	vunpack.c.0.s8.s32 v5  }
0x4a: {  	v14 =	vimm.s32 $0x6050403;
	v11 =	vunpack.c.0.s8.s32 v11;
	v12 =	vsel vm6, $0x1305, v12  }
0x4b: {  	v19 =	vsel vm9, $0x3008, v19;
	v20 =	vsel vm9, $0x3088, v20;
	v21 =	vsel vm9, $0x3108, v21  }
0x4c: {  	v22 =	vsel vm9, $0x3188, v22;
	v23 =	vsel vm9, $0x3208, v23;
	v24 =	vsel vm9, $0x3288, v24  }
0x4d: {  	v25 =	vsel vm9, $0x3308, v25;
	v26 =	vsel vm9, $0x3388, v26;
	v27 =	vsel vm9, $0x8, v27  }
0x4e: {  	v28 =	vsel vm9, $0x88, v28;
	v29 =	vsel vm9, $0x108, v29;
	v30 =	vsel vm9, $0x188, v30  }
0x4f: {  	v31 =	vsel vm9, $0x208, v31;
	v32 =	vsel vm9, $0x288, v32;
	v33 =	vsel vm9, $0x308, v33  }
0x50: {  	v34 =	vsel vm9, $0x388, v34;
	[tilespmem:$0x1FF90] =	vst v0;
	v0 =	vsel vm1, v17, v16;
	v16 =	vimm.s32 $0x32107654  }
0x51: {  	v3 =	vunpack.c.0.s8.s32 v14;
	v9 =	vand.u32 $0xF, v9;
	v14 =	vimm.s32 $0x310F  }
0x52: {  	v12 =	vsel vm7, $0x1386, v12;
	v19 =	vsel vm10, $0x3089, v19;
	v20 =	vsel vm10, $0x3109, v20  }
0x53: {  	v21 =	vsel vm10, $0x3189, v21;
	v22 =	vsel vm10, $0x3209, v22;
	v23 =	vsel vm10, $0x3289, v23  }
0x54: {  	v24 =	vsel vm10, $0x3309, v24;
	v25 =	vsel vm10, $0x3389, v25;
	v26 =	vsel vm10, $0x9, v26  }
0x55: {  	v27 =	vsel vm10, $0x89, v27;
	v28 =	vsel vm10, $0x109, v28;
	v29 =	vsel vm10, $0x189, v29  }
0x56: {  	v30 =	vsel vm10, $0x209, v30;
	v31 =	vsel vm10, $0x289, v31;
	v32 =	vsel vm10, $0x309, v32  }
0x57: {  	v33 =	vsel vm10, $0x389, v33;
	v34 =	vsel vm10, $0x1009, v34;
	[tilespmem:$0x1FFA0] =	vst v0;
	v0 =	vsel vm1, v18, v4  }
0x58: {  	v6 =	vunpack.c.l.s4.s8 v16;
	v54 =	vsel vm1, v5, v8;
	v5 =	vimm.s32 $0x43218765  }
0x59: {  	v9 =	vsel vm12, v9, v13;
	v14 =	vsel vm0, $0x1180, v14;
	v16 =	vimm.s32 $0x320F  }
0x5a: {  	v18 =	vimm.s32 $0x330F;
	v12 =	vsel vm8, $0x2007, v12;
	v19 =	vsel vm11, $0x310A, v19  }
0x5b: {  	v20 =	vsel vm11, $0x318A, v20;
	v21 =	vsel vm11, $0x320A, v21;
	v22 =	vsel vm11, $0x328A, v22  }
0x5c: {  	v23 =	vsel vm11, $0x330A, v23;
	v24 =	vsel vm11, $0x338A, v24;
	v25 =	vsel vm11, $0xA, v25  }
0x5d: {  	v26 =	vsel vm11, $0x8A, v26;
	v27 =	vsel vm11, $0x10A, v27;
	v28 =	vsel vm11, $0x18A, v28  }
0x5e: {  	v29 =	vsel vm11, $0x20A, v29;
	v30 =	vsel vm11, $0x28A, v30;
	v31 =	vsel vm11, $0x30A, v31  }
0x5f: {  	v32 =	vsel vm11, $0x38A, v32;
	v33 =	vsel vm11, $0x100A, v33;
	v34 =	vsel vm11, $0x108A, v34  }
0x60: {  	[tilespmem:$0x1FFB0] =	vst v0;
	v55 =	vsel vm1, v3, v13;
	v5 =	vunpack.c.l.s4.s8 v5;
	v0 =	vsel vm1, v15, v17  }
0x61: {  	v51 =	vsel vm13, v11, v9;
	v9 =	vimm.s32 $0x228F;
	v11 =	vimm.s32 $0x238F  }
0x62: {  	v13 =	vimm.s32 $0x308F;
	v16 =	vsel vm0, $0x1280, v16;
	v17 =	vimm.s32 $0x328F  }
0x63: {  	v18 =	vsel vm0, $0x1380, v18;
	v14 =	vsel vm14, $0x1201, v14;
	v12 =	vsel vm9, $0x2088, v12  }
0x64: {  	v3 =	vunpack.c.0.s8.s32 v6;
	v6 =	vimm.s32 $0x54329876;
	v9 =	vsel vm0, $0x300, v9  }
0x65: {  	v11 =	vsel vm0, $0x1000, v11;
	v13 =	vsel vm0, $0x1100, v13;
	v17 =	vsel vm0, $0x1300, v17  }
0x66: {  	v16 =	vsel vm14, $0x1301, v16;
	v18 =	vsel vm14, $0x2001, v18;
	v14 =	vsel vm15, $0x1282, v14  }
0x67: {  	v12 =	vsel vm10, $0x2109, v12;
	v5 =	vunpack.c.0.s8.s32 v5;
	v6 =	vunpack.c.l.s4.s8 v6  }
0x68: {  	v9 =	vsel vm14, $0x381, v9;
	v11 =	vsel vm14, $0x1081, v11;
	v13 =	vsel vm14, $0x1181, v13  }
0x69: {  	v17 =	vsel vm14, $0x1381, v17;
	v16 =	vsel vm15, $0x1382, v16;
	v18 =	vsel vm15, $0x2082, v18  }
0x6a: {  	v14 =	vsel vm4, $0x1303, v14;
	v12 =	vsel vm11, $0x218A, v12;
	v3 =	vand.u32 $0xF, v3  }
0x6b: {  	v9 =	vsel vm15, $0x1002, v9;
	v11 =	vsel vm15, $0x1102, v11;
	v13 =	vsel vm15, $0x1202, v13  }
0x6c: {  	v17 =	vsel vm15, $0x2002, v17;
	v16 =	vsel vm4, $0x2003, v16;
	v18 =	vsel vm4, $0x2103, v18  }
0x6d: {  	v14 =	vsel vm5, $0x1384, v14;
	v5 =	vand.u32 $0xF, v5;
	v6 =	vunpack.c.0.s8.s32 v6  }
0x6e: {  	v3 =	vsel vm12, v3, v15;
	v15 =	vimm.s32 $0x318F;
	v9 =	vsel vm4, $0x1083, v9  }
0x6f: {  	v11 =	vsel vm4, $0x1183, v11;
	v13 =	vsel vm4, $0x1283, v13;
	v17 =	vsel vm4, $0x2083, v17  }
0x70: {  	v16 =	vsel vm5, $0x2084, v16;
	v18 =	vsel vm5, $0x2184, v18;
	v14 =	vsel vm6, $0x2005, v14  }
0x71: {  	v4 =	vsel vm12, v5, v4;
	v5 =	vimm.s32 $0xC0B0A09;
	v48 =	vsel vm13, v7, v3  }
0x72: {  	v3 =	vimm.s32 $0x200F;
	v7 =	vimm.s32 $0x218F;
	v15 =	vsel vm0, $0x1200, v15  }
0x73: {  	v9 =	vsel vm5, $0x1104, v9;
	v11 =	vsel vm5, $0x1204, v11;
	v13 =	vsel vm5, $0x1304, v13  }
0x74: {  	v17 =	vsel vm5, $0x2104, v17;
	v16 =	vsel vm6, $0x2105, v16;
	v18 =	vsel vm6, $0x2205, v18  }
0x75: {  	v14 =	vsel vm7, $0x2086, v14;
	v6 =	vand.u32 $0xF, v6;
	v5 =	vunpack.c.0.s8.s32 v5  }
0x76: {  	v3 =	vsel vm0, $0x80, v3;
	v7 =	vsel vm0, $0x200, v7;
	v15 =	vsel vm14, $0x1281, v15  }
0x77: {  	v9 =	vsel vm6, $0x1185, v9;
	v11 =	vsel vm6, $0x1285, v11;
	v13 =	vsel vm6, $0x1385, v13  }
0x78: {  	v17 =	vsel vm6, $0x2185, v17;
	v16 =	vsel vm7, $0x2186, v16;
	v18 =	vsel vm7, $0x2286, v18  }
0x79: {  	v14 =	vsel vm8, $0x2107, v14;
	v6 =	vsel vm12, v6, v8;
	v8 =	vimm.s32 $0xD0C0B0A  }
0x7a: {  	v3 =	vsel vm14, $0x101, v3;
	v7 =	vsel vm14, $0x281, v7;
	v15 =	vsel vm15, $0x1302, v15  }
0x7b: {  	v9 =	vsel vm7, $0x1206, v9;
	v11 =	vsel vm7, $0x1306, v11;
	v13 =	vsel vm7, $0x2006, v13  }
0x7c: {  	v17 =	vsel vm7, $0x2206, v17;
	v16 =	vsel vm8, $0x2207, v16;
	v18 =	vsel vm8, $0x2307, v18  }
0x7d: {  	v14 =	vsel vm9, $0x2188, v14;
	vm12 =	vcmask $0x2F2C;
	v8 =	vunpack.c.0.s8.s32 v8  }
0x7e: {  	v49 =	vsel vm13, v5, v4;
	v4 =	vsel vm14, $0x81, v10;
	v5 =	vimm.s32 $0x208F  }
0x7f: {  	v10 =	vimm.s32 $0x230F;
	v3 =	vsel vm15, $0x182, v3;
	v7 =	vsel vm15, $0x302, v7  }
0x80: {  	v15 =	vsel vm4, $0x1383, v15;
	v9 =	vsel vm8, $0x1287, v9;
	v11 =	vsel vm8, $0x1387, v11  }
0x81: {  	v13 =	vsel vm8, $0x2087, v13;
	v17 =	vsel vm8, $0x2287, v17;
	v16 =	vsel vm9, $0x2288, v16  }
0x82: {  	v18 =	vsel vm9, $0x2388, v18;
	v14 =	vsel vm10, $0x2209, v14;
	v12 =	vsel vm12, $0x220B, v12  }
0x83: {  	v19 =	vsel vm12, $0x318B, v19;
	v20 =	vsel vm12, $0x320B, v20;
	v21 =	vsel vm12, $0x328B, v21  }
0x84: {  	v22 =	vsel vm12, $0x330B, v22;
	v23 =	vsel vm12, $0x338B, v23;
	v24 =	vsel vm12, $0xB, v24  }
0x85: {  	v25 =	vsel vm12, $0x8B, v25;
	v26 =	vsel vm12, $0x10B, v26;
	v27 =	vsel vm12, $0x18B, v27  }
0x86: {  	v28 =	vsel vm12, $0x20B, v28;
	v29 =	vsel vm12, $0x28B, v29;
	v30 =	vsel vm12, $0x30B, v30  }
0x87: {  	v31 =	vsel vm12, $0x38B, v31;
	v32 =	vsel vm12, $0x100B, v32;
	v33 =	vsel vm12, $0x108B, v33  }
0x88: {  	v34 =	vsel vm12, $0x110B, v34;
	v5 =	vsel vm0, $0x100, v5;
	v10 =	vsel vm0, $0x380, v10  }
0x89: {  	v4 =	vsel vm15, $0x102, v4;
	v3 =	vsel vm4, $0x203, v3;
	v7 =	vsel vm4, $0x383, v7  }
0x8a: {  	v15 =	vsel vm5, $0x2004, v15;
	v9 =	vsel vm9, $0x1308, v9;
	v11 =	vsel vm9, $0x2008, v11  }
0x8b: {  	v13 =	vsel vm9, $0x2108, v13;
	v17 =	vsel vm9, $0x2308, v17;
	v16 =	vsel vm10, $0x2309, v16  }
0x8c: {  	v18 =	vsel vm10, $0x3009, v18;
	v14 =	vsel vm11, $0x228A, v14;
	v50 =	vsel vm13, v8, v6  }
0x8d: {  	v6 =	vimm.s32 $0x210F;
	v8 =	vimm.s32 $0x220F;
	v5 =	vsel vm14, $0x181, v5  }
0x8e: {  	v10 =	vsel vm14, $0x1001, v10;
	v4 =	vsel vm4, $0x183, v4;
	v3 =	vsel vm5, $0x284, v3  }
0x8f: {  	v7 =	vsel vm5, $0x1004, v7;
	v15 =	vsel vm6, $0x2085, v15;
	v9 =	vsel vm10, $0x1389, v9  }
0x90: {  	v11 =	vsel vm10, $0x2089, v11;
	v13 =	vsel vm10, $0x2189, v13;
	v17 =	vsel vm10, $0x2389, v17  }
0x91: {  	v16 =	vsel vm11, $0x238A, v16;
	v18 =	vsel vm11, $0x308A, v18;
	vm13 =	vcmask $0x3330  }
0x92: {  	v14 =	vsel vm12, $0x230B, v14;
	v6 =	vsel vm0, $0x180, v6;
	v8 =	vsel vm0, $0x280, v8  }
0x93: {  	v5 =	vsel vm15, $0x202, v5;
	v10 =	vsel vm15, $0x1082, v10;
	v4 =	vsel vm5, $0x204, v4  }
0x94: {  	v3 =	vsel vm6, $0x305, v3;
	v7 =	vsel vm6, $0x1085, v7;
	v15 =	vsel vm7, $0x2106, v15  }
0x95: {  	v9 =	vsel vm11, $0x200A, v9;
	v11 =	vsel vm11, $0x210A, v11;
	v13 =	vsel vm11, $0x220A, v13  }
0x96: {  	v17 =	vsel vm11, $0x300A, v17;
	v16 =	vsel vm12, $0x300B, v16;
	v18 =	vsel vm12, $0x310B, v18  }
0x97: {  	v6 =	vsel vm14, $0x201, v6;
	v8 =	vsel vm14, $0x301, v8;
	v5 =	vsel vm4, $0x283, v5  }
0x98: {  	v10 =	vsel vm4, $0x1103, v10;
	v4 =	vsel vm6, $0x285, v4;
	v3 =	vsel vm7, $0x386, v3  }
0x99: {  	v7 =	vsel vm7, $0x1106, v7;
	v15 =	vsel vm8, $0x2187, v15;
	v9 =	vsel vm12, $0x208B, v9  }
0x9a: {  	v11 =	vsel vm12, $0x218B, v11;
	v13 =	vsel vm12, $0x228B, v13;
	v17 =	vsel vm12, $0x308B, v17  }
0x9b: {  	vm14 =	vcmask $0x3734;
	v6 =	vsel vm15, $0x282, v6;
	v8 =	vsel vm15, $0x382, v8  }
0x9c: {  	v5 =	vsel vm5, $0x304, v5;
	v10 =	vsel vm5, $0x1184, v10;
	v4 =	vsel vm7, $0x306, v4  }
0x9d: {  	v3 =	vsel vm8, $0x1007, v3;
	v7 =	vsel vm8, $0x1187, v7;
	v15 =	vsel vm9, $0x2208, v15  }
0x9e: {  	vm15 =	vcmask $0x3B38;
	v6 =	vsel vm4, $0x303, v6;
	v8 =	vsel vm4, $0x1003, v8  }
0x9f: {  	v5 =	vsel vm6, $0x385, v5;
	v10 =	vsel vm6, $0x1205, v10;
	v4 =	vsel vm8, $0x387, v4  }
0xa0: {  	v3 =	vsel vm9, $0x1088, v3;
	v7 =	vsel vm9, $0x1208, v7;
	v15 =	vsel vm10, $0x2289, v15  }
0xa1: {  	v6 =	vsel vm5, $0x384, v6;
	v8 =	vsel vm5, $0x1084, v8;
	v5 =	vsel vm7, $0x1006, v5  }
0xa2: {  	v10 =	vsel vm7, $0x1286, v10;
	v4 =	vsel vm9, $0x1008, v4;
	v3 =	vsel vm10, $0x1109, v3  }
0xa3: {  	v7 =	vsel vm10, $0x1289, v7;
	v15 =	vsel vm11, $0x230A, v15;
	v6 =	vsel vm6, $0x1005, v6  }
0xa4: {  	v8 =	vsel vm6, $0x1105, v8;
	v5 =	vsel vm8, $0x1087, v5;
	v10 =	vsel vm8, $0x1307, v10  }
0xa5: {  	v4 =	vsel vm10, $0x1089, v4;
	v3 =	vsel vm11, $0x118A, v3;
	v7 =	vsel vm11, $0x130A, v7  }
0xa6: {  	v15 =	vsel vm12, $0x238B, v15;
	v6 =	vsel vm7, $0x1086, v6;
	v8 =	vsel vm7, $0x1186, v8  }
0xa7: {  	v5 =	vsel vm9, $0x1108, v5;
	v10 =	vsel vm9, $0x1388, v10;
	v4 =	vsel vm11, $0x110A, v4  }
0xa8: {  	v3 =	vsel vm12, $0x120B, v3;
	v7 =	vsel vm12, $0x138B, v7;
	v6 =	vsel vm8, $0x1107, v6  }
0xa9: {  	v8 =	vsel vm8, $0x1207, v8;
	v5 =	vsel vm10, $0x1189, v5;
	v10 =	vsel vm10, $0x2009, v10  }
0xaa: {  	v4 =	vsel vm12, $0x118B, v4;
	v3 =	vsel vm13, $0x128C, v3;
	v6 =	vsel vm9, $0x1188, v6  }
0xab: {  	v8 =	vsel vm9, $0x1288, v8;
	v5 =	vsel vm11, $0x120A, v5;
	v10 =	vsel vm11, $0x208A, v10  }
0xac: {  	v4 =	vsel vm13, $0x120C, v4;
	v3 =	vsel vm14, $0x130D, v3;
	v6 =	vsel vm10, $0x1209, v6  }
0xad: {  	v8 =	vsel vm10, $0x1309, v8;
	v5 =	vsel vm12, $0x128B, v5;
	v10 =	vsel vm12, $0x210B, v10  }
0xae: {  	v35 =	vsel vm14, $0x128D, v4;
	v3 =	vsel vm15, $0x138E, v3;
	v6 =	vsel vm11, $0x128A, v6  }
0xaf: {  	v8 =	vsel vm11, $0x138A, v8;
	v4 =	vsel vm13, $0x130C, v5;
	v6 =	vsel vm12, $0x130B, v6  }
0xb0: {  	v8 =	vsel vm12, $0x200B, v8;
	v5 =	vsel vm13, $0x138C, v6;
	v6 =	vsel vm13, $0x200C, v7  }
0xb1: {  	v7 =	vsel vm13, $0x208C, v8;
	v8 =	vsel vm13, $0x210C, v9;
	v9 =	vsel vm13, $0x218C, v10  }
0xb2: {  	v10 =	vsel vm13, $0x220C, v11;
	v11 =	vsel vm13, $0x228C, v12;
	v12 =	vsel vm13, $0x230C, v13  }
0xb3: {  	v13 =	vsel vm13, $0x238C, v14;
	v14 =	vsel vm13, $0x300C, v15;
	v15 =	vsel vm13, $0x308C, v16  }
0xb4: {  	v16 =	vsel vm13, $0x310C, v17;
	v17 =	vsel vm13, $0x318C, v18;
	v18 =	vsel vm13, $0x320C, v19  }
0xb5: {  	v19 =	vsel vm13, $0x328C, v20;
	v20 =	vsel vm13, $0x330C, v21;
	v21 =	vsel vm13, $0x338C, v22  }
0xb6: {  	v22 =	vsel vm13, $0xC, v23;
	v23 =	vsel vm13, $0x8C, v24;
	v24 =	vsel vm13, $0x10C, v25  }
0xb7: {  	v25 =	vsel vm13, $0x18C, v26;
	v26 =	vsel vm13, $0x20C, v27;
	v27 =	vsel vm13, $0x28C, v28  }
0xb8: {  	v28 =	vsel vm13, $0x30C, v29;
	v29 =	vsel vm13, $0x38C, v30;
	v30 =	vsel vm13, $0x100C, v31  }
0xb9: {  	[tilespmem:$0x1FFC0] =	vst v0;
	v31 =	vsel vm13, $0x108C, v32;
	v32 =	vsel vm13, $0x110C, v33;
	v33 =	vsel vm13, $0x118C, v34  }
0xba: {  	[tilespmem:$0x1FF00] =	vst v3;
	v34 =	vsel vm14, $0x138D, v4;
	v46 =	vsel vm14, $0x310D, v15;
	v15 =	vsel vm15, $0x130E, v35  }
0xbb: {  	v36 =	vsel vm14, $0x200D, v5;
	v3 =	vsel vm15, $0x200E, v34;
	[tilespmem:$0x1FEF0] =	vst v15  }
0xbc: {  	v37 =	vsel vm14, $0x208D, v6;
	[tilespmem:$0x1FF10] =	vst v3;
	v3 =	vsel vm15, $0x208E, v36  }
0xbd: {  	v38 =	vsel vm14, $0x210D, v7;
	[tilespmem:$0x1FF20] =	vst v3;
	v3 =	vsel vm15, $0x210E, v37  }
0xbe: {  	v39 =	vsel vm14, $0x218D, v8;
	[tilespmem:$0x1FF30] =	vst v3;
	v3 =	vsel vm15, $0x218E, v38  }
0xbf: {  	v40 =	vsel vm14, $0x220D, v9;
	[tilespmem:$0x1FF40] =	vst v3;
	v3 =	vsel vm15, $0x220E, v39  }
0xc0: {  	s0 =	srdreg.scid;
	s2 =	stileid.u32;
	v41 =	vsel vm14, $0x228D, v10;
	[tilespmem:$0x1FF50] =	vst v3;
	v3 =	vsel vm15, $0x228E, v40  }
0xc1: {  	s0 =	sand.u32 $0x1, s0;
	s3 =	sshll.u32 s2, $0x1;
	v42 =	vsel vm14, $0x230D, v11;
	[tilespmem:$0x1FF60] =	vst v3;
	v3 =	vsel vm15, $0x230E, v41  }
0xc2: {  	s1 =	rddreg [dreg:$0x0];
	s5 =	sor.u32 s0, s3;
	s3 =	simm.s32 $0x0;
	[tilespmem:$0x1FF70] =	vst v3;
	v3 =	vsel vm15, $0x238E, v42  }
0xc3: {  	[smem:$0x7FF] =	sst s3;
	[tilespmem:$0x1FF80] =	vst v3  }
0xc4: {  	s2 =	rddreg [dreg:$0x1];
	v0 =	vsel vm14, $0xD, v21;
	_ =	strace $0x80000047  }
0xc5: {  	v1 =	vsel vm14, $0x8D, v22;
	v5 =	vsel vm14, $0x18D, v24;
	v24 =	vsel vm15, $0x8E, v0;
	v0 =	vld [tilespmem:$0x1FF90]  }
0xc6: {  	v6 =	vsel vm14, $0x20D, v25;
	v25 =	vsel vm15, $0x10E, v1;
	v1 =	vld [tilespmem:$0x1FFA0];
	_ =	sdelay $0x1  }
0xc7: {  	v11 =	vsel vm14, $0x108D, v30;
	_ =	sdelay $0x1  }
0xc8: {  	v45 =	vsel vm14, $0x308D, v14  }
0xc9: {  	v14 =	vsel vm14, $0x120D, v33;
	v33 =	vsel vm15, $0x110E, v11;
	v11 =	vmovc v48;
	v48 =	vcombine.low v1, v0;
	v0 =	vld [tilespmem:$0x1FFB0]  }
0xca: {  	v4 =	vlaneseq.u32;
	v43 =	vsel vm14, $0x238D, v12  }
0xcb: {  	v44 =	vsel vm14, $0x300D, v13;
	v47 =	vsel vm14, $0x318D, v16;
	v12 =	vsel vm14, $0x110D, v31  }
0xcc: {  	v58 =	vsel vm14, $0x320D, v17;
	v59 =	vsel vm14, $0x328D, v18;
	v60 =	vsel vm14, $0x330D, v19  }
0xcd: {  	v63 =	vsel vm14, $0x338D, v20;
	v8 =	vsel vm14, $0x30D, v27;
	v27 =	vsel vm15, $0x20E, v5  }
0xce: {  	v34 =	vsel vm15, $0x118E, v12;
	v12 =	vmovc v49;
	v5 =	vld [tilespmem:$0x1FFC0];
	v49 =	vcombine.low v53, v0;
	v0 =	vimm.s32 $0x76543210  }
0xcf: {  	v2 =	vsel vm14, $0x10D, v23;
	v7 =	vsel vm14, $0x28D, v26;
	v0 =	vunpack.c.l.s4.s8 v0  }
0xd0: {  	v9 =	vsel vm14, $0x38D, v28;
	v26 =	vsel vm15, $0x18E, v2;
	v2 =	vimm.s32 $0x98765432  }
0xd1: {  	v10 =	vsel vm14, $0x100D, v29;
	v2 =	vunpack.c.l.s4.s8 v2;
	v0 =	vunpack.c.0.s8.s32 v0  }
0xd2: {  	v13 =	vsel vm14, $0x118D, v32;
	v15 =	vsel vm15, $0x300E, v43;
	v1 =	vimm.s32 $0x87654321  }
0xd3: {  	v1 =	vunpack.c.l.s4.s8 v1;
	v53 =	vcombine.low v5, v0;
	v0 =	vunpack.c.0.s8.s32 v2;
	v2 =	vld [tilespmem:$0x1FFD0]  }
0xd4: {  	v16 =	vsel vm15, $0x308E, v44;
	v17 =	vsel vm15, $0x310E, v45;
	v18 =	vsel vm15, $0x318E, v46  }
0xd5: {  	v19 =	vsel vm15, $0x320E, v47;
	v20 =	vsel vm15, $0x328E, v58;
	v1 =	vunpack.c.0.s8.s32 v1  }
0xd6: {  	v21 =	vsel vm15, $0x330E, v59;
	v22 =	vsel vm15, $0x338E, v60;
	v23 =	vsel vm15, $0xE, v63  }
0xd7: {  	v36 =	vsel vm15, $0x128E, v14;
	v14 =	vmovc v51;
	v51 =	vcombine.low v52, v55;
	v1 =	vand.u32 $0xF, v1  }
0xd8: {  	v28 =	vsel vm15, $0x28E, v6;
	v55 =	vcombine.low v2, v56;
	v56 =	vcombine.low v56, v1;
	v1 =	vld [tilespmem:$0x1FFE0]  }
0xd9: {  	v29 =	vsel vm15, $0x30E, v7;
	v30 =	vsel vm15, $0x38E, v8;
	v31 =	vsel vm15, $0x100E, v9  }
0xda: {  	s9 =	simm.s32 $0x80;
	v32 =	vsel vm15, $0x108E, v10;
	v35 =	vsel vm15, $0x120E, v13;
	v43 =	vadd.s32 $0x7, v4  }
0xdb: {  	s11 =	simm.s32 $0x6800;
	s19 =	simm.s32 $0xA800;
	s23 =	simm.s32 $0xC800;
	v44 =	vadd.s32 $0x8, v4;
	v45 =	vadd.s32 $0x9, v4;
	v46 =	vadd.s32 $0xA, v4  }
0xdc: {  	s24 =	simm.s32 $0x6780;
	s25 =	simm.s32 $0xD800;
	s28 =	simm.s32 $0xE800;
	v47 =	vadd.s32 $0xB, v4;
	v60 =	vadd.s32 $0xF, v4;
	v63 =	vor.u32 $0x10, v4  }
0xdd: {  	s29 =	simm.s32 $0xF800;
	s30 =	simm.s32 $0x10800;
	s0 =	ssub.s32 $0x2, s0;
	v37 =	vadd.s32 $0x1, v4;
	v3 =	vimm.s32 $0xA9876543;
	v58 =	vcombine.low v1, v61;
	v1 =	vld [tilespmem:$0x1FFF0]  }
0xde: {  	s31 =	simm.s32 $0x11800;
	s4 =	smul.u32 $0xC80, s5;
	s7 =	sshrl.u32 s0, $0x1;
	v13 =	vmovc v50;
	v38 =	vadd.s32 $0x2, v4;
	v50 =	vcombine.low v57, v54;
	v3 =	vunpack.c.l.s4.s8 v3  }
0xdf: {  	s8 =	simm.s32 $0x15800;
	s13 =	simm.s32 $0x0;
	s0 =	ssub.s32 s0, s7;
	v52 =	vadd.s32 $0xC, v4;
	v54 =	vadd.s32 $0xD, v4;
	v57 =	vadd.s32 $0xE, v4  }
0xe0: {  	s7 =	simm.s32 $0x14800;
	s6 =	sadd.s32 s4, s1;
	s4 =	sadd.s32 $0xF42A00, s1;
	v39 =	vadd.s32 $0x3, v4;
	v40 =	vadd.s32 $0x4, v4;
	v2 =	vunpack.c.0.s8.s32 v3  }
0xe1: {  	s0 =	smax.u32 s0, $0x1;
	s1 =	simm.s32 $0x3;
	s26 =	sadd.s32 $0x600, s6;
	v41 =	vadd.s32 $0x5, v4;
	v42 =	vadd.s32 $0x6, v4;
	v0 =	vand.u32 $0xF, v0  }
0xe2: {  	s6 =	smul.u32 $0x32, s5;
	s5 =	simm.s32 $0x13800;
	[dreg:$0x3] =	wrdreg s26;
	v59 =	vcombine.low v61, v0;
	v0 =	vand.u32 $0xF, v2;
	v61 =	vcombine.low v1, v62  }
0xe3: {  	[dreg:$0x4] =	wrdreg s0;
	s26 =	simm.s32 $0x2;
	s0 =	simm.s32 $0x12800;
	v62 =	vcombine.low v62, v0;
	v0 =	vimm.s32 $0x0;
	v1 =	vimm.f32 $0.0e+00  }
.LBB2_1:
0xe4: {  	[dreg:$0x5] =	wrdreg s13  }
0xe5: {  	s10 =	rddreg [dreg:$0x3];
	s15 =	simm.s32 $0x1  }
0xe6: {  	[tilespmem:s3], [sflag:$0x1] =	stream.linear.gather [hbm4b:s10+s3], $0x6400, $0x38;
	[tilespmem:$0x16C00] =	vst v63  }
0xe7: {  	_ =	swait.ge [sflag:s15], $0x6400  }
0xe8: {  	[sflag:s15] =	ssyncset.done $0x0  }
0xe9: {  	[sflag:s15] =	ssyncadd.s32 $0xFFFF9C00  }
0xea: {  	[tilespmem:$0x16800] =	vst v4  }
0xeb: {  	[tilespmem:$0x16810] =	vst v37  }
0xec: {  	[tilespmem:$0x16820] =	vst v38  }
0xed: {  	[tilespmem:$0x16830] =	vst v39  }
0xee: {  	[tilespmem:$0x16840] =	vst v40  }
0xef: {  	[tilespmem:$0x16850] =	vst v41  }
0xf0: {  	[tilespmem:$0x16860] =	vst v42  }
0xf1: {  	v2 =	vld [tilespmem:$0x0];
	[tilespmem:$0x16870] =	vst v43  }
0xf2: {  	v3 =	vld [tilespmem:$0x10];
	[tilespmem:$0x16880] =	vst v44  }
0xf3: {  	v5 =	vld [tilespmem:$0x20];
	[tilespmem:$0x16890] =	vst v45  }
0xf4: {  	v6 =	vld [tilespmem:$0x30];
	[tilespmem:$0x168A0] =	vst v46  }
0xf5: {  	v7 =	vld [tilespmem:$0x40];
	[tilespmem:$0x16AA0] =	vst v15  }
0xf6: {  	v8 =	vld [tilespmem:$0x50];
	[tilespmem:$0x168B0] =	vst v47;
	vm0 =	vgt.s32 v2, $0xF423F  }
0xf7: {  	v9 =	vld [tilespmem:$0x60];
	[tilespmem:$0x16AB0] =	vst v16;
	vm9 =	vgt.s32 v3, $0xF423F;
	v2 =	vsel vm0, $0x0, v2  }
0xf8: {  	vm10 =	vgt.s32 v5, $0xF423F;
	[tilespmem:$0x6400] =	vst v2;
	v2 =	vsel vm9, $0x0, v3;
	v3 =	vld [tilespmem:$0x70]  }
0xf9: {  	vm11 =	vgt.s32 v6, $0xF423F;
	[tilespmem:$0x6410] =	vst v2;
	v2 =	vsel vm10, $0x0, v5;
	v5 =	vld [tilespmem:$0x80]  }
0xfa: {  	vm12 =	vgt.s32 v7, $0xF423F;
	[tilespmem:$0x6420] =	vst v2;
	v2 =	vsel vm11, $0x0, v6;
	v6 =	vld [tilespmem:$0x90]  }
0xfb: {  	vm13 =	vgt.s32 v8, $0xF423F;
	[tilespmem:$0x6430] =	vst v2;
	v2 =	vsel vm12, $0x0, v7;
	v7 =	vld [tilespmem:$0xA0]  }
0xfc: {  	vm14 =	vgt.s32 v9, $0xF423F;
	[tilespmem:$0x6440] =	vst v2;
	v2 =	vsel vm13, $0x0, v8;
	v8 =	vld [tilespmem:$0xB0]  }
0xfd: {  	[tilespmem:$0x6450] =	vst v2;
	v2 =	vsel vm14, $0x0, v9;
	vm15 =	vgt.s32 v3, $0xF423F;
	v9 =	vld [tilespmem:$0xC0]  }
0xfe: {  	[tilespmem:$0x6460] =	vst v2;
	v2 =	vsel vm15, $0x0, v3;
	vm4 =	vgt.s32 v5, $0xF423F;
	v3 =	vld [tilespmem:$0xD0]  }
0xff: {  	[tilespmem:$0x6470] =	vst v2;
	v2 =	vsel vm4, $0x0, v5;
	vm5 =	vgt.s32 v6, $0xF423F;
	v5 =	vld [tilespmem:$0xE0]  }
0x100: {  	[tilespmem:$0x6480] =	vst v2;
	v2 =	vsel vm5, $0x0, v6;
	vm6 =	vgt.s32 v7, $0xF423F;
	v6 =	vld [tilespmem:$0xF0]  }
0x101: {  	[tilespmem:$0x6490] =	vst v2;
	v2 =	vsel vm6, $0x0, v7;
	vm7 =	vgt.s32 v8, $0xF423F;
	v7 =	vld [tilespmem:$0x100]  }
0x102: {  	[tilespmem:$0x64A0] =	vst v2;
	v2 =	vsel vm7, $0x0, v8;
	vm8 =	vgt.s32 v9, $0xF423F;
	v8 =	vld [tilespmem:$0x110]  }
0x103: {  	[tilespmem:$0x64B0] =	vst v2;
	v2 =	vsel vm8, $0x0, v9;
	vm9 =	vgt.s32 v3, $0xF423F;
	v9 =	vld [tilespmem:$0x120]  }
0x104: {  	[tilespmem:$0x64C0] =	vst v2;
	v2 =	vsel vm9, $0x0, v3;
	vm10 =	vgt.s32 v5, $0xF423F;
	v3 =	vld [tilespmem:$0x130]  }
0x105: {  	[tilespmem:$0x64D0] =	vst v2;
	v2 =	vsel vm10, $0x0, v5;
	vm11 =	vgt.s32 v6, $0xF423F;
	v5 =	vld [tilespmem:$0x140]  }
0x106: {  	[tilespmem:$0x64E0] =	vst v2;
	v2 =	vsel vm11, $0x0, v6;
	vm12 =	vgt.s32 v7, $0xF423F;
	v6 =	vld [tilespmem:$0x150]  }
0x107: {  	[tilespmem:$0x64F0] =	vst v2;
	v2 =	vsel vm12, $0x0, v7;
	vm13 =	vgt.s32 v8, $0xF423F;
	v7 =	vld [tilespmem:$0x160]  }
0x108: {  	[tilespmem:$0x6500] =	vst v2;
	v2 =	vsel vm13, $0x0, v8;
	vm14 =	vgt.s32 v9, $0xF423F;
	v8 =	vld [tilespmem:$0x170]  }
0x109: {  	[tilespmem:$0x6510] =	vst v2;
	v2 =	vsel vm14, $0x0, v9;
	vm15 =	vgt.s32 v3, $0xF423F;
	v9 =	vld [tilespmem:$0x180]  }
0x10a: {  	[tilespmem:$0x6520] =	vst v2;
	v2 =	vsel vm15, $0x0, v3;
	vm4 =	vgt.s32 v5, $0xF423F;
	v3 =	vld [tilespmem:$0x190]  }
0x10b: {  	[tilespmem:$0x6530] =	vst v2;
	v2 =	vsel vm4, $0x0, v5;
	vm5 =	vgt.s32 v6, $0xF423F;
	v5 =	vld [tilespmem:$0x1A0]  }
0x10c: {  	[tilespmem:$0x6540] =	vst v2;
	v2 =	vsel vm5, $0x0, v6;
	vm6 =	vgt.s32 v7, $0xF423F;
	v6 =	vld [tilespmem:$0x1B0]  }
0x10d: {  	[tilespmem:$0x6550] =	vst v2;
	v2 =	vsel vm6, $0x0, v7;
	vm7 =	vgt.s32 v8, $0xF423F;
	v7 =	vld [tilespmem:$0x1C0]  }
0x10e: {  	[tilespmem:$0x6560] =	vst v2;
	v2 =	vsel vm7, $0x0, v8;
	vm8 =	vgt.s32 v9, $0xF423F;
	v8 =	vld [tilespmem:$0x1D0]  }
0x10f: {  	[tilespmem:$0x6570] =	vst v2;
	v2 =	vsel vm8, $0x0, v9;
	vm9 =	vgt.s32 v3, $0xF423F;
	v9 =	vld [tilespmem:$0x1E0]  }
0x110: {  	[tilespmem:$0x6580] =	vst v2;
	v2 =	vsel vm9, $0x0, v3;
	vm10 =	vgt.s32 v5, $0xF423F;
	v3 =	vld [tilespmem:$0x1F0]  }
0x111: {  	[tilespmem:$0x6590] =	vst v2;
	v2 =	vsel vm10, $0x0, v5;
	vm11 =	vgt.s32 v6, $0xF423F  }
0x112: {  	[tilespmem:$0x65A0] =	vst v2;
	v2 =	vsel vm11, $0x0, v6;
	vm12 =	vgt.s32 v7, $0xF423F  }
0x113: {  	[tilespmem:$0x65B0] =	vst v2;
	v2 =	vsel vm12, $0x0, v7;
	vm13 =	vgt.s32 v8, $0xF423F  }
0x114: {  	[tilespmem:$0x65C0] =	vst v2;
	v2 =	vsel vm13, $0x0, v8;
	vm14 =	vgt.s32 v9, $0xF423F  }
0x115: {  	[tilespmem:$0x65D0] =	vst v2;
	v2 =	vsel vm14, $0x0, v9;
	vm15 =	vgt.s32 v3, $0xF423F  }
0x116: {  	[tilespmem:$0x65E0] =	vst v2;
	v2 =	vsel vm15, $0x0, v3  }
0x117: {  	[tilespmem:$0x65F0] =	vst v2;
	v2 =	vld [tilespmem:$0x1FEF0]  }
0x118: {  	[tilespmem:$0x168C0] =	vst v52  }
0x119: {  	[tilespmem:$0x16AC0] =	vst v17  }
0x11a: {  	[tilespmem:$0x168D0] =	vst v54  }
0x11b: {  	[tilespmem:$0x16AD0] =	vst v18  }
0x11c: {  	[tilespmem:$0x16A00] =	vst v2;
	v2 =	vld [tilespmem:$0x1FF00]  }
0x11d: {  	[tilespmem:$0x168E0] =	vst v57  }
0x11e: {  	[tilespmem:$0x16AE0] =	vst v19  }
0x11f: {  	[tilespmem:$0x168F0] =	vst v60  }
0x120: {  	[tilespmem:$0x16AF0] =	vst v20  }
0x121: {  	[tilespmem:$0x16A10] =	vst v2;
	v2 =	vld [tilespmem:$0x1FF10]  }
0x122: {  	[tilespmem:$0x16900] =	vst v63  }
0x123: {  	[tilespmem:$0x16B00] =	vst v21  }
0x124: {  	[tilespmem:$0x16910] =	vst v55  }
0x125: {  	[tilespmem:$0x16B10] =	vst v22  }
0x126: {  	[tilespmem:$0x16A20] =	vst v2;
	v2 =	vld [tilespmem:$0x1FF20]  }
0x127: {  	[tilespmem:$0x16920] =	vst v58  }
0x128: {  	[tilespmem:$0x16B20] =	vst v23  }
0x129: {  	[tilespmem:$0x16930] =	vst v61  }
0x12a: {  	[tilespmem:$0x16B30] =	vst v24  }
0x12b: {  	[tilespmem:$0x16A30] =	vst v2;
	v2 =	vld [tilespmem:$0x1FF30]  }
0x12c: {  	[tilespmem:$0x16940] =	vst v48  }
0x12d: {  	[tilespmem:$0x16B40] =	vst v25  }
0x12e: {  	[tilespmem:$0x16950] =	vst v49  }
0x12f: {  	[tilespmem:$0x16B50] =	vst v26  }
0x130: {  	[tilespmem:$0x16A40] =	vst v2;
	v2 =	vld [tilespmem:$0x1FF40]  }
0x131: {  	[tilespmem:$0x16960] =	vst v50  }
0x132: {  	[tilespmem:$0x16B60] =	vst v27  }
0x133: {  	[tilespmem:$0x16970] =	vst v51  }
0x134: {  	[tilespmem:$0x16B70] =	vst v28  }
0x135: {  	[tilespmem:$0x16A50] =	vst v2;
	v2 =	vld [tilespmem:$0x1FF50]  }
0x136: {  	[tilespmem:$0x16980] =	vst v53  }
0x137: {  	[tilespmem:$0x16B80] =	vst v29  }
0x138: {  	[tilespmem:$0x16990] =	vst v56  }
0x139: {  	[tilespmem:$0x16B90] =	vst v30  }
0x13a: {  	[tilespmem:$0x16A60] =	vst v2;
	v2 =	vld [tilespmem:$0x1FF60]  }
0x13b: {  	[tilespmem:$0x169A0] =	vst v59  }
0x13c: {  	[tilespmem:$0x16BA0] =	vst v31  }
0x13d: {  	[tilespmem:$0x169B0] =	vst v62  }
0x13e: {  	[tilespmem:$0x16BB0] =	vst v32  }
0x13f: {  	[tilespmem:$0x16A70] =	vst v2;
	v2 =	vld [tilespmem:$0x1FF70]  }
0x140: {  	[tilespmem:$0x169C0] =	vst v11  }
0x141: {  	[tilespmem:$0x16BC0] =	vst v33  }
0x142: {  	[tilespmem:$0x169D0] =	vst v12  }
0x143: {  	[tilespmem:$0x16BD0] =	vst v34  }
0x144: {  	[tilespmem:$0x16A80] =	vst v2;
	v2 =	vld [tilespmem:$0x1FF80]  }
0x145: {  	[tilespmem:$0x169E0] =	vst v13  }
0x146: {  	[tilespmem:$0x16BE0] =	vst v35  }
0x147: {  	[tilespmem:$0x169F0] =	vst v14  }
0x148: {  	[tilespmem:$0x16BF0] =	vst v36  }
0x149: {  	s16 =	simm.s32 $0x6400;
	[tilespmem:$0x16A90] =	vst v2  }
0x14a: {  	[tilespmem:s11], [sflag:$0x2] =	stream.indirect.gather [hbm4b:s4+s9], $0x20, s16, s9, $0xb8;
	[tilespmem:$0x16C00] =	vst v63  }
0x14b: {  	s17 =	simm.s32 $0x6480;
	s12 =	simm.s32 $0x7800;
	s18 =	simm.s32 $0x6500  }
0x14c: {  	[tilespmem:s12], [sflag:$0x2] =	stream.indirect.gather [hbm4b:s4+s9], $0x20, s17, s9, $0xb8;
	[tilespmem:$0x16C00] =	vst v63  }
0x14d: {  	s20 =	simm.s32 $0x8800;
	s21 =	simm.s32 $0x6580;
	s22 =	simm.s32 $0x9800  }
0x14e: {  	[tilespmem:s20], [sflag:$0x2] =	stream.indirect.gather [hbm4b:s4+s9], $0x20, s18, s9, $0xb8;
	[tilespmem:$0x16C00] =	vst v63  }
0x14f: {  	s13 =	simm.s32 $0x0;
	s10 =	simm.s32 $0x200;
	s12 =	simm.s32 $0x0  }
0x150: {  	[tilespmem:s22], [sflag:$0x2] =	stream.indirect.gather [hbm4b:s4+s9], $0x20, s21, s9, $0xb8;
	[tilespmem:$0x16C00] =	vst v63  }
.LBB2_2:
0x151: {  	s14 =	sshllo.u32 s13, $0x1  }
0x152: {  	s15 =	sshll.u32 s14, $0x9  }
0x153: {  	s15 =	sand.u32 $0x3FFFFE00, s15  }
0x154: {  	v2 =	vld [tilespmem:s15+$0x0];
	_ =	sdelay $0x4  }
0x155: {  	vm0 =	vgt.s32 v2, $0xF423F  }
0x156: {  	v2 =	vsel vm0, $0x0, v2  }
0x157: {  	[tilespmem:$0x6600] =	vst v2  }
0x158: {  	v2 =	vld [tilespmem:s15+$0x10];
	_ =	sdelay $0x4  }
0x159: {  	vm14 =	vgt.s32 v2, $0xF423F  }
0x15a: {  	v2 =	vsel vm14, $0x0, v2  }
0x15b: {  	[tilespmem:$0x6610] =	vst v2  }
0x15c: {  	v2 =	vld [tilespmem:s15+$0x20];
	_ =	sdelay $0x4  }
0x15d: {  	vm15 =	vgt.s32 v2, $0xF423F  }
0x15e: {  	v2 =	vsel vm15, $0x0, v2  }
0x15f: {  	[tilespmem:$0x6620] =	vst v2  }
0x160: {  	v2 =	vld [tilespmem:s15+$0x30];
	_ =	sdelay $0x4  }
0x161: {  	vm4 =	vgt.s32 v2, $0xF423F  }
0x162: {  	v2 =	vsel vm4, $0x0, v2  }
0x163: {  	[tilespmem:$0x6630] =	vst v2  }
0x164: {  	v2 =	vld [tilespmem:s15+$0x40];
	_ =	sdelay $0x4  }
0x165: {  	vm5 =	vgt.s32 v2, $0xF423F  }
0x166: {  	v2 =	vsel vm5, $0x0, v2  }
0x167: {  	[tilespmem:$0x6640] =	vst v2  }
0x168: {  	v2 =	vld [tilespmem:s15+$0x50];
	_ =	sdelay $0x4  }
0x169: {  	vm6 =	vgt.s32 v2, $0xF423F  }
0x16a: {  	v2 =	vsel vm6, $0x0, v2  }
0x16b: {  	[tilespmem:$0x6650] =	vst v2  }
0x16c: {  	v2 =	vld [tilespmem:s15+$0x60];
	_ =	sdelay $0x4  }
0x16d: {  	vm7 =	vgt.s32 v2, $0xF423F  }
0x16e: {  	v2 =	vsel vm7, $0x0, v2  }
0x16f: {  	[tilespmem:$0x6660] =	vst v2  }
0x170: {  	v2 =	vld [tilespmem:s15+$0x70];
	_ =	sdelay $0x4  }
0x171: {  	vm8 =	vgt.s32 v2, $0xF423F  }
0x172: {  	v2 =	vsel vm8, $0x0, v2  }
0x173: {  	[tilespmem:$0x6670] =	vst v2  }
0x174: {  	v2 =	vld [tilespmem:s15+$0x80];
	_ =	sdelay $0x4  }
0x175: {  	vm9 =	vgt.s32 v2, $0xF423F  }
0x176: {  	v2 =	vsel vm9, $0x0, v2  }
0x177: {  	[tilespmem:$0x6680] =	vst v2  }
0x178: {  	v2 =	vld [tilespmem:s15+$0x90];
	_ =	sdelay $0x4  }
0x179: {  	vm10 =	vgt.s32 v2, $0xF423F  }
0x17a: {  	v2 =	vsel vm10, $0x0, v2  }
0x17b: {  	[tilespmem:$0x6690] =	vst v2  }
0x17c: {  	v2 =	vld [tilespmem:s15+$0xA0];
	_ =	sdelay $0x4  }
0x17d: {  	vm11 =	vgt.s32 v2, $0xF423F  }
0x17e: {  	v2 =	vsel vm11, $0x0, v2  }
0x17f: {  	[tilespmem:$0x66A0] =	vst v2  }
0x180: {  	v2 =	vld [tilespmem:s15+$0xB0];
	_ =	sdelay $0x4  }
0x181: {  	vm12 =	vgt.s32 v2, $0xF423F  }
0x182: {  	v2 =	vsel vm12, $0x0, v2  }
0x183: {  	[tilespmem:$0x66B0] =	vst v2  }
0x184: {  	v2 =	vld [tilespmem:s15+$0xC0];
	_ =	sdelay $0x4  }
0x185: {  	vm13 =	vgt.s32 v2, $0xF423F  }
0x186: {  	v2 =	vsel vm13, $0x0, v2  }
0x187: {  	[tilespmem:$0x66C0] =	vst v2  }
0x188: {  	v2 =	vld [tilespmem:s15+$0xD0];
	_ =	sdelay $0x4  }
0x189: {  	vm14 =	vgt.s32 v2, $0xF423F  }
0x18a: {  	v2 =	vsel vm14, $0x0, v2  }
0x18b: {  	[tilespmem:$0x66D0] =	vst v2  }
0x18c: {  	v2 =	vld [tilespmem:s15+$0xE0];
	_ =	sdelay $0x4  }
0x18d: {  	vm15 =	vgt.s32 v2, $0xF423F  }
0x18e: {  	v2 =	vsel vm15, $0x0, v2  }
0x18f: {  	[tilespmem:$0x66E0] =	vst v2  }
0x190: {  	v2 =	vld [tilespmem:s15+$0xF0];
	_ =	sdelay $0x4  }
0x191: {  	vm4 =	vgt.s32 v2, $0xF423F  }
0x192: {  	v2 =	vsel vm4, $0x0, v2  }
0x193: {  	[tilespmem:$0x66F0] =	vst v2  }
0x194: {  	v2 =	vld [tilespmem:s15+$0x100];
	_ =	sdelay $0x4  }
0x195: {  	vm5 =	vgt.s32 v2, $0xF423F  }
0x196: {  	v2 =	vsel vm5, $0x0, v2  }
0x197: {  	[tilespmem:$0x6700] =	vst v2  }
0x198: {  	v2 =	vld [tilespmem:s15+$0x110];
	_ =	sdelay $0x4  }
0x199: {  	vm6 =	vgt.s32 v2, $0xF423F  }
0x19a: {  	v2 =	vsel vm6, $0x0, v2  }
0x19b: {  	[tilespmem:$0x6710] =	vst v2  }
0x19c: {  	v2 =	vld [tilespmem:s15+$0x120];
	_ =	sdelay $0x4  }
0x19d: {  	vm7 =	vgt.s32 v2, $0xF423F  }
0x19e: {  	v2 =	vsel vm7, $0x0, v2  }
0x19f: {  	[tilespmem:$0x6720] =	vst v2  }
0x1a0: {  	v2 =	vld [tilespmem:s15+$0x130];
	_ =	sdelay $0x4  }
0x1a1: {  	vm8 =	vgt.s32 v2, $0xF423F  }
0x1a2: {  	v2 =	vsel vm8, $0x0, v2  }
0x1a3: {  	[tilespmem:$0x6730] =	vst v2  }
0x1a4: {  	v2 =	vld [tilespmem:s15+$0x140];
	_ =	sdelay $0x4  }
0x1a5: {  	vm9 =	vgt.s32 v2, $0xF423F  }
0x1a6: {  	v2 =	vsel vm9, $0x0, v2  }
0x1a7: {  	[tilespmem:$0x6740] =	vst v2  }
0x1a8: {  	v2 =	vld [tilespmem:s15+$0x150];
	_ =	sdelay $0x4  }
0x1a9: {  	vm10 =	vgt.s32 v2, $0xF423F  }
0x1aa: {  	v2 =	vsel vm10, $0x0, v2  }
0x1ab: {  	[tilespmem:$0x6750] =	vst v2  }
0x1ac: {  	v2 =	vld [tilespmem:s15+$0x160];
	_ =	sdelay $0x4  }
0x1ad: {  	vm11 =	vgt.s32 v2, $0xF423F  }
0x1ae: {  	v2 =	vsel vm11, $0x0, v2  }
0x1af: {  	[tilespmem:$0x6760] =	vst v2  }
0x1b0: {  	v2 =	vld [tilespmem:s15+$0x170];
	_ =	sdelay $0x4  }
0x1b1: {  	vm12 =	vgt.s32 v2, $0xF423F  }
0x1b2: {  	v2 =	vsel vm12, $0x0, v2  }
0x1b3: {  	[tilespmem:$0x6770] =	vst v2  }
0x1b4: {  	v2 =	vld [tilespmem:s15+$0x180];
	_ =	sdelay $0x4  }
0x1b5: {  	vm13 =	vgt.s32 v2, $0xF423F  }
0x1b6: {  	v2 =	vsel vm13, $0x0, v2  }
0x1b7: {  	[tilespmem:$0x6780] =	vst v2  }
0x1b8: {  	v2 =	vld [tilespmem:s15+$0x190];
	_ =	sdelay $0x4  }
0x1b9: {  	vm14 =	vgt.s32 v2, $0xF423F  }
0x1ba: {  	v2 =	vsel vm14, $0x0, v2  }
0x1bb: {  	[tilespmem:$0x6790] =	vst v2  }
0x1bc: {  	v2 =	vld [tilespmem:s15+$0x1A0];
	_ =	sdelay $0x4  }
0x1bd: {  	vm15 =	vgt.s32 v2, $0xF423F  }
0x1be: {  	v2 =	vsel vm15, $0x0, v2  }
0x1bf: {  	[tilespmem:$0x67A0] =	vst v2  }
0x1c0: {  	v2 =	vld [tilespmem:s15+$0x1B0];
	_ =	sdelay $0x4  }
0x1c1: {  	vm4 =	vgt.s32 v2, $0xF423F  }
0x1c2: {  	v2 =	vsel vm4, $0x0, v2  }
0x1c3: {  	[tilespmem:$0x67B0] =	vst v2  }
0x1c4: {  	v2 =	vld [tilespmem:s15+$0x1C0];
	_ =	sdelay $0x4  }
0x1c5: {  	vm5 =	vgt.s32 v2, $0xF423F  }
0x1c6: {  	v2 =	vsel vm5, $0x0, v2  }
0x1c7: {  	[tilespmem:$0x67C0] =	vst v2  }
0x1c8: {  	v2 =	vld [tilespmem:s15+$0x1D0];
	_ =	sdelay $0x4  }
0x1c9: {  	vm6 =	vgt.s32 v2, $0xF423F  }
0x1ca: {  	v2 =	vsel vm6, $0x0, v2  }
0x1cb: {  	[tilespmem:$0x67D0] =	vst v2  }
0x1cc: {  	v2 =	vld [tilespmem:s15+$0x1E0];
	_ =	sdelay $0x4  }
0x1cd: {  	vm7 =	vgt.s32 v2, $0xF423F  }
0x1ce: {  	v2 =	vsel vm7, $0x0, v2  }
0x1cf: {  	[tilespmem:$0x67E0] =	vst v2  }
0x1d0: {  	v2 =	vld [tilespmem:s15+$0x1F0];
	_ =	sdelay $0x4  }
0x1d1: {  	vm8 =	vgt.s32 v2, $0xF423F  }
0x1d2: {  	v2 =	vsel vm8, $0x0, v2  }
0x1d3: {  	s16 =	simm.s32 $0x6600;
	[tilespmem:$0x67F0] =	vst v2  }
0x1d4: {  	[tilespmem:s19], [sflag:$0x3] =	stream.indirect.gather [hbm4b:s4+s9], $0x20, s16, s9, $0xb8;
	[tilespmem:$0x16C00] =	vst v63  }
0x1d5: {  	s18 =	simm.s32 $0x6680;
	s17 =	simm.s32 $0xB800  }
0x1d6: {  	[tilespmem:s17], [sflag:$0x3] =	stream.indirect.gather [hbm4b:s4+s9], $0x20, s18, s9, $0xb8;
	[tilespmem:$0x16C00] =	vst v63  }
0x1d7: {  	s20 =	simm.s32 $0x6700  }
0x1d8: {  	[tilespmem:s23], [sflag:$0x3] =	stream.indirect.gather [hbm4b:s4+s9], $0x20, s20, s9, $0xb8;
	[tilespmem:$0x16C00] =	vst v63  }
0x1d9: {  	_ = 	snop  }
0x1da: {  	[tilespmem:s25], [sflag:$0x3] =	stream.indirect.gather [hbm4b:s4+s9], $0x20, s24, s9, $0xb8;
	[tilespmem:$0x16C00] =	vst v63  }
0x1db: {  	_ =	swait.ge [sflag:s26], $0x1000  }
0x1dc: {  	[sflag:s26] =	ssyncset.done $0x0  }
0x1dd: {  	[sflag:s26] =	ssyncadd.s32 $0xFFFFF000  }
0x1de: {  	_ =	swait.ge [sflag:s26], $0x1000  }
0x1df: {  	[sflag:s26] =	ssyncset.done $0x0  }
0x1e0: {  	[sflag:s26] =	ssyncadd.s32 $0xFFFFF000  }
0x1e1: {  	_ =	swait.ge [sflag:s26], $0x1000  }
0x1e2: {  	[sflag:s26] =	ssyncset.done $0x0  }
0x1e3: {  	[sflag:s26] =	ssyncadd.s32 $0xFFFFF000  }
0x1e4: {  	_ =	swait.ge [sflag:s26], $0x1000  }
0x1e5: {  	s21 =	sshll.u32 s13, $0xA;
	[sflag:s26] =	ssyncset.done $0x0  }
0x1e6: {  	s16 =	sand.u32 $0x3FFFFC00, s21;
	[sflag:s26] =	ssyncadd.s32 $0xFFFFF000  }
0x1e7: {  	v2 =	vld [tilespmem:s16+$0x0]  }
0x1e8: {  	v3 =	vld [tilespmem:s16+$0x10]  }
0x1e9: {  	v5 =	vld [tilespmem:s16+$0x20]  }
0x1ea: {  	v6 =	vld [tilespmem:s16+$0x30]  }
0x1eb: {  	v7 =	vld [tilespmem:s16+$0x40]  }
0x1ec: {  	v8 =	vld [tilespmem:s16+$0x50]  }
0x1ed: {  	vm9 =	vgt.s32 v2, $0xF423F;
	vm1 =	vgt.s32 v3, $0xF423F;
	v2 =	vld [tilespmem:s16+$0x60]  }
0x1ee: {  	vm10 =	vgt.s32 v5, $0xF423F;
	v5 =	vld [tilespmem:s16+$0x70];
	v3 =	vsel vm9, $0x1, v0;
	v9 =	vsel vm1, $0x1, v0  }
0x1ef: {  	vm11 =	vgt.s32 v6, $0xF423F;
	v6 =	vld [tilespmem:s16+$0x80];
	v3 =	vadd.s32 v3, v9;
	v9 =	vsel vm10, $0x1, v0  }
0x1f0: {  	vm12 =	vgt.s32 v7, $0xF423F;
	v7 =	vld [tilespmem:s16+$0x90];
	v3 =	vadd.s32 v9, v3;
	v9 =	vsel vm11, $0x1, v0  }
0x1f1: {  	vm13 =	vgt.s32 v8, $0xF423F;
	v8 =	vld [tilespmem:s16+$0xA0];
	v3 =	vadd.s32 v9, v3;
	v9 =	vsel vm12, $0x1, v0  }
0x1f2: {  	v3 =	vadd.s32 v9, v3;
	v9 =	vsel vm13, $0x1, v0;
	vm14 =	vgt.s32 v2, $0xF423F;
	v2 =	vld [tilespmem:s16+$0xB0]  }
0x1f3: {  	vm15 =	vgt.s32 v5, $0xF423F;
	v5 =	vld [tilespmem:s16+$0xC0];
	v3 =	vadd.s32 v9, v3;
	v9 =	vsel vm14, $0x1, v0  }
0x1f4: {  	vm4 =	vgt.s32 v6, $0xF423F;
	v6 =	vld [tilespmem:s16+$0xD0];
	v3 =	vadd.s32 v9, v3;
	v9 =	vsel vm15, $0x1, v0  }
0x1f5: {  	vm5 =	vgt.s32 v7, $0xF423F;
	v7 =	vld [tilespmem:s16+$0xE0];
	v3 =	vadd.s32 v9, v3;
	v9 =	vsel vm4, $0x1, v0  }
0x1f6: {  	vm6 =	vgt.s32 v8, $0xF423F;
	v8 =	vld [tilespmem:s16+$0xF0];
	v3 =	vadd.s32 v9, v3;
	v9 =	vsel vm5, $0x1, v0  }
0x1f7: {  	v3 =	vadd.s32 v9, v3;
	v9 =	vsel vm6, $0x1, v0;
	vm7 =	vgt.s32 v2, $0xF423F;
	v2 =	vld [tilespmem:s16+$0x100]  }
0x1f8: {  	vm8 =	vgt.s32 v5, $0xF423F;
	v5 =	vld [tilespmem:s16+$0x110];
	v3 =	vadd.s32 v9, v3;
	v9 =	vsel vm7, $0x1, v0  }
0x1f9: {  	vm9 =	vgt.s32 v6, $0xF423F;
	v6 =	vld [tilespmem:s16+$0x120];
	v3 =	vadd.s32 v9, v3;
	v9 =	vsel vm8, $0x1, v0  }
0x1fa: {  	vm10 =	vgt.s32 v7, $0xF423F;
	v7 =	vld [tilespmem:s16+$0x130];
	v3 =	vadd.s32 v9, v3;
	v9 =	vsel vm9, $0x1, v0  }
0x1fb: {  	vm11 =	vgt.s32 v8, $0xF423F;
	v8 =	vld [tilespmem:s16+$0x140];
	v3 =	vadd.s32 v9, v3;
	v9 =	vsel vm10, $0x1, v0  }
0x1fc: {  	v3 =	vadd.s32 v9, v3;
	v9 =	vsel vm11, $0x1, v0;
	vm12 =	vgt.s32 v2, $0xF423F;
	v2 =	vld [tilespmem:s16+$0x150]  }
0x1fd: {  	vm13 =	vgt.s32 v5, $0xF423F;
	v5 =	vld [tilespmem:s16+$0x160];
	v3 =	vadd.s32 v9, v3;
	v9 =	vsel vm12, $0x1, v0  }
0x1fe: {  	vm14 =	vgt.s32 v6, $0xF423F;
	v6 =	vld [tilespmem:s16+$0x170];
	v3 =	vadd.s32 v9, v3;
	v9 =	vsel vm13, $0x1, v0  }
0x1ff: {  	vm15 =	vgt.s32 v7, $0xF423F;
	v7 =	vld [tilespmem:s16+$0x180];
	v3 =	vadd.s32 v9, v3;
	v9 =	vsel vm14, $0x1, v0  }
0x200: {  	vm4 =	vgt.s32 v8, $0xF423F;
	v8 =	vld [tilespmem:s16+$0x190];
	v3 =	vadd.s32 v9, v3;
	v9 =	vsel vm15, $0x1, v0  }
0x201: {  	v3 =	vadd.s32 v9, v3;
	v9 =	vsel vm4, $0x1, v0;
	vm5 =	vgt.s32 v2, $0xF423F;
	v2 =	vld [tilespmem:s16+$0x1A0]  }
0x202: {  	vm6 =	vgt.s32 v5, $0xF423F;
	v5 =	vld [tilespmem:s16+$0x1B0];
	v3 =	vadd.s32 v9, v3;
	v9 =	vsel vm5, $0x1, v0  }
0x203: {  	vm7 =	vgt.s32 v6, $0xF423F;
	v6 =	vld [tilespmem:s16+$0x1C0];
	v3 =	vadd.s32 v9, v3;
	v9 =	vsel vm6, $0x1, v0  }
0x204: {  	vm8 =	vgt.s32 v7, $0xF423F;
	v7 =	vld [tilespmem:s16+$0x1D0];
	v3 =	vadd.s32 v9, v3;
	v9 =	vsel vm7, $0x1, v0  }
0x205: {  	vm9 =	vgt.s32 v8, $0xF423F;
	v8 =	vld [tilespmem:s16+$0x1E0];
	v3 =	vadd.s32 v9, v3;
	v9 =	vsel vm8, $0x1, v0  }
0x206: {  	v3 =	vadd.s32 v9, v3;
	v9 =	vsel vm9, $0x1, v0;
	vm10 =	vgt.s32 v2, $0xF423F;
	v2 =	vld [tilespmem:s16+$0x1F0]  }
0x207: {  	vm11 =	vgt.s32 v5, $0xF423F;
	v3 =	vadd.s32 v9, v3;
	v9 =	vsel vm10, $0x1, v0  }
0x208: {  	vm12 =	vgt.s32 v6, $0xF423F;
	v5 =	vsel vm11, $0x1, v0;
	v3 =	vadd.s32 v9, v3  }
0x209: {  	vm13 =	vgt.s32 v7, $0xF423F;
	v3 =	vadd.s32 v5, v3;
	v5 =	vsel vm12, $0x1, v0  }
0x20a: {  	vm14 =	vgt.s32 v8, $0xF423F;
	v3 =	vadd.s32 v5, v3;
	v5 =	vsel vm13, $0x1, v0  }
0x20b: {  	v3 =	vadd.s32 v5, v3;
	v5 =	vsel vm14, $0x1, v0;
	vm15 =	vgt.s32 v2, $0xF423F  }
0x20c: {  	v2 =	vadd.s32 v5, v3;
	v3 =	vsel vm15, $0x1, v0  }
0x20d: {  	v2 =	vadd.s32 v3, v2  }
0x20e: {  	(xrf0) =	vadd.scan.msk.s32 $0xffff, v2;
	_ =	sdelay $0x5  }
0x20f: {  	v2, _, _ =	vpop (xrf0)  }
0x210: {  	(v2sf) =	vpush v2, $0xF;
	_ =	sdelay $0xe  }
0x211: {  	s22 =	spop (v2sf)  }
0x212: {  	p0 =	slt.s32 s22, $0x1  }
.Ltmp0:
0x213: {  	_ = 	snop;
	(pc) =	sbr.rel @p0 .LBB2_6-.Ltmp0, $2  }
0x214: {  	_ =	sdelay $0x2  }
0x215: {  	s17 =	simm.s32 $0x0  }
0x216: {  	v3 =	vld [tilespmem:s12+$0x0];
	_ =	sdelay $0x3  }
0x217: {  	v5 =	vmov s17;
	v2 =	vmul.u32 $0x20, v4  }
0x218: {  	vm0 =	vgt.s32 v3, $0xF423F;
	v3 =	vshll.u32 v5, $0x5  }
0x219: {  	v3 =	vor.u32 v2, v3  }
0x21a: {  	v5 =	vor.u32 $0x1, v3  }
0x21b: {  	v6 =	vor.u32 $0x2, v3  }
0x21c: {  	v7 =	vor.u32 $0x3, v3  }
0x21d: {  	v8 =	vor.u32 $0x4, v3  }
0x21e: {  	v9 =	vor.u32 $0x5, v3;
	[tilespmem:v3+s11+$0x0] =	vst.idx.msk vm0, v1  }
0x21f: {  	[tilespmem:v5+s11+$0x0] =	vst.idx.msk vm0, v1;
	v5 =	vor.u32 $0x6, v3  }
0x220: {  	[tilespmem:v6+s11+$0x0] =	vst.idx.msk vm0, v1;
	v6 =	vor.u32 $0x7, v3  }
0x221: {  	[tilespmem:v7+s11+$0x0] =	vst.idx.msk vm0, v1;
	v7 =	vor.u32 $0x8, v3  }
0x222: {  	[tilespmem:v8+s11+$0x0] =	vst.idx.msk vm0, v1;
	v8 =	vor.u32 $0x9, v3  }
0x223: {  	[tilespmem:v9+s11+$0x0] =	vst.idx.msk vm0, v1;
	v9 =	vor.u32 $0xA, v3  }
0x224: {  	[tilespmem:v5+s11+$0x0] =	vst.idx.msk vm0, v1;
	v5 =	vor.u32 $0xB, v3  }
0x225: {  	[tilespmem:v6+s11+$0x0] =	vst.idx.msk vm0, v1;
	v6 =	vor.u32 $0xC, v3  }
0x226: {  	[tilespmem:v7+s11+$0x0] =	vst.idx.msk vm0, v1;
	v7 =	vor.u32 $0xD, v3  }
0x227: {  	[tilespmem:v8+s11+$0x0] =	vst.idx.msk vm0, v1;
	v8 =	vor.u32 $0xE, v3  }
0x228: {  	[tilespmem:v9+s11+$0x0] =	vst.idx.msk vm0, v1;
	v9 =	vor.u32 $0xF, v3  }
0x229: {  	[tilespmem:v5+s11+$0x0] =	vst.idx.msk vm0, v1;
	v5 =	vor.u32 $0x10, v3  }
0x22a: {  	[tilespmem:v6+s11+$0x0] =	vst.idx.msk vm0, v1;
	v6 =	vor.u32 $0x11, v3  }
0x22b: {  	[tilespmem:v7+s11+$0x0] =	vst.idx.msk vm0, v1;
	v7 =	vor.u32 $0x12, v3  }
0x22c: {  	[tilespmem:v8+s11+$0x0] =	vst.idx.msk vm0, v1;
	v8 =	vor.u32 $0x13, v3  }
0x22d: {  	[tilespmem:v9+s11+$0x0] =	vst.idx.msk vm0, v1;
	v9 =	vor.u32 $0x14, v3  }
0x22e: {  	[tilespmem:v5+s11+$0x0] =	vst.idx.msk vm0, v1;
	v5 =	vor.u32 $0x15, v3  }
0x22f: {  	[tilespmem:v6+s11+$0x0] =	vst.idx.msk vm0, v1;
	v6 =	vor.u32 $0x16, v3  }
0x230: {  	[tilespmem:v7+s11+$0x0] =	vst.idx.msk vm0, v1;
	v7 =	vor.u32 $0x17, v3  }
0x231: {  	[tilespmem:v8+s11+$0x0] =	vst.idx.msk vm0, v1;
	v8 =	vor.u32 $0x18, v3  }
0x232: {  	[tilespmem:v9+s11+$0x0] =	vst.idx.msk vm0, v1;
	v9 =	vor.u32 $0x19, v3  }
0x233: {  	[tilespmem:v5+s11+$0x0] =	vst.idx.msk vm0, v1;
	v5 =	vor.u32 $0x1A, v3  }
0x234: {  	[tilespmem:v6+s11+$0x0] =	vst.idx.msk vm0, v1;
	v6 =	vor.u32 $0x1B, v3  }
0x235: {  	[tilespmem:v7+s11+$0x0] =	vst.idx.msk vm0, v1;
	v7 =	vor.u32 $0x1C, v3  }
0x236: {  	[tilespmem:v8+s11+$0x0] =	vst.idx.msk vm0, v1;
	v8 =	vor.u32 $0x1D, v3  }
0x237: {  	[tilespmem:v9+s11+$0x0] =	vst.idx.msk vm0, v1;
	v9 =	vor.u32 $0x1E, v3  }
0x238: {  	[tilespmem:v5+s11+$0x0] =	vst.idx.msk vm0, v1  }
0x239: {  	v3 =	vor.u32 $0x1F, v3;
	[tilespmem:v6+s11+$0x0] =	vst.idx.msk vm0, v1  }
0x23a: {  	[tilespmem:v7+s11+$0x0] =	vst.idx.msk vm0, v1  }
0x23b: {  	[tilespmem:v8+s11+$0x0] =	vst.idx.msk vm0, v1  }
0x23c: {  	s18 =	simm.s32 $0x10;
	s20 =	smov.u32 s12;
	[tilespmem:v9+s11+$0x0] =	vst.idx.msk vm0, v1  }
.LBB2_4:
0x23d: {  	p0 =	sne.s32 s18, $0x1F0  }
0x23e: {  	[tilespmem:v3+s11+$0x0] =	vst.idx.msk vm0, v1;
	s20 =	sadd.s32 $0x10, s20;
	s21 =	smov.u32 s18;
	s18 =	sadd.s32 $0x10, s18  }
0x23f: {  	v3 =	vld [tilespmem:s20+$0x0];
	_ =	sdelay $0x3  }
0x240: {  	v5 =	vmov s21  }
0x241: {  	vm0 =	vgt.s32 v3, $0xF423F;
	v3 =	vshll.u32 v5, $0x5  }
0x242: {  	v3 =	vor.u32 v2, v3  }
0x243: {  	v5 =	vor.u32 $0x1, v3  }
0x244: {  	v6 =	vor.u32 $0x2, v3  }
0x245: {  	v7 =	vor.u32 $0x3, v3  }
0x246: {  	v8 =	vor.u32 $0x4, v3  }
0x247: {  	v9 =	vor.u32 $0x5, v3;
	[tilespmem:v3+s11+$0x0] =	vst.idx.msk vm0, v1  }
0x248: {  	[tilespmem:v5+s11+$0x0] =	vst.idx.msk vm0, v1;
	v5 =	vor.u32 $0x6, v3  }
0x249: {  	[tilespmem:v6+s11+$0x0] =	vst.idx.msk vm0, v1;
	v6 =	vor.u32 $0x7, v3  }
0x24a: {  	[tilespmem:v7+s11+$0x0] =	vst.idx.msk vm0, v1;
	v7 =	vor.u32 $0x8, v3  }
0x24b: {  	[tilespmem:v8+s11+$0x0] =	vst.idx.msk vm0, v1;
	v8 =	vor.u32 $0x9, v3  }
0x24c: {  	[tilespmem:v9+s11+$0x0] =	vst.idx.msk vm0, v1;
	v9 =	vor.u32 $0xA, v3  }
0x24d: {  	[tilespmem:v5+s11+$0x0] =	vst.idx.msk vm0, v1;
	v5 =	vor.u32 $0xB, v3  }
0x24e: {  	[tilespmem:v6+s11+$0x0] =	vst.idx.msk vm0, v1;
	v6 =	vor.u32 $0xC, v3  }
0x24f: {  	[tilespmem:v7+s11+$0x0] =	vst.idx.msk vm0, v1;
	v7 =	vor.u32 $0xD, v3  }
0x250: {  	[tilespmem:v8+s11+$0x0] =	vst.idx.msk vm0, v1;
	v8 =	vor.u32 $0xE, v3  }
0x251: {  	[tilespmem:v9+s11+$0x0] =	vst.idx.msk vm0, v1;
	v9 =	vor.u32 $0xF, v3  }
0x252: {  	[tilespmem:v5+s11+$0x0] =	vst.idx.msk vm0, v1;
	v5 =	vor.u32 $0x10, v3  }
0x253: {  	[tilespmem:v6+s11+$0x0] =	vst.idx.msk vm0, v1;
	v6 =	vor.u32 $0x11, v3  }
0x254: {  	[tilespmem:v7+s11+$0x0] =	vst.idx.msk vm0, v1;
	v7 =	vor.u32 $0x12, v3  }
0x255: {  	[tilespmem:v8+s11+$0x0] =	vst.idx.msk vm0, v1;
	v8 =	vor.u32 $0x13, v3  }
0x256: {  	[tilespmem:v9+s11+$0x0] =	vst.idx.msk vm0, v1;
	v9 =	vor.u32 $0x14, v3  }
0x257: {  	[tilespmem:v5+s11+$0x0] =	vst.idx.msk vm0, v1;
	v5 =	vor.u32 $0x15, v3  }
0x258: {  	[tilespmem:v6+s11+$0x0] =	vst.idx.msk vm0, v1;
	v6 =	vor.u32 $0x16, v3  }
0x259: {  	[tilespmem:v7+s11+$0x0] =	vst.idx.msk vm0, v1;
	v7 =	vor.u32 $0x17, v3  }
0x25a: {  	[tilespmem:v8+s11+$0x0] =	vst.idx.msk vm0, v1;
	v8 =	vor.u32 $0x18, v3  }
0x25b: {  	[tilespmem:v9+s11+$0x0] =	vst.idx.msk vm0, v1;
	v9 =	vor.u32 $0x19, v3  }
0x25c: {  	[tilespmem:v5+s11+$0x0] =	vst.idx.msk vm0, v1;
	v5 =	vor.u32 $0x1A, v3  }
0x25d: {  	[tilespmem:v6+s11+$0x0] =	vst.idx.msk vm0, v1;
	v6 =	vor.u32 $0x1B, v3  }
0x25e: {  	[tilespmem:v7+s11+$0x0] =	vst.idx.msk vm0, v1;
	v7 =	vor.u32 $0x1C, v3  }
0x25f: {  	[tilespmem:v8+s11+$0x0] =	vst.idx.msk vm0, v1;
	v8 =	vor.u32 $0x1D, v3  }
0x260: {  	[tilespmem:v9+s11+$0x0] =	vst.idx.msk vm0, v1;
	v9 =	vor.u32 $0x1E, v3  }
.Ltmp1:
0x261: {  	v3 =	vor.u32 $0x1F, v3;
	[tilespmem:v5+s11+$0x0] =	vst.idx.msk vm0, v1;
	(pc) =	sbr.rel @p0 .LBB2_4-.Ltmp1, $4  }
0x262: {  	[tilespmem:v6+s11+$0x0] =	vst.idx.msk vm0, v1  }
0x263: {  	[tilespmem:v7+s11+$0x0] =	vst.idx.msk vm0, v1  }
0x264: {  	[tilespmem:v8+s11+$0x0] =	vst.idx.msk vm0, v1  }
0x265: {  	[tilespmem:v9+s11+$0x0] =	vst.idx.msk vm0, v1  }
0x266: {  	_ =	sdelay $0x4  }
0x267: {  	[tilespmem:v3+s11+$0x0] =	vst.idx.msk vm0, v1  }
.LBB2_6:
0x268: {  	p0 =	seq.s32 s13, $0x0  }
0x269: {  	s20 =	simm.s32 @!p0 $0x4  }
0x26a: {  	_ =	swait.ge @!p0 [sflag:s20], $0x1000  }
0x26b: {  	[sflag:s20] =	ssyncset.done @!p0 $0x0  }
0x26c: {  	[sflag:s20] =	ssyncadd.s32 @!p0 $0xFFFFF000  }
0x26d: {  	_ =	swait.ge @!p0 [sflag:s20], $0x1000  }
0x26e: {  	[sflag:s20] =	ssyncset.done @!p0 $0x0  }
0x26f: {  	[sflag:s20] =	ssyncadd.s32 @!p0 $0xFFFFF000  }
0x270: {  	_ =	swait.ge @!p0 [sflag:s20], $0x1000  }
0x271: {  	[sflag:s20] =	ssyncset.done @!p0 $0x0  }
0x272: {  	[sflag:s20] =	ssyncadd.s32 @!p0 $0xFFFFF000  }
0x273: {  	_ =	swait.ge @!p0 [sflag:s20], $0x1000  }
0x274: {  	[sflag:s20] =	ssyncset.done @!p0 $0x0  }
0x275: {  	s18 =	sshll.u32 s13, $0x1;
	[sflag:s20] =	ssyncadd.s32 @!p0 $0xFFFFF000;
	s20 =	simm.s32 $0x0  }
.LBB2_7:
0x276: {  	v5 =	vld [tilespmem:$0x16800];
	_ =	sdelay $0x2  }
0x277: {  	v3 =	vmov s20;
	v2 =	vmul.u32 $0x20, v4  }
0x278: {  	v3 =	vshll.u32 v3, $0x5  }
0x279: {  	v3 =	vor.u32 v2, v3;
	v6 =	vand.u32 $0xFFFFFFF8, v5  }
0x27a: {  	v5 =	vand.u32 $0x7, v5;
	v6 =	vadd.s32 v3, v6  }
0x27b: {  	v7 =	vld [tilespmem:$0x16A00];
	v5 =	vor.u32 v5, v6;
	_ =	sdelay $0x2  }
0x27c: {  	s21 =	sand.u32 $0xC00, s17;
	s22 =	sand.u32 $0x70, s20  }
0x27d: {  	s21 =	sor.u32 s22, s21  }
0x27e: {  	v6 =	vadd.s32 s21, v7;
	v5 =	vld.idx.msk [tilespmem:v5+s11+$0x0], $0xffff;
	_ =	sdelay $0x4  }
0x27f: {  	[tilespmem:v6+s28+$0x0] =	vst.idx.msk $0xffff, v5  }
0x280: {  	v5 =	vld [tilespmem:$0x16810];
	_ =	sdelay $0x4  }
0x281: {  	v6 =	vand.u32 $0xFFFFFFF8, v5  }
0x282: {  	v5 =	vand.u32 $0x7, v5;
	v6 =	vadd.s32 v3, v6  }
0x283: {  	v7 =	vld [tilespmem:$0x16A10];
	v5 =	vor.u32 v5, v6;
	_ =	sdelay $0x4  }
0x284: {  	v6 =	vadd.s32 s21, v7;
	v5 =	vld.idx.msk [tilespmem:v5+s11+$0x0], $0xffff;
	_ =	sdelay $0x4  }
0x285: {  	[tilespmem:v6+s28+$0x0] =	vst.idx.msk $0xffff, v5  }
0x286: {  	v5 =	vld [tilespmem:$0x16820];
	_ =	sdelay $0x4  }
0x287: {  	v6 =	vand.u32 $0xFFFFFFF8, v5  }
0x288: {  	v5 =	vand.u32 $0x7, v5;
	v6 =	vadd.s32 v3, v6  }
0x289: {  	v7 =	vld [tilespmem:$0x16A20];
	v5 =	vor.u32 v5, v6;
	_ =	sdelay $0x4  }
0x28a: {  	v6 =	vadd.s32 s21, v7;
	v5 =	vld.idx.msk [tilespmem:v5+s11+$0x0], $0xffff;
	_ =	sdelay $0x4  }
0x28b: {  	[tilespmem:v6+s28+$0x0] =	vst.idx.msk $0xffff, v5  }
0x28c: {  	v5 =	vld [tilespmem:$0x16830];
	_ =	sdelay $0x4  }
0x28d: {  	v6 =	vand.u32 $0xFFFFFFF8, v5  }
0x28e: {  	v5 =	vand.u32 $0x7, v5;
	v6 =	vadd.s32 v3, v6  }
0x28f: {  	v7 =	vld [tilespmem:$0x16A30];
	v5 =	vor.u32 v5, v6;
	_ =	sdelay $0x4  }
0x290: {  	v6 =	vadd.s32 s21, v7;
	v5 =	vld.idx.msk [tilespmem:v5+s11+$0x0], $0xffff;
	_ =	sdelay $0x4  }
0x291: {  	[tilespmem:v6+s28+$0x0] =	vst.idx.msk $0xffff, v5  }
0x292: {  	v5 =	vld [tilespmem:$0x16840];
	_ =	sdelay $0x4  }
0x293: {  	v6 =	vand.u32 $0xFFFFFFF8, v5  }
0x294: {  	v5 =	vand.u32 $0x7, v5;
	v6 =	vadd.s32 v3, v6  }
0x295: {  	v7 =	vld [tilespmem:$0x16A40];
	v5 =	vor.u32 v5, v6;
	_ =	sdelay $0x4  }
0x296: {  	v6 =	vadd.s32 s21, v7;
	v5 =	vld.idx.msk [tilespmem:v5+s11+$0x0], $0xffff;
	_ =	sdelay $0x4  }
0x297: {  	[tilespmem:v6+s28+$0x0] =	vst.idx.msk $0xffff, v5  }
0x298: {  	v5 =	vld [tilespmem:$0x16850];
	_ =	sdelay $0x4  }
0x299: {  	v6 =	vand.u32 $0xFFFFFFF8, v5  }
0x29a: {  	v5 =	vand.u32 $0x7, v5;
	v6 =	vadd.s32 v3, v6  }
0x29b: {  	v7 =	vld [tilespmem:$0x16A50];
	v5 =	vor.u32 v5, v6;
	_ =	sdelay $0x4  }
0x29c: {  	v6 =	vadd.s32 s21, v7;
	v5 =	vld.idx.msk [tilespmem:v5+s11+$0x0], $0xffff;
	_ =	sdelay $0x4  }
0x29d: {  	[tilespmem:v6+s28+$0x0] =	vst.idx.msk $0xffff, v5  }
0x29e: {  	v5 =	vld [tilespmem:$0x16860];
	_ =	sdelay $0x4  }
0x29f: {  	v6 =	vand.u32 $0xFFFFFFF8, v5  }
0x2a0: {  	v5 =	vand.u32 $0x7, v5;
	v6 =	vadd.s32 v3, v6  }
0x2a1: {  	v7 =	vld [tilespmem:$0x16A60];
	v5 =	vor.u32 v5, v6;
	_ =	sdelay $0x4  }
0x2a2: {  	v6 =	vadd.s32 s21, v7;
	v5 =	vld.idx.msk [tilespmem:v5+s11+$0x0], $0xffff;
	_ =	sdelay $0x4  }
0x2a3: {  	[tilespmem:v6+s28+$0x0] =	vst.idx.msk $0xffff, v5  }
0x2a4: {  	v5 =	vld [tilespmem:$0x16870];
	_ =	sdelay $0x4  }
0x2a5: {  	v6 =	vand.u32 $0xFFFFFFF8, v5  }
0x2a6: {  	v5 =	vand.u32 $0x7, v5;
	v6 =	vadd.s32 v3, v6  }
0x2a7: {  	v7 =	vld [tilespmem:$0x16A70];
	v5 =	vor.u32 v5, v6;
	_ =	sdelay $0x4  }
0x2a8: {  	v6 =	vadd.s32 s21, v7;
	v5 =	vld.idx.msk [tilespmem:v5+s11+$0x0], $0xffff;
	_ =	sdelay $0x4  }
0x2a9: {  	[tilespmem:v6+s28+$0x0] =	vst.idx.msk $0xffff, v5  }
0x2aa: {  	v5 =	vld [tilespmem:$0x16880];
	_ =	sdelay $0x4  }
0x2ab: {  	v6 =	vand.u32 $0xFFFFFFF8, v5  }
0x2ac: {  	v5 =	vand.u32 $0x7, v5;
	v6 =	vadd.s32 v3, v6  }
0x2ad: {  	v7 =	vld [tilespmem:$0x16A80];
	v5 =	vor.u32 v5, v6;
	_ =	sdelay $0x4  }
0x2ae: {  	v6 =	vadd.s32 s21, v7;
	v5 =	vld.idx.msk [tilespmem:v5+s11+$0x0], $0xffff;
	_ =	sdelay $0x4  }
0x2af: {  	[tilespmem:v6+s28+$0x0] =	vst.idx.msk $0xffff, v5  }
0x2b0: {  	v5 =	vld [tilespmem:$0x16890];
	_ =	sdelay $0x4  }
0x2b1: {  	v6 =	vand.u32 $0xFFFFFFF8, v5  }
0x2b2: {  	v5 =	vand.u32 $0x7, v5;
	v6 =	vadd.s32 v3, v6  }
0x2b3: {  	v7 =	vld [tilespmem:$0x16A90];
	v5 =	vor.u32 v5, v6;
	_ =	sdelay $0x4  }
0x2b4: {  	v6 =	vadd.s32 s21, v7;
	v5 =	vld.idx.msk [tilespmem:v5+s11+$0x0], $0xffff;
	_ =	sdelay $0x4  }
0x2b5: {  	[tilespmem:v6+s28+$0x0] =	vst.idx.msk $0xffff, v5  }
0x2b6: {  	v5 =	vld [tilespmem:$0x168A0];
	_ =	sdelay $0x4  }
0x2b7: {  	v6 =	vand.u32 $0xFFFFFFF8, v5  }
0x2b8: {  	v5 =	vand.u32 $0x7, v5;
	v6 =	vadd.s32 v3, v6  }
0x2b9: {  	v7 =	vld [tilespmem:$0x16AA0];
	v5 =	vor.u32 v5, v6;
	_ =	sdelay $0x4  }
0x2ba: {  	v6 =	vadd.s32 s21, v7;
	v5 =	vld.idx.msk [tilespmem:v5+s11+$0x0], $0xffff;
	_ =	sdelay $0x4  }
0x2bb: {  	[tilespmem:v6+s28+$0x0] =	vst.idx.msk $0xffff, v5  }
0x2bc: {  	v5 =	vld [tilespmem:$0x168B0];
	_ =	sdelay $0x4  }
0x2bd: {  	v6 =	vand.u32 $0xFFFFFFF8, v5  }
0x2be: {  	v5 =	vand.u32 $0x7, v5;
	v6 =	vadd.s32 v3, v6  }
0x2bf: {  	v7 =	vld [tilespmem:$0x16AB0];
	v5 =	vor.u32 v5, v6;
	_ =	sdelay $0x4  }
0x2c0: {  	v6 =	vadd.s32 s21, v7;
	v5 =	vld.idx.msk [tilespmem:v5+s11+$0x0], $0xffff;
	_ =	sdelay $0x4  }
0x2c1: {  	[tilespmem:v6+s28+$0x0] =	vst.idx.msk $0xffff, v5  }
0x2c2: {  	v5 =	vld [tilespmem:$0x168C0];
	_ =	sdelay $0x4  }
0x2c3: {  	v6 =	vand.u32 $0xFFFFFFF8, v5  }
0x2c4: {  	v5 =	vand.u32 $0x7, v5;
	v6 =	vadd.s32 v3, v6  }
0x2c5: {  	v7 =	vld [tilespmem:$0x16AC0];
	v5 =	vor.u32 v5, v6;
	_ =	sdelay $0x4  }
0x2c6: {  	v6 =	vadd.s32 s21, v7;
	v5 =	vld.idx.msk [tilespmem:v5+s11+$0x0], $0xffff;
	_ =	sdelay $0x4  }
0x2c7: {  	[tilespmem:v6+s28+$0x0] =	vst.idx.msk $0xffff, v5  }
0x2c8: {  	v5 =	vld [tilespmem:$0x168D0];
	_ =	sdelay $0x4  }
0x2c9: {  	v6 =	vand.u32 $0xFFFFFFF8, v5  }
0x2ca: {  	v5 =	vand.u32 $0x7, v5;
	v6 =	vadd.s32 v3, v6  }
0x2cb: {  	v7 =	vld [tilespmem:$0x16AD0];
	v5 =	vor.u32 v5, v6;
	_ =	sdelay $0x4  }
0x2cc: {  	v6 =	vadd.s32 s21, v7;
	v5 =	vld.idx.msk [tilespmem:v5+s11+$0x0], $0xffff;
	_ =	sdelay $0x4  }
0x2cd: {  	[tilespmem:v6+s28+$0x0] =	vst.idx.msk $0xffff, v5  }
0x2ce: {  	v5 =	vld [tilespmem:$0x168E0];
	_ =	sdelay $0x4  }
0x2cf: {  	v6 =	vand.u32 $0xFFFFFFF8, v5  }
0x2d0: {  	v5 =	vand.u32 $0x7, v5;
	v6 =	vadd.s32 v3, v6  }
0x2d1: {  	v7 =	vld [tilespmem:$0x16AE0];
	v5 =	vor.u32 v5, v6;
	_ =	sdelay $0x4  }
0x2d2: {  	v6 =	vadd.s32 s21, v7;
	v5 =	vld.idx.msk [tilespmem:v5+s11+$0x0], $0xffff;
	_ =	sdelay $0x4  }
0x2d3: {  	[tilespmem:v6+s28+$0x0] =	vst.idx.msk $0xffff, v5  }
0x2d4: {  	v5 =	vld [tilespmem:$0x168F0];
	_ =	sdelay $0x4  }
0x2d5: {  	v6 =	vand.u32 $0xFFFFFFF8, v5  }
0x2d6: {  	v5 =	vand.u32 $0x7, v5;
	v6 =	vadd.s32 v3, v6  }
0x2d7: {  	v7 =	vld [tilespmem:$0x16AF0];
	v5 =	vor.u32 v5, v6;
	_ =	sdelay $0x4  }
0x2d8: {  	v6 =	vadd.s32 s21, v7;
	v5 =	vld.idx.msk [tilespmem:v5+s11+$0x0], $0xffff;
	_ =	sdelay $0x4  }
0x2d9: {  	[tilespmem:v6+s28+$0x0] =	vst.idx.msk $0xffff, v5  }
0x2da: {  	v5 =	vld [tilespmem:$0x16900];
	_ =	sdelay $0x4  }
0x2db: {  	v6 =	vand.u32 $0xFFFFFFF8, v5  }
0x2dc: {  	v5 =	vand.u32 $0x7, v5;
	v6 =	vadd.s32 v3, v6  }
0x2dd: {  	v7 =	vld [tilespmem:$0x16B00];
	v5 =	vor.u32 v5, v6;
	_ =	sdelay $0x4  }
0x2de: {  	v6 =	vadd.s32 s21, v7;
	v5 =	vld.idx.msk [tilespmem:v5+s11+$0x0], $0xffff;
	_ =	sdelay $0x4  }
0x2df: {  	[tilespmem:v6+s28+$0x0] =	vst.idx.msk $0xffff, v5  }
0x2e0: {  	v5 =	vld [tilespmem:$0x16910];
	_ =	sdelay $0x4  }
0x2e1: {  	v6 =	vand.u32 $0xFFFFFFF8, v5  }
0x2e2: {  	v5 =	vand.u32 $0x7, v5;
	v6 =	vadd.s32 v3, v6  }
0x2e3: {  	v7 =	vld [tilespmem:$0x16B10];
	v5 =	vor.u32 v5, v6;
	_ =	sdelay $0x4  }
0x2e4: {  	v6 =	vadd.s32 s21, v7;
	v5 =	vld.idx.msk [tilespmem:v5+s11+$0x0], $0xffff;
	_ =	sdelay $0x4  }
0x2e5: {  	[tilespmem:v6+s28+$0x0] =	vst.idx.msk $0xffff, v5  }
0x2e6: {  	v5 =	vld [tilespmem:$0x16920];
	_ =	sdelay $0x4  }
0x2e7: {  	v6 =	vand.u32 $0xFFFFFFF8, v5  }
0x2e8: {  	v5 =	vand.u32 $0x7, v5;
	v6 =	vadd.s32 v3, v6  }
0x2e9: {  	v7 =	vld [tilespmem:$0x16B20];
	v5 =	vor.u32 v5, v6;
	_ =	sdelay $0x4  }
0x2ea: {  	v6 =	vadd.s32 s21, v7;
	v5 =	vld.idx.msk [tilespmem:v5+s11+$0x0], $0xffff;
	_ =	sdelay $0x4  }
0x2eb: {  	[tilespmem:v6+s28+$0x0] =	vst.idx.msk $0xffff, v5  }
0x2ec: {  	v5 =	vld [tilespmem:$0x16930];
	_ =	sdelay $0x4  }
0x2ed: {  	v6 =	vand.u32 $0xFFFFFFF8, v5  }
0x2ee: {  	v5 =	vand.u32 $0x7, v5;
	v6 =	vadd.s32 v3, v6  }
0x2ef: {  	v7 =	vld [tilespmem:$0x16B30];
	v5 =	vor.u32 v5, v6;
	_ =	sdelay $0x4  }
0x2f0: {  	v6 =	vadd.s32 s21, v7;
	v5 =	vld.idx.msk [tilespmem:v5+s11+$0x0], $0xffff;
	_ =	sdelay $0x4  }
0x2f1: {  	[tilespmem:v6+s28+$0x0] =	vst.idx.msk $0xffff, v5  }
0x2f2: {  	v5 =	vld [tilespmem:$0x16940];
	_ =	sdelay $0x4  }
0x2f3: {  	v6 =	vand.u32 $0xFFFFFFF8, v5  }
0x2f4: {  	v5 =	vand.u32 $0x7, v5;
	v6 =	vadd.s32 v3, v6  }
0x2f5: {  	v7 =	vld [tilespmem:$0x16B40];
	v5 =	vor.u32 v5, v6;
	_ =	sdelay $0x4  }
0x2f6: {  	v6 =	vadd.s32 s21, v7;
	v5 =	vld.idx.msk [tilespmem:v5+s11+$0x0], $0xffff;
	_ =	sdelay $0x4  }
0x2f7: {  	[tilespmem:v6+s28+$0x0] =	vst.idx.msk $0xffff, v5  }
0x2f8: {  	v5 =	vld [tilespmem:$0x16950];
	_ =	sdelay $0x4  }
0x2f9: {  	v6 =	vand.u32 $0xFFFFFFF8, v5  }
0x2fa: {  	v5 =	vand.u32 $0x7, v5;
	v6 =	vadd.s32 v3, v6  }
0x2fb: {  	v7 =	vld [tilespmem:$0x16B50];
	v5 =	vor.u32 v5, v6;
	_ =	sdelay $0x4  }
0x2fc: {  	v6 =	vadd.s32 s21, v7;
	v5 =	vld.idx.msk [tilespmem:v5+s11+$0x0], $0xffff;
	_ =	sdelay $0x4  }
0x2fd: {  	[tilespmem:v6+s28+$0x0] =	vst.idx.msk $0xffff, v5  }
0x2fe: {  	v5 =	vld [tilespmem:$0x16960];
	_ =	sdelay $0x4  }
0x2ff: {  	v6 =	vand.u32 $0xFFFFFFF8, v5  }
0x300: {  	v5 =	vand.u32 $0x7, v5;
	v6 =	vadd.s32 v3, v6  }
0x301: {  	v7 =	vld [tilespmem:$0x16B60];
	v5 =	vor.u32 v5, v6;
	_ =	sdelay $0x4  }
0x302: {  	v6 =	vadd.s32 s21, v7;
	v5 =	vld.idx.msk [tilespmem:v5+s11+$0x0], $0xffff;
	_ =	sdelay $0x4  }
0x303: {  	[tilespmem:v6+s28+$0x0] =	vst.idx.msk $0xffff, v5  }
0x304: {  	v5 =	vld [tilespmem:$0x16970];
	_ =	sdelay $0x4  }
0x305: {  	v6 =	vand.u32 $0xFFFFFFF8, v5  }
0x306: {  	v5 =	vand.u32 $0x7, v5;
	v6 =	vadd.s32 v3, v6  }
0x307: {  	v7 =	vld [tilespmem:$0x16B70];
	v5 =	vor.u32 v5, v6;
	_ =	sdelay $0x4  }
0x308: {  	v6 =	vadd.s32 s21, v7;
	v5 =	vld.idx.msk [tilespmem:v5+s11+$0x0], $0xffff;
	_ =	sdelay $0x4  }
0x309: {  	[tilespmem:v6+s28+$0x0] =	vst.idx.msk $0xffff, v5  }
0x30a: {  	v5 =	vld [tilespmem:$0x16980];
	_ =	sdelay $0x4  }
0x30b: {  	v6 =	vand.u32 $0xFFFFFFF8, v5  }
0x30c: {  	v5 =	vand.u32 $0x7, v5;
	v6 =	vadd.s32 v3, v6  }
0x30d: {  	v7 =	vld [tilespmem:$0x16B80];
	v5 =	vor.u32 v5, v6;
	_ =	sdelay $0x4  }
0x30e: {  	v6 =	vadd.s32 s21, v7;
	v5 =	vld.idx.msk [tilespmem:v5+s11+$0x0], $0xffff;
	_ =	sdelay $0x4  }
0x30f: {  	[tilespmem:v6+s28+$0x0] =	vst.idx.msk $0xffff, v5  }
0x310: {  	v5 =	vld [tilespmem:$0x16990];
	_ =	sdelay $0x4  }
0x311: {  	v6 =	vand.u32 $0xFFFFFFF8, v5  }
0x312: {  	v5 =	vand.u32 $0x7, v5;
	v6 =	vadd.s32 v3, v6  }
0x313: {  	v7 =	vld [tilespmem:$0x16B90];
	v5 =	vor.u32 v5, v6;
	_ =	sdelay $0x4  }
0x314: {  	v6 =	vadd.s32 s21, v7;
	v5 =	vld.idx.msk [tilespmem:v5+s11+$0x0], $0xffff;
	_ =	sdelay $0x4  }
0x315: {  	[tilespmem:v6+s28+$0x0] =	vst.idx.msk $0xffff, v5  }
0x316: {  	v5 =	vld [tilespmem:$0x169A0];
	_ =	sdelay $0x4  }
0x317: {  	v6 =	vand.u32 $0xFFFFFFF8, v5  }
0x318: {  	v5 =	vand.u32 $0x7, v5;
	v6 =	vadd.s32 v3, v6  }
0x319: {  	v7 =	vld [tilespmem:$0x16BA0];
	v5 =	vor.u32 v5, v6;
	_ =	sdelay $0x4  }
0x31a: {  	v6 =	vadd.s32 s21, v7;
	v5 =	vld.idx.msk [tilespmem:v5+s11+$0x0], $0xffff;
	_ =	sdelay $0x4  }
0x31b: {  	[tilespmem:v6+s28+$0x0] =	vst.idx.msk $0xffff, v5  }
0x31c: {  	v5 =	vld [tilespmem:$0x169B0];
	_ =	sdelay $0x4  }
0x31d: {  	v6 =	vand.u32 $0xFFFFFFF8, v5  }
0x31e: {  	v5 =	vand.u32 $0x7, v5;
	v6 =	vadd.s32 v3, v6  }
0x31f: {  	v7 =	vld [tilespmem:$0x16BB0];
	v5 =	vor.u32 v5, v6;
	_ =	sdelay $0x4  }
0x320: {  	v6 =	vadd.s32 s21, v7;
	v5 =	vld.idx.msk [tilespmem:v5+s11+$0x0], $0xffff;
	_ =	sdelay $0x4  }
0x321: {  	[tilespmem:v6+s28+$0x0] =	vst.idx.msk $0xffff, v5  }
0x322: {  	v5 =	vld [tilespmem:$0x169C0];
	_ =	sdelay $0x4  }
0x323: {  	v6 =	vand.u32 $0xFFFFFFF8, v5  }
0x324: {  	v5 =	vand.u32 $0x7, v5;
	v6 =	vadd.s32 v3, v6  }
0x325: {  	v7 =	vld [tilespmem:$0x16BC0];
	v5 =	vor.u32 v5, v6;
	_ =	sdelay $0x4  }
0x326: {  	v6 =	vadd.s32 s21, v7;
	v5 =	vld.idx.msk [tilespmem:v5+s11+$0x0], $0xffff;
	_ =	sdelay $0x4  }
0x327: {  	[tilespmem:v6+s28+$0x0] =	vst.idx.msk $0xffff, v5  }
0x328: {  	v5 =	vld [tilespmem:$0x169D0];
	_ =	sdelay $0x4  }
0x329: {  	v6 =	vand.u32 $0xFFFFFFF8, v5  }
0x32a: {  	v5 =	vand.u32 $0x7, v5;
	v6 =	vadd.s32 v3, v6  }
0x32b: {  	v7 =	vld [tilespmem:$0x16BD0];
	v5 =	vor.u32 v5, v6;
	_ =	sdelay $0x4  }
0x32c: {  	v6 =	vadd.s32 s21, v7;
	v5 =	vld.idx.msk [tilespmem:v5+s11+$0x0], $0xffff;
	_ =	sdelay $0x4  }
0x32d: {  	[tilespmem:v6+s28+$0x0] =	vst.idx.msk $0xffff, v5  }
0x32e: {  	v5 =	vld [tilespmem:$0x169E0];
	_ =	sdelay $0x4  }
0x32f: {  	v6 =	vand.u32 $0xFFFFFFF8, v5  }
0x330: {  	v5 =	vand.u32 $0x7, v5;
	v6 =	vadd.s32 v3, v6  }
0x331: {  	v7 =	vld [tilespmem:$0x16BE0];
	v5 =	vor.u32 v5, v6;
	_ =	sdelay $0x4  }
0x332: {  	v6 =	vadd.s32 s21, v7;
	v5 =	vld.idx.msk [tilespmem:v5+s11+$0x0], $0xffff;
	_ =	sdelay $0x4  }
0x333: {  	[tilespmem:v6+s28+$0x0] =	vst.idx.msk $0xffff, v5  }
0x334: {  	v5 =	vld [tilespmem:$0x169F0];
	_ =	sdelay $0x4  }
0x335: {  	v6 =	vand.u32 $0xFFFFFFF8, v5  }
0x336: {  	v5 =	vand.u32 $0x7, v5;
	v3 =	vadd.s32 v3, v6  }
0x337: {  	v6 =	vld [tilespmem:$0x16BF0];
	v3 =	vor.u32 v5, v3;
	_ =	sdelay $0x4  }
0x338: {  	p1 =	sne.s32 s20, $0x1F0;
	v5 =	vadd.s32 s21, v6;
	v3 =	vld.idx.msk [tilespmem:v3+s11+$0x0], $0xffff  }
.Ltmp2:
0x339: {  	_ = 	snop;
	(pc) =	sbr.rel @p1 .LBB2_7-.Ltmp2, $2  }
0x33a: {  	_ =	sdelay $0x2  }
0x33b: {  	s17 =	sadd.s32 $0x80, s17;
	s20 =	sadd.s32 $0x10, s20;
	[tilespmem:v5+s28+$0x0] =	vst.idx.msk $0xffff, v3  }
0x33c: {  	s17 =	sadd.s32 s6, s18  }
0x33d: {  	s18 =	sshll.u32 s17, $0xC;
	s17 =	sshll.u32 s17, $0xE  }
0x33e: {  	s18 =	sand.u32 $0x1E000, s18;
	s17 =	sand.u32 $0x7FF80000, s17  }
0x33f: {  	s17 =	sor.u32 s18, s17  }
0x340: {  	s17 =	sshrl.u32 s17, $0x3  }
0x341: {  	s17 =	sadd.s32 s2, s17  }
0x342: {  	[hbm4b:s17+s3] =	stream.linear.scatter [tilespmem:s28], [sflag:$0x4], $0x1000, $0x38;
	[tilespmem:$0x16C00] =	vst v63  }
0x343: {  	p1 =	seq.s32 s13, $0x18;
	s21 =	sadd.s32 $0x4000, s17  }
0x344: {  	[hbm4b:s21+s3] =	stream.linear.scatter [tilespmem:s29], [sflag:$0x4], $0x1000, $0x38;
	[tilespmem:$0x16C00] =	vst v63  }
.Ltmp3:
0x345: {  	_ = 	snop;
	(pc) =	sbr.rel @p1 .LBB2_10-.Ltmp3, $4  }
0x346: {  	s22 =	sadd.s32 $0x8000, s17  }
0x347: {  	[hbm4b:s22+s3] =	stream.linear.scatter [tilespmem:s30], [sflag:$0x4], $0x1000, $0x38;
	[tilespmem:$0x16C00] =	vst v63  }
0x348: {  	s17 =	sadd.s32 $0xC000, s17  }
0x349: {  	[hbm4b:s17+s3] =	stream.linear.scatter [tilespmem:s31], [sflag:$0x4], $0x1000, $0x38;
	[tilespmem:$0x16C00] =	vst v63  }
0x34a: {  	v3 =	vld [tilespmem:s16+$0x400];
	_ =	sdelay $0x4  }
0x34b: {  	vm0 =	vgt.s32 v3, $0xF423F  }
0x34c: {  	v3 =	vsel vm0, $0x0, v3  }
0x34d: {  	[tilespmem:$0x6400] =	vst v3  }
0x34e: {  	v3 =	vld [tilespmem:s16+$0x410];
	_ =	sdelay $0x4  }
0x34f: {  	vm9 =	vgt.s32 v3, $0xF423F  }
0x350: {  	v3 =	vsel vm9, $0x0, v3  }
0x351: {  	[tilespmem:$0x6410] =	vst v3  }
0x352: {  	v3 =	vld [tilespmem:s16+$0x420];
	_ =	sdelay $0x4  }
0x353: {  	vm10 =	vgt.s32 v3, $0xF423F  }
0x354: {  	v3 =	vsel vm10, $0x0, v3  }
0x355: {  	[tilespmem:$0x6420] =	vst v3  }
0x356: {  	v3 =	vld [tilespmem:s16+$0x430];
	_ =	sdelay $0x4  }
0x357: {  	vm11 =	vgt.s32 v3, $0xF423F  }
0x358: {  	v3 =	vsel vm11, $0x0, v3  }
0x359: {  	[tilespmem:$0x6430] =	vst v3  }
0x35a: {  	v3 =	vld [tilespmem:s16+$0x440];
	_ =	sdelay $0x4  }
0x35b: {  	vm12 =	vgt.s32 v3, $0xF423F  }
0x35c: {  	v3 =	vsel vm12, $0x0, v3  }
0x35d: {  	[tilespmem:$0x6440] =	vst v3  }
0x35e: {  	v3 =	vld [tilespmem:s16+$0x450];
	_ =	sdelay $0x4  }
0x35f: {  	vm13 =	vgt.s32 v3, $0xF423F  }
0x360: {  	v3 =	vsel vm13, $0x0, v3  }
0x361: {  	[tilespmem:$0x6450] =	vst v3  }
0x362: {  	v3 =	vld [tilespmem:s16+$0x460];
	_ =	sdelay $0x4  }
0x363: {  	vm14 =	vgt.s32 v3, $0xF423F  }
0x364: {  	v3 =	vsel vm14, $0x0, v3  }
0x365: {  	[tilespmem:$0x6460] =	vst v3  }
0x366: {  	v3 =	vld [tilespmem:s16+$0x470];
	_ =	sdelay $0x4  }
0x367: {  	vm15 =	vgt.s32 v3, $0xF423F  }
0x368: {  	v3 =	vsel vm15, $0x0, v3  }
0x369: {  	[tilespmem:$0x6470] =	vst v3  }
0x36a: {  	v3 =	vld [tilespmem:s16+$0x480];
	_ =	sdelay $0x4  }
0x36b: {  	vm4 =	vgt.s32 v3, $0xF423F  }
0x36c: {  	v3 =	vsel vm4, $0x0, v3  }
0x36d: {  	[tilespmem:$0x6480] =	vst v3  }
0x36e: {  	v3 =	vld [tilespmem:s16+$0x490];
	_ =	sdelay $0x4  }
0x36f: {  	vm5 =	vgt.s32 v3, $0xF423F  }
0x370: {  	v3 =	vsel vm5, $0x0, v3  }
0x371: {  	[tilespmem:$0x6490] =	vst v3  }
0x372: {  	v3 =	vld [tilespmem:s16+$0x4A0];
	_ =	sdelay $0x4  }
0x373: {  	vm6 =	vgt.s32 v3, $0xF423F  }
0x374: {  	v3 =	vsel vm6, $0x0, v3  }
0x375: {  	[tilespmem:$0x64A0] =	vst v3  }
0x376: {  	v3 =	vld [tilespmem:s16+$0x4B0];
	_ =	sdelay $0x4  }
0x377: {  	vm7 =	vgt.s32 v3, $0xF423F  }
0x378: {  	v3 =	vsel vm7, $0x0, v3  }
0x379: {  	[tilespmem:$0x64B0] =	vst v3  }
0x37a: {  	v3 =	vld [tilespmem:s16+$0x4C0];
	_ =	sdelay $0x4  }
0x37b: {  	vm8 =	vgt.s32 v3, $0xF423F  }
0x37c: {  	v3 =	vsel vm8, $0x0, v3  }
0x37d: {  	[tilespmem:$0x64C0] =	vst v3  }
0x37e: {  	v3 =	vld [tilespmem:s16+$0x4D0];
	_ =	sdelay $0x4  }
0x37f: {  	vm9 =	vgt.s32 v3, $0xF423F  }
0x380: {  	v3 =	vsel vm9, $0x0, v3  }
0x381: {  	[tilespmem:$0x64D0] =	vst v3  }
0x382: {  	v3 =	vld [tilespmem:s16+$0x4E0];
	_ =	sdelay $0x4  }
0x383: {  	vm10 =	vgt.s32 v3, $0xF423F  }
0x384: {  	v3 =	vsel vm10, $0x0, v3  }
0x385: {  	[tilespmem:$0x64E0] =	vst v3  }
0x386: {  	v3 =	vld [tilespmem:s16+$0x4F0];
	_ =	sdelay $0x4  }
0x387: {  	vm11 =	vgt.s32 v3, $0xF423F  }
0x388: {  	v3 =	vsel vm11, $0x0, v3  }
0x389: {  	[tilespmem:$0x64F0] =	vst v3  }
0x38a: {  	v3 =	vld [tilespmem:s16+$0x500];
	_ =	sdelay $0x4  }
0x38b: {  	vm12 =	vgt.s32 v3, $0xF423F  }
0x38c: {  	v3 =	vsel vm12, $0x0, v3  }
0x38d: {  	[tilespmem:$0x6500] =	vst v3  }
0x38e: {  	v3 =	vld [tilespmem:s16+$0x510];
	_ =	sdelay $0x4  }
0x38f: {  	vm13 =	vgt.s32 v3, $0xF423F  }
0x390: {  	v3 =	vsel vm13, $0x0, v3  }
0x391: {  	[tilespmem:$0x6510] =	vst v3  }
0x392: {  	v3 =	vld [tilespmem:s16+$0x520];
	_ =	sdelay $0x4  }
0x393: {  	vm14 =	vgt.s32 v3, $0xF423F  }
0x394: {  	v3 =	vsel vm14, $0x0, v3  }
0x395: {  	[tilespmem:$0x6520] =	vst v3  }
0x396: {  	v3 =	vld [tilespmem:s16+$0x530];
	_ =	sdelay $0x4  }
0x397: {  	vm15 =	vgt.s32 v3, $0xF423F  }
0x398: {  	v3 =	vsel vm15, $0x0, v3  }
0x399: {  	[tilespmem:$0x6530] =	vst v3  }
0x39a: {  	v3 =	vld [tilespmem:s16+$0x540];
	_ =	sdelay $0x4  }
0x39b: {  	vm4 =	vgt.s32 v3, $0xF423F  }
0x39c: {  	v3 =	vsel vm4, $0x0, v3  }
0x39d: {  	[tilespmem:$0x6540] =	vst v3  }
0x39e: {  	v3 =	vld [tilespmem:s16+$0x550];
	_ =	sdelay $0x4  }
0x39f: {  	vm5 =	vgt.s32 v3, $0xF423F  }
0x3a0: {  	v3 =	vsel vm5, $0x0, v3  }
0x3a1: {  	[tilespmem:$0x6550] =	vst v3  }
0x3a2: {  	v3 =	vld [tilespmem:s16+$0x560];
	_ =	sdelay $0x4  }
0x3a3: {  	vm6 =	vgt.s32 v3, $0xF423F  }
0x3a4: {  	v3 =	vsel vm6, $0x0, v3  }
0x3a5: {  	[tilespmem:$0x6560] =	vst v3  }
0x3a6: {  	v3 =	vld [tilespmem:s16+$0x570];
	_ =	sdelay $0x4  }
0x3a7: {  	vm7 =	vgt.s32 v3, $0xF423F  }
0x3a8: {  	v3 =	vsel vm7, $0x0, v3  }
0x3a9: {  	[tilespmem:$0x6570] =	vst v3  }
0x3aa: {  	v3 =	vld [tilespmem:s16+$0x580];
	_ =	sdelay $0x4  }
0x3ab: {  	vm8 =	vgt.s32 v3, $0xF423F  }
0x3ac: {  	v3 =	vsel vm8, $0x0, v3  }
0x3ad: {  	[tilespmem:$0x6580] =	vst v3  }
0x3ae: {  	v3 =	vld [tilespmem:s16+$0x590];
	_ =	sdelay $0x4  }
0x3af: {  	vm9 =	vgt.s32 v3, $0xF423F  }
0x3b0: {  	v3 =	vsel vm9, $0x0, v3  }
0x3b1: {  	[tilespmem:$0x6590] =	vst v3  }
0x3b2: {  	v3 =	vld [tilespmem:s16+$0x5A0];
	_ =	sdelay $0x4  }
0x3b3: {  	vm10 =	vgt.s32 v3, $0xF423F  }
0x3b4: {  	v3 =	vsel vm10, $0x0, v3  }
0x3b5: {  	[tilespmem:$0x65A0] =	vst v3  }
0x3b6: {  	v3 =	vld [tilespmem:s16+$0x5B0];
	_ =	sdelay $0x4  }
0x3b7: {  	vm11 =	vgt.s32 v3, $0xF423F  }
0x3b8: {  	v3 =	vsel vm11, $0x0, v3  }
0x3b9: {  	[tilespmem:$0x65B0] =	vst v3  }
0x3ba: {  	v3 =	vld [tilespmem:s16+$0x5C0];
	_ =	sdelay $0x4  }
0x3bb: {  	vm12 =	vgt.s32 v3, $0xF423F  }
0x3bc: {  	v3 =	vsel vm12, $0x0, v3  }
0x3bd: {  	[tilespmem:$0x65C0] =	vst v3  }
0x3be: {  	v3 =	vld [tilespmem:s16+$0x5D0];
	_ =	sdelay $0x4  }
0x3bf: {  	vm13 =	vgt.s32 v3, $0xF423F  }
0x3c0: {  	v3 =	vsel vm13, $0x0, v3  }
0x3c1: {  	[tilespmem:$0x65D0] =	vst v3  }
0x3c2: {  	v3 =	vld [tilespmem:s16+$0x5E0];
	_ =	sdelay $0x4  }
0x3c3: {  	vm14 =	vgt.s32 v3, $0xF423F  }
0x3c4: {  	v3 =	vsel vm14, $0x0, v3  }
0x3c5: {  	[tilespmem:$0x65E0] =	vst v3  }
0x3c6: {  	v3 =	vld [tilespmem:s16+$0x5F0];
	_ =	sdelay $0x4  }
0x3c7: {  	vm15 =	vgt.s32 v3, $0xF423F  }
0x3c8: {  	v3 =	vsel vm15, $0x0, v3  }
0x3c9: {  	s21 =	simm.s32 $0x6400;
	[tilespmem:$0x65F0] =	vst v3  }
0x3ca: {  	[tilespmem:s11], [sflag:$0x2] =	stream.indirect.gather [hbm4b:s4+s9], $0x20, s21, s9, $0xb8;
	[tilespmem:$0x16C00] =	vst v63  }
0x3cb: {  	s22 =	simm.s32 $0x6480;
	s17 =	simm.s32 $0x7800  }
0x3cc: {  	[tilespmem:s17], [sflag:$0x2] =	stream.indirect.gather [hbm4b:s4+s9], $0x20, s22, s9, $0xb8;
	[tilespmem:$0x16C00] =	vst v63  }
0x3cd: {  	s18 =	simm.s32 $0x6500;
	s20 =	simm.s32 $0x8800  }
0x3ce: {  	[tilespmem:s20], [sflag:$0x2] =	stream.indirect.gather [hbm4b:s4+s9], $0x20, s18, s9, $0xb8;
	[tilespmem:$0x16C00] =	vst v63  }
0x3cf: {  	s21 =	simm.s32 $0x6580;
	s22 =	simm.s32 $0x9800  }
0x3d0: {  	[tilespmem:s22], [sflag:$0x2] =	stream.indirect.gather [hbm4b:s4+s9], $0x20, s21, s9, $0xb8;
	[tilespmem:$0x16C00] =	vst v63  }
.LBB2_10:
0x3d1: {  	_ =	swait.ge [sflag:s1], $0x1000  }
0x3d2: {  	[sflag:s1] =	ssyncset.done $0x0  }
0x3d3: {  	[sflag:s1] =	ssyncadd.s32 $0xFFFFF000  }
0x3d4: {  	_ =	swait.ge [sflag:s1], $0x1000  }
0x3d5: {  	[sflag:s1] =	ssyncset.done $0x0  }
0x3d6: {  	[sflag:s1] =	ssyncadd.s32 $0xFFFFF000  }
0x3d7: {  	_ =	swait.ge [sflag:s1], $0x1000  }
0x3d8: {  	[sflag:s1] =	ssyncset.done $0x0  }
0x3d9: {  	[sflag:s1] =	ssyncadd.s32 $0xFFFFF000  }
0x3da: {  	_ =	swait.ge [sflag:s1], $0x1000  }
0x3db: {  	[sflag:s1] =	ssyncset.done $0x0  }
0x3dc: {  	[sflag:s1] =	ssyncadd.s32 $0xFFFFF000  }
0x3dd: {  	v3 =	vld [tilespmem:s15+$0x0]  }
0x3de: {  	v5 =	vld [tilespmem:s15+$0x10]  }
0x3df: {  	v6 =	vld [tilespmem:s15+$0x20]  }
0x3e0: {  	v7 =	vld [tilespmem:s15+$0x30]  }
0x3e1: {  	v8 =	vld [tilespmem:s15+$0x40]  }
0x3e2: {  	v9 =	vld [tilespmem:s15+$0x50]  }
0x3e3: {  	vm0 =	vgt.s32 v3, $0xF423F;
	vm1 =	vgt.s32 v5, $0xF423F;
	v3 =	vld [tilespmem:s15+$0x60]  }
0x3e4: {  	vm10 =	vgt.s32 v6, $0xF423F;
	v6 =	vld [tilespmem:s15+$0x70];
	v5 =	vsel vm0, $0x1, v0;
	v10 =	vsel vm1, $0x1, v0  }
0x3e5: {  	vm11 =	vgt.s32 v7, $0xF423F;
	v7 =	vld [tilespmem:s15+$0x80];
	v5 =	vadd.s32 v5, v10;
	v10 =	vsel vm10, $0x1, v0  }
0x3e6: {  	vm12 =	vgt.s32 v8, $0xF423F;
	v8 =	vld [tilespmem:s15+$0x90];
	v5 =	vadd.s32 v10, v5;
	v10 =	vsel vm11, $0x1, v0  }
0x3e7: {  	vm13 =	vgt.s32 v9, $0xF423F;
	v9 =	vld [tilespmem:s15+$0xA0];
	v5 =	vadd.s32 v10, v5;
	v10 =	vsel vm12, $0x1, v0  }
0x3e8: {  	v5 =	vadd.s32 v10, v5;
	v10 =	vsel vm13, $0x1, v0;
	vm14 =	vgt.s32 v3, $0xF423F;
	v3 =	vld [tilespmem:s15+$0xB0]  }
0x3e9: {  	vm15 =	vgt.s32 v6, $0xF423F;
	v6 =	vld [tilespmem:s15+$0xC0];
	v5 =	vadd.s32 v10, v5;
	v10 =	vsel vm14, $0x1, v0  }
0x3ea: {  	vm4 =	vgt.s32 v7, $0xF423F;
	v7 =	vld [tilespmem:s15+$0xD0];
	v5 =	vadd.s32 v10, v5;
	v10 =	vsel vm15, $0x1, v0  }
0x3eb: {  	vm5 =	vgt.s32 v8, $0xF423F;
	v8 =	vld [tilespmem:s15+$0xE0];
	v5 =	vadd.s32 v10, v5;
	v10 =	vsel vm4, $0x1, v0  }
0x3ec: {  	vm6 =	vgt.s32 v9, $0xF423F;
	v9 =	vld [tilespmem:s15+$0xF0];
	v5 =	vadd.s32 v10, v5;
	v10 =	vsel vm5, $0x1, v0  }
0x3ed: {  	v5 =	vadd.s32 v10, v5;
	v10 =	vsel vm6, $0x1, v0;
	vm7 =	vgt.s32 v3, $0xF423F;
	v3 =	vld [tilespmem:s15+$0x100]  }
0x3ee: {  	vm8 =	vgt.s32 v6, $0xF423F;
	v6 =	vld [tilespmem:s15+$0x110];
	v5 =	vadd.s32 v10, v5;
	v10 =	vsel vm7, $0x1, v0  }
0x3ef: {  	vm9 =	vgt.s32 v7, $0xF423F;
	v7 =	vld [tilespmem:s15+$0x120];
	v5 =	vadd.s32 v10, v5;
	v10 =	vsel vm8, $0x1, v0  }
0x3f0: {  	vm10 =	vgt.s32 v8, $0xF423F;
	v8 =	vld [tilespmem:s15+$0x130];
	v5 =	vadd.s32 v10, v5;
	v10 =	vsel vm9, $0x1, v0  }
0x3f1: {  	vm11 =	vgt.s32 v9, $0xF423F;
	v9 =	vld [tilespmem:s15+$0x140];
	v5 =	vadd.s32 v10, v5;
	v10 =	vsel vm10, $0x1, v0  }
0x3f2: {  	v5 =	vadd.s32 v10, v5;
	v10 =	vsel vm11, $0x1, v0;
	vm12 =	vgt.s32 v3, $0xF423F;
	v3 =	vld [tilespmem:s15+$0x150]  }
0x3f3: {  	vm13 =	vgt.s32 v6, $0xF423F;
	v6 =	vld [tilespmem:s15+$0x160];
	v5 =	vadd.s32 v10, v5;
	v10 =	vsel vm12, $0x1, v0  }
0x3f4: {  	vm14 =	vgt.s32 v7, $0xF423F;
	v7 =	vld [tilespmem:s15+$0x170];
	v5 =	vadd.s32 v10, v5;
	v10 =	vsel vm13, $0x1, v0  }
0x3f5: {  	vm15 =	vgt.s32 v8, $0xF423F;
	v8 =	vld [tilespmem:s15+$0x180];
	v5 =	vadd.s32 v10, v5;
	v10 =	vsel vm14, $0x1, v0  }
0x3f6: {  	vm4 =	vgt.s32 v9, $0xF423F;
	v9 =	vld [tilespmem:s15+$0x190];
	v5 =	vadd.s32 v10, v5;
	v10 =	vsel vm15, $0x1, v0  }
0x3f7: {  	v5 =	vadd.s32 v10, v5;
	v10 =	vsel vm4, $0x1, v0;
	vm5 =	vgt.s32 v3, $0xF423F;
	v3 =	vld [tilespmem:s15+$0x1A0]  }
0x3f8: {  	vm6 =	vgt.s32 v6, $0xF423F;
	v6 =	vld [tilespmem:s15+$0x1B0];
	v5 =	vadd.s32 v10, v5;
	v10 =	vsel vm5, $0x1, v0  }
0x3f9: {  	vm7 =	vgt.s32 v7, $0xF423F;
	v7 =	vld [tilespmem:s15+$0x1C0];
	v5 =	vadd.s32 v10, v5;
	v10 =	vsel vm6, $0x1, v0  }
0x3fa: {  	vm8 =	vgt.s32 v8, $0xF423F;
	v8 =	vld [tilespmem:s15+$0x1D0];
	v5 =	vadd.s32 v10, v5;
	v10 =	vsel vm7, $0x1, v0  }
0x3fb: {  	vm9 =	vgt.s32 v9, $0xF423F;
	v9 =	vld [tilespmem:s15+$0x1E0];
	v5 =	vadd.s32 v10, v5;
	v10 =	vsel vm8, $0x1, v0  }
0x3fc: {  	v5 =	vadd.s32 v10, v5;
	v10 =	vsel vm9, $0x1, v0;
	vm10 =	vgt.s32 v3, $0xF423F;
	v3 =	vld [tilespmem:s15+$0x1F0]  }
0x3fd: {  	vm11 =	vgt.s32 v6, $0xF423F;
	v5 =	vadd.s32 v10, v5;
	v10 =	vsel vm10, $0x1, v0  }
0x3fe: {  	vm12 =	vgt.s32 v7, $0xF423F;
	v6 =	vsel vm11, $0x1, v0;
	v5 =	vadd.s32 v10, v5  }
0x3ff: {  	vm13 =	vgt.s32 v8, $0xF423F;
	v5 =	vadd.s32 v6, v5;
	v6 =	vsel vm12, $0x1, v0  }
0x400: {  	vm14 =	vgt.s32 v9, $0xF423F;
	v5 =	vadd.s32 v6, v5;
	v6 =	vsel vm13, $0x1, v0  }
0x401: {  	v5 =	vadd.s32 v6, v5;
	v6 =	vsel vm14, $0x1, v0;
	vm15 =	vgt.s32 v3, $0xF423F  }
0x402: {  	v3 =	vadd.s32 v6, v5;
	v5 =	vsel vm15, $0x1, v0  }
0x403: {  	v3 =	vadd.s32 v5, v3  }
0x404: {  	(xrf0) =	vadd.scan.msk.s32 $0xffff, v3;
	_ =	sdelay $0x5  }
0x405: {  	v3, _, _ =	vpop (xrf0)  }
0x406: {  	(v2sf) =	vpush v3, $0xF;
	_ =	sdelay $0xe  }
0x407: {  	s22 =	spop (v2sf)  }
0x408: {  	p1 =	slt.s32 s22, $0x1  }
.Ltmp4:
0x409: {  	_ = 	snop;
	(pc) =	sbr.rel @p1 .LBB2_14-.Ltmp4, $2  }
0x40a: {  	_ =	sdelay $0x2  }
0x40b: {  	s15 =	simm.s32 $0x0  }
0x40c: {  	v3 =	vld [tilespmem:s10+$0x0];
	_ =	sdelay $0x3  }
0x40d: {  	v5 =	vmov s15  }
0x40e: {  	vm0 =	vgt.s32 v3, $0xF423F;
	v3 =	vshll.u32 v5, $0x5  }
0x40f: {  	v3 =	vor.u32 v2, v3  }
0x410: {  	v5 =	vor.u32 $0x1, v3  }
0x411: {  	v6 =	vor.u32 $0x2, v3  }
0x412: {  	v7 =	vor.u32 $0x3, v3  }
0x413: {  	v8 =	vor.u32 $0x4, v3  }
0x414: {  	v9 =	vor.u32 $0x5, v3;
	[tilespmem:v3+s19+$0x0] =	vst.idx.msk vm0, v1  }
0x415: {  	[tilespmem:v5+s19+$0x0] =	vst.idx.msk vm0, v1;
	v5 =	vor.u32 $0x6, v3  }
0x416: {  	[tilespmem:v6+s19+$0x0] =	vst.idx.msk vm0, v1;
	v6 =	vor.u32 $0x7, v3  }
0x417: {  	[tilespmem:v7+s19+$0x0] =	vst.idx.msk vm0, v1;
	v7 =	vor.u32 $0x8, v3  }
0x418: {  	[tilespmem:v8+s19+$0x0] =	vst.idx.msk vm0, v1;
	v8 =	vor.u32 $0x9, v3  }
0x419: {  	[tilespmem:v9+s19+$0x0] =	vst.idx.msk vm0, v1;
	v9 =	vor.u32 $0xA, v3  }
0x41a: {  	[tilespmem:v5+s19+$0x0] =	vst.idx.msk vm0, v1;
	v5 =	vor.u32 $0xB, v3  }
0x41b: {  	[tilespmem:v6+s19+$0x0] =	vst.idx.msk vm0, v1;
	v6 =	vor.u32 $0xC, v3  }
0x41c: {  	[tilespmem:v7+s19+$0x0] =	vst.idx.msk vm0, v1;
	v7 =	vor.u32 $0xD, v3  }
0x41d: {  	[tilespmem:v8+s19+$0x0] =	vst.idx.msk vm0, v1;
	v8 =	vor.u32 $0xE, v3  }
0x41e: {  	[tilespmem:v9+s19+$0x0] =	vst.idx.msk vm0, v1;
	v9 =	vor.u32 $0xF, v3  }
0x41f: {  	[tilespmem:v5+s19+$0x0] =	vst.idx.msk vm0, v1;
	v5 =	vor.u32 $0x10, v3  }
0x420: {  	[tilespmem:v6+s19+$0x0] =	vst.idx.msk vm0, v1;
	v6 =	vor.u32 $0x11, v3  }
0x421: {  	[tilespmem:v7+s19+$0x0] =	vst.idx.msk vm0, v1;
	v7 =	vor.u32 $0x12, v3  }
0x422: {  	[tilespmem:v8+s19+$0x0] =	vst.idx.msk vm0, v1;
	v8 =	vor.u32 $0x13, v3  }
0x423: {  	[tilespmem:v9+s19+$0x0] =	vst.idx.msk vm0, v1;
	v9 =	vor.u32 $0x14, v3  }
0x424: {  	[tilespmem:v5+s19+$0x0] =	vst.idx.msk vm0, v1;
	v5 =	vor.u32 $0x15, v3  }
0x425: {  	[tilespmem:v6+s19+$0x0] =	vst.idx.msk vm0, v1;
	v6 =	vor.u32 $0x16, v3  }
0x426: {  	[tilespmem:v7+s19+$0x0] =	vst.idx.msk vm0, v1;
	v7 =	vor.u32 $0x17, v3  }
0x427: {  	[tilespmem:v8+s19+$0x0] =	vst.idx.msk vm0, v1;
	v8 =	vor.u32 $0x18, v3  }
0x428: {  	[tilespmem:v9+s19+$0x0] =	vst.idx.msk vm0, v1;
	v9 =	vor.u32 $0x19, v3  }
0x429: {  	[tilespmem:v5+s19+$0x0] =	vst.idx.msk vm0, v1;
	v5 =	vor.u32 $0x1A, v3  }
0x42a: {  	[tilespmem:v6+s19+$0x0] =	vst.idx.msk vm0, v1;
	v6 =	vor.u32 $0x1B, v3  }
0x42b: {  	[tilespmem:v7+s19+$0x0] =	vst.idx.msk vm0, v1;
	v7 =	vor.u32 $0x1C, v3  }
0x42c: {  	[tilespmem:v8+s19+$0x0] =	vst.idx.msk vm0, v1;
	v8 =	vor.u32 $0x1D, v3  }
0x42d: {  	[tilespmem:v9+s19+$0x0] =	vst.idx.msk vm0, v1;
	v9 =	vor.u32 $0x1E, v3  }
0x42e: {  	[tilespmem:v5+s19+$0x0] =	vst.idx.msk vm0, v1  }
0x42f: {  	v3 =	vor.u32 $0x1F, v3;
	[tilespmem:v6+s19+$0x0] =	vst.idx.msk vm0, v1  }
0x430: {  	[tilespmem:v7+s19+$0x0] =	vst.idx.msk vm0, v1  }
0x431: {  	[tilespmem:v8+s19+$0x0] =	vst.idx.msk vm0, v1  }
0x432: {  	s16 =	simm.s32 $0x10;
	s17 =	smov.u32 s10;
	[tilespmem:v9+s19+$0x0] =	vst.idx.msk vm0, v1  }
.LBB2_12:
0x433: {  	p1 =	sne.s32 s16, $0x1F0  }
0x434: {  	[tilespmem:v3+s19+$0x0] =	vst.idx.msk vm0, v1;
	s17 =	sadd.s32 $0x10, s17;
	s18 =	smov.u32 s16;
	s16 =	sadd.s32 $0x10, s16  }
0x435: {  	v3 =	vld [tilespmem:s17+$0x0];
	_ =	sdelay $0x3  }
0x436: {  	v5 =	vmov s18  }
0x437: {  	vm0 =	vgt.s32 v3, $0xF423F;
	v3 =	vshll.u32 v5, $0x5  }
0x438: {  	v3 =	vor.u32 v2, v3  }
0x439: {  	v5 =	vor.u32 $0x1, v3  }
0x43a: {  	v6 =	vor.u32 $0x2, v3  }
0x43b: {  	v7 =	vor.u32 $0x3, v3  }
0x43c: {  	v8 =	vor.u32 $0x4, v3  }
0x43d: {  	v9 =	vor.u32 $0x5, v3;
	[tilespmem:v3+s19+$0x0] =	vst.idx.msk vm0, v1  }
0x43e: {  	[tilespmem:v5+s19+$0x0] =	vst.idx.msk vm0, v1;
	v5 =	vor.u32 $0x6, v3  }
0x43f: {  	[tilespmem:v6+s19+$0x0] =	vst.idx.msk vm0, v1;
	v6 =	vor.u32 $0x7, v3  }
0x440: {  	[tilespmem:v7+s19+$0x0] =	vst.idx.msk vm0, v1;
	v7 =	vor.u32 $0x8, v3  }
0x441: {  	[tilespmem:v8+s19+$0x0] =	vst.idx.msk vm0, v1;
	v8 =	vor.u32 $0x9, v3  }
0x442: {  	[tilespmem:v9+s19+$0x0] =	vst.idx.msk vm0, v1;
	v9 =	vor.u32 $0xA, v3  }
0x443: {  	[tilespmem:v5+s19+$0x0] =	vst.idx.msk vm0, v1;
	v5 =	vor.u32 $0xB, v3  }
0x444: {  	[tilespmem:v6+s19+$0x0] =	vst.idx.msk vm0, v1;
	v6 =	vor.u32 $0xC, v3  }
0x445: {  	[tilespmem:v7+s19+$0x0] =	vst.idx.msk vm0, v1;
	v7 =	vor.u32 $0xD, v3  }
0x446: {  	[tilespmem:v8+s19+$0x0] =	vst.idx.msk vm0, v1;
	v8 =	vor.u32 $0xE, v3  }
0x447: {  	[tilespmem:v9+s19+$0x0] =	vst.idx.msk vm0, v1;
	v9 =	vor.u32 $0xF, v3  }
0x448: {  	[tilespmem:v5+s19+$0x0] =	vst.idx.msk vm0, v1;
	v5 =	vor.u32 $0x10, v3  }
0x449: {  	[tilespmem:v6+s19+$0x0] =	vst.idx.msk vm0, v1;
	v6 =	vor.u32 $0x11, v3  }
0x44a: {  	[tilespmem:v7+s19+$0x0] =	vst.idx.msk vm0, v1;
	v7 =	vor.u32 $0x12, v3  }
0x44b: {  	[tilespmem:v8+s19+$0x0] =	vst.idx.msk vm0, v1;
	v8 =	vor.u32 $0x13, v3  }
0x44c: {  	[tilespmem:v9+s19+$0x0] =	vst.idx.msk vm0, v1;
	v9 =	vor.u32 $0x14, v3  }
0x44d: {  	[tilespmem:v5+s19+$0x0] =	vst.idx.msk vm0, v1;
	v5 =	vor.u32 $0x15, v3  }
0x44e: {  	[tilespmem:v6+s19+$0x0] =	vst.idx.msk vm0, v1;
	v6 =	vor.u32 $0x16, v3  }
0x44f: {  	[tilespmem:v7+s19+$0x0] =	vst.idx.msk vm0, v1;
	v7 =	vor.u32 $0x17, v3  }
0x450: {  	[tilespmem:v8+s19+$0x0] =	vst.idx.msk vm0, v1;
	v8 =	vor.u32 $0x18, v3  }
0x451: {  	[tilespmem:v9+s19+$0x0] =	vst.idx.msk vm0, v1;
	v9 =	vor.u32 $0x19, v3  }
0x452: {  	[tilespmem:v5+s19+$0x0] =	vst.idx.msk vm0, v1;
	v5 =	vor.u32 $0x1A, v3  }
0x453: {  	[tilespmem:v6+s19+$0x0] =	vst.idx.msk vm0, v1;
	v6 =	vor.u32 $0x1B, v3  }
0x454: {  	[tilespmem:v7+s19+$0x0] =	vst.idx.msk vm0, v1;
	v7 =	vor.u32 $0x1C, v3  }
0x455: {  	[tilespmem:v8+s19+$0x0] =	vst.idx.msk vm0, v1;
	v8 =	vor.u32 $0x1D, v3  }
0x456: {  	[tilespmem:v9+s19+$0x0] =	vst.idx.msk vm0, v1;
	v9 =	vor.u32 $0x1E, v3  }
.Ltmp5:
0x457: {  	v3 =	vor.u32 $0x1F, v3;
	[tilespmem:v5+s19+$0x0] =	vst.idx.msk vm0, v1;
	(pc) =	sbr.rel @p1 .LBB2_12-.Ltmp5, $4  }
0x458: {  	[tilespmem:v6+s19+$0x0] =	vst.idx.msk vm0, v1  }
0x459: {  	[tilespmem:v7+s19+$0x0] =	vst.idx.msk vm0, v1  }
0x45a: {  	[tilespmem:v8+s19+$0x0] =	vst.idx.msk vm0, v1  }
0x45b: {  	[tilespmem:v9+s19+$0x0] =	vst.idx.msk vm0, v1  }
0x45c: {  	_ =	sdelay $0x4  }
0x45d: {  	[tilespmem:v3+s19+$0x0] =	vst.idx.msk vm0, v1  }
.LBB2_14:
0x45e: {  	s16 =	simm.s32 @!p0 $0x5  }
0x45f: {  	_ =	swait.ge @!p0 [sflag:s16], $0x1000  }
0x460: {  	[sflag:s16] =	ssyncset.done @!p0 $0x0  }
0x461: {  	[sflag:s16] =	ssyncadd.s32 @!p0 $0xFFFFF000  }
0x462: {  	_ =	swait.ge @!p0 [sflag:s16], $0x1000  }
0x463: {  	[sflag:s16] =	ssyncset.done @!p0 $0x0  }
0x464: {  	[sflag:s16] =	ssyncadd.s32 @!p0 $0xFFFFF000  }
0x465: {  	_ =	swait.ge @!p0 [sflag:s16], $0x1000  }
0x466: {  	[sflag:s16] =	ssyncset.done @!p0 $0x0  }
0x467: {  	[sflag:s16] =	ssyncadd.s32 @!p0 $0xFFFFF000  }
0x468: {  	_ =	swait.ge @!p0 [sflag:s16], $0x1000  }
0x469: {  	[sflag:s16] =	ssyncset.done @!p0 $0x0  }
0x46a: {  	[sflag:s16] =	ssyncadd.s32 @!p0 $0xFFFFF000;
	s16 =	simm.s32 $0x0  }
.LBB2_15:
0x46b: {  	v5 =	vld [tilespmem:$0x16800];
	_ =	sdelay $0x2  }
0x46c: {  	v3 =	vmov s16  }
0x46d: {  	v3 =	vshll.u32 v3, $0x5  }
0x46e: {  	v3 =	vor.u32 v2, v3;
	v6 =	vand.u32 $0xFFFFFFF8, v5  }
0x46f: {  	v5 =	vand.u32 $0x7, v5;
	v6 =	vadd.s32 v3, v6  }
0x470: {  	v7 =	vld [tilespmem:$0x16A00];
	v5 =	vor.u32 v5, v6;
	_ =	sdelay $0x2  }
0x471: {  	s17 =	sand.u32 $0xC00, s15;
	s18 =	sand.u32 $0x70, s16  }
0x472: {  	s17 =	sor.u32 s18, s17  }
0x473: {  	v6 =	vadd.s32 s17, v7;
	v5 =	vld.idx.msk [tilespmem:v5+s19+$0x0], $0xffff;
	_ =	sdelay $0x4  }
0x474: {  	[tilespmem:v6+s0+$0x0] =	vst.idx.msk $0xffff, v5  }
0x475: {  	v5 =	vld [tilespmem:$0x16810];
	_ =	sdelay $0x4  }
0x476: {  	v6 =	vand.u32 $0xFFFFFFF8, v5  }
0x477: {  	v5 =	vand.u32 $0x7, v5;
	v6 =	vadd.s32 v3, v6  }
0x478: {  	v7 =	vld [tilespmem:$0x16A10];
	v5 =	vor.u32 v5, v6;
	_ =	sdelay $0x4  }
0x479: {  	v6 =	vadd.s32 s17, v7;
	v5 =	vld.idx.msk [tilespmem:v5+s19+$0x0], $0xffff;
	_ =	sdelay $0x4  }
0x47a: {  	[tilespmem:v6+s0+$0x0] =	vst.idx.msk $0xffff, v5  }
0x47b: {  	v5 =	vld [tilespmem:$0x16820];
	_ =	sdelay $0x4  }
0x47c: {  	v6 =	vand.u32 $0xFFFFFFF8, v5  }
0x47d: {  	v5 =	vand.u32 $0x7, v5;
	v6 =	vadd.s32 v3, v6  }
0x47e: {  	v7 =	vld [tilespmem:$0x16A20];
	v5 =	vor.u32 v5, v6;
	_ =	sdelay $0x4  }
0x47f: {  	v6 =	vadd.s32 s17, v7;
	v5 =	vld.idx.msk [tilespmem:v5+s19+$0x0], $0xffff;
	_ =	sdelay $0x4  }
0x480: {  	[tilespmem:v6+s0+$0x0] =	vst.idx.msk $0xffff, v5  }
0x481: {  	v5 =	vld [tilespmem:$0x16830];
	_ =	sdelay $0x4  }
0x482: {  	v6 =	vand.u32 $0xFFFFFFF8, v5  }
0x483: {  	v5 =	vand.u32 $0x7, v5;
	v6 =	vadd.s32 v3, v6  }
0x484: {  	v7 =	vld [tilespmem:$0x16A30];
	v5 =	vor.u32 v5, v6;
	_ =	sdelay $0x4  }
0x485: {  	v6 =	vadd.s32 s17, v7;
	v5 =	vld.idx.msk [tilespmem:v5+s19+$0x0], $0xffff;
	_ =	sdelay $0x4  }
0x486: {  	[tilespmem:v6+s0+$0x0] =	vst.idx.msk $0xffff, v5  }
0x487: {  	v5 =	vld [tilespmem:$0x16840];
	_ =	sdelay $0x4  }
0x488: {  	v6 =	vand.u32 $0xFFFFFFF8, v5  }
0x489: {  	v5 =	vand.u32 $0x7, v5;
	v6 =	vadd.s32 v3, v6  }
0x48a: {  	v7 =	vld [tilespmem:$0x16A40];
	v5 =	vor.u32 v5, v6;
	_ =	sdelay $0x4  }
0x48b: {  	v6 =	vadd.s32 s17, v7;
	v5 =	vld.idx.msk [tilespmem:v5+s19+$0x0], $0xffff;
	_ =	sdelay $0x4  }
0x48c: {  	[tilespmem:v6+s0+$0x0] =	vst.idx.msk $0xffff, v5  }
0x48d: {  	v5 =	vld [tilespmem:$0x16850];
	_ =	sdelay $0x4  }
0x48e: {  	v6 =	vand.u32 $0xFFFFFFF8, v5  }
0x48f: {  	v5 =	vand.u32 $0x7, v5;
	v6 =	vadd.s32 v3, v6  }
0x490: {  	v7 =	vld [tilespmem:$0x16A50];
	v5 =	vor.u32 v5, v6;
	_ =	sdelay $0x4  }
0x491: {  	v6 =	vadd.s32 s17, v7;
	v5 =	vld.idx.msk [tilespmem:v5+s19+$0x0], $0xffff;
	_ =	sdelay $0x4  }
0x492: {  	[tilespmem:v6+s0+$0x0] =	vst.idx.msk $0xffff, v5  }
0x493: {  	v5 =	vld [tilespmem:$0x16860];
	_ =	sdelay $0x4  }
0x494: {  	v6 =	vand.u32 $0xFFFFFFF8, v5  }
0x495: {  	v5 =	vand.u32 $0x7, v5;
	v6 =	vadd.s32 v3, v6  }
0x496: {  	v7 =	vld [tilespmem:$0x16A60];
	v5 =	vor.u32 v5, v6;
	_ =	sdelay $0x4  }
0x497: {  	v6 =	vadd.s32 s17, v7;
	v5 =	vld.idx.msk [tilespmem:v5+s19+$0x0], $0xffff;
	_ =	sdelay $0x4  }
0x498: {  	[tilespmem:v6+s0+$0x0] =	vst.idx.msk $0xffff, v5  }
0x499: {  	v5 =	vld [tilespmem:$0x16870];
	_ =	sdelay $0x4  }
0x49a: {  	v6 =	vand.u32 $0xFFFFFFF8, v5  }
0x49b: {  	v5 =	vand.u32 $0x7, v5;
	v6 =	vadd.s32 v3, v6  }
0x49c: {  	v7 =	vld [tilespmem:$0x16A70];
	v5 =	vor.u32 v5, v6;
	_ =	sdelay $0x4  }
0x49d: {  	v6 =	vadd.s32 s17, v7;
	v5 =	vld.idx.msk [tilespmem:v5+s19+$0x0], $0xffff;
	_ =	sdelay $0x4  }
0x49e: {  	[tilespmem:v6+s0+$0x0] =	vst.idx.msk $0xffff, v5  }
0x49f: {  	v5 =	vld [tilespmem:$0x16880];
	_ =	sdelay $0x4  }
0x4a0: {  	v6 =	vand.u32 $0xFFFFFFF8, v5  }
0x4a1: {  	v5 =	vand.u32 $0x7, v5;
	v6 =	vadd.s32 v3, v6  }
0x4a2: {  	v7 =	vld [tilespmem:$0x16A80];
	v5 =	vor.u32 v5, v6;
	_ =	sdelay $0x4  }
0x4a3: {  	v6 =	vadd.s32 s17, v7;
	v5 =	vld.idx.msk [tilespmem:v5+s19+$0x0], $0xffff;
	_ =	sdelay $0x4  }
0x4a4: {  	[tilespmem:v6+s0+$0x0] =	vst.idx.msk $0xffff, v5  }
0x4a5: {  	v5 =	vld [tilespmem:$0x16890];
	_ =	sdelay $0x4  }
0x4a6: {  	v6 =	vand.u32 $0xFFFFFFF8, v5  }
0x4a7: {  	v5 =	vand.u32 $0x7, v5;
	v6 =	vadd.s32 v3, v6  }
0x4a8: {  	v7 =	vld [tilespmem:$0x16A90];
	v5 =	vor.u32 v5, v6;
	_ =	sdelay $0x4  }
0x4a9: {  	v6 =	vadd.s32 s17, v7;
	v5 =	vld.idx.msk [tilespmem:v5+s19+$0x0], $0xffff;
	_ =	sdelay $0x4  }
0x4aa: {  	[tilespmem:v6+s0+$0x0] =	vst.idx.msk $0xffff, v5  }
0x4ab: {  	v5 =	vld [tilespmem:$0x168A0];
	_ =	sdelay $0x4  }
0x4ac: {  	v6 =	vand.u32 $0xFFFFFFF8, v5  }
0x4ad: {  	v5 =	vand.u32 $0x7, v5;
	v6 =	vadd.s32 v3, v6  }
0x4ae: {  	v7 =	vld [tilespmem:$0x16AA0];
	v5 =	vor.u32 v5, v6;
	_ =	sdelay $0x4  }
0x4af: {  	v6 =	vadd.s32 s17, v7;
	v5 =	vld.idx.msk [tilespmem:v5+s19+$0x0], $0xffff;
	_ =	sdelay $0x4  }
0x4b0: {  	[tilespmem:v6+s0+$0x0] =	vst.idx.msk $0xffff, v5  }
0x4b1: {  	v5 =	vld [tilespmem:$0x168B0];
	_ =	sdelay $0x4  }
0x4b2: {  	v6 =	vand.u32 $0xFFFFFFF8, v5  }
0x4b3: {  	v5 =	vand.u32 $0x7, v5;
	v6 =	vadd.s32 v3, v6  }
0x4b4: {  	v7 =	vld [tilespmem:$0x16AB0];
	v5 =	vor.u32 v5, v6;
	_ =	sdelay $0x4  }
0x4b5: {  	v6 =	vadd.s32 s17, v7;
	v5 =	vld.idx.msk [tilespmem:v5+s19+$0x0], $0xffff;
	_ =	sdelay $0x4  }
0x4b6: {  	[tilespmem:v6+s0+$0x0] =	vst.idx.msk $0xffff, v5  }
0x4b7: {  	v5 =	vld [tilespmem:$0x168C0];
	_ =	sdelay $0x4  }
0x4b8: {  	v6 =	vand.u32 $0xFFFFFFF8, v5  }
0x4b9: {  	v5 =	vand.u32 $0x7, v5;
	v6 =	vadd.s32 v3, v6  }
0x4ba: {  	v7 =	vld [tilespmem:$0x16AC0];
	v5 =	vor.u32 v5, v6;
	_ =	sdelay $0x4  }
0x4bb: {  	v6 =	vadd.s32 s17, v7;
	v5 =	vld.idx.msk [tilespmem:v5+s19+$0x0], $0xffff;
	_ =	sdelay $0x4  }
0x4bc: {  	[tilespmem:v6+s0+$0x0] =	vst.idx.msk $0xffff, v5  }
0x4bd: {  	v5 =	vld [tilespmem:$0x168D0];
	_ =	sdelay $0x4  }
0x4be: {  	v6 =	vand.u32 $0xFFFFFFF8, v5  }
0x4bf: {  	v5 =	vand.u32 $0x7, v5;
	v6 =	vadd.s32 v3, v6  }
0x4c0: {  	v7 =	vld [tilespmem:$0x16AD0];
	v5 =	vor.u32 v5, v6;
	_ =	sdelay $0x4  }
0x4c1: {  	v6 =	vadd.s32 s17, v7;
	v5 =	vld.idx.msk [tilespmem:v5+s19+$0x0], $0xffff;
	_ =	sdelay $0x4  }
0x4c2: {  	[tilespmem:v6+s0+$0x0] =	vst.idx.msk $0xffff, v5  }
0x4c3: {  	v5 =	vld [tilespmem:$0x168E0];
	_ =	sdelay $0x4  }
0x4c4: {  	v6 =	vand.u32 $0xFFFFFFF8, v5  }
0x4c5: {  	v5 =	vand.u32 $0x7, v5;
	v6 =	vadd.s32 v3, v6  }
0x4c6: {  	v7 =	vld [tilespmem:$0x16AE0];
	v5 =	vor.u32 v5, v6;
	_ =	sdelay $0x4  }
0x4c7: {  	v6 =	vadd.s32 s17, v7;
	v5 =	vld.idx.msk [tilespmem:v5+s19+$0x0], $0xffff;
	_ =	sdelay $0x4  }
0x4c8: {  	[tilespmem:v6+s0+$0x0] =	vst.idx.msk $0xffff, v5  }
0x4c9: {  	v5 =	vld [tilespmem:$0x168F0];
	_ =	sdelay $0x4  }
0x4ca: {  	v6 =	vand.u32 $0xFFFFFFF8, v5  }
0x4cb: {  	v5 =	vand.u32 $0x7, v5;
	v6 =	vadd.s32 v3, v6  }
0x4cc: {  	v7 =	vld [tilespmem:$0x16AF0];
	v5 =	vor.u32 v5, v6;
	_ =	sdelay $0x4  }
0x4cd: {  	v6 =	vadd.s32 s17, v7;
	v5 =	vld.idx.msk [tilespmem:v5+s19+$0x0], $0xffff;
	_ =	sdelay $0x4  }
0x4ce: {  	[tilespmem:v6+s0+$0x0] =	vst.idx.msk $0xffff, v5  }
0x4cf: {  	v5 =	vld [tilespmem:$0x16900];
	_ =	sdelay $0x4  }
0x4d0: {  	v6 =	vand.u32 $0xFFFFFFF8, v5  }
0x4d1: {  	v5 =	vand.u32 $0x7, v5;
	v6 =	vadd.s32 v3, v6  }
0x4d2: {  	v7 =	vld [tilespmem:$0x16B00];
	v5 =	vor.u32 v5, v6;
	_ =	sdelay $0x4  }
0x4d3: {  	v6 =	vadd.s32 s17, v7;
	v5 =	vld.idx.msk [tilespmem:v5+s19+$0x0], $0xffff;
	_ =	sdelay $0x4  }
0x4d4: {  	[tilespmem:v6+s0+$0x0] =	vst.idx.msk $0xffff, v5  }
0x4d5: {  	v5 =	vld [tilespmem:$0x16910];
	_ =	sdelay $0x4  }
0x4d6: {  	v6 =	vand.u32 $0xFFFFFFF8, v5  }
0x4d7: {  	v5 =	vand.u32 $0x7, v5;
	v6 =	vadd.s32 v3, v6  }
0x4d8: {  	v7 =	vld [tilespmem:$0x16B10];
	v5 =	vor.u32 v5, v6;
	_ =	sdelay $0x4  }
0x4d9: {  	v6 =	vadd.s32 s17, v7;
	v5 =	vld.idx.msk [tilespmem:v5+s19+$0x0], $0xffff;
	_ =	sdelay $0x4  }
0x4da: {  	[tilespmem:v6+s0+$0x0] =	vst.idx.msk $0xffff, v5  }
0x4db: {  	v5 =	vld [tilespmem:$0x16920];
	_ =	sdelay $0x4  }
0x4dc: {  	v6 =	vand.u32 $0xFFFFFFF8, v5  }
0x4dd: {  	v5 =	vand.u32 $0x7, v5;
	v6 =	vadd.s32 v3, v6  }
0x4de: {  	v7 =	vld [tilespmem:$0x16B20];
	v5 =	vor.u32 v5, v6;
	_ =	sdelay $0x4  }
0x4df: {  	v6 =	vadd.s32 s17, v7;
	v5 =	vld.idx.msk [tilespmem:v5+s19+$0x0], $0xffff;
	_ =	sdelay $0x4  }
0x4e0: {  	[tilespmem:v6+s0+$0x0] =	vst.idx.msk $0xffff, v5  }
0x4e1: {  	v5 =	vld [tilespmem:$0x16930];
	_ =	sdelay $0x4  }
0x4e2: {  	v6 =	vand.u32 $0xFFFFFFF8, v5  }
0x4e3: {  	v5 =	vand.u32 $0x7, v5;
	v6 =	vadd.s32 v3, v6  }
0x4e4: {  	v7 =	vld [tilespmem:$0x16B30];
	v5 =	vor.u32 v5, v6;
	_ =	sdelay $0x4  }
0x4e5: {  	v6 =	vadd.s32 s17, v7;
	v5 =	vld.idx.msk [tilespmem:v5+s19+$0x0], $0xffff;
	_ =	sdelay $0x4  }
0x4e6: {  	[tilespmem:v6+s0+$0x0] =	vst.idx.msk $0xffff, v5  }
0x4e7: {  	v5 =	vld [tilespmem:$0x16940];
	_ =	sdelay $0x4  }
0x4e8: {  	v6 =	vand.u32 $0xFFFFFFF8, v5  }
0x4e9: {  	v5 =	vand.u32 $0x7, v5;
	v6 =	vadd.s32 v3, v6  }
0x4ea: {  	v7 =	vld [tilespmem:$0x16B40];
	v5 =	vor.u32 v5, v6;
	_ =	sdelay $0x4  }
0x4eb: {  	v6 =	vadd.s32 s17, v7;
	v5 =	vld.idx.msk [tilespmem:v5+s19+$0x0], $0xffff;
	_ =	sdelay $0x4  }
0x4ec: {  	[tilespmem:v6+s0+$0x0] =	vst.idx.msk $0xffff, v5  }
0x4ed: {  	v5 =	vld [tilespmem:$0x16950];
	_ =	sdelay $0x4  }
0x4ee: {  	v6 =	vand.u32 $0xFFFFFFF8, v5  }
0x4ef: {  	v5 =	vand.u32 $0x7, v5;
	v6 =	vadd.s32 v3, v6  }
0x4f0: {  	v7 =	vld [tilespmem:$0x16B50];
	v5 =	vor.u32 v5, v6;
	_ =	sdelay $0x4  }
0x4f1: {  	v6 =	vadd.s32 s17, v7;
	v5 =	vld.idx.msk [tilespmem:v5+s19+$0x0], $0xffff;
	_ =	sdelay $0x4  }
0x4f2: {  	[tilespmem:v6+s0+$0x0] =	vst.idx.msk $0xffff, v5  }
0x4f3: {  	v5 =	vld [tilespmem:$0x16960];
	_ =	sdelay $0x4  }
0x4f4: {  	v6 =	vand.u32 $0xFFFFFFF8, v5  }
0x4f5: {  	v5 =	vand.u32 $0x7, v5;
	v6 =	vadd.s32 v3, v6  }
0x4f6: {  	v7 =	vld [tilespmem:$0x16B60];
	v5 =	vor.u32 v5, v6;
	_ =	sdelay $0x4  }
0x4f7: {  	v6 =	vadd.s32 s17, v7;
	v5 =	vld.idx.msk [tilespmem:v5+s19+$0x0], $0xffff;
	_ =	sdelay $0x4  }
0x4f8: {  	[tilespmem:v6+s0+$0x0] =	vst.idx.msk $0xffff, v5  }
0x4f9: {  	v5 =	vld [tilespmem:$0x16970];
	_ =	sdelay $0x4  }
0x4fa: {  	v6 =	vand.u32 $0xFFFFFFF8, v5  }
0x4fb: {  	v5 =	vand.u32 $0x7, v5;
	v6 =	vadd.s32 v3, v6  }
0x4fc: {  	v7 =	vld [tilespmem:$0x16B70];
	v5 =	vor.u32 v5, v6;
	_ =	sdelay $0x4  }
0x4fd: {  	v6 =	vadd.s32 s17, v7;
	v5 =	vld.idx.msk [tilespmem:v5+s19+$0x0], $0xffff;
	_ =	sdelay $0x4  }
0x4fe: {  	[tilespmem:v6+s0+$0x0] =	vst.idx.msk $0xffff, v5  }
0x4ff: {  	v5 =	vld [tilespmem:$0x16980];
	_ =	sdelay $0x4  }
0x500: {  	v6 =	vand.u32 $0xFFFFFFF8, v5  }
0x501: {  	v5 =	vand.u32 $0x7, v5;
	v6 =	vadd.s32 v3, v6  }
0x502: {  	v7 =	vld [tilespmem:$0x16B80];
	v5 =	vor.u32 v5, v6;
	_ =	sdelay $0x4  }
0x503: {  	v6 =	vadd.s32 s17, v7;
	v5 =	vld.idx.msk [tilespmem:v5+s19+$0x0], $0xffff;
	_ =	sdelay $0x4  }
0x504: {  	[tilespmem:v6+s0+$0x0] =	vst.idx.msk $0xffff, v5  }
0x505: {  	v5 =	vld [tilespmem:$0x16990];
	_ =	sdelay $0x4  }
0x506: {  	v6 =	vand.u32 $0xFFFFFFF8, v5  }
0x507: {  	v5 =	vand.u32 $0x7, v5;
	v6 =	vadd.s32 v3, v6  }
0x508: {  	v7 =	vld [tilespmem:$0x16B90];
	v5 =	vor.u32 v5, v6;
	_ =	sdelay $0x4  }
0x509: {  	v6 =	vadd.s32 s17, v7;
	v5 =	vld.idx.msk [tilespmem:v5+s19+$0x0], $0xffff;
	_ =	sdelay $0x4  }
0x50a: {  	[tilespmem:v6+s0+$0x0] =	vst.idx.msk $0xffff, v5  }
0x50b: {  	v5 =	vld [tilespmem:$0x169A0];
	_ =	sdelay $0x4  }
0x50c: {  	v6 =	vand.u32 $0xFFFFFFF8, v5  }
0x50d: {  	v5 =	vand.u32 $0x7, v5;
	v6 =	vadd.s32 v3, v6  }
0x50e: {  	v7 =	vld [tilespmem:$0x16BA0];
	v5 =	vor.u32 v5, v6;
	_ =	sdelay $0x4  }
0x50f: {  	v6 =	vadd.s32 s17, v7;
	v5 =	vld.idx.msk [tilespmem:v5+s19+$0x0], $0xffff;
	_ =	sdelay $0x4  }
0x510: {  	[tilespmem:v6+s0+$0x0] =	vst.idx.msk $0xffff, v5  }
0x511: {  	v5 =	vld [tilespmem:$0x169B0];
	_ =	sdelay $0x4  }
0x512: {  	v6 =	vand.u32 $0xFFFFFFF8, v5  }
0x513: {  	v5 =	vand.u32 $0x7, v5;
	v6 =	vadd.s32 v3, v6  }
0x514: {  	v7 =	vld [tilespmem:$0x16BB0];
	v5 =	vor.u32 v5, v6;
	_ =	sdelay $0x4  }
0x515: {  	v6 =	vadd.s32 s17, v7;
	v5 =	vld.idx.msk [tilespmem:v5+s19+$0x0], $0xffff;
	_ =	sdelay $0x4  }
0x516: {  	[tilespmem:v6+s0+$0x0] =	vst.idx.msk $0xffff, v5  }
0x517: {  	v5 =	vld [tilespmem:$0x169C0];
	_ =	sdelay $0x4  }
0x518: {  	v6 =	vand.u32 $0xFFFFFFF8, v5  }
0x519: {  	v5 =	vand.u32 $0x7, v5;
	v6 =	vadd.s32 v3, v6  }
0x51a: {  	v7 =	vld [tilespmem:$0x16BC0];
	v5 =	vor.u32 v5, v6;
	_ =	sdelay $0x4  }
0x51b: {  	v6 =	vadd.s32 s17, v7;
	v5 =	vld.idx.msk [tilespmem:v5+s19+$0x0], $0xffff;
	_ =	sdelay $0x4  }
0x51c: {  	[tilespmem:v6+s0+$0x0] =	vst.idx.msk $0xffff, v5  }
0x51d: {  	v5 =	vld [tilespmem:$0x169D0];
	_ =	sdelay $0x4  }
0x51e: {  	v6 =	vand.u32 $0xFFFFFFF8, v5  }
0x51f: {  	v5 =	vand.u32 $0x7, v5;
	v6 =	vadd.s32 v3, v6  }
0x520: {  	v7 =	vld [tilespmem:$0x16BD0];
	v5 =	vor.u32 v5, v6;
	_ =	sdelay $0x4  }
0x521: {  	v6 =	vadd.s32 s17, v7;
	v5 =	vld.idx.msk [tilespmem:v5+s19+$0x0], $0xffff;
	_ =	sdelay $0x4  }
0x522: {  	[tilespmem:v6+s0+$0x0] =	vst.idx.msk $0xffff, v5  }
0x523: {  	v5 =	vld [tilespmem:$0x169E0];
	_ =	sdelay $0x4  }
0x524: {  	v6 =	vand.u32 $0xFFFFFFF8, v5  }
0x525: {  	v5 =	vand.u32 $0x7, v5;
	v6 =	vadd.s32 v3, v6  }
0x526: {  	v7 =	vld [tilespmem:$0x16BE0];
	v5 =	vor.u32 v5, v6;
	_ =	sdelay $0x4  }
0x527: {  	v6 =	vadd.s32 s17, v7;
	v5 =	vld.idx.msk [tilespmem:v5+s19+$0x0], $0xffff;
	_ =	sdelay $0x4  }
0x528: {  	[tilespmem:v6+s0+$0x0] =	vst.idx.msk $0xffff, v5  }
0x529: {  	v5 =	vld [tilespmem:$0x169F0];
	_ =	sdelay $0x4  }
0x52a: {  	v6 =	vand.u32 $0xFFFFFFF8, v5  }
0x52b: {  	v5 =	vand.u32 $0x7, v5;
	v3 =	vadd.s32 v3, v6  }
0x52c: {  	v6 =	vld [tilespmem:$0x16BF0];
	v3 =	vor.u32 v5, v3;
	_ =	sdelay $0x4  }
0x52d: {  	p0 =	sne.s32 s16, $0x1F0;
	v5 =	vadd.s32 s17, v6;
	v3 =	vld.idx.msk [tilespmem:v3+s19+$0x0], $0xffff  }
.Ltmp6:
0x52e: {  	_ = 	snop;
	(pc) =	sbr.rel @p0 .LBB2_15-.Ltmp6, $2  }
0x52f: {  	_ =	sdelay $0x2  }
0x530: {  	s15 =	sadd.s32 $0x80, s15;
	s16 =	sadd.s32 $0x10, s16;
	[tilespmem:v5+s0+$0x0] =	vst.idx.msk $0xffff, v3  }
0x531: {  	s14 =	sadd.s32 s6, s14  }
0x532: {  	s15 =	sshll.u32 s14, $0xC;
	s14 =	sshll.u32 s14, $0xE  }
0x533: {  	s15 =	sand.u32 $0x1F000, s15;
	s14 =	sand.u32 $0x7FF80000, s14  }
0x534: {  	s14 =	sor.u32 s15, s14  }
0x535: {  	s14 =	sshrl.u32 s14, $0x3  }
0x536: {  	s13 =	sadd.s32 $0x1, s13;
	s14 =	sadd.s32 s2, s14  }
0x537: {  	[hbm4b:s14+s3] =	stream.linear.scatter [tilespmem:s0], [sflag:$0x5], $0x1000, $0x38;
	[tilespmem:$0x16C00] =	vst v63  }
0x538: {  	p0 =	sne.s32 s13, $0x19;
	s21 =	sadd.s32 $0x4000, s14  }
0x539: {  	[hbm4b:s21+s3] =	stream.linear.scatter [tilespmem:s5], [sflag:$0x5], $0x1000, $0x38;
	[tilespmem:$0x16C00] =	vst v63  }
.Ltmp7:
0x53a: {  	_ = 	snop;
	(pc) =	sbr.rel @p0 .LBB2_2-.Ltmp7, $4  }
0x53b: {  	s22 =	sadd.s32 $0x8000, s14  }
0x53c: {  	[hbm4b:s22+s3] =	stream.linear.scatter [tilespmem:s7], [sflag:$0x5], $0x1000, $0x38;
	[tilespmem:$0x16C00] =	vst v63  }
0x53d: {  	s12 =	sadd.s32 $0x400, s12;
	s10 =	sadd.s32 $0x400, s10;
	s14 =	sadd.s32 $0xC000, s14  }
0x53e: {  	[hbm4b:s14+s3] =	stream.linear.scatter [tilespmem:s8], [sflag:$0x5], $0x1000, $0x38;
	[tilespmem:$0x16C00] =	vst v63  }
0x53f: {  	s10 =	simm.s32 $0x4  }
0x540: {  	_ =	swait.ge [sflag:s10], $0x1000  }
0x541: {  	[sflag:s10] =	ssyncset.done $0x0  }
0x542: {  	[sflag:s10] =	ssyncadd.s32 $0xFFFFF000  }
0x543: {  	_ =	swait.ge [sflag:s10], $0x1000  }
0x544: {  	[sflag:s10] =	ssyncset.done $0x0  }
0x545: {  	[sflag:s10] =	ssyncadd.s32 $0xFFFFF000  }
0x546: {  	_ =	swait.ge [sflag:s10], $0x1000  }
0x547: {  	[sflag:s10] =	ssyncset.done $0x0  }
0x548: {  	[sflag:s10] =	ssyncadd.s32 $0xFFFFF000  }
0x549: {  	_ =	swait.ge [sflag:s10], $0x1000  }
0x54a: {  	[sflag:s10] =	ssyncset.done $0x0  }
0x54b: {  	s12 =	simm.s32 $0x5;
	[sflag:s10] =	ssyncadd.s32 $0xFFFFF000  }
0x54c: {  	_ =	swait.ge [sflag:s12], $0x1000  }
0x54d: {  	[sflag:s12] =	ssyncset.done $0x0  }
0x54e: {  	[sflag:s12] =	ssyncadd.s32 $0xFFFFF000  }
0x54f: {  	_ =	swait.ge [sflag:s12], $0x1000  }
0x550: {  	[sflag:s12] =	ssyncset.done $0x0  }
0x551: {  	[sflag:s12] =	ssyncadd.s32 $0xFFFFF000  }
0x552: {  	_ =	swait.ge [sflag:s12], $0x1000  }
0x553: {  	[sflag:s12] =	ssyncset.done $0x0  }
0x554: {  	[sflag:s12] =	ssyncadd.s32 $0xFFFFF000  }
0x555: {  	_ =	swait.ge [sflag:s12], $0x1000  }
0x556: {  	s13 =	rddreg [dreg:$0x5]  }
0x557: {  	s22 =	rddreg [dreg:$0x4];
	s13 =	sadd.s32 $0x1, s13  }
0x558: {  	p0 =	sne.s32 s13, s22  }
.Ltmp8:
0x559: {  	_ = 	snop;
	(pc) =	sbr.rel @p0 .LBB2_1-.Ltmp8, $3  }
0x55a: {  	_ =	sdelay $0x1  }
0x55b: {  	[sflag:s12] =	ssyncset.done $0x0  }
0x55c: {  	[sflag:s12] =	ssyncadd.s32 $0xFFFFF000  }
0x55d: {  	_ =	sfence.sel $0x180000  }
0x55e: {  	[bflag:$0x0] =	sbarrier.arrive $0xFFFF  }
0x55f: {  	_ =	strace $0x90000047  }
0x560: {  	s0 =	stileid.u32;
	[bflag:$0x2] =	sbarrier.arrive $0xFFFF  }
0x561: {  	p0 =	sne.s32 s0, $0x0;
	s0 =	rddreg [dreg:$0x2]  }
0x562: {  	s0 =	sadd.s32 @!p0 $0x100000, s0  }
0x563: {  	[sflag:s0] =	ssyncadd.tile.s32 @!p0 $0x1;
	_ =	shalt  }
.Lfunc_end2:
_tile_overlayer_lowered:
.L_overlay_start_2:
0x564: {  	(tag) =	ssettag $0x2  }
0x565: {  	s0 =	rddreg [dreg:$0x0];
	s2 =	stileid.u32  }
0x566: {  	s1 =	rddreg [dreg:$0x1];
	p0 =	sne.s32 s2, $0x0  }
0x567: {  	s3 =	rddreg [dreg:$0x2];
	[bflag:$0x3] =	sbarrier.arrive $0xFFFF;
	s2 =	simm.s32 @!p0 $0x1C06  }
0x568: {  	[timem:s3], [sflag:s2] =	dma.local @!p0 [hbm:s0], s1  }
0x569: {  	s0 =	simm.s32 @!p0 $0x6  }
0x56a: {  	_ =	swait.ge @!p0 [sflag:s0], s1  }
0x56b: {  	s1 =	ssub.s32 @!p0 $0x0, s1;
	[sflag:s0] =	ssyncset.done @!p0 $0x0  }
0x56c: {  	[sflag:s0] =	ssyncadd.s32 @!p0 s1  }
0x56d: {  	[bflag:$0x3] =	sbarrier.arrive $0xFFFF  }
0x56e: {  	_ =	shalt  }

</sc_bundles>
